<compile_context>
chip_gen: v7x
topology: tpu7x:2x2x1
jax: 0.10.2.dev20260603
libtpu: 0.0.44.dev20260713+nightly
codegen_flags: <defaults>
</compile_context>

<pallas_src>
import dataclasses
import functools

import jax
import jax.numpy as jnp
from jax import lax
from jax.experimental import pallas as pl
from jax.experimental.pallas import tpu as pltpu
from jax.experimental.pallas import tpu_sc as plsc

N, E, F_IN, H = 10000, 320000, 128, 128
NC, NS = 2, 16
NW = NC * NS
CHUNK = 128
EP_TILE = 10240
KCHUNKS = EP_TILE // CHUNK
GROUPS = 10
GCH = KCHUNKS // GROUPS
E_PAD = NW * EP_TILE
NCHTOT = E_PAD // CHUNK
NFP = 2
FH = H // NFP
N_PAD = 10240
ROWS_TILE = N_PAD // NS
ZROWS = 8

def _sc_degree_body(col_hbm, w_hbm, deg_hbm, acc, colbuf, wbuf, zbuf):
    cid = lax.axis_index("c")
    sid = lax.axis_index("s")
    wid = cid * NS + sid

    @pl.loop(0, (N_PAD // NS) // 16)
    def _(i):
        zbuf[pl.ds(i * 16, 16)] = jnp.zeros((16,), jnp.float32)

    pltpu.sync_copy(zbuf, acc.at[pl.ds(sid * (N_PAD // NS), N_PAD // NS)])
    plsc.subcore_barrier()

    pltpu.sync_copy(col_hbm.at[wid], colbuf)
    pltpu.sync_copy(w_hbm.at[wid], wbuf)

    @pl.loop(0, KCHUNKS)
    def _(k):
        pltpu.sync_copy(wbuf.at[k], acc.at[colbuf.at[k]], add=True)

    plsc.subcore_barrier()
    pltpu.sync_copy(
        acc.at[pl.ds(sid * (N_PAD // NS), N_PAD // NS)],
        deg_hbm.at[cid, pl.ds(sid * (N_PAD // NS), N_PAD // NS)],
    )


def _maybe(pred, fn):
    if pred is True:
        fn()
    else:
        pl.when(pred)(fn)


def _sc_aggregate_body(row_hbm, col_hbm, w_hbm, h2_hbm, h2c_hbm, out_hbm,
                       acc, rg0, cg0, wg0, rg1, cg1, wg1, rows0, rows1,
                       gs0, gs1, ss0, ss1, isem):
    cid = lax.axis_index("c")
    sid = lax.axis_index("s")
    wid = cid * NS + sid
    base = wid * KCHUNKS

    def isl(g):
        return pl.ds(base + g * GCH, GCH)

    def zero_rows(rows):
        @pl.loop(0, CHUNK, unroll=4)
        def _(r):
            for j in range(H // 16):
                rows[r, pl.ds(j * 16, 16)] = jnp.zeros((16,), jnp.float32)

    def scale(rows, wg, l):
        @pl.loop(0, CHUNK, unroll=4)
        def _(e):
            wv = plsc.load_gather(
                wg, [jnp.full((16,), l, jnp.int32), jnp.full((16,), e, jnp.int32)]
            )
            for j in range(H // 16):
                rows[e, pl.ds(j * 16, 16)] = rows[e, pl.ds(j * 16, 16)] * wv

    def gstart(rg, l, rows, sem):
        @pl.when(cid == 0)
        def _():
            pltpu.async_copy(h2_hbm.at[rg.at[l]], rows, sem)

        @pl.when(cid == 1)
        def _():
            pltpu.async_copy(h2c_hbm.at[rg.at[l]], rows, sem)

    def gwait(rg, l, rows, sem):
        pltpu.make_async_copy(h2_hbm.at[rg.at[l]], rows, sem).wait()

    def sstart(rows, cg, l, sem):
        pltpu.async_copy(rows, acc.at[cg.at[l]], sem, add=True)

    def swait(rows, cg, l, sem):
        pltpu.make_async_copy(rows, acc.at[cg.at[l]], sem).wait()

    def process_group(rg, cg, wg, rgN, cgN, wgN, gnext, pred_next):
        def _prefetch():
            pltpu.async_copy(row_hbm.at[isl(gnext)], rgN, isem)
            pltpu.async_copy(col_hbm.at[isl(gnext)], cgN, isem)
            pltpu.async_copy(w_hbm.at[isl(gnext)], wgN, isem)

        _maybe(pred_next, _prefetch)

        @pl.loop(0, GCH // 2 - 1)
        def _(p):
            l0 = 2 * p
            gwait(rg, l0, rows0, gs0)
            swait(rows1, cg, l0, ss1)
            gstart(rg, l0 + 1, rows1, gs1)
            scale(rows0, wg, l0)
            sstart(rows0, cg, l0, ss0)

            gwait(rg, l0 + 1, rows1, gs1)
            swait(rows0, cg, l0, ss0)
            gstart(rg, l0 + 2, rows0, gs0)
            scale(rows1, wg, l0 + 1)
            sstart(rows1, cg, l0 + 1, ss1)

        lL = GCH - 2
        gwait(rg, lL, rows0, gs0)
        swait(rows1, cg, lL, ss1)
        gstart(rg, lL + 1, rows1, gs1)
        scale(rows0, wg, lL)
        sstart(rows0, cg, lL, ss0)

        gwait(rg, lL + 1, rows1, gs1)
        swait(rows0, cg, lL, ss0)

        def _wait_idx_then_gather():
            pltpu.make_async_copy(row_hbm.at[isl(gnext)], rgN, isem).wait()
            pltpu.make_async_copy(col_hbm.at[isl(gnext)], cgN, isem).wait()
            pltpu.make_async_copy(w_hbm.at[isl(gnext)], wgN, isem).wait()
            gstart(rgN, 0, rows0, gs0)

        _maybe(pred_next, _wait_idx_then_gather)
        scale(rows1, wg, lL + 1)
        sstart(rows1, cg, lL + 1, ss1)

    zero_rows(rows0)
    zero_rows(rows1)

    @pl.loop(0, ROWS_TILE // CHUNK)
    def _(zi):
        pltpu.sync_copy(rows0, acc.at[pl.ds(sid * ROWS_TILE + zi * CHUNK, CHUNK)])

    plsc.subcore_barrier()

    pltpu.sync_copy(row_hbm.at[isl(0)], rg0)
    pltpu.sync_copy(col_hbm.at[isl(0)], cg0)
    pltpu.sync_copy(w_hbm.at[isl(0)], wg0)
    pltpu.async_copy(rows1, acc.at[pl.ds(sid * ROWS_TILE, CHUNK)], ss1)
    gstart(rg0, 0, rows0, gs0)

    @pl.loop(0, GROUPS // 2)
    def _(gp):
        process_group(rg0, cg0, wg0, rg1, cg1, wg1, 2 * gp + 1, True)
        process_group(rg1, cg1, wg1, rg0, cg0, wg0, 2 * gp + 2,
                      gp < GROUPS // 2 - 1)

    swait(rows1, cg1, GCH - 1, ss1)

    plsc.subcore_barrier()
    pltpu.sync_copy(
        acc.at[pl.ds(sid * ROWS_TILE, ROWS_TILE)],
        out_hbm.at[cid, pl.ds(sid * ROWS_TILE, ROWS_TILE)],
    )


@functools.lru_cache(maxsize=1)
def _build_sc_kernels():
    mesh = plsc.VectorSubcoreMesh(core_axis_name="c", subcore_axis_name="s")
    cp = pltpu.CompilerParams()
    if "needs_layout_passes" in pltpu.CompilerParams.__dataclass_fields__:
        cp = dataclasses.replace(cp, needs_layout_passes=False)
    sc_degree = functools.partial(
        pl.kernel,
        out_type=jax.ShapeDtypeStruct((NC, N_PAD), jnp.float32),
        mesh=mesh,
        scratch_types=[
            pltpu.VMEM_SHARED((N_PAD,), jnp.float32),
            pltpu.VMEM((KCHUNKS, CHUNK), jnp.int32),
            pltpu.VMEM((KCHUNKS, CHUNK), jnp.float32),
            pltpu.VMEM((N_PAD // NS,), jnp.float32),
        ],
    )(_sc_degree_body)
    sc_aggregate = functools.partial(
        pl.kernel,
        out_type=jax.ShapeDtypeStruct((NC, N_PAD, H), jnp.float32),
        mesh=mesh,
        scratch_types=[
            pltpu.VMEM_SHARED((N_PAD, H), jnp.float32),
            pltpu.VMEM((GCH, CHUNK), jnp.int32),
            pltpu.VMEM((GCH, CHUNK), jnp.int32),
            pltpu.VMEM((GCH, CHUNK), jnp.float32),
            pltpu.VMEM((GCH, CHUNK), jnp.int32),
            pltpu.VMEM((GCH, CHUNK), jnp.int32),
            pltpu.VMEM((GCH, CHUNK), jnp.float32),
            pltpu.VMEM((CHUNK, H), jnp.float32),
            pltpu.VMEM((CHUNK, H), jnp.float32),
            pltpu.SemaphoreType.DMA,
            pltpu.SemaphoreType.DMA,
            pltpu.SemaphoreType.DMA,
            pltpu.SemaphoreType.DMA,
            pltpu.SemaphoreType.DMA,
        ],
        compiler_params=cp,
    )(_sc_aggregate_body)
    return sc_degree, sc_aggregate


def _tc_matmul_body(x_ref, w_ref, o_ref):
    o_ref[...] = jnp.dot(x_ref[...], w_ref[...],
                         preferred_element_type=jnp.float32)


def _tc_dis_body(d0_ref, d1_ref, o_ref):
    deg = d0_ref[...] + d1_ref[...] + 1.0
    o_ref[...] = jnp.where(deg > 0, lax.rsqrt(jnp.where(deg > 0, deg, 1.0)), 0.0)


def _tc_scale_body(dis_ref, h_ref, o_ref, oc_ref):
    h2 = dis_ref[...] * h_ref[...]
    o_ref[...] = h2
    oc_ref[...] = h2


def _tc_final_body(acc_ref, h2_ref, dis_ref, b_ref, a_ref, o_ref):
    s = dis_ref[...] * (acc_ref[0, :N] + acc_ref[1, :N] + h2_ref[...]) + b_ref[...]
    o_ref[...] = jnp.where(s >= 0, s, a_ref[...] * s)


def kernel(x, edge_index, edge_weight, W, b, prelu_alpha):
    row, col = edge_index[0], edge_index[1]
    pad = E_PAD - E
    row_p = jnp.concatenate([row, jnp.zeros((pad,), jnp.int32)])
    col_p = jnp.concatenate([col, jnp.zeros((pad,), jnp.int32)])
    w_p = jnp.concatenate([edge_weight, jnp.zeros((pad,), jnp.float32)])
    row_p4 = row_p.reshape(NCHTOT, CHUNK)
    col_p4 = col_p.reshape(NCHTOT, CHUNK)
    w_p4 = w_p.reshape(NCHTOT, CHUNK)

    sc_degree, sc_aggregate = _build_sc_kernels()
    deg_parts = sc_degree(col_p.reshape(NW, KCHUNKS, CHUNK),
                          w_p.reshape(NW, KCHUNKS, CHUNK))
    h = pl.pallas_call(
        _tc_matmul_body,
        out_shape=jax.ShapeDtypeStruct((N, H), jnp.float32),
    )(x, W)

    dis2d = pl.pallas_call(
        _tc_dis_body,
        out_shape=jax.ShapeDtypeStruct((N_PAD // 128, 128), jnp.float32),
    )(deg_parts[0].reshape(N_PAD // 128, 128),
      deg_parts[1].reshape(N_PAD // 128, 128))
    dis_col = dis2d.reshape(N_PAD)[:N][:, None]

    h2, h2c = pl.pallas_call(
        _tc_scale_body,
        out_shape=[jax.ShapeDtypeStruct((N, H), jnp.float32),
                   jax.ShapeDtypeStruct((N, H), jnp.float32)],
    )(dis_col, h)

    acc_parts = sc_aggregate(row_p4, col_p4, w_p4, h2, h2c)

    out = pl.pallas_call(
        _tc_final_body,
        out_shape=jax.ShapeDtypeStruct((N, H), jnp.float32),
    )(acc_parts, h2, dis_col, b.reshape(1, H),
      prelu_alpha.reshape(1, 1))
    return out

# --- scband reference (transcript-rebuilt; emitter-appended) ---
"""Pipeline reference for scband-encoder-69243462746519 (READ-ONLY COPY).

The authoritative reference and input builder live on the scoring server;
editing this copy changes nothing except your own understanding.
"""

import jax, jax.numpy as jnp
import numpy as np

N, E, F_IN, H = 10000, 320000, 128, 128

def setup_inputs(seed: int = 0) -> dict:
    key = jax.random.key(seed)
    k1, k2, k3, k4, k5 = jax.random.split(key, 5)
    x = jax.random.normal(k1, (N, F_IN), dtype=jnp.float32)
    edge_index = jax.random.randint(k2, (2, E), 0, N, dtype=jnp.int32)
    edge_weight = jax.random.uniform(k3, (E,), dtype=jnp.float32)
    # Learned parameters: GCNConv weight/bias (glorot-ish), PReLU alpha
    W = jax.random.normal(k4, (F_IN, H), dtype=jnp.float32) * (1.0 / np.sqrt(F_IN))
    b = jnp.zeros((H,), dtype=jnp.float32)
    prelu_alpha = jnp.asarray(0.25, dtype=jnp.float32)
    return {"x": x, "edge_index": edge_index, "edge_weight": edge_weight, "W": W, "b": b, "prelu_alpha": prelu_alpha}

def reference(x, edge_index, edge_weight, W, b, prelu_alpha):
    n = x.shape[0]
    row, col = edge_index[0], edge_index[1]
    # add self loops with fill_value=1.0 (PyG gcn_norm default)
    loop = jnp.arange(n, dtype=edge_index.dtype)
    row_f = jnp.concatenate([row, loop])
    col_f = jnp.concatenate([col, loop])
    w_f = jnp.concatenate([edge_weight, jnp.ones((n,), dtype=edge_weight.dtype)])
    # symmetric normalization: deg over dst (col)
    deg = jnp.zeros((n,), dtype=jnp.float32).at[col_f].add(w_f)
    deg_inv_sqrt = jnp.where(deg > 0, jax.lax.rsqrt(jnp.where(deg > 0, deg, 1.0)), 0.0)
    norm = deg_inv_sqrt[row_f] * w_f * deg_inv_sqrt[col_f]
    # linear transform then propagate (gather src, scatter-add to dst)
    h = x @ W
    msg = jnp.take(h, row_f, axis=0) * norm[:, None]
    out = jnp.zeros((n, h.shape[1]), dtype=jnp.float32).at[col_f].add(msg)
    out = out + b
    # Encoder activation: PReLU (single shared alpha)
    out = jnp.where(out >= 0, out, prelu_alpha * out)
    return out

if __name__ == "__main__":
    import jax
    _d = setup_inputs()
    print(jax.jit(kernel)(*tuple(_d.values())))

</pallas_src>

<mosaic_0001>
#map = affine_map<(d0, d1) -> (0, 0)>
#map1 = affine_map<(d0, d1) -> (0, 0, 0)>
module attributes {stable_mosaic.version = 14 : i64} {
  func.func @_sc_aggregate_body(%arg0: i32, %arg1: i32, %arg2: memref<2560x128xi32, #tpu.memory_space<hbm>>, %arg3: memref<2560x128xi32, #tpu.memory_space<hbm>>, %arg4: memref<2560x128xf32, #tpu.memory_space<hbm>>, %arg5: memref<10000x128xf32, #tpu.memory_space<hbm>>, %arg6: memref<10000x128xf32, #tpu.memory_space<hbm>>, %arg7: memref<2x10240x128xf32, #tpu.memory_space<hbm>>, %arg8: memref<10240x128xf32, #tpu.memory_space<vmem_shared>>, %arg9: memref<8x128xi32, #tpu.memory_space<vmem>>, %arg10: memref<8x128xi32, #tpu.memory_space<vmem>>, %arg11: memref<8x128xf32, #tpu.memory_space<vmem>>, %arg12: memref<8x128xi32, #tpu.memory_space<vmem>>, %arg13: memref<8x128xi32, #tpu.memory_space<vmem>>, %arg14: memref<8x128xf32, #tpu.memory_space<vmem>>, %arg15: memref<128x128xf32, #tpu.memory_space<vmem>>, %arg16: memref<128x128xf32, #tpu.memory_space<vmem>>, %arg17: memref<!tpu.dma_semaphore, #tpu.memory_space<semaphore_mem>>, %arg18: memref<!tpu.dma_semaphore, #tpu.memory_space<semaphore_mem>>, %arg19: memref<!tpu.dma_semaphore, #tpu.memory_space<semaphore_mem>>, %arg20: memref<!tpu.dma_semaphore, #tpu.memory_space<semaphore_mem>>, %arg21: memref<!tpu.dma_semaphore, #tpu.memory_space<semaphore_mem>>) attributes {dimension_semantics = [#tpu.dimension_semantics<core_parallel>, #tpu.dimension_semantics<subcore_parallel>], iteration_bounds = array<i64: 2, 16>, scalar_prefetch = 0 : i64, scratch_operands = 14 : i64, tpu.core_type = #tpu.core_type<sc_vector_subcore>, window_params = [{transform_indices = #map}, {transform_indices = #map}, {transform_indices = #map}, {transform_indices = #map}, {transform_indices = #map}, {transform_indices = #map1}]} {
    %mul3A = arith.constant 16 : i32
    %mul3A_0 = arith.muli %arg0, %mul3A : i32
    %add3A = arith.addi %mul3A_0, %arg1 : i32
    %mul3A_1 = arith.constant 80 : i32
    %mul3A_2 = arith.muli %add3A, %mul3A_1 : i32
    %scan3A = arith.constant 0 : i32
    %scan3A_3 = arith.constant 128 : i32
    %scan3A_4 = arith.addi %scan3A, %scan3A_3 : i32
    %scan3A_5 = arith.constant 4 : i32
    scf.for %scan3A_51 = %scan3A to %scan3A_4 step %scan3A_5  : i32 {
      %mul3A_52 = arith.constant 1 : i32
      %mul3A_53 = arith.muli %scan3A_51, %mul3A_52 : i32
      %add3A_54 = arith.constant 0 : i32
      %add3A_55 = arith.addi %add3A_54, %mul3A_53 : i32
      %broadcast_in_dim3A = arith.constant 0.000000e+00 : f32
      %broadcast_in_dim3A_56 = vector.broadcast %broadcast_in_dim3A : f32 to vector<16xf32>
      %swap3A = arith.index_cast %add3A_55 : i32 to index
      %swap3A_57 = arith.constant 0 : index
      %swap3A_58 = tpu.vector_load %arg15[%swap3A, %swap3A_57] {strides = array<i32>} : memref<128x128xf32, #tpu.memory_space<vmem>>, vector<16xf32>,
      tpu.vector_store %arg15[%swap3A, %swap3A_57], %broadcast_in_dim3A_56 {strides = array<i32>} : memref<128x128xf32, #tpu.memory_space<vmem>>, vector<16xf32>,
      %broadcast_in_dim3A_59 = arith.constant 0.000000e+00 : f32
      %broadcast_in_dim3A_60 = vector.broadcast %broadcast_in_dim3A_59 : f32 to vector<16xf32>
      %swap3A_61 = arith.index_cast %add3A_55 : i32 to index
      %swap3A_62 = arith.constant 16 : index
      %swap3A_63 = tpu.vector_load %arg15[%swap3A_61, %swap3A_62] {strides = array<i32>} : memref<128x128xf32, #tpu.memory_space<vmem>>, vector<16xf32>,
      tpu.vector_store %arg15[%swap3A_61, %swap3A_62], %broadcast_in_dim3A_60 {strides = array<i32>} : memref<128x128xf32, #tpu.memory_space<vmem>>, vector<16xf32>,
      %broadcast_in_dim3A_64 = arith.constant 0.000000e+00 : f32
      %broadcast_in_dim3A_65 = vector.broadcast %broadcast_in_dim3A_64 : f32 to vector<16xf32>
      %swap3A_66 = arith.index_cast %add3A_55 : i32 to index
      %swap3A_67 = arith.constant 32 : index
      %swap3A_68 = tpu.vector_load %arg15[%swap3A_66, %swap3A_67] {strides = array<i32>} : memref<128x128xf32, #tpu.memory_space<vmem>>, vector<16xf32>,
      tpu.vector_store %arg15[%swap3A_66, %swap3A_67], %broadcast_in_dim3A_65 {strides = array<i32>} : memref<128x128xf32, #tpu.memory_space<vmem>>, vector<16xf32>,
      %broadcast_in_dim3A_69 = arith.constant 0.000000e+00 : f32
      %broadcast_in_dim3A_70 = vector.broadcast %broadcast_in_dim3A_69 : f32 to vector<16xf32>
      %swap3A_71 = arith.index_cast %add3A_55 : i32 to index
      %swap3A_72 = arith.constant 48 : index
      %swap3A_73 = tpu.vector_load %arg15[%swap3A_71, %swap3A_72] {strides = array<i32>} : memref<128x128xf32, #tpu.memory_space<vmem>>, vector<16xf32>,
      tpu.vector_store %arg15[%swap3A_71, %swap3A_72], %broadcast_in_dim3A_70 {strides = array<i32>} : memref<128x128xf32, #tpu.memory_space<vmem>>, vector<16xf32>,
      %broadcast_in_dim3A_74 = arith.constant 0.000000e+00 : f32
      %broadcast_in_dim3A_75 = vector.broadcast %broadcast_in_dim3A_74 : f32 to vector<16xf32>
      %swap3A_76 = arith.index_cast %add3A_55 : i32 to index
      %swap3A_77 = arith.constant 64 : index
      %swap3A_78 = tpu.vector_load %arg15[%swap3A_76, %swap3A_77] {strides = array<i32>} : memref<128x128xf32, #tpu.memory_space<vmem>>, vector<16xf32>,
      tpu.vector_store %arg15[%swap3A_76, %swap3A_77], %broadcast_in_dim3A_75 {strides = array<i32>} : memref<128x128xf32, #tpu.memory_space<vmem>>, vector<16xf32>,
      %broadcast_in_dim3A_79 = arith.constant 0.000000e+00 : f32
      %broadcast_in_dim3A_80 = vector.broadcast %broadcast_in_dim3A_79 : f32 to vector<16xf32>
      %swap3A_81 = arith.index_cast %add3A_55 : i32 to index
      %swap3A_82 = arith.constant 80 : index
      %swap3A_83 = tpu.vector_load %arg15[%swap3A_81, %swap3A_82] {strides = array<i32>} : memref<128x128xf32, #tpu.memory_space<vmem>>, vector<16xf32>,
      tpu.vector_store %arg15[%swap3A_81, %swap3A_82], %broadcast_in_dim3A_80 {strides = array<i32>} : memref<128x128xf32, #tpu.memory_space<vmem>>, vector<16xf32>,
      %broadcast_in_dim3A_84 = arith.constant 0.000000e+00 : f32
      %broadcast_in_dim3A_85 = vector.broadcast %broadcast_in_dim3A_84 : f32 to vector<16xf32>
      %swap3A_86 = arith.index_cast %add3A_55 : i32 to index
      %swap3A_87 = arith.constant 96 : index
      %swap3A_88 = tpu.vector_load %arg15[%swap3A_86, %swap3A_87] {strides = array<i32>} : memref<128x128xf32, #tpu.memory_space<vmem>>, vector<16xf32>,
      tpu.vector_store %arg15[%swap3A_86, %swap3A_87], %broadcast_in_dim3A_85 {strides = array<i32>} : memref<128x128xf32, #tpu.memory_space<vmem>>, vector<16xf32>,
      %broadcast_in_dim3A_89 = arith.constant 0.000000e+00 : f32
      %broadcast_in_dim3A_90 = vector.broadcast %broadcast_in_dim3A_89 : f32 to vector<16xf32>
      %swap3A_91 = arith.index_cast %add3A_55 : i32 to index
      %swap3A_92 = arith.constant 112 : index
      %swap3A_93 = tpu.vector_load %arg15[%swap3A_91, %swap3A_92] {strides = array<i32>} : memref<128x128xf32, #tpu.memory_space<vmem>>, vector<16xf32>,
      tpu.vector_store %arg15[%swap3A_91, %swap3A_92], %broadcast_in_dim3A_90 {strides = array<i32>} : memref<128x128xf32, #tpu.memory_space<vmem>>, vector<16xf32>,
      %scan3A_94 = arith.constant 1 : i32
      %scan3A_95 = arith.addi %scan3A_51, %scan3A_94 : i32
      %mul3A_96 = arith.constant 1 : i32
      %mul3A_97 = arith.muli %scan3A_95, %mul3A_96 : i32
      %add3A_98 = arith.constant 0 : i32
      %add3A_99 = arith.addi %add3A_98, %mul3A_97 : i32
      %broadcast_in_dim3A_100 = arith.constant 0.000000e+00 : f32
      %broadcast_in_dim3A_101 = vector.broadcast %broadcast_in_dim3A_100 : f32 to vector<16xf32>
      %swap3A_102 = arith.index_cast %add3A_99 : i32 to index
      %swap3A_103 = arith.constant 0 : index
      %swap3A_104 = tpu.vector_load %arg15[%swap3A_102, %swap3A_103] {strides = array<i32>} : memref<128x128xf32, #tpu.memory_space<vmem>>, vector<16xf32>,
      tpu.vector_store %arg15[%swap3A_102, %swap3A_103], %broadcast_in_dim3A_101 {strides = array<i32>} : memref<128x128xf32, #tpu.memory_space<vmem>>, vector<16xf32>,
      %broadcast_in_dim3A_105 = arith.constant 0.000000e+00 : f32
      %broadcast_in_dim3A_106 = vector.broadcast %broadcast_in_dim3A_105 : f32 to vector<16xf32>
      %swap3A_107 = arith.index_cast %add3A_99 : i32 to index
      %swap3A_108 = arith.constant 16 : index
      %swap3A_109 = tpu.vector_load %arg15[%swap3A_107, %swap3A_108] {strides = array<i32>} : memref<128x128xf32, #tpu.memory_space<vmem>>, vector<16xf32>,
      tpu.vector_store %arg15[%swap3A_107, %swap3A_108], %broadcast_in_dim3A_106 {strides = array<i32>} : memref<128x128xf32, #tpu.memory_space<vmem>>, vector<16xf32>,
      %broadcast_in_dim3A_110 = arith.constant 0.000000e+00 : f32
      %broadcast_in_dim3A_111 = vector.broadcast %broadcast_in_dim3A_110 : f32 to vector<16xf32>
      %swap3A_112 = arith.index_cast %add3A_99 : i32 to index
      %swap3A_113 = arith.constant 32 : index
      %swap3A_114 = tpu.vector_load %arg15[%swap3A_112, %swap3A_113] {strides = array<i32>} : memref<128x128xf32, #tpu.memory_space<vmem>>, vector<16xf32>,
      tpu.vector_store %arg15[%swap3A_112, %swap3A_113], %broadcast_in_dim3A_111 {strides = array<i32>} : memref<128x128xf32, #tpu.memory_space<vmem>>, vector<16xf32>,
      %broadcast_in_dim3A_115 = arith.constant 0.000000e+00 : f32
      %broadcast_in_dim3A_116 = vector.broadcast %broadcast_in_dim3A_115 : f32 to vector<16xf32>
      %swap3A_117 = arith.index_cast %add3A_99 : i32 to index
      %swap3A_118 = arith.constant 48 : index
      %swap3A_119 = tpu.vector_load %arg15[%swap3A_117, %swap3A_118] {strides = array<i32>} : memref<128x128xf32, #tpu.memory_space<vmem>>, vector<16xf32>,
      tpu.vector_store %arg15[%swap3A_117, %swap3A_118], %broadcast_in_dim3A_116 {strides = array<i32>} : memref<128x128xf32, #tpu.memory_space<vmem>>, vector<16xf32>,
      %broadcast_in_dim3A_120 = arith.constant 0.000000e+00 : f32
      %broadcast_in_dim3A_121 = vector.broadcast %broadcast_in_dim3A_120 : f32 to vector<16xf32>
      %swap3A_122 = arith.index_cast %add3A_99 : i32 to index
      %swap3A_123 = arith.constant 64 : index
      %swap3A_124 = tpu.vector_load %arg15[%swap3A_122, %swap3A_123] {strides = array<i32>} : memref<128x128xf32, #tpu.memory_space<vmem>>, vector<16xf32>,
      tpu.vector_store %arg15[%swap3A_122, %swap3A_123], %broadcast_in_dim3A_121 {strides = array<i32>} : memref<128x128xf32, #tpu.memory_space<vmem>>, vector<16xf32>,
      %broadcast_in_dim3A_125 = arith.constant 0.000000e+00 : f32
      %broadcast_in_dim3A_126 = vector.broadcast %broadcast_in_dim3A_125 : f32 to vector<16xf32>
      %swap3A_127 = arith.index_cast %add3A_99 : i32 to index
      %swap3A_128 = arith.constant 80 : index
      %swap3A_129 = tpu.vector_load %arg15[%swap3A_127, %swap3A_128] {strides = array<i32>} : memref<128x128xf32, #tpu.memory_space<vmem>>, vector<16xf32>,
      tpu.vector_store %arg15[%swap3A_127, %swap3A_128], %broadcast_in_dim3A_126 {strides = array<i32>} : memref<128x128xf32, #tpu.memory_space<vmem>>, vector<16xf32>,
      %broadcast_in_dim3A_130 = arith.constant 0.000000e+00 : f32
      %broadcast_in_dim3A_131 = vector.broadcast %broadcast_in_dim3A_130 : f32 to vector<16xf32>
      %swap3A_132 = arith.index_cast %add3A_99 : i32 to index
      %swap3A_133 = arith.constant 96 : index
      %swap3A_134 = tpu.vector_load %arg15[%swap3A_132, %swap3A_133] {strides = array<i32>} : memref<128x128xf32, #tpu.memory_space<vmem>>, vector<16xf32>,
      tpu.vector_store %arg15[%swap3A_132, %swap3A_133], %broadcast_in_dim3A_131 {strides = array<i32>} : memref<128x128xf32, #tpu.memory_space<vmem>>, vector<16xf32>,
      %broadcast_in_dim3A_135 = arith.constant 0.000000e+00 : f32
      %broadcast_in_dim3A_136 = vector.broadcast %broadcast_in_dim3A_135 : f32 to vector<16xf32>
      %swap3A_137 = arith.index_cast %add3A_99 : i32 to index
      %swap3A_138 = arith.constant 112 : index
      %swap3A_139 = tpu.vector_load %arg15[%swap3A_137, %swap3A_138] {strides = array<i32>} : memref<128x128xf32, #tpu.memory_space<vmem>>, vector<16xf32>,
      tpu.vector_store %arg15[%swap3A_137, %swap3A_138], %broadcast_in_dim3A_136 {strides = array<i32>} : memref<128x128xf32, #tpu.memory_space<vmem>>, vector<16xf32>,
      %scan3A_140 = arith.constant 2 : i32
      %scan3A_141 = arith.addi %scan3A_51, %scan3A_140 : i32
      %mul3A_142 = arith.constant 1 : i32
      %mul3A_143 = arith.muli %scan3A_141, %mul3A_142 : i32
      %add3A_144 = arith.constant 0 : i32
      %add3A_145 = arith.addi %add3A_144, %mul3A_143 : i32
      %broadcast_in_dim3A_146 = arith.constant 0.000000e+00 : f32
      %broadcast_in_dim3A_147 = vector.broadcast %broadcast_in_dim3A_146 : f32 to vector<16xf32>
      %swap3A_148 = arith.index_cast %add3A_145 : i32 to index
      %swap3A_149 = arith.constant 0 : index
      %swap3A_150 = tpu.vector_load %arg15[%swap3A_148, %swap3A_149] {strides = array<i32>} : memref<128x128xf32, #tpu.memory_space<vmem>>, vector<16xf32>,
      tpu.vector_store %arg15[%swap3A_148, %swap3A_149], %broadcast_in_dim3A_147 {strides = array<i32>} : memref<128x128xf32, #tpu.memory_space<vmem>>, vector<16xf32>,
      %broadcast_in_dim3A_151 = arith.constant 0.000000e+00 : f32
      %broadcast_in_dim3A_152 = vector.broadcast %broadcast_in_dim3A_151 : f32 to vector<16xf32>
      %swap3A_153 = arith.index_cast %add3A_145 : i32 to index
      %swap3A_154 = arith.constant 16 : index
      %swap3A_155 = tpu.vector_load %arg15[%swap3A_153, %swap3A_154] {strides = array<i32>} : memref<128x128xf32, #tpu.memory_space<vmem>>, vector<16xf32>,
      tpu.vector_store %arg15[%swap3A_153, %swap3A_154], %broadcast_in_dim3A_152 {strides = array<i32>} : memref<128x128xf32, #tpu.memory_space<vmem>>, vector<16xf32>,
      %broadcast_in_dim3A_156 = arith.constant 0.000000e+00 : f32
      %broadcast_in_dim3A_157 = vector.broadcast %broadcast_in_dim3A_156 : f32 to vector<16xf32>
      %swap3A_158 = arith.index_cast %add3A_145 : i32 to index
      %swap3A_159 = arith.constant 32 : index
      %swap3A_160 = tpu.vector_load %arg15[%swap3A_158, %swap3A_159] {strides = array<i32>} : memref<128x128xf32, #tpu.memory_space<vmem>>, vector<16xf32>,
      tpu.vector_store %arg15[%swap3A_158, %swap3A_159], %broadcast_in_dim3A_157 {strides = array<i32>} : memref<128x128xf32, #tpu.memory_space<vmem>>, vector<16xf32>,
      %broadcast_in_dim3A_161 = arith.constant 0.000000e+00 : f32
      %broadcast_in_dim3A_162 = vector.broadcast %broadcast_in_dim3A_161 : f32 to vector<16xf32>
      %swap3A_163 = arith.index_cast %add3A_145 : i32 to index
      %swap3A_164 = arith.constant 48 : index
      %swap3A_165 = tpu.vector_load %arg15[%swap3A_163, %swap3A_164] {strides = array<i32>} : memref<128x128xf32, #tpu.memory_space<vmem>>, vector<16xf32>,
      tpu.vector_store %arg15[%swap3A_163, %swap3A_164], %broadcast_in_dim3A_162 {strides = array<i32>} : memref<128x128xf32, #tpu.memory_space<vmem>>, vector<16xf32>,
      %broadcast_in_dim3A_166 = arith.constant 0.000000e+00 : f32
      %broadcast_in_dim3A_167 = vector.broadcast %broadcast_in_dim3A_166 : f32 to vector<16xf32>
      %swap3A_168 = arith.index_cast %add3A_145 : i32 to index
      %swap3A_169 = arith.constant 64 : index
      %swap3A_170 = tpu.vector_load %arg15[%swap3A_168, %swap3A_169] {strides = array<i32>} : memref<128x128xf32, #tpu.memory_space<vmem>>, vector<16xf32>,
      tpu.vector_store %arg15[%swap3A_168, %swap3A_169], %broadcast_in_dim3A_167 {strides = array<i32>} : memref<128x128xf32, #tpu.memory_space<vmem>>, vector<16xf32>,
      %broadcast_in_dim3A_171 = arith.constant 0.000000e+00 : f32
      %broadcast_in_dim3A_172 = vector.broadcast %broadcast_in_dim3A_171 : f32 to vector<16xf32>
      %swap3A_173 = arith.index_cast %add3A_145 : i32 to index
      %swap3A_174 = arith.constant 80 : index
      %swap3A_175 = tpu.vector_load %arg15[%swap3A_173, %swap3A_174] {strides = array<i32>} : memref<128x128xf32, #tpu.memory_space<vmem>>, vector<16xf32>,
      tpu.vector_store %arg15[%swap3A_173, %swap3A_174], %broadcast_in_dim3A_172 {strides = array<i32>} : memref<128x128xf32, #tpu.memory_space<vmem>>, vector<16xf32>,
      %broadcast_in_dim3A_176 = arith.constant 0.000000e+00 : f32
      %broadcast_in_dim3A_177 = vector.broadcast %broadcast_in_dim3A_176 : f32 to vector<16xf32>
      %swap3A_178 = arith.index_cast %add3A_145 : i32 to index
      %swap3A_179 = arith.constant 96 : index
      %swap3A_180 = tpu.vector_load %arg15[%swap3A_178, %swap3A_179] {strides = array<i32>} : memref<128x128xf32, #tpu.memory_space<vmem>>, vector<16xf32>,
      tpu.vector_store %arg15[%swap3A_178, %swap3A_179], %broadcast_in_dim3A_177 {strides = array<i32>} : memref<128x128xf32, #tpu.memory_space<vmem>>, vector<16xf32>,
      %broadcast_in_dim3A_181 = arith.constant 0.000000e+00 : f32
      %broadcast_in_dim3A_182 = vector.broadcast %broadcast_in_dim3A_181 : f32 to vector<16xf32>
      %swap3A_183 = arith.index_cast %add3A_145 : i32 to index
      %swap3A_184 = arith.constant 112 : index
      %swap3A_185 = tpu.vector_load %arg15[%swap3A_183, %swap3A_184] {strides = array<i32>} : memref<128x128xf32, #tpu.memory_space<vmem>>, vector<16xf32>,
      tpu.vector_store %arg15[%swap3A_183, %swap3A_184], %broadcast_in_dim3A_182 {strides = array<i32>} : memref<128x128xf32, #tpu.memory_space<vmem>>, vector<16xf32>,
      %scan3A_186 = arith.constant 3 : i32
      %scan3A_187 = arith.addi %scan3A_51, %scan3A_186 : i32
      %mul3A_188 = arith.constant 1 : i32
      %mul3A_189 = arith.muli %scan3A_187, %mul3A_188 : i32
      %add3A_190 = arith.constant 0 : i32
      %add3A_191 = arith.addi %add3A_190, %mul3A_189 : i32
      %broadcast_in_dim3A_192 = arith.constant 0.000000e+00 : f32
      %broadcast_in_dim3A_193 = vector.broadcast %broadcast_in_dim3A_192 : f32 to vector<16xf32>
      %swap3A_194 = arith.index_cast %add3A_191 : i32 to index
      %swap3A_195 = arith.constant 0 : index
      %swap3A_196 = tpu.vector_load %arg15[%swap3A_194, %swap3A_195] {strides = array<i32>} : memref<128x128xf32, #tpu.memory_space<vmem>>, vector<16xf32>,
      tpu.vector_store %arg15[%swap3A_194, %swap3A_195], %broadcast_in_dim3A_193 {strides = array<i32>} : memref<128x128xf32, #tpu.memory_space<vmem>>, vector<16xf32>,
      %broadcast_in_dim3A_197 = arith.constant 0.000000e+00 : f32
      %broadcast_in_dim3A_198 = vector.broadcast %broadcast_in_dim3A_197 : f32 to vector<16xf32>
      %swap3A_199 = arith.index_cast %add3A_191 : i32 to index
      %swap3A_200 = arith.constant 16 : index
      %swap3A_201 = tpu.vector_load %arg15[%swap3A_199, %swap3A_200] {strides = array<i32>} : memref<128x128xf32, #tpu.memory_space<vmem>>, vector<16xf32>,
      tpu.vector_store %arg15[%swap3A_199, %swap3A_200], %broadcast_in_dim3A_198 {strides = array<i32>} : memref<128x128xf32, #tpu.memory_space<vmem>>, vector<16xf32>,
      %broadcast_in_dim3A_202 = arith.constant 0.000000e+00 : f32
      %broadcast_in_dim3A_203 = vector.broadcast %broadcast_in_dim3A_202 : f32 to vector<16xf32>
      %swap3A_204 = arith.index_cast %add3A_191 : i32 to index
      %swap3A_205 = arith.constant 32 : index
      %swap3A_206 = tpu.vector_load %arg15[%swap3A_204, %swap3A_205] {strides = array<i32>} : memref<128x128xf32, #tpu.memory_space<vmem>>, vector<16xf32>,
      tpu.vector_store %arg15[%swap3A_204, %swap3A_205], %broadcast_in_dim3A_203 {strides = array<i32>} : memref<128x128xf32, #tpu.memory_space<vmem>>, vector<16xf32>,
      %broadcast_in_dim3A_207 = arith.constant 0.000000e+00 : f32
      %broadcast_in_dim3A_208 = vector.broadcast %broadcast_in_dim3A_207 : f32 to vector<16xf32>
      %swap3A_209 = arith.index_cast %add3A_191 : i32 to index
      %swap3A_210 = arith.constant 48 : index
      %swap3A_211 = tpu.vector_load %arg15[%swap3A_209, %swap3A_210] {strides = array<i32>} : memref<128x128xf32, #tpu.memory_space<vmem>>, vector<16xf32>,
      tpu.vector_store %arg15[%swap3A_209, %swap3A_210], %broadcast_in_dim3A_208 {strides = array<i32>} : memref<128x128xf32, #tpu.memory_space<vmem>>, vector<16xf32>,
      %broadcast_in_dim3A_212 = arith.constant 0.000000e+00 : f32
      %broadcast_in_dim3A_213 = vector.broadcast %broadcast_in_dim3A_212 : f32 to vector<16xf32>
      %swap3A_214 = arith.index_cast %add3A_191 : i32 to index
      %swap3A_215 = arith.constant 64 : index
      %swap3A_216 = tpu.vector_load %arg15[%swap3A_214, %swap3A_215] {strides = array<i32>} : memref<128x128xf32, #tpu.memory_space<vmem>>, vector<16xf32>,
      tpu.vector_store %arg15[%swap3A_214, %swap3A_215], %broadcast_in_dim3A_213 {strides = array<i32>} : memref<128x128xf32, #tpu.memory_space<vmem>>, vector<16xf32>,
      %broadcast_in_dim3A_217 = arith.constant 0.000000e+00 : f32
      %broadcast_in_dim3A_218 = vector.broadcast %broadcast_in_dim3A_217 : f32 to vector<16xf32>
      %swap3A_219 = arith.index_cast %add3A_191 : i32 to index
      %swap3A_220 = arith.constant 80 : index
      %swap3A_221 = tpu.vector_load %arg15[%swap3A_219, %swap3A_220] {strides = array<i32>} : memref<128x128xf32, #tpu.memory_space<vmem>>, vector<16xf32>,
      tpu.vector_store %arg15[%swap3A_219, %swap3A_220], %broadcast_in_dim3A_218 {strides = array<i32>} : memref<128x128xf32, #tpu.memory_space<vmem>>, vector<16xf32>,
      %broadcast_in_dim3A_222 = arith.constant 0.000000e+00 : f32
      %broadcast_in_dim3A_223 = vector.broadcast %broadcast_in_dim3A_222 : f32 to vector<16xf32>
      %swap3A_224 = arith.index_cast %add3A_191 : i32 to index
      %swap3A_225 = arith.constant 96 : index
      %swap3A_226 = tpu.vector_load %arg15[%swap3A_224, %swap3A_225] {strides = array<i32>} : memref<128x128xf32, #tpu.memory_space<vmem>>, vector<16xf32>,
      tpu.vector_store %arg15[%swap3A_224, %swap3A_225], %broadcast_in_dim3A_223 {strides = array<i32>} : memref<128x128xf32, #tpu.memory_space<vmem>>, vector<16xf32>,
      %broadcast_in_dim3A_227 = arith.constant 0.000000e+00 : f32
      %broadcast_in_dim3A_228 = vector.broadcast %broadcast_in_dim3A_227 : f32 to vector<16xf32>
      %swap3A_229 = arith.index_cast %add3A_191 : i32 to index
      %swap3A_230 = arith.constant 112 : index
      %swap3A_231 = tpu.vector_load %arg15[%swap3A_229, %swap3A_230] {strides = array<i32>} : memref<128x128xf32, #tpu.memory_space<vmem>>, vector<16xf32>,
      tpu.vector_store %arg15[%swap3A_229, %swap3A_230], %broadcast_in_dim3A_228 {strides = array<i32>} : memref<128x128xf32, #tpu.memory_space<vmem>>, vector<16xf32>,
    }
    %scan3A_6 = arith.constant 128 : i32
    %scan3A_7 = arith.constant 0 : i32
    %scan3A_8 = arith.constant 128 : i32
    %scan3A_9 = arith.addi %scan3A_7, %scan3A_8 : i32
    %scan3A_10 = arith.constant 4 : i32
    scf.for %scan3A_51 = %scan3A_7 to %scan3A_9 step %scan3A_10  : i32 {
      %mul3A_52 = arith.constant 1 : i32
      %mul3A_53 = arith.muli %scan3A_51, %mul3A_52 : i32
      %add3A_54 = arith.constant 0 : i32
      %add3A_55 = arith.addi %add3A_54, %mul3A_53 : i32
      %broadcast_in_dim3A = arith.constant 0.000000e+00 : f32
      %broadcast_in_dim3A_56 = vector.broadcast %broadcast_in_dim3A : f32 to vector<16xf32>
      %swap3A = arith.index_cast %add3A_55 : i32 to index
      %swap3A_57 = arith.constant 0 : index
      %swap3A_58 = tpu.vector_load %arg16[%swap3A, %swap3A_57] {strides = array<i32>} : memref<128x128xf32, #tpu.memory_space<vmem>>, vector<16xf32>,
      tpu.vector_store %arg16[%swap3A, %swap3A_57], %broadcast_in_dim3A_56 {strides = array<i32>} : memref<128x128xf32, #tpu.memory_space<vmem>>, vector<16xf32>,
      %broadcast_in_dim3A_59 = arith.constant 0.000000e+00 : f32
      %broadcast_in_dim3A_60 = vector.broadcast %broadcast_in_dim3A_59 : f32 to vector<16xf32>
      %swap3A_61 = arith.index_cast %add3A_55 : i32 to index
      %swap3A_62 = arith.constant 16 : index
      %swap3A_63 = tpu.vector_load %arg16[%swap3A_61, %swap3A_62] {strides = array<i32>} : memref<128x128xf32, #tpu.memory_space<vmem>>, vector<16xf32>,
      tpu.vector_store %arg16[%swap3A_61, %swap3A_62], %broadcast_in_dim3A_60 {strides = array<i32>} : memref<128x128xf32, #tpu.memory_space<vmem>>, vector<16xf32>,
      %broadcast_in_dim3A_64 = arith.constant 0.000000e+00 : f32
      %broadcast_in_dim3A_65 = vector.broadcast %broadcast_in_dim3A_64 : f32 to vector<16xf32>
      %swap3A_66 = arith.index_cast %add3A_55 : i32 to index
      %swap3A_67 = arith.constant 32 : index
      %swap3A_68 = tpu.vector_load %arg16[%swap3A_66, %swap3A_67] {strides = array<i32>} : memref<128x128xf32, #tpu.memory_space<vmem>>, vector<16xf32>,
      tpu.vector_store %arg16[%swap3A_66, %swap3A_67], %broadcast_in_dim3A_65 {strides = array<i32>} : memref<128x128xf32, #tpu.memory_space<vmem>>, vector<16xf32>,
      %broadcast_in_dim3A_69 = arith.constant 0.000000e+00 : f32
      %broadcast_in_dim3A_70 = vector.broadcast %broadcast_in_dim3A_69 : f32 to vector<16xf32>
      %swap3A_71 = arith.index_cast %add3A_55 : i32 to index
      %swap3A_72 = arith.constant 48 : index
      %swap3A_73 = tpu.vector_load %arg16[%swap3A_71, %swap3A_72] {strides = array<i32>} : memref<128x128xf32, #tpu.memory_space<vmem>>, vector<16xf32>,
      tpu.vector_store %arg16[%swap3A_71, %swap3A_72], %broadcast_in_dim3A_70 {strides = array<i32>} : memref<128x128xf32, #tpu.memory_space<vmem>>, vector<16xf32>,
      %broadcast_in_dim3A_74 = arith.constant 0.000000e+00 : f32
      %broadcast_in_dim3A_75 = vector.broadcast %broadcast_in_dim3A_74 : f32 to vector<16xf32>
      %swap3A_76 = arith.index_cast %add3A_55 : i32 to index
      %swap3A_77 = arith.constant 64 : index
      %swap3A_78 = tpu.vector_load %arg16[%swap3A_76, %swap3A_77] {strides = array<i32>} : memref<128x128xf32, #tpu.memory_space<vmem>>, vector<16xf32>,
      tpu.vector_store %arg16[%swap3A_76, %swap3A_77], %broadcast_in_dim3A_75 {strides = array<i32>} : memref<128x128xf32, #tpu.memory_space<vmem>>, vector<16xf32>,
      %broadcast_in_dim3A_79 = arith.constant 0.000000e+00 : f32
      %broadcast_in_dim3A_80 = vector.broadcast %broadcast_in_dim3A_79 : f32 to vector<16xf32>
      %swap3A_81 = arith.index_cast %add3A_55 : i32 to index
      %swap3A_82 = arith.constant 80 : index
      %swap3A_83 = tpu.vector_load %arg16[%swap3A_81, %swap3A_82] {strides = array<i32>} : memref<128x128xf32, #tpu.memory_space<vmem>>, vector<16xf32>,
      tpu.vector_store %arg16[%swap3A_81, %swap3A_82], %broadcast_in_dim3A_80 {strides = array<i32>} : memref<128x128xf32, #tpu.memory_space<vmem>>, vector<16xf32>,
      %broadcast_in_dim3A_84 = arith.constant 0.000000e+00 : f32
      %broadcast_in_dim3A_85 = vector.broadcast %broadcast_in_dim3A_84 : f32 to vector<16xf32>
      %swap3A_86 = arith.index_cast %add3A_55 : i32 to index
      %swap3A_87 = arith.constant 96 : index
      %swap3A_88 = tpu.vector_load %arg16[%swap3A_86, %swap3A_87] {strides = array<i32>} : memref<128x128xf32, #tpu.memory_space<vmem>>, vector<16xf32>,
      tpu.vector_store %arg16[%swap3A_86, %swap3A_87], %broadcast_in_dim3A_85 {strides = array<i32>} : memref<128x128xf32, #tpu.memory_space<vmem>>, vector<16xf32>,
      %broadcast_in_dim3A_89 = arith.constant 0.000000e+00 : f32
      %broadcast_in_dim3A_90 = vector.broadcast %broadcast_in_dim3A_89 : f32 to vector<16xf32>
      %swap3A_91 = arith.index_cast %add3A_55 : i32 to index
      %swap3A_92 = arith.constant 112 : index
      %swap3A_93 = tpu.vector_load %arg16[%swap3A_91, %swap3A_92] {strides = array<i32>} : memref<128x128xf32, #tpu.memory_space<vmem>>, vector<16xf32>,
      tpu.vector_store %arg16[%swap3A_91, %swap3A_92], %broadcast_in_dim3A_90 {strides = array<i32>} : memref<128x128xf32, #tpu.memory_space<vmem>>, vector<16xf32>,
      %scan3A_94 = arith.constant 1 : i32
      %scan3A_95 = arith.addi %scan3A_51, %scan3A_94 : i32
      %mul3A_96 = arith.constant 1 : i32
      %mul3A_97 = arith.muli %scan3A_95, %mul3A_96 : i32
      %add3A_98 = arith.constant 0 : i32
      %add3A_99 = arith.addi %add3A_98, %mul3A_97 : i32
      %broadcast_in_dim3A_100 = arith.constant 0.000000e+00 : f32
      %broadcast_in_dim3A_101 = vector.broadcast %broadcast_in_dim3A_100 : f32 to vector<16xf32>
      %swap3A_102 = arith.index_cast %add3A_99 : i32 to index
      %swap3A_103 = arith.constant 0 : index
      %swap3A_104 = tpu.vector_load %arg16[%swap3A_102, %swap3A_103] {strides = array<i32>} : memref<128x128xf32, #tpu.memory_space<vmem>>, vector<16xf32>,
      tpu.vector_store %arg16[%swap3A_102, %swap3A_103], %broadcast_in_dim3A_101 {strides = array<i32>} : memref<128x128xf32, #tpu.memory_space<vmem>>, vector<16xf32>,
      %broadcast_in_dim3A_105 = arith.constant 0.000000e+00 : f32
      %broadcast_in_dim3A_106 = vector.broadcast %broadcast_in_dim3A_105 : f32 to vector<16xf32>
      %swap3A_107 = arith.index_cast %add3A_99 : i32 to index
      %swap3A_108 = arith.constant 16 : index
      %swap3A_109 = tpu.vector_load %arg16[%swap3A_107, %swap3A_108] {strides = array<i32>} : memref<128x128xf32, #tpu.memory_space<vmem>>, vector<16xf32>,
      tpu.vector_store %arg16[%swap3A_107, %swap3A_108], %broadcast_in_dim3A_106 {strides = array<i32>} : memref<128x128xf32, #tpu.memory_space<vmem>>, vector<16xf32>,
      %broadcast_in_dim3A_110 = arith.constant 0.000000e+00 : f32
      %broadcast_in_dim3A_111 = vector.broadcast %broadcast_in_dim3A_110 : f32 to vector<16xf32>
      %swap3A_112 = arith.index_cast %add3A_99 : i32 to index
      %swap3A_113 = arith.constant 32 : index
      %swap3A_114 = tpu.vector_load %arg16[%swap3A_112, %swap3A_113] {strides = array<i32>} : memref<128x128xf32, #tpu.memory_space<vmem>>, vector<16xf32>,
      tpu.vector_store %arg16[%swap3A_112, %swap3A_113], %broadcast_in_dim3A_111 {strides = array<i32>} : memref<128x128xf32, #tpu.memory_space<vmem>>, vector<16xf32>,
      %broadcast_in_dim3A_115 = arith.constant 0.000000e+00 : f32
      %broadcast_in_dim3A_116 = vector.broadcast %broadcast_in_dim3A_115 : f32 to vector<16xf32>
      %swap3A_117 = arith.index_cast %add3A_99 : i32 to index
      %swap3A_118 = arith.constant 48 : index
      %swap3A_119 = tpu.vector_load %arg16[%swap3A_117, %swap3A_118] {strides = array<i32>} : memref<128x128xf32, #tpu.memory_space<vmem>>, vector<16xf32>,
      tpu.vector_store %arg16[%swap3A_117, %swap3A_118], %broadcast_in_dim3A_116 {strides = array<i32>} : memref<128x128xf32, #tpu.memory_space<vmem>>, vector<16xf32>,
      %broadcast_in_dim3A_120 = arith.constant 0.000000e+00 : f32
      %broadcast_in_dim3A_121 = vector.broadcast %broadcast_in_dim3A_120 : f32 to vector<16xf32>
      %swap3A_122 = arith.index_cast %add3A_99 : i32 to index
      %swap3A_123 = arith.constant 64 : index
      %swap3A_124 = tpu.vector_load %arg16[%swap3A_122, %swap3A_123] {strides = array<i32>} : memref<128x128xf32, #tpu.memory_space<vmem>>, vector<16xf32>,
      tpu.vector_store %arg16[%swap3A_122, %swap3A_123], %broadcast_in_dim3A_121 {strides = array<i32>} : memref<128x128xf32, #tpu.memory_space<vmem>>, vector<16xf32>,
      %broadcast_in_dim3A_125 = arith.constant 0.000000e+00 : f32
      %broadcast_in_dim3A_126 = vector.broadcast %broadcast_in_dim3A_125 : f32 to vector<16xf32>
      %swap3A_127 = arith.index_cast %add3A_99 : i32 to index
      %swap3A_128 = arith.constant 80 : index
      %swap3A_129 = tpu.vector_load %arg16[%swap3A_127, %swap3A_128] {strides = array<i32>} : memref<128x128xf32, #tpu.memory_space<vmem>>, vector<16xf32>,
      tpu.vector_store %arg16[%swap3A_127, %swap3A_128], %broadcast_in_dim3A_126 {strides = array<i32>} : memref<128x128xf32, #tpu.memory_space<vmem>>, vector<16xf32>,
      %broadcast_in_dim3A_130 = arith.constant 0.000000e+00 : f32
      %broadcast_in_dim3A_131 = vector.broadcast %broadcast_in_dim3A_130 : f32 to vector<16xf32>
      %swap3A_132 = arith.index_cast %add3A_99 : i32 to index
      %swap3A_133 = arith.constant 96 : index
      %swap3A_134 = tpu.vector_load %arg16[%swap3A_132, %swap3A_133] {strides = array<i32>} : memref<128x128xf32, #tpu.memory_space<vmem>>, vector<16xf32>,
      tpu.vector_store %arg16[%swap3A_132, %swap3A_133], %broadcast_in_dim3A_131 {strides = array<i32>} : memref<128x128xf32, #tpu.memory_space<vmem>>, vector<16xf32>,
      %broadcast_in_dim3A_135 = arith.constant 0.000000e+00 : f32
      %broadcast_in_dim3A_136 = vector.broadcast %broadcast_in_dim3A_135 : f32 to vector<16xf32>
      %swap3A_137 = arith.index_cast %add3A_99 : i32 to index
      %swap3A_138 = arith.constant 112 : index
      %swap3A_139 = tpu.vector_load %arg16[%swap3A_137, %swap3A_138] {strides = array<i32>} : memref<128x128xf32, #tpu.memory_space<vmem>>, vector<16xf32>,
      tpu.vector_store %arg16[%swap3A_137, %swap3A_138], %broadcast_in_dim3A_136 {strides = array<i32>} : memref<128x128xf32, #tpu.memory_space<vmem>>, vector<16xf32>,
      %scan3A_140 = arith.constant 2 : i32
      %scan3A_141 = arith.addi %scan3A_51, %scan3A_140 : i32
      %mul3A_142 = arith.constant 1 : i32
      %mul3A_143 = arith.muli %scan3A_141, %mul3A_142 : i32
      %add3A_144 = arith.constant 0 : i32
      %add3A_145 = arith.addi %add3A_144, %mul3A_143 : i32
      %broadcast_in_dim3A_146 = arith.constant 0.000000e+00 : f32
      %broadcast_in_dim3A_147 = vector.broadcast %broadcast_in_dim3A_146 : f32 to vector<16xf32>
      %swap3A_148 = arith.index_cast %add3A_145 : i32 to index
      %swap3A_149 = arith.constant 0 : index
      %swap3A_150 = tpu.vector_load %arg16[%swap3A_148, %swap3A_149] {strides = array<i32>} : memref<128x128xf32, #tpu.memory_space<vmem>>, vector<16xf32>,
      tpu.vector_store %arg16[%swap3A_148, %swap3A_149], %broadcast_in_dim3A_147 {strides = array<i32>} : memref<128x128xf32, #tpu.memory_space<vmem>>, vector<16xf32>,
      %broadcast_in_dim3A_151 = arith.constant 0.000000e+00 : f32
      %broadcast_in_dim3A_152 = vector.broadcast %broadcast_in_dim3A_151 : f32 to vector<16xf32>
      %swap3A_153 = arith.index_cast %add3A_145 : i32 to index
      %swap3A_154 = arith.constant 16 : index
      %swap3A_155 = tpu.vector_load %arg16[%swap3A_153, %swap3A_154] {strides = array<i32>} : memref<128x128xf32, #tpu.memory_space<vmem>>, vector<16xf32>,
      tpu.vector_store %arg16[%swap3A_153, %swap3A_154], %broadcast_in_dim3A_152 {strides = array<i32>} : memref<128x128xf32, #tpu.memory_space<vmem>>, vector<16xf32>,
      %broadcast_in_dim3A_156 = arith.constant 0.000000e+00 : f32
      %broadcast_in_dim3A_157 = vector.broadcast %broadcast_in_dim3A_156 : f32 to vector<16xf32>
      %swap3A_158 = arith.index_cast %add3A_145 : i32 to index
      %swap3A_159 = arith.constant 32 : index
      %swap3A_160 = tpu.vector_load %arg16[%swap3A_158, %swap3A_159] {strides = array<i32>} : memref<128x128xf32, #tpu.memory_space<vmem>>, vector<16xf32>,
      tpu.vector_store %arg16[%swap3A_158, %swap3A_159], %broadcast_in_dim3A_157 {strides = array<i32>} : memref<128x128xf32, #tpu.memory_space<vmem>>, vector<16xf32>,
      %broadcast_in_dim3A_161 = arith.constant 0.000000e+00 : f32
      %broadcast_in_dim3A_162 = vector.broadcast %broadcast_in_dim3A_161 : f32 to vector<16xf32>
      %swap3A_163 = arith.index_cast %add3A_145 : i32 to index
      %swap3A_164 = arith.constant 48 : index
      %swap3A_165 = tpu.vector_load %arg16[%swap3A_163, %swap3A_164] {strides = array<i32>} : memref<128x128xf32, #tpu.memory_space<vmem>>, vector<16xf32>,
      tpu.vector_store %arg16[%swap3A_163, %swap3A_164], %broadcast_in_dim3A_162 {strides = array<i32>} : memref<128x128xf32, #tpu.memory_space<vmem>>, vector<16xf32>,
      %broadcast_in_dim3A_166 = arith.constant 0.000000e+00 : f32
      %broadcast_in_dim3A_167 = vector.broadcast %broadcast_in_dim3A_166 : f32 to vector<16xf32>
      %swap3A_168 = arith.index_cast %add3A_145 : i32 to index
      %swap3A_169 = arith.constant 64 : index
      %swap3A_170 = tpu.vector_load %arg16[%swap3A_168, %swap3A_169] {strides = array<i32>} : memref<128x128xf32, #tpu.memory_space<vmem>>, vector<16xf32>,
      tpu.vector_store %arg16[%swap3A_168, %swap3A_169], %broadcast_in_dim3A_167 {strides = array<i32>} : memref<128x128xf32, #tpu.memory_space<vmem>>, vector<16xf32>,
      %broadcast_in_dim3A_171 = arith.constant 0.000000e+00 : f32
      %broadcast_in_dim3A_172 = vector.broadcast %broadcast_in_dim3A_171 : f32 to vector<16xf32>
      %swap3A_173 = arith.index_cast %add3A_145 : i32 to index
      %swap3A_174 = arith.constant 80 : index
      %swap3A_175 = tpu.vector_load %arg16[%swap3A_173, %swap3A_174] {strides = array<i32>} : memref<128x128xf32, #tpu.memory_space<vmem>>, vector<16xf32>,
      tpu.vector_store %arg16[%swap3A_173, %swap3A_174], %broadcast_in_dim3A_172 {strides = array<i32>} : memref<128x128xf32, #tpu.memory_space<vmem>>, vector<16xf32>,
      %broadcast_in_dim3A_176 = arith.constant 0.000000e+00 : f32
      %broadcast_in_dim3A_177 = vector.broadcast %broadcast_in_dim3A_176 : f32 to vector<16xf32>
      %swap3A_178 = arith.index_cast %add3A_145 : i32 to index
      %swap3A_179 = arith.constant 96 : index
      %swap3A_180 = tpu.vector_load %arg16[%swap3A_178, %swap3A_179] {strides = array<i32>} : memref<128x128xf32, #tpu.memory_space<vmem>>, vector<16xf32>,
      tpu.vector_store %arg16[%swap3A_178, %swap3A_179], %broadcast_in_dim3A_177 {strides = array<i32>} : memref<128x128xf32, #tpu.memory_space<vmem>>, vector<16xf32>,
      %broadcast_in_dim3A_181 = arith.constant 0.000000e+00 : f32
      %broadcast_in_dim3A_182 = vector.broadcast %broadcast_in_dim3A_181 : f32 to vector<16xf32>
      %swap3A_183 = arith.index_cast %add3A_145 : i32 to index
      %swap3A_184 = arith.constant 112 : index
      %swap3A_185 = tpu.vector_load %arg16[%swap3A_183, %swap3A_184] {strides = array<i32>} : memref<128x128xf32, #tpu.memory_space<vmem>>, vector<16xf32>,
      tpu.vector_store %arg16[%swap3A_183, %swap3A_184], %broadcast_in_dim3A_182 {strides = array<i32>} : memref<128x128xf32, #tpu.memory_space<vmem>>, vector<16xf32>,
      %scan3A_186 = arith.constant 3 : i32
      %scan3A_187 = arith.addi %scan3A_51, %scan3A_186 : i32
      %mul3A_188 = arith.constant 1 : i32
      %mul3A_189 = arith.muli %scan3A_187, %mul3A_188 : i32
      %add3A_190 = arith.constant 0 : i32
      %add3A_191 = arith.addi %add3A_190, %mul3A_189 : i32
      %broadcast_in_dim3A_192 = arith.constant 0.000000e+00 : f32
      %broadcast_in_dim3A_193 = vector.broadcast %broadcast_in_dim3A_192 : f32 to vector<16xf32>
      %swap3A_194 = arith.index_cast %add3A_191 : i32 to index
      %swap3A_195 = arith.constant 0 : index
      %swap3A_196 = tpu.vector_load %arg16[%swap3A_194, %swap3A_195] {strides = array<i32>} : memref<128x128xf32, #tpu.memory_space<vmem>>, vector<16xf32>,
      tpu.vector_store %arg16[%swap3A_194, %swap3A_195], %broadcast_in_dim3A_193 {strides = array<i32>} : memref<128x128xf32, #tpu.memory_space<vmem>>, vector<16xf32>,
      %broadcast_in_dim3A_197 = arith.constant 0.000000e+00 : f32
      %broadcast_in_dim3A_198 = vector.broadcast %broadcast_in_dim3A_197 : f32 to vector<16xf32>
      %swap3A_199 = arith.index_cast %add3A_191 : i32 to index
      %swap3A_200 = arith.constant 16 : index
      %swap3A_201 = tpu.vector_load %arg16[%swap3A_199, %swap3A_200] {strides = array<i32>} : memref<128x128xf32, #tpu.memory_space<vmem>>, vector<16xf32>,
      tpu.vector_store %arg16[%swap3A_199, %swap3A_200], %broadcast_in_dim3A_198 {strides = array<i32>} : memref<128x128xf32, #tpu.memory_space<vmem>>, vector<16xf32>,
      %broadcast_in_dim3A_202 = arith.constant 0.000000e+00 : f32
      %broadcast_in_dim3A_203 = vector.broadcast %broadcast_in_dim3A_202 : f32 to vector<16xf32>
      %swap3A_204 = arith.index_cast %add3A_191 : i32 to index
      %swap3A_205 = arith.constant 32 : index
      %swap3A_206 = tpu.vector_load %arg16[%swap3A_204, %swap3A_205] {strides = array<i32>} : memref<128x128xf32, #tpu.memory_space<vmem>>, vector<16xf32>,
      tpu.vector_store %arg16[%swap3A_204, %swap3A_205], %broadcast_in_dim3A_203 {strides = array<i32>} : memref<128x128xf32, #tpu.memory_space<vmem>>, vector<16xf32>,
      %broadcast_in_dim3A_207 = arith.constant 0.000000e+00 : f32
      %broadcast_in_dim3A_208 = vector.broadcast %broadcast_in_dim3A_207 : f32 to vector<16xf32>
      %swap3A_209 = arith.index_cast %add3A_191 : i32 to index
      %swap3A_210 = arith.constant 48 : index
      %swap3A_211 = tpu.vector_load %arg16[%swap3A_209, %swap3A_210] {strides = array<i32>} : memref<128x128xf32, #tpu.memory_space<vmem>>, vector<16xf32>,
      tpu.vector_store %arg16[%swap3A_209, %swap3A_210], %broadcast_in_dim3A_208 {strides = array<i32>} : memref<128x128xf32, #tpu.memory_space<vmem>>, vector<16xf32>,
      %broadcast_in_dim3A_212 = arith.constant 0.000000e+00 : f32
      %broadcast_in_dim3A_213 = vector.broadcast %broadcast_in_dim3A_212 : f32 to vector<16xf32>
      %swap3A_214 = arith.index_cast %add3A_191 : i32 to index
      %swap3A_215 = arith.constant 64 : index
      %swap3A_216 = tpu.vector_load %arg16[%swap3A_214, %swap3A_215] {strides = array<i32>} : memref<128x128xf32, #tpu.memory_space<vmem>>, vector<16xf32>,
      tpu.vector_store %arg16[%swap3A_214, %swap3A_215], %broadcast_in_dim3A_213 {strides = array<i32>} : memref<128x128xf32, #tpu.memory_space<vmem>>, vector<16xf32>,
      %broadcast_in_dim3A_217 = arith.constant 0.000000e+00 : f32
      %broadcast_in_dim3A_218 = vector.broadcast %broadcast_in_dim3A_217 : f32 to vector<16xf32>
      %swap3A_219 = arith.index_cast %add3A_191 : i32 to index
      %swap3A_220 = arith.constant 80 : index
      %swap3A_221 = tpu.vector_load %arg16[%swap3A_219, %swap3A_220] {strides = array<i32>} : memref<128x128xf32, #tpu.memory_space<vmem>>, vector<16xf32>,
      tpu.vector_store %arg16[%swap3A_219, %swap3A_220], %broadcast_in_dim3A_218 {strides = array<i32>} : memref<128x128xf32, #tpu.memory_space<vmem>>, vector<16xf32>,
      %broadcast_in_dim3A_222 = arith.constant 0.000000e+00 : f32
      %broadcast_in_dim3A_223 = vector.broadcast %broadcast_in_dim3A_222 : f32 to vector<16xf32>
      %swap3A_224 = arith.index_cast %add3A_191 : i32 to index
      %swap3A_225 = arith.constant 96 : index
      %swap3A_226 = tpu.vector_load %arg16[%swap3A_224, %swap3A_225] {strides = array<i32>} : memref<128x128xf32, #tpu.memory_space<vmem>>, vector<16xf32>,
      tpu.vector_store %arg16[%swap3A_224, %swap3A_225], %broadcast_in_dim3A_223 {strides = array<i32>} : memref<128x128xf32, #tpu.memory_space<vmem>>, vector<16xf32>,
      %broadcast_in_dim3A_227 = arith.constant 0.000000e+00 : f32
      %broadcast_in_dim3A_228 = vector.broadcast %broadcast_in_dim3A_227 : f32 to vector<16xf32>
      %swap3A_229 = arith.index_cast %add3A_191 : i32 to index
      %swap3A_230 = arith.constant 112 : index
      %swap3A_231 = tpu.vector_load %arg16[%swap3A_229, %swap3A_230] {strides = array<i32>} : memref<128x128xf32, #tpu.memory_space<vmem>>, vector<16xf32>,
      tpu.vector_store %arg16[%swap3A_229, %swap3A_230], %broadcast_in_dim3A_228 {strides = array<i32>} : memref<128x128xf32, #tpu.memory_space<vmem>>, vector<16xf32>,
    }
    %scan3A_11 = arith.constant 128 : i32
    %scan3A_12 = arith.constant 0 : i32
    %scan3A_13 = arith.constant 5 : i32
    %scan3A_14 = arith.addi %scan3A_12, %scan3A_13 : i32
    %scan3A_15 = arith.constant 1 : i32
    scf.for %scan3A_51 = %scan3A_12 to %scan3A_14 step %scan3A_15  : i32 {
      %mul3A_52 = arith.constant 1 : i32
      %mul3A_53 = arith.muli %scan3A_51, %mul3A_52 : i32
      %add3A_54 = arith.constant 0 : i32
      %add3A_55 = arith.addi %add3A_54, %mul3A_53 : i32
      %mul3A_56 = arith.constant 640 : i32
      %mul3A_57 = arith.muli %arg1, %mul3A_56 : i32
      %mul3A_58 = arith.constant 128 : i32
      %mul3A_59 = arith.muli %add3A_55, %mul3A_58 : i32
      %add3A_60 = arith.addi %mul3A_57, %mul3A_59 : i32
      "tpu.region"() ({
        %run_scoped3A = tpu.sem_alloc : memref<!tpu.dma_semaphore, #tpu.memory_space<semaphore_mem>>
        %dma_start3A_61 = arith.constant 0 : i32
        %dma_start3A_62 = tpu.memref_slice %arg8[%add3A_60, %dma_start3A_61] : memref<10240x128xf32, #tpu.memory_space<vmem_shared>> -> memref<128x128xf32, #tpu.memory_space<vmem_shared>>
        %dma_start3A_63 = arith.constant 0 : i32
        %dma_start3A_64 = tpu.memref_slice %arg8[%add3A_60, %dma_start3A_63] : memref<10240x128xf32, #tpu.memory_space<vmem_shared>> -> memref<128x128xf32, #tpu.memory_space<vmem_shared>>
        tpu.enqueue_dma source(%arg15 : memref<128x128xf32, #tpu.memory_space<vmem>>) target(%dma_start3A_64 : memref<128x128xf32, #tpu.memory_space<vmem_shared>>) target_semaphore(%run_scoped3A : memref<!tpu.dma_semaphore, #tpu.memory_space<semaphore_mem>>)
        %dma_wait3A_65 = arith.constant 0 : i32
        %dma_wait3A_66 = tpu.memref_slice %arg8[%add3A_60, %dma_wait3A_65] : memref<10240x128xf32, #tpu.memory_space<vmem_shared>> -> memref<128x128xf32, #tpu.memory_space<vmem_shared>>
        %dma_wait3A_67 = arith.constant 0 : i32
        %dma_wait3A_68 = tpu.memref_slice %arg8[%add3A_60, %dma_wait3A_67] : memref<10240x128xf32, #tpu.memory_space<vmem_shared>> -> memref<128x128xf32, #tpu.memory_space<vmem_shared>>
        tpu.wait_dma2 semaphore(%run_scoped3A : memref<!tpu.dma_semaphore, #tpu.memory_space<semaphore_mem>>) src(%arg15 : memref<128x128xf32, #tpu.memory_space<vmem>>) dst(%dma_wait3A_68 : memref<128x128xf32, #tpu.memory_space<vmem_shared>>)
        tpu.yield
      }) : () -> ()
    }
    %scan3A_16 = arith.constant 5 : i32
    %barrier3A = arith.constant 0 : index
    tpu.barrier barrier_id(%barrier3A)
    %add3A_17 = arith.constant 0 : i32
    %add3A_18 = arith.addi %mul3A_2, %add3A_17 : i32
    "tpu.region"() ({
      %run_scoped3A = tpu.sem_alloc : memref<!tpu.dma_semaphore, #tpu.memory_space<semaphore_mem>>
      %dma_start3A_51 = arith.constant 0 : i32
      %dma_start3A_52 = tpu.memref_slice %arg2[%add3A_18, %dma_start3A_51] : memref<2560x128xi32, #tpu.memory_space<hbm>> -> memref<8x128xi32, #tpu.memory_space<hbm>>
      %dma_start3A_53 = arith.constant 0 : i32
      %dma_start3A_54 = tpu.memref_slice %arg2[%add3A_18, %dma_start3A_53] : memref<2560x128xi32, #tpu.memory_space<hbm>> -> memref<8x128xi32, #tpu.memory_space<hbm>>
      tpu.enqueue_dma source(%dma_start3A_54 : memref<8x128xi32, #tpu.memory_space<hbm>>) target(%arg9 : memref<8x128xi32, #tpu.memory_space<vmem>>) target_semaphore(%run_scoped3A : memref<!tpu.dma_semaphore, #tpu.memory_space<semaphore_mem>>)
      %dma_wait3A_55 = arith.constant 0 : i32
      %dma_wait3A_56 = tpu.memref_slice %arg2[%add3A_18, %dma_wait3A_55] : memref<2560x128xi32, #tpu.memory_space<hbm>> -> memref<8x128xi32, #tpu.memory_space<hbm>>
      %dma_wait3A_57 = arith.constant 0 : i32
      %dma_wait3A_58 = tpu.memref_slice %arg2[%add3A_18, %dma_wait3A_57] : memref<2560x128xi32, #tpu.memory_space<hbm>> -> memref<8x128xi32, #tpu.memory_space<hbm>>
      tpu.wait_dma2 semaphore(%run_scoped3A : memref<!tpu.dma_semaphore, #tpu.memory_space<semaphore_mem>>) src(%dma_wait3A_58 : memref<8x128xi32, #tpu.memory_space<hbm>>) dst(%arg9 : memref<8x128xi32, #tpu.memory_space<vmem>>)
      tpu.yield
    }) : () -> ()
    %add3A_19 = arith.constant 0 : i32
    %add3A_20 = arith.addi %mul3A_2, %add3A_19 : i32
    "tpu.region"() ({
      %run_scoped3A = tpu.sem_alloc : memref<!tpu.dma_semaphore, #tpu.memory_space<semaphore_mem>>
      %dma_start3A_51 = arith.constant 0 : i32
      %dma_start3A_52 = tpu.memref_slice %arg3[%add3A_20, %dma_start3A_51] : memref<2560x128xi32, #tpu.memory_space<hbm>> -> memref<8x128xi32, #tpu.memory_space<hbm>>
      %dma_start3A_53 = arith.constant 0 : i32
      %dma_start3A_54 = tpu.memref_slice %arg3[%add3A_20, %dma_start3A_53] : memref<2560x128xi32, #tpu.memory_space<hbm>> -> memref<8x128xi32, #tpu.memory_space<hbm>>
      tpu.enqueue_dma source(%dma_start3A_54 : memref<8x128xi32, #tpu.memory_space<hbm>>) target(%arg10 : memref<8x128xi32, #tpu.memory_space<vmem>>) target_semaphore(%run_scoped3A : memref<!tpu.dma_semaphore, #tpu.memory_space<semaphore_mem>>)
      %dma_wait3A_55 = arith.constant 0 : i32
      %dma_wait3A_56 = tpu.memref_slice %arg3[%add3A_20, %dma_wait3A_55] : memref<2560x128xi32, #tpu.memory_space<hbm>> -> memref<8x128xi32, #tpu.memory_space<hbm>>
      %dma_wait3A_57 = arith.constant 0 : i32
      %dma_wait3A_58 = tpu.memref_slice %arg3[%add3A_20, %dma_wait3A_57] : memref<2560x128xi32, #tpu.memory_space<hbm>> -> memref<8x128xi32, #tpu.memory_space<hbm>>
      tpu.wait_dma2 semaphore(%run_scoped3A : memref<!tpu.dma_semaphore, #tpu.memory_space<semaphore_mem>>) src(%dma_wait3A_58 : memref<8x128xi32, #tpu.memory_space<hbm>>) dst(%arg10 : memref<8x128xi32, #tpu.memory_space<vmem>>)
      tpu.yield
    }) : () -> ()
    %add3A_21 = arith.constant 0 : i32
    %add3A_22 = arith.addi %mul3A_2, %add3A_21 : i32
    "tpu.region"() ({
      %run_scoped3A = tpu.sem_alloc : memref<!tpu.dma_semaphore, #tpu.memory_space<semaphore_mem>>
      %dma_start3A_51 = arith.constant 0 : i32
      %dma_start3A_52 = tpu.memref_slice %arg4[%add3A_22, %dma_start3A_51] : memref<2560x128xf32, #tpu.memory_space<hbm>> -> memref<8x128xf32, #tpu.memory_space<hbm>>
      %dma_start3A_53 = arith.constant 0 : i32
      %dma_start3A_54 = tpu.memref_slice %arg4[%add3A_22, %dma_start3A_53] : memref<2560x128xf32, #tpu.memory_space<hbm>> -> memref<8x128xf32, #tpu.memory_space<hbm>>
      tpu.enqueue_dma source(%dma_start3A_54 : memref<8x128xf32, #tpu.memory_space<hbm>>) target(%arg11 : memref<8x128xf32, #tpu.memory_space<vmem>>) target_semaphore(%run_scoped3A : memref<!tpu.dma_semaphore, #tpu.memory_space<semaphore_mem>>)
      %dma_wait3A_55 = arith.constant 0 : i32
      %dma_wait3A_56 = tpu.memref_slice %arg4[%add3A_22, %dma_wait3A_55] : memref<2560x128xf32, #tpu.memory_space<hbm>> -> memref<8x128xf32, #tpu.memory_space<hbm>>
      %dma_wait3A_57 = arith.constant 0 : i32
      %dma_wait3A_58 = tpu.memref_slice %arg4[%add3A_22, %dma_wait3A_57] : memref<2560x128xf32, #tpu.memory_space<hbm>> -> memref<8x128xf32, #tpu.memory_space<hbm>>
      tpu.wait_dma2 semaphore(%run_scoped3A : memref<!tpu.dma_semaphore, #tpu.memory_space<semaphore_mem>>) src(%dma_wait3A_58 : memref<8x128xf32, #tpu.memory_space<hbm>>) dst(%arg11 : memref<8x128xf32, #tpu.memory_space<vmem>>)
      tpu.yield
    }) : () -> ()
    %mul3A_23 = arith.constant 640 : i32
    %mul3A_24 = arith.muli %arg1, %mul3A_23 : i32
    %dma_start3A = arith.constant 0 : i32
    %dma_start3A_25 = tpu.memref_slice %arg8[%mul3A_24, %dma_start3A] : memref<10240x128xf32, #tpu.memory_space<vmem_shared>> -> memref<128x128xf32, #tpu.memory_space<vmem_shared>>
    %dma_start3A_26 = arith.constant 0 : i32
    %dma_start3A_27 = tpu.memref_slice %arg8[%mul3A_24, %dma_start3A_26] : memref<10240x128xf32, #tpu.memory_space<vmem_shared>> -> memref<128x128xf32, #tpu.memory_space<vmem_shared>>
    tpu.enqueue_dma source(%arg16 : memref<128x128xf32, #tpu.memory_space<vmem>>) target(%dma_start3A_27 : memref<128x128xf32, #tpu.memory_space<vmem_shared>>) target_semaphore(%arg20 : memref<!tpu.dma_semaphore, #tpu.memory_space<semaphore_mem>>)
    %eq3A = arith.constant 0 : i32
    %eq3A_28 = arith.cmpi eq, %arg0, %eq3A : i32
    %convert_element_type3A = arith.extui %eq3A_28 : i1 to i32
    %cond3A = arith.constant 0 : i32
    %cond3A_29 = arith.cmpi ne, %convert_element_type3A, %cond3A : i32
    scf.if %cond3A_29 {
      %dma_start3A_51 = arith.constant 0 : i32
      %dma_start3A_52 = arith.constant 0 : i32
      %dma_start3A_53 = tpu.memref_slice %arg9[%dma_start3A_51, %dma_start3A_52] : memref<8x128xi32, #tpu.memory_space<vmem>> -> memref<1x128xi32, #tpu.memory_space<vmem>>
      %dma_start3A_54 = tpu.memref_squeeze %dma_start3A_53 : memref<1x128xi32, #tpu.memory_space<vmem>> -> memref<128xi32, #tpu.memory_space<vmem>>
      %dma_start3A_55 = arith.constant 0 : i32
      %dma_start3A_56 = arith.constant 0 : i32
      %dma_start3A_57 = tpu.memref_slice %arg5[%dma_start3A_55, %dma_start3A_56] : memref<10000x128xf32, #tpu.memory_space<hbm>> -> memref<10000x128xf32, #tpu.memory_space<hbm>>
      tpu.enqueue_indirect_dma source(%dma_start3A_57 : memref<10000x128xf32, #tpu.memory_space<hbm>>) target(%arg15 : memref<128x128xf32, #tpu.memory_space<vmem>>) offsets(%dma_start3A_54 : memref<128xi32, #tpu.memory_space<vmem>>) semaphore(%arg17 : memref<!tpu.dma_semaphore, #tpu.memory_space<semaphore_mem>>)
    } else {
    }
    %eq3A_30 = arith.constant 1 : i32
    %eq3A_31 = arith.cmpi eq, %arg0, %eq3A_30 : i32
    %convert_element_type3A_32 = arith.extui %eq3A_31 : i1 to i32
    %cond3A_33 = arith.constant 0 : i32
    %cond3A_34 = arith.cmpi ne, %convert_element_type3A_32, %cond3A_33 : i32
    scf.if %cond3A_34 {
      %dma_start3A_51 = arith.constant 0 : i32
      %dma_start3A_52 = arith.constant 0 : i32
      %dma_start3A_53 = tpu.memref_slice %arg9[%dma_start3A_51, %dma_start3A_52] : memref<8x128xi32, #tpu.memory_space<vmem>> -> memref<1x128xi32, #tpu.memory_space<vmem>>
      %dma_start3A_54 = tpu.memref_squeeze %dma_start3A_53 : memref<1x128xi32, #tpu.memory_space<vmem>> -> memref<128xi32, #tpu.memory_space<vmem>>
      %dma_start3A_55 = arith.constant 0 : i32
      %dma_start3A_56 = arith.constant 0 : i32
      %dma_start3A_57 = tpu.memref_slice %arg6[%dma_start3A_55, %dma_start3A_56] : memref<10000x128xf32, #tpu.memory_space<hbm>> -> memref<10000x128xf32, #tpu.memory_space<hbm>>
      tpu.enqueue_indirect_dma source(%dma_start3A_57 : memref<10000x128xf32, #tpu.memory_space<hbm>>) target(%arg15 : memref<128x128xf32, #tpu.memory_space<vmem>>) offsets(%dma_start3A_54 : memref<128xi32, #tpu.memory_space<vmem>>) semaphore(%arg17 : memref<!tpu.dma_semaphore, #tpu.memory_space<semaphore_mem>>)
    } else {
    }
    %scan3A_35 = arith.constant 0 : i32
    %scan3A_36 = arith.constant 5 : i32
    %scan3A_37 = arith.addi %scan3A_35, %scan3A_36 : i32
    %scan3A_38 = arith.constant 1 : i32
    scf.for %scan3A_51 = %scan3A_35 to %scan3A_37 step %scan3A_38  : i32 {
      %mul3A_52 = arith.constant 1 : i32
      %mul3A_53 = arith.muli %scan3A_51, %mul3A_52 : i32
      %add3A_54 = arith.constant 0 : i32
      %add3A_55 = arith.addi %add3A_54, %mul3A_53 : i32
      %mul3A_56 = arith.constant 2 : i32
      %mul3A_57 = arith.muli %mul3A_56, %add3A_55 : i32
      %add3A_58 = arith.constant 1 : i32
      %add3A_59 = arith.addi %mul3A_57, %add3A_58 : i32
      %mul3A_60 = arith.constant 8 : i32
      %mul3A_61 = arith.muli %add3A_59, %mul3A_60 : i32
      %add3A_62 = arith.addi %mul3A_2, %mul3A_61 : i32
      %dma_start3A_63 = arith.constant 0 : i32
      %dma_start3A_64 = tpu.memref_slice %arg2[%add3A_62, %dma_start3A_63] : memref<2560x128xi32, #tpu.memory_space<hbm>> -> memref<8x128xi32, #tpu.memory_space<hbm>>
      %dma_start3A_65 = arith.constant 0 : i32
      %dma_start3A_66 = tpu.memref_slice %arg2[%add3A_62, %dma_start3A_65] : memref<2560x128xi32, #tpu.memory_space<hbm>> -> memref<8x128xi32, #tpu.memory_space<hbm>>
      tpu.enqueue_dma source(%dma_start3A_66 : memref<8x128xi32, #tpu.memory_space<hbm>>) target(%arg12 : memref<8x128xi32, #tpu.memory_space<vmem>>) target_semaphore(%arg21 : memref<!tpu.dma_semaphore, #tpu.memory_space<semaphore_mem>>)
      %mul3A_67 = arith.constant 8 : i32
      %mul3A_68 = arith.muli %add3A_59, %mul3A_67 : i32
      %add3A_69 = arith.addi %mul3A_2, %mul3A_68 : i32
      %dma_start3A_70 = arith.constant 0 : i32
      %dma_start3A_71 = tpu.memref_slice %arg3[%add3A_69, %dma_start3A_70] : memref<2560x128xi32, #tpu.memory_space<hbm>> -> memref<8x128xi32, #tpu.memory_space<hbm>>
      %dma_start3A_72 = arith.constant 0 : i32
      %dma_start3A_73 = tpu.memref_slice %arg3[%add3A_69, %dma_start3A_72] : memref<2560x128xi32, #tpu.memory_space<hbm>> -> memref<8x128xi32, #tpu.memory_space<hbm>>
      tpu.enqueue_dma source(%dma_start3A_73 : memref<8x128xi32, #tpu.memory_space<hbm>>) target(%arg13 : memref<8x128xi32, #tpu.memory_space<vmem>>) target_semaphore(%arg21 : memref<!tpu.dma_semaphore, #tpu.memory_space<semaphore_mem>>)
      %mul3A_74 = arith.constant 8 : i32
      %mul3A_75 = arith.muli %add3A_59, %mul3A_74 : i32
      %add3A_76 = arith.addi %mul3A_2, %mul3A_75 : i32
      %dma_start3A_77 = arith.constant 0 : i32
      %dma_start3A_78 = tpu.memref_slice %arg4[%add3A_76, %dma_start3A_77] : memref<2560x128xf32, #tpu.memory_space<hbm>> -> memref<8x128xf32, #tpu.memory_space<hbm>>
      %dma_start3A_79 = arith.constant 0 : i32
      %dma_start3A_80 = tpu.memref_slice %arg4[%add3A_76, %dma_start3A_79] : memref<2560x128xf32, #tpu.memory_space<hbm>> -> memref<8x128xf32, #tpu.memory_space<hbm>>
      tpu.enqueue_dma source(%dma_start3A_80 : memref<8x128xf32, #tpu.memory_space<hbm>>) target(%arg14 : memref<8x128xf32, #tpu.memory_space<vmem>>) target_semaphore(%arg21 : memref<!tpu.dma_semaphore, #tpu.memory_space<semaphore_mem>>)
      %scan3A_81 = arith.constant 0 : i32
      %scan3A_82 = arith.constant 3 : i32
      %scan3A_83 = arith.addi %scan3A_81, %scan3A_82 : i32
      %scan3A_84 = arith.constant 1 : i32
      scf.for %scan3A_257 = %scan3A_81 to %scan3A_83 step %scan3A_84  : i32 {
        %mul3A_258 = arith.constant 1 : i32
        %mul3A_259 = arith.muli %scan3A_257, %mul3A_258 : i32
        %add3A_260 = arith.constant 0 : i32
        %add3A_261 = arith.addi %add3A_260, %mul3A_259 : i32
        %mul3A_262 = arith.constant 2 : i32
        %mul3A_263 = arith.muli %mul3A_262, %add3A_261 : i32
        %dma_wait3A_264 = arith.constant 0 : i32
        %dma_wait3A_265 = tpu.memref_slice %arg9[%mul3A_263, %dma_wait3A_264] : memref<8x128xi32, #tpu.memory_space<vmem>> -> memref<1x128xi32, #tpu.memory_space<vmem>>
        %dma_wait3A_266 = tpu.memref_squeeze %dma_wait3A_265 : memref<1x128xi32, #tpu.memory_space<vmem>> -> memref<128xi32, #tpu.memory_space<vmem>>
        %dma_wait3A_267 = arith.constant 0 : i32
        %dma_wait3A_268 = arith.constant 0 : i32
        %dma_wait3A_269 = tpu.memref_slice %arg5[%dma_wait3A_267, %dma_wait3A_268] : memref<10000x128xf32, #tpu.memory_space<hbm>> -> memref<10000x128xf32, #tpu.memory_space<hbm>>
        tpu.wait_indirect_dma semaphore(%arg17 : memref<!tpu.dma_semaphore, #tpu.memory_space<semaphore_mem>>) src(%dma_wait3A_269 : memref<10000x128xf32, #tpu.memory_space<hbm>>) dst(%arg15 : memref<128x128xf32, #tpu.memory_space<vmem>>)
        %dma_wait3A_270 = arith.constant 0 : i32
        %dma_wait3A_271 = tpu.memref_slice %arg10[%mul3A_263, %dma_wait3A_270] : memref<8x128xi32, #tpu.memory_space<vmem>> -> memref<1x128xi32, #tpu.memory_space<vmem>>
        %dma_wait3A_272 = tpu.memref_squeeze %dma_wait3A_271 : memref<1x128xi32, #tpu.memory_space<vmem>> -> memref<128xi32, #tpu.memory_space<vmem>>
        %dma_wait3A_273 = arith.constant 0 : i32
        %dma_wait3A_274 = arith.constant 0 : i32
        %dma_wait3A_275 = tpu.memref_slice %arg8[%dma_wait3A_273, %dma_wait3A_274] : memref<10240x128xf32, #tpu.memory_space<vmem_shared>> -> memref<10240x128xf32, #tpu.memory_space<vmem_shared>>
        tpu.wait_indirect_dma semaphore(%arg20 : memref<!tpu.dma_semaphore, #tpu.memory_space<semaphore_mem>>) src(%arg16 : memref<128x128xf32, #tpu.memory_space<vmem>>) dst(%dma_wait3A_275 : memref<10240x128xf32, #tpu.memory_space<vmem_shared>>)
        %add3A_276 = arith.constant 1 : i32
        %add3A_277 = arith.addi %mul3A_263, %add3A_276 : i32
        %eq3A_278 = arith.constant 0 : i32
        %eq3A_279 = arith.cmpi eq, %arg0, %eq3A_278 : i32
        %convert_element_type3A_280 = arith.extui %eq3A_279 : i1 to i32
        %cond3A_281 = arith.constant 0 : i32
        %cond3A_282 = arith.cmpi ne, %convert_element_type3A_280, %cond3A_281 : i32
        scf.if %cond3A_282 {
          %dma_start3A_340 = arith.constant 0 : i32
          %dma_start3A_341 = tpu.memref_slice %arg9[%add3A_277, %dma_start3A_340] : memref<8x128xi32, #tpu.memory_space<vmem>> -> memref<1x128xi32, #tpu.memory_space<vmem>>
          %dma_start3A_342 = tpu.memref_squeeze %dma_start3A_341 : memref<1x128xi32, #tpu.memory_space<vmem>> -> memref<128xi32, #tpu.memory_space<vmem>>
          %dma_start3A_343 = arith.constant 0 : i32
          %dma_start3A_344 = arith.constant 0 : i32
          %dma_start3A_345 = tpu.memref_slice %arg5[%dma_start3A_343, %dma_start3A_344] : memref<10000x128xf32, #tpu.memory_space<hbm>> -> memref<10000x128xf32, #tpu.memory_space<hbm>>
          tpu.enqueue_indirect_dma source(%dma_start3A_345 : memref<10000x128xf32, #tpu.memory_space<hbm>>) target(%arg16 : memref<128x128xf32, #tpu.memory_space<vmem>>) offsets(%dma_start3A_342 : memref<128xi32, #tpu.memory_space<vmem>>) semaphore(%arg18 : memref<!tpu.dma_semaphore, #tpu.memory_space<semaphore_mem>>)
        } else {
        }
        %eq3A_283 = arith.constant 1 : i32
        %eq3A_284 = arith.cmpi eq, %arg0, %eq3A_283 : i32
        %convert_element_type3A_285 = arith.extui %eq3A_284 : i1 to i32
        %cond3A_286 = arith.constant 0 : i32
        %cond3A_287 = arith.cmpi ne, %convert_element_type3A_285, %cond3A_286 : i32
        scf.if %cond3A_287 {
          %dma_start3A_340 = arith.constant 0 : i32
          %dma_start3A_341 = tpu.memref_slice %arg9[%add3A_277, %dma_start3A_340] : memref<8x128xi32, #tpu.memory_space<vmem>> -> memref<1x128xi32, #tpu.memory_space<vmem>>
          %dma_start3A_342 = tpu.memref_squeeze %dma_start3A_341 : memref<1x128xi32, #tpu.memory_space<vmem>> -> memref<128xi32, #tpu.memory_space<vmem>>
          %dma_start3A_343 = arith.constant 0 : i32
          %dma_start3A_344 = arith.constant 0 : i32
          %dma_start3A_345 = tpu.memref_slice %arg6[%dma_start3A_343, %dma_start3A_344] : memref<10000x128xf32, #tpu.memory_space<hbm>> -> memref<10000x128xf32, #tpu.memory_space<hbm>>
          tpu.enqueue_indirect_dma source(%dma_start3A_345 : memref<10000x128xf32, #tpu.memory_space<hbm>>) target(%arg16 : memref<128x128xf32, #tpu.memory_space<vmem>>) offsets(%dma_start3A_342 : memref<128xi32, #tpu.memory_space<vmem>>) semaphore(%arg18 : memref<!tpu.dma_semaphore, #tpu.memory_space<semaphore_mem>>)
        } else {
        }
        %scan3A_288 = arith.constant 0 : i32
        %scan3A_289 = arith.constant 128 : i32
        %scan3A_290 = arith.addi %scan3A_288, %scan3A_289 : i32
        %scan3A_291 = arith.constant 4 : i32
        scf.for %scan3A_340 = %scan3A_288 to %scan3A_290 step %scan3A_291  : i32 {
          %mul3A_341 = arith.constant 1 : i32
          %mul3A_342 = arith.muli %scan3A_340, %mul3A_341 : i32
          %add3A_343 = arith.constant 0 : i32
          %add3A_344 = arith.addi %add3A_343, %mul3A_342 : i32
          %broadcast_in_dim3A = vector.broadcast %mul3A_263 : i32 to vector<16xi32>
          %broadcast_in_dim3A_345 = vector.broadcast %add3A_344 : i32 to vector<16xi32>
          %gather3A = tpu.vector_load_idx %arg11[%broadcast_in_dim3A, %broadcast_in_dim3A_345] : memref<8x128xf32, #tpu.memory_space<vmem>>[vector<16xi32>, vector<16xi32>], vector<16xf32>,
          %get3A = arith.index_cast %add3A_344 : i32 to index
          %get3A_346 = arith.constant 0 : index
          %get3A_347 = tpu.vector_load %arg15[%get3A, %get3A_346] {strides = array<i32>} : memref<128x128xf32, #tpu.memory_space<vmem>>, vector<16xf32>,
          %mul3A_348 = arith.mulf %get3A_347, %gather3A : vector<16xf32>
          %swap3A = arith.index_cast %add3A_344 : i32 to index
          %swap3A_349 = arith.constant 0 : index
          %swap3A_350 = tpu.vector_load %arg15[%swap3A, %swap3A_349] {strides = array<i32>} : memref<128x128xf32, #tpu.memory_space<vmem>>, vector<16xf32>,
          tpu.vector_store %arg15[%swap3A, %swap3A_349], %mul3A_348 {strides = array<i32>} : memref<128x128xf32, #tpu.memory_space<vmem>>, vector<16xf32>,
          %get3A_351 = arith.index_cast %add3A_344 : i32 to index
          %get3A_352 = arith.constant 16 : index
          %get3A_353 = tpu.vector_load %arg15[%get3A_351, %get3A_352] {strides = array<i32>} : memref<128x128xf32, #tpu.memory_space<vmem>>, vector<16xf32>,
          %mul3A_354 = arith.mulf %get3A_353, %gather3A : vector<16xf32>
          %swap3A_355 = arith.index_cast %add3A_344 : i32 to index
          %swap3A_356 = arith.constant 16 : index
          %swap3A_357 = tpu.vector_load %arg15[%swap3A_355, %swap3A_356] {strides = array<i32>} : memref<128x128xf32, #tpu.memory_space<vmem>>, vector<16xf32>,
          tpu.vector_store %arg15[%swap3A_355, %swap3A_356], %mul3A_354 {strides = array<i32>} : memref<128x128xf32, #tpu.memory_space<vmem>>, vector<16xf32>,
          %get3A_358 = arith.index_cast %add3A_344 : i32 to index
          %get3A_359 = arith.constant 32 : index
          %get3A_360 = tpu.vector_load %arg15[%get3A_358, %get3A_359] {strides = array<i32>} : memref<128x128xf32, #tpu.memory_space<vmem>>, vector<16xf32>,
          %mul3A_361 = arith.mulf %get3A_360, %gather3A : vector<16xf32>
          %swap3A_362 = arith.index_cast %add3A_344 : i32 to index
          %swap3A_363 = arith.constant 32 : index
          %swap3A_364 = tpu.vector_load %arg15[%swap3A_362, %swap3A_363] {strides = array<i32>} : memref<128x128xf32, #tpu.memory_space<vmem>>, vector<16xf32>,
          tpu.vector_store %arg15[%swap3A_362, %swap3A_363], %mul3A_361 {strides = array<i32>} : memref<128x128xf32, #tpu.memory_space<vmem>>, vector<16xf32>,
          %get3A_365 = arith.index_cast %add3A_344 : i32 to index
          %get3A_366 = arith.constant 48 : index
          %get3A_367 = tpu.vector_load %arg15[%get3A_365, %get3A_366] {strides = array<i32>} : memref<128x128xf32, #tpu.memory_space<vmem>>, vector<16xf32>,
          %mul3A_368 = arith.mulf %get3A_367, %gather3A : vector<16xf32>
          %swap3A_369 = arith.index_cast %add3A_344 : i32 to index
          %swap3A_370 = arith.constant 48 : index
          %swap3A_371 = tpu.vector_load %arg15[%swap3A_369, %swap3A_370] {strides = array<i32>} : memref<128x128xf32, #tpu.memory_space<vmem>>, vector<16xf32>,
          tpu.vector_store %arg15[%swap3A_369, %swap3A_370], %mul3A_368 {strides = array<i32>} : memref<128x128xf32, #tpu.memory_space<vmem>>, vector<16xf32>,
          %get3A_372 = arith.index_cast %add3A_344 : i32 to index
          %get3A_373 = arith.constant 64 : index
          %get3A_374 = tpu.vector_load %arg15[%get3A_372, %get3A_373] {strides = array<i32>} : memref<128x128xf32, #tpu.memory_space<vmem>>, vector<16xf32>,
          %mul3A_375 = arith.mulf %get3A_374, %gather3A : vector<16xf32>
          %swap3A_376 = arith.index_cast %add3A_344 : i32 to index
          %swap3A_377 = arith.constant 64 : index
          %swap3A_378 = tpu.vector_load %arg15[%swap3A_376, %swap3A_377] {strides = array<i32>} : memref<128x128xf32, #tpu.memory_space<vmem>>, vector<16xf32>,
          tpu.vector_store %arg15[%swap3A_376, %swap3A_377], %mul3A_375 {strides = array<i32>} : memref<128x128xf32, #tpu.memory_space<vmem>>, vector<16xf32>,
          %get3A_379 = arith.index_cast %add3A_344 : i32 to index
          %get3A_380 = arith.constant 80 : index
          %get3A_381 = tpu.vector_load %arg15[%get3A_379, %get3A_380] {strides = array<i32>} : memref<128x128xf32, #tpu.memory_space<vmem>>, vector<16xf32>,
          %mul3A_382 = arith.mulf %get3A_381, %gather3A : vector<16xf32>
          %swap3A_383 = arith.index_cast %add3A_344 : i32 to index
          %swap3A_384 = arith.constant 80 : index
          %swap3A_385 = tpu.vector_load %arg15[%swap3A_383, %swap3A_384] {strides = array<i32>} : memref<128x128xf32, #tpu.memory_space<vmem>>, vector<16xf32>,
          tpu.vector_store %arg15[%swap3A_383, %swap3A_384], %mul3A_382 {strides = array<i32>} : memref<128x128xf32, #tpu.memory_space<vmem>>, vector<16xf32>,
          %get3A_386 = arith.index_cast %add3A_344 : i32 to index
          %get3A_387 = arith.constant 96 : index
          %get3A_388 = tpu.vector_load %arg15[%get3A_386, %get3A_387] {strides = array<i32>} : memref<128x128xf32, #tpu.memory_space<vmem>>, vector<16xf32>,
          %mul3A_389 = arith.mulf %get3A_388, %gather3A : vector<16xf32>
          %swap3A_390 = arith.index_cast %add3A_344 : i32 to index
          %swap3A_391 = arith.constant 96 : index
          %swap3A_392 = tpu.vector_load %arg15[%swap3A_390, %swap3A_391] {strides = array<i32>} : memref<128x128xf32, #tpu.memory_space<vmem>>, vector<16xf32>,
          tpu.vector_store %arg15[%swap3A_390, %swap3A_391], %mul3A_389 {strides = array<i32>} : memref<128x128xf32, #tpu.memory_space<vmem>>, vector<16xf32>,
          %get3A_393 = arith.index_cast %add3A_344 : i32 to index
          %get3A_394 = arith.constant 112 : index
          %get3A_395 = tpu.vector_load %arg15[%get3A_393, %get3A_394] {strides = array<i32>} : memref<128x128xf32, #tpu.memory_space<vmem>>, vector<16xf32>,
          %mul3A_396 = arith.mulf %get3A_395, %gather3A : vector<16xf32>
          %swap3A_397 = arith.index_cast %add3A_344 : i32 to index
          %swap3A_398 = arith.constant 112 : index
          %swap3A_399 = tpu.vector_load %arg15[%swap3A_397, %swap3A_398] {strides = array<i32>} : memref<128x128xf32, #tpu.memory_space<vmem>>, vector<16xf32>,
          tpu.vector_store %arg15[%swap3A_397, %swap3A_398], %mul3A_396 {strides = array<i32>} : memref<128x128xf32, #tpu.memory_space<vmem>>, vector<16xf32>,
          %scan3A_400 = arith.constant 1 : i32
          %scan3A_401 = arith.addi %scan3A_340, %scan3A_400 : i32
          %mul3A_402 = arith.constant 1 : i32
          %mul3A_403 = arith.muli %scan3A_401, %mul3A_402 : i32
          %add3A_404 = arith.constant 0 : i32
          %add3A_405 = arith.addi %add3A_404, %mul3A_403 : i32
          %broadcast_in_dim3A_406 = vector.broadcast %mul3A_263 : i32 to vector<16xi32>
          %broadcast_in_dim3A_407 = vector.broadcast %add3A_405 : i32 to vector<16xi32>
          %gather3A_408 = tpu.vector_load_idx %arg11[%broadcast_in_dim3A_406, %broadcast_in_dim3A_407] : memref<8x128xf32, #tpu.memory_space<vmem>>[vector<16xi32>, vector<16xi32>], vector<16xf32>,
          %get3A_409 = arith.index_cast %add3A_405 : i32 to index
          %get3A_410 = arith.constant 0 : index
          %get3A_411 = tpu.vector_load %arg15[%get3A_409, %get3A_410] {strides = array<i32>} : memref<128x128xf32, #tpu.memory_space<vmem>>, vector<16xf32>,
          %mul3A_412 = arith.mulf %get3A_411, %gather3A_408 : vector<16xf32>
          %swap3A_413 = arith.index_cast %add3A_405 : i32 to index
          %swap3A_414 = arith.constant 0 : index
          %swap3A_415 = tpu.vector_load %arg15[%swap3A_413, %swap3A_414] {strides = array<i32>} : memref<128x128xf32, #tpu.memory_space<vmem>>, vector<16xf32>,
          tpu.vector_store %arg15[%swap3A_413, %swap3A_414], %mul3A_412 {strides = array<i32>} : memref<128x128xf32, #tpu.memory_space<vmem>>, vector<16xf32>,
          %get3A_416 = arith.index_cast %add3A_405 : i32 to index
          %get3A_417 = arith.constant 16 : index
          %get3A_418 = tpu.vector_load %arg15[%get3A_416, %get3A_417] {strides = array<i32>} : memref<128x128xf32, #tpu.memory_space<vmem>>, vector<16xf32>,
          %mul3A_419 = arith.mulf %get3A_418, %gather3A_408 : vector<16xf32>
          %swap3A_420 = arith.index_cast %add3A_405 : i32 to index
          %swap3A_421 = arith.constant 16 : index
          %swap3A_422 = tpu.vector_load %arg15[%swap3A_420, %swap3A_421] {strides = array<i32>} : memref<128x128xf32, #tpu.memory_space<vmem>>, vector<16xf32>,
          tpu.vector_store %arg15[%swap3A_420, %swap3A_421], %mul3A_419 {strides = array<i32>} : memref<128x128xf32, #tpu.memory_space<vmem>>, vector<16xf32>,
          %get3A_423 = arith.index_cast %add3A_405 : i32 to index
          %get3A_424 = arith.constant 32 : index
          %get3A_425 = tpu.vector_load %arg15[%get3A_423, %get3A_424] {strides = array<i32>} : memref<128x128xf32, #tpu.memory_space<vmem>>, vector<16xf32>,
          %mul3A_426 = arith.mulf %get3A_425, %gather3A_408 : vector<16xf32>
          %swap3A_427 = arith.index_cast %add3A_405 : i32 to index
          %swap3A_428 = arith.constant 32 : index
          %swap3A_429 = tpu.vector_load %arg15[%swap3A_427, %swap3A_428] {strides = array<i32>} : memref<128x128xf32, #tpu.memory_space<vmem>>, vector<16xf32>,
          tpu.vector_store %arg15[%swap3A_427, %swap3A_428], %mul3A_426 {strides = array<i32>} : memref<128x128xf32, #tpu.memory_space<vmem>>, vector<16xf32>,
          %get3A_430 = arith.index_cast %add3A_405 : i32 to index
          %get3A_431 = arith.constant 48 : index
          %get3A_432 = tpu.vector_load %arg15[%get3A_430, %get3A_431] {strides = array<i32>} : memref<128x128xf32, #tpu.memory_space<vmem>>, vector<16xf32>,
          %mul3A_433 = arith.mulf %get3A_432, %gather3A_408 : vector<16xf32>
          %swap3A_434 = arith.index_cast %add3A_405 : i32 to index
          %swap3A_435 = arith.constant 48 : index
          %swap3A_436 = tpu.vector_load %arg15[%swap3A_434, %swap3A_435] {strides = array<i32>} : memref<128x128xf32, #tpu.memory_space<vmem>>, vector<16xf32>,
          tpu.vector_store %arg15[%swap3A_434, %swap3A_435], %mul3A_433 {strides = array<i32>} : memref<128x128xf32, #tpu.memory_space<vmem>>, vector<16xf32>,
          %get3A_437 = arith.index_cast %add3A_405 : i32 to index
          %get3A_438 = arith.constant 64 : index
          %get3A_439 = tpu.vector_load %arg15[%get3A_437, %get3A_438] {strides = array<i32>} : memref<128x128xf32, #tpu.memory_space<vmem>>, vector<16xf32>,
          %mul3A_440 = arith.mulf %get3A_439, %gather3A_408 : vector<16xf32>
          %swap3A_441 = arith.index_cast %add3A_405 : i32 to index
          %swap3A_442 = arith.constant 64 : index
          %swap3A_443 = tpu.vector_load %arg15[%swap3A_441, %swap3A_442] {strides = array<i32>} : memref<128x128xf32, #tpu.memory_space<vmem>>, vector<16xf32>,
          tpu.vector_store %arg15[%swap3A_441, %swap3A_442], %mul3A_440 {strides = array<i32>} : memref<128x128xf32, #tpu.memory_space<vmem>>, vector<16xf32>,
          %get3A_444 = arith.index_cast %add3A_405 : i32 to index
          %get3A_445 = arith.constant 80 : index
          %get3A_446 = tpu.vector_load %arg15[%get3A_444, %get3A_445] {strides = array<i32>} : memref<128x128xf32, #tpu.memory_space<vmem>>, vector<16xf32>,
          %mul3A_447 = arith.mulf %get3A_446, %gather3A_408 : vector<16xf32>
          %swap3A_448 = arith.index_cast %add3A_405 : i32 to index
          %swap3A_449 = arith.constant 80 : index
          %swap3A_450 = tpu.vector_load %arg15[%swap3A_448, %swap3A_449] {strides = array<i32>} : memref<128x128xf32, #tpu.memory_space<vmem>>, vector<16xf32>,
          tpu.vector_store %arg15[%swap3A_448, %swap3A_449], %mul3A_447 {strides = array<i32>} : memref<128x128xf32, #tpu.memory_space<vmem>>, vector<16xf32>,
          %get3A_451 = arith.index_cast %add3A_405 : i32 to index
          %get3A_452 = arith.constant 96 : index
          %get3A_453 = tpu.vector_load %arg15[%get3A_451, %get3A_452] {strides = array<i32>} : memref<128x128xf32, #tpu.memory_space<vmem>>, vector<16xf32>,
          %mul3A_454 = arith.mulf %get3A_453, %gather3A_408 : vector<16xf32>
          %swap3A_455 = arith.index_cast %add3A_405 : i32 to index
          %swap3A_456 = arith.constant 96 : index
          %swap3A_457 = tpu.vector_load %arg15[%swap3A_455, %swap3A_456] {strides = array<i32>} : memref<128x128xf32, #tpu.memory_space<vmem>>, vector<16xf32>,
          tpu.vector_store %arg15[%swap3A_455, %swap3A_456], %mul3A_454 {strides = array<i32>} : memref<128x128xf32, #tpu.memory_space<vmem>>, vector<16xf32>,
          %get3A_458 = arith.index_cast %add3A_405 : i32 to index
          %get3A_459 = arith.constant 112 : index
          %get3A_460 = tpu.vector_load %arg15[%get3A_458, %get3A_459] {strides = array<i32>} : memref<128x128xf32, #tpu.memory_space<vmem>>, vector<16xf32>,
          %mul3A_461 = arith.mulf %get3A_460, %gather3A_408 : vector<16xf32>
          %swap3A_462 = arith.index_cast %add3A_405 : i32 to index
          %swap3A_463 = arith.constant 112 : index
          %swap3A_464 = tpu.vector_load %arg15[%swap3A_462, %swap3A_463] {strides = array<i32>} : memref<128x128xf32, #tpu.memory_space<vmem>>, vector<16xf32>,
          tpu.vector_store %arg15[%swap3A_462, %swap3A_463], %mul3A_461 {strides = array<i32>} : memref<128x128xf32, #tpu.memory_space<vmem>>, vector<16xf32>,
          %scan3A_465 = arith.constant 2 : i32
          %scan3A_466 = arith.addi %scan3A_340, %scan3A_465 : i32
          %mul3A_467 = arith.constant 1 : i32
          %mul3A_468 = arith.muli %scan3A_466, %mul3A_467 : i32
          %add3A_469 = arith.constant 0 : i32
          %add3A_470 = arith.addi %add3A_469, %mul3A_468 : i32
          %broadcast_in_dim3A_471 = vector.broadcast %mul3A_263 : i32 to vector<16xi32>
          %broadcast_in_dim3A_472 = vector.broadcast %add3A_470 : i32 to vector<16xi32>
          %gather3A_473 = tpu.vector_load_idx %arg11[%broadcast_in_dim3A_471, %broadcast_in_dim3A_472] : memref<8x128xf32, #tpu.memory_space<vmem>>[vector<16xi32>, vector<16xi32>], vector<16xf32>,
          %get3A_474 = arith.index_cast %add3A_470 : i32 to index
          %get3A_475 = arith.constant 0 : index
          %get3A_476 = tpu.vector_load %arg15[%get3A_474, %get3A_475] {strides = array<i32>} : memref<128x128xf32, #tpu.memory_space<vmem>>, vector<16xf32>,
          %mul3A_477 = arith.mulf %get3A_476, %gather3A_473 : vector<16xf32>
          %swap3A_478 = arith.index_cast %add3A_470 : i32 to index
          %swap3A_479 = arith.constant 0 : index
          %swap3A_480 = tpu.vector_load %arg15[%swap3A_478, %swap3A_479] {strides = array<i32>} : memref<128x128xf32, #tpu.memory_space<vmem>>, vector<16xf32>,
          tpu.vector_store %arg15[%swap3A_478, %swap3A_479], %mul3A_477 {strides = array<i32>} : memref<128x128xf32, #tpu.memory_space<vmem>>, vector<16xf32>,
          %get3A_481 = arith.index_cast %add3A_470 : i32 to index
          %get3A_482 = arith.constant 16 : index
          %get3A_483 = tpu.vector_load %arg15[%get3A_481, %get3A_482] {strides = array<i32>} : memref<128x128xf32, #tpu.memory_space<vmem>>, vector<16xf32>,
          %mul3A_484 = arith.mulf %get3A_483, %gather3A_473 : vector<16xf32>
          %swap3A_485 = arith.index_cast %add3A_470 : i32 to index
          %swap3A_486 = arith.constant 16 : index
          %swap3A_487 = tpu.vector_load %arg15[%swap3A_485, %swap3A_486] {strides = array<i32>} : memref<128x128xf32, #tpu.memory_space<vmem>>, vector<16xf32>,
          tpu.vector_store %arg15[%swap3A_485, %swap3A_486], %mul3A_484 {strides = array<i32>} : memref<128x128xf32, #tpu.memory_space<vmem>>, vector<16xf32>,
          %get3A_488 = arith.index_cast %add3A_470 : i32 to index
          %get3A_489 = arith.constant 32 : index
          %get3A_490 = tpu.vector_load %arg15[%get3A_488, %get3A_489] {strides = array<i32>} : memref<128x128xf32, #tpu.memory_space<vmem>>, vector<16xf32>,
          %mul3A_491 = arith.mulf %get3A_490, %gather3A_473 : vector<16xf32>
          %swap3A_492 = arith.index_cast %add3A_470 : i32 to index
          %swap3A_493 = arith.constant 32 : index
          %swap3A_494 = tpu.vector_load %arg15[%swap3A_492, %swap3A_493] {strides = array<i32>} : memref<128x128xf32, #tpu.memory_space<vmem>>, vector<16xf32>,
          tpu.vector_store %arg15[%swap3A_492, %swap3A_493], %mul3A_491 {strides = array<i32>} : memref<128x128xf32, #tpu.memory_space<vmem>>, vector<16xf32>,
          %get3A_495 = arith.index_cast %add3A_470 : i32 to index
          %get3A_496 = arith.constant 48 : index
          %get3A_497 = tpu.vector_load %arg15[%get3A_495, %get3A_496] {strides = array<i32>} : memref<128x128xf32, #tpu.memory_space<vmem>>, vector<16xf32>,
          %mul3A_498 = arith.mulf %get3A_497, %gather3A_473 : vector<16xf32>
          %swap3A_499 = arith.index_cast %add3A_470 : i32 to index
          %swap3A_500 = arith.constant 48 : index
          %swap3A_501 = tpu.vector_load %arg15[%swap3A_499, %swap3A_500] {strides = array<i32>} : memref<128x128xf32, #tpu.memory_space<vmem>>, vector<16xf32>,
          tpu.vector_store %arg15[%swap3A_499, %swap3A_500], %mul3A_498 {strides = array<i32>} : memref<128x128xf32, #tpu.memory_space<vmem>>, vector<16xf32>,
          %get3A_502 = arith.index_cast %add3A_470 : i32 to index
          %get3A_503 = arith.constant 64 : index
          %get3A_504 = tpu.vector_load %arg15[%get3A_502, %get3A_503] {strides = array<i32>} : memref<128x128xf32, #tpu.memory_space<vmem>>, vector<16xf32>,
          %mul3A_505 = arith.mulf %get3A_504, %gather3A_473 : vector<16xf32>
          %swap3A_506 = arith.index_cast %add3A_470 : i32 to index
          %swap3A_507 = arith.constant 64 : index
          %swap3A_508 = tpu.vector_load %arg15[%swap3A_506, %swap3A_507] {strides = array<i32>} : memref<128x128xf32, #tpu.memory_space<vmem>>, vector<16xf32>,
          tpu.vector_store %arg15[%swap3A_506, %swap3A_507], %mul3A_505 {strides = array<i32>} : memref<128x128xf32, #tpu.memory_space<vmem>>, vector<16xf32>,
          %get3A_509 = arith.index_cast %add3A_470 : i32 to index
          %get3A_510 = arith.constant 80 : index
          %get3A_511 = tpu.vector_load %arg15[%get3A_509, %get3A_510] {strides = array<i32>} : memref<128x128xf32, #tpu.memory_space<vmem>>, vector<16xf32>,
          %mul3A_512 = arith.mulf %get3A_511, %gather3A_473 : vector<16xf32>
          %swap3A_513 = arith.index_cast %add3A_470 : i32 to index
          %swap3A_514 = arith.constant 80 : index
          %swap3A_515 = tpu.vector_load %arg15[%swap3A_513, %swap3A_514] {strides = array<i32>} : memref<128x128xf32, #tpu.memory_space<vmem>>, vector<16xf32>,
          tpu.vector_store %arg15[%swap3A_513, %swap3A_514], %mul3A_512 {strides = array<i32>} : memref<128x128xf32, #tpu.memory_space<vmem>>, vector<16xf32>,
          %get3A_516 = arith.index_cast %add3A_470 : i32 to index
          %get3A_517 = arith.constant 96 : index
          %get3A_518 = tpu.vector_load %arg15[%get3A_516, %get3A_517] {strides = array<i32>} : memref<128x128xf32, #tpu.memory_space<vmem>>, vector<16xf32>,
          %mul3A_519 = arith.mulf %get3A_518, %gather3A_473 : vector<16xf32>
          %swap3A_520 = arith.index_cast %add3A_470 : i32 to index
          %swap3A_521 = arith.constant 96 : index
          %swap3A_522 = tpu.vector_load %arg15[%swap3A_520, %swap3A_521] {strides = array<i32>} : memref<128x128xf32, #tpu.memory_space<vmem>>, vector<16xf32>,
          tpu.vector_store %arg15[%swap3A_520, %swap3A_521], %mul3A_519 {strides = array<i32>} : memref<128x128xf32, #tpu.memory_space<vmem>>, vector<16xf32>,
          %get3A_523 = arith.index_cast %add3A_470 : i32 to index
          %get3A_524 = arith.constant 112 : index
          %get3A_525 = tpu.vector_load %arg15[%get3A_523, %get3A_524] {strides = array<i32>} : memref<128x128xf32, #tpu.memory_space<vmem>>, vector<16xf32>,
          %mul3A_526 = arith.mulf %get3A_525, %gather3A_473 : vector<16xf32>
          %swap3A_527 = arith.index_cast %add3A_470 : i32 to index
          %swap3A_528 = arith.constant 112 : index
          %swap3A_529 = tpu.vector_load %arg15[%swap3A_527, %swap3A_528] {strides = array<i32>} : memref<128x128xf32, #tpu.memory_space<vmem>>, vector<16xf32>,
          tpu.vector_store %arg15[%swap3A_527, %swap3A_528], %mul3A_526 {strides = array<i32>} : memref<128x128xf32, #tpu.memory_space<vmem>>, vector<16xf32>,
          %scan3A_530 = arith.constant 3 : i32
          %scan3A_531 = arith.addi %scan3A_340, %scan3A_530 : i32
          %mul3A_532 = arith.constant 1 : i32
          %mul3A_533 = arith.muli %scan3A_531, %mul3A_532 : i32
          %add3A_534 = arith.constant 0 : i32
          %add3A_535 = arith.addi %add3A_534, %mul3A_533 : i32
          %broadcast_in_dim3A_536 = vector.broadcast %mul3A_263 : i32 to vector<16xi32>
          %broadcast_in_dim3A_537 = vector.broadcast %add3A_535 : i32 to vector<16xi32>
          %gather3A_538 = tpu.vector_load_idx %arg11[%broadcast_in_dim3A_536, %broadcast_in_dim3A_537] : memref<8x128xf32, #tpu.memory_space<vmem>>[vector<16xi32>, vector<16xi32>], vector<16xf32>,
          %get3A_539 = arith.index_cast %add3A_535 : i32 to index
          %get3A_540 = arith.constant 0 : index
          %get3A_541 = tpu.vector_load %arg15[%get3A_539, %get3A_540] {strides = array<i32>} : memref<128x128xf32, #tpu.memory_space<vmem>>, vector<16xf32>,
          %mul3A_542 = arith.mulf %get3A_541, %gather3A_538 : vector<16xf32>
          %swap3A_543 = arith.index_cast %add3A_535 : i32 to index
          %swap3A_544 = arith.constant 0 : index
          %swap3A_545 = tpu.vector_load %arg15[%swap3A_543, %swap3A_544] {strides = array<i32>} : memref<128x128xf32, #tpu.memory_space<vmem>>, vector<16xf32>,
          tpu.vector_store %arg15[%swap3A_543, %swap3A_544], %mul3A_542 {strides = array<i32>} : memref<128x128xf32, #tpu.memory_space<vmem>>, vector<16xf32>,
          %get3A_546 = arith.index_cast %add3A_535 : i32 to index
          %get3A_547 = arith.constant 16 : index
          %get3A_548 = tpu.vector_load %arg15[%get3A_546, %get3A_547] {strides = array<i32>} : memref<128x128xf32, #tpu.memory_space<vmem>>, vector<16xf32>,
          %mul3A_549 = arith.mulf %get3A_548, %gather3A_538 : vector<16xf32>
          %swap3A_550 = arith.index_cast %add3A_535 : i32 to index
          %swap3A_551 = arith.constant 16 : index
          %swap3A_552 = tpu.vector_load %arg15[%swap3A_550, %swap3A_551] {strides = array<i32>} : memref<128x128xf32, #tpu.memory_space<vmem>>, vector<16xf32>,
          tpu.vector_store %arg15[%swap3A_550, %swap3A_551], %mul3A_549 {strides = array<i32>} : memref<128x128xf32, #tpu.memory_space<vmem>>, vector<16xf32>,
          %get3A_553 = arith.index_cast %add3A_535 : i32 to index
          %get3A_554 = arith.constant 32 : index
          %get3A_555 = tpu.vector_load %arg15[%get3A_553, %get3A_554] {strides = array<i32>} : memref<128x128xf32, #tpu.memory_space<vmem>>, vector<16xf32>,
          %mul3A_556 = arith.mulf %get3A_555, %gather3A_538 : vector<16xf32>
          %swap3A_557 = arith.index_cast %add3A_535 : i32 to index
          %swap3A_558 = arith.constant 32 : index
          %swap3A_559 = tpu.vector_load %arg15[%swap3A_557, %swap3A_558] {strides = array<i32>} : memref<128x128xf32, #tpu.memory_space<vmem>>, vector<16xf32>,
          tpu.vector_store %arg15[%swap3A_557, %swap3A_558], %mul3A_556 {strides = array<i32>} : memref<128x128xf32, #tpu.memory_space<vmem>>, vector<16xf32>,
          %get3A_560 = arith.index_cast %add3A_535 : i32 to index
          %get3A_561 = arith.constant 48 : index
          %get3A_562 = tpu.vector_load %arg15[%get3A_560, %get3A_561] {strides = array<i32>} : memref<128x128xf32, #tpu.memory_space<vmem>>, vector<16xf32>,
          %mul3A_563 = arith.mulf %get3A_562, %gather3A_538 : vector<16xf32>
          %swap3A_564 = arith.index_cast %add3A_535 : i32 to index
          %swap3A_565 = arith.constant 48 : index
          %swap3A_566 = tpu.vector_load %arg15[%swap3A_564, %swap3A_565] {strides = array<i32>} : memref<128x128xf32, #tpu.memory_space<vmem>>, vector<16xf32>,
          tpu.vector_store %arg15[%swap3A_564, %swap3A_565], %mul3A_563 {strides = array<i32>} : memref<128x128xf32, #tpu.memory_space<vmem>>, vector<16xf32>,
          %get3A_567 = arith.index_cast %add3A_535 : i32 to index
          %get3A_568 = arith.constant 64 : index
          %get3A_569 = tpu.vector_load %arg15[%get3A_567, %get3A_568] {strides = array<i32>} : memref<128x128xf32, #tpu.memory_space<vmem>>, vector<16xf32>,
          %mul3A_570 = arith.mulf %get3A_569, %gather3A_538 : vector<16xf32>
          %swap3A_571 = arith.index_cast %add3A_535 : i32 to index
          %swap3A_572 = arith.constant 64 : index
          %swap3A_573 = tpu.vector_load %arg15[%swap3A_571, %swap3A_572] {strides = array<i32>} : memref<128x128xf32, #tpu.memory_space<vmem>>, vector<16xf32>,
          tpu.vector_store %arg15[%swap3A_571, %swap3A_572], %mul3A_570 {strides = array<i32>} : memref<128x128xf32, #tpu.memory_space<vmem>>, vector<16xf32>,
          %get3A_574 = arith.index_cast %add3A_535 : i32 to index
          %get3A_575 = arith.constant 80 : index
          %get3A_576 = tpu.vector_load %arg15[%get3A_574, %get3A_575] {strides = array<i32>} : memref<128x128xf32, #tpu.memory_space<vmem>>, vector<16xf32>,
          %mul3A_577 = arith.mulf %get3A_576, %gather3A_538 : vector<16xf32>
          %swap3A_578 = arith.index_cast %add3A_535 : i32 to index
          %swap3A_579 = arith.constant 80 : index
          %swap3A_580 = tpu.vector_load %arg15[%swap3A_578, %swap3A_579] {strides = array<i32>} : memref<128x128xf32, #tpu.memory_space<vmem>>, vector<16xf32>,
          tpu.vector_store %arg15[%swap3A_578, %swap3A_579], %mul3A_577 {strides = array<i32>} : memref<128x128xf32, #tpu.memory_space<vmem>>, vector<16xf32>,
          %get3A_581 = arith.index_cast %add3A_535 : i32 to index
          %get3A_582 = arith.constant 96 : index
          %get3A_583 = tpu.vector_load %arg15[%get3A_581, %get3A_582] {strides = array<i32>} : memref<128x128xf32, #tpu.memory_space<vmem>>, vector<16xf32>,
          %mul3A_584 = arith.mulf %get3A_583, %gather3A_538 : vector<16xf32>
          %swap3A_585 = arith.index_cast %add3A_535 : i32 to index
          %swap3A_586 = arith.constant 96 : index
          %swap3A_587 = tpu.vector_load %arg15[%swap3A_585, %swap3A_586] {strides = array<i32>} : memref<128x128xf32, #tpu.memory_space<vmem>>, vector<16xf32>,
          tpu.vector_store %arg15[%swap3A_585, %swap3A_586], %mul3A_584 {strides = array<i32>} : memref<128x128xf32, #tpu.memory_space<vmem>>, vector<16xf32>,
          %get3A_588 = arith.index_cast %add3A_535 : i32 to index
          %get3A_589 = arith.constant 112 : index
          %get3A_590 = tpu.vector_load %arg15[%get3A_588, %get3A_589] {strides = array<i32>} : memref<128x128xf32, #tpu.memory_space<vmem>>, vector<16xf32>,
          %mul3A_591 = arith.mulf %get3A_590, %gather3A_538 : vector<16xf32>
          %swap3A_592 = arith.index_cast %add3A_535 : i32 to index
          %swap3A_593 = arith.constant 112 : index
          %swap3A_594 = tpu.vector_load %arg15[%swap3A_592, %swap3A_593] {strides = array<i32>} : memref<128x128xf32, #tpu.memory_space<vmem>>, vector<16xf32>,
          tpu.vector_store %arg15[%swap3A_592, %swap3A_593], %mul3A_591 {strides = array<i32>} : memref<128x128xf32, #tpu.memory_space<vmem>>, vector<16xf32>,
        }
        %scan3A_292 = arith.constant 128 : i32
        %dma_start3A_293 = arith.constant 0 : i32
        %dma_start3A_294 = tpu.memref_slice %arg10[%mul3A_263, %dma_start3A_293] : memref<8x128xi32, #tpu.memory_space<vmem>> -> memref<1x128xi32, #tpu.memory_space<vmem>>
        %dma_start3A_295 = tpu.memref_squeeze %dma_start3A_294 : memref<1x128xi32, #tpu.memory_space<vmem>> -> memref<128xi32, #tpu.memory_space<vmem>>
        %dma_start3A_296 = arith.constant 0 : i32
        %dma_start3A_297 = arith.constant 0 : i32
        %dma_start3A_298 = tpu.memref_slice %arg8[%dma_start3A_296, %dma_start3A_297] : memref<10240x128xf32, #tpu.memory_space<vmem_shared>> -> memref<10240x128xf32, #tpu.memory_space<vmem_shared>>
        tpu.enqueue_indirect_dma source(%arg15 : memref<128x128xf32, #tpu.memory_space<vmem>>) target(%dma_start3A_298 : memref<10240x128xf32, #tpu.memory_space<vmem_shared>>) offsets(%dma_start3A_295 : memref<128xi32, #tpu.memory_space<vmem>>) semaphore(%arg19 : memref<!tpu.dma_semaphore, #tpu.memory_space<semaphore_mem>>) {add = true}
        %add3A_299 = arith.constant 1 : i32
        %add3A_300 = arith.addi %mul3A_263, %add3A_299 : i32
        %dma_wait3A_301 = arith.constant 0 : i32
        %dma_wait3A_302 = tpu.memref_slice %arg9[%add3A_300, %dma_wait3A_301] : memref<8x128xi32, #tpu.memory_space<vmem>> -> memref<1x128xi32, #tpu.memory_space<vmem>>
        %dma_wait3A_303 = tpu.memref_squeeze %dma_wait3A_302 : memref<1x128xi32, #tpu.memory_space<vmem>> -> memref<128xi32, #tpu.memory_space<vmem>>
        %dma_wait3A_304 = arith.constant 0 : i32
        %dma_wait3A_305 = arith.constant 0 : i32
        %dma_wait3A_306 = tpu.memref_slice %arg5[%dma_wait3A_304, %dma_wait3A_305] : memref<10000x128xf32, #tpu.memory_space<hbm>> -> memref<10000x128xf32, #tpu.memory_space<hbm>>
        tpu.wait_indirect_dma semaphore(%arg18 : memref<!tpu.dma_semaphore, #tpu.memory_space<semaphore_mem>>) src(%dma_wait3A_306 : memref<10000x128xf32, #tpu.memory_space<hbm>>) dst(%arg16 : memref<128x128xf32, #tpu.memory_space<vmem>>)
        %dma_wait3A_307 = arith.constant 0 : i32
        %dma_wait3A_308 = tpu.memref_slice %arg10[%mul3A_263, %dma_wait3A_307] : memref<8x128xi32, #tpu.memory_space<vmem>> -> memref<1x128xi32, #tpu.memory_space<vmem>>
        %dma_wait3A_309 = tpu.memref_squeeze %dma_wait3A_308 : memref<1x128xi32, #tpu.memory_space<vmem>> -> memref<128xi32, #tpu.memory_space<vmem>>
        %dma_wait3A_310 = arith.constant 0 : i32
        %dma_wait3A_311 = arith.constant 0 : i32
        %dma_wait3A_312 = tpu.memref_slice %arg8[%dma_wait3A_310, %dma_wait3A_311] : memref<10240x128xf32, #tpu.memory_space<vmem_shared>> -> memref<10240x128xf32, #tpu.memory_space<vmem_shared>>
        tpu.wait_indirect_dma semaphore(%arg19 : memref<!tpu.dma_semaphore, #tpu.memory_space<semaphore_mem>>) src(%arg15 : memref<128x128xf32, #tpu.memory_space<vmem>>) dst(%dma_wait3A_312 : memref<10240x128xf32, #tpu.memory_space<vmem_shared>>)
        %add3A_313 = arith.constant 2 : i32
        %add3A_314 = arith.addi %mul3A_263, %add3A_313 : i32
        %eq3A_315 = arith.constant 0 : i32
        %eq3A_316 = arith.cmpi eq, %arg0, %eq3A_315 : i32
        %convert_element_type3A_317 = arith.extui %eq3A_316 : i1 to i32
        %cond3A_318 = arith.constant 0 : i32
        %cond3A_319 = arith.cmpi ne, %convert_element_type3A_317, %cond3A_318 : i32
        scf.if %cond3A_319 {
          %dma_start3A_340 = arith.constant 0 : i32
          %dma_start3A_341 = tpu.memref_slice %arg9[%add3A_314, %dma_start3A_340] : memref<8x128xi32, #tpu.memory_space<vmem>> -> memref<1x128xi32, #tpu.memory_space<vmem>>
          %dma_start3A_342 = tpu.memref_squeeze %dma_start3A_341 : memref<1x128xi32, #tpu.memory_space<vmem>> -> memref<128xi32, #tpu.memory_space<vmem>>
          %dma_start3A_343 = arith.constant 0 : i32
          %dma_start3A_344 = arith.constant 0 : i32
          %dma_start3A_345 = tpu.memref_slice %arg5[%dma_start3A_343, %dma_start3A_344] : memref<10000x128xf32, #tpu.memory_space<hbm>> -> memref<10000x128xf32, #tpu.memory_space<hbm>>
          tpu.enqueue_indirect_dma source(%dma_start3A_345 : memref<10000x128xf32, #tpu.memory_space<hbm>>) target(%arg15 : memref<128x128xf32, #tpu.memory_space<vmem>>) offsets(%dma_start3A_342 : memref<128xi32, #tpu.memory_space<vmem>>) semaphore(%arg17 : memref<!tpu.dma_semaphore, #tpu.memory_space<semaphore_mem>>)
        } else {
        }
        %eq3A_320 = arith.constant 1 : i32
        %eq3A_321 = arith.cmpi eq, %arg0, %eq3A_320 : i32
        %convert_element_type3A_322 = arith.extui %eq3A_321 : i1 to i32
        %cond3A_323 = arith.constant 0 : i32
        %cond3A_324 = arith.cmpi ne, %convert_element_type3A_322, %cond3A_323 : i32
        scf.if %cond3A_324 {
          %dma_start3A_340 = arith.constant 0 : i32
          %dma_start3A_341 = tpu.memref_slice %arg9[%add3A_314, %dma_start3A_340] : memref<8x128xi32, #tpu.memory_space<vmem>> -> memref<1x128xi32, #tpu.memory_space<vmem>>
          %dma_start3A_342 = tpu.memref_squeeze %dma_start3A_341 : memref<1x128xi32, #tpu.memory_space<vmem>> -> memref<128xi32, #tpu.memory_space<vmem>>
          %dma_start3A_343 = arith.constant 0 : i32
          %dma_start3A_344 = arith.constant 0 : i32
          %dma_start3A_345 = tpu.memref_slice %arg6[%dma_start3A_343, %dma_start3A_344] : memref<10000x128xf32, #tpu.memory_space<hbm>> -> memref<10000x128xf32, #tpu.memory_space<hbm>>
          tpu.enqueue_indirect_dma source(%dma_start3A_345 : memref<10000x128xf32, #tpu.memory_space<hbm>>) target(%arg15 : memref<128x128xf32, #tpu.memory_space<vmem>>) offsets(%dma_start3A_342 : memref<128xi32, #tpu.memory_space<vmem>>) semaphore(%arg17 : memref<!tpu.dma_semaphore, #tpu.memory_space<semaphore_mem>>)
        } else {
        }
        %add3A_325 = arith.constant 1 : i32
        %add3A_326 = arith.addi %mul3A_263, %add3A_325 : i32
        %scan3A_327 = arith.constant 0 : i32
        %scan3A_328 = arith.constant 128 : i32
        %scan3A_329 = arith.addi %scan3A_327, %scan3A_328 : i32
        %scan3A_330 = arith.constant 4 : i32
        scf.for %scan3A_340 = %scan3A_327 to %scan3A_329 step %scan3A_330  : i32 {
          %mul3A_341 = arith.constant 1 : i32
          %mul3A_342 = arith.muli %scan3A_340, %mul3A_341 : i32
          %add3A_343 = arith.constant 0 : i32
          %add3A_344 = arith.addi %add3A_343, %mul3A_342 : i32
          %broadcast_in_dim3A = vector.broadcast %add3A_326 : i32 to vector<16xi32>
          %broadcast_in_dim3A_345 = vector.broadcast %add3A_344 : i32 to vector<16xi32>
          %gather3A = tpu.vector_load_idx %arg11[%broadcast_in_dim3A, %broadcast_in_dim3A_345] : memref<8x128xf32, #tpu.memory_space<vmem>>[vector<16xi32>, vector<16xi32>], vector<16xf32>,
          %get3A = arith.index_cast %add3A_344 : i32 to index
          %get3A_346 = arith.constant 0 : index
          %get3A_347 = tpu.vector_load %arg16[%get3A, %get3A_346] {strides = array<i32>} : memref<128x128xf32, #tpu.memory_space<vmem>>, vector<16xf32>,
          %mul3A_348 = arith.mulf %get3A_347, %gather3A : vector<16xf32>
          %swap3A = arith.index_cast %add3A_344 : i32 to index
          %swap3A_349 = arith.constant 0 : index
          %swap3A_350 = tpu.vector_load %arg16[%swap3A, %swap3A_349] {strides = array<i32>} : memref<128x128xf32, #tpu.memory_space<vmem>>, vector<16xf32>,
          tpu.vector_store %arg16[%swap3A, %swap3A_349], %mul3A_348 {strides = array<i32>} : memref<128x128xf32, #tpu.memory_space<vmem>>, vector<16xf32>,
          %get3A_351 = arith.index_cast %add3A_344 : i32 to index
          %get3A_352 = arith.constant 16 : index
          %get3A_353 = tpu.vector_load %arg16[%get3A_351, %get3A_352] {strides = array<i32>} : memref<128x128xf32, #tpu.memory_space<vmem>>, vector<16xf32>,
          %mul3A_354 = arith.mulf %get3A_353, %gather3A : vector<16xf32>
          %swap3A_355 = arith.index_cast %add3A_344 : i32 to index
          %swap3A_356 = arith.constant 16 : index
          %swap3A_357 = tpu.vector_load %arg16[%swap3A_355, %swap3A_356] {strides = array<i32>} : memref<128x128xf32, #tpu.memory_space<vmem>>, vector<16xf32>,
          tpu.vector_store %arg16[%swap3A_355, %swap3A_356], %mul3A_354 {strides = array<i32>} : memref<128x128xf32, #tpu.memory_space<vmem>>, vector<16xf32>,
          %get3A_358 = arith.index_cast %add3A_344 : i32 to index
          %get3A_359 = arith.constant 32 : index
          %get3A_360 = tpu.vector_load %arg16[%get3A_358, %get3A_359] {strides = array<i32>} : memref<128x128xf32, #tpu.memory_space<vmem>>, vector<16xf32>,
          %mul3A_361 = arith.mulf %get3A_360, %gather3A : vector<16xf32>
          %swap3A_362 = arith.index_cast %add3A_344 : i32 to index
          %swap3A_363 = arith.constant 32 : index
          %swap3A_364 = tpu.vector_load %arg16[%swap3A_362, %swap3A_363] {strides = array<i32>} : memref<128x128xf32, #tpu.memory_space<vmem>>, vector<16xf32>,
          tpu.vector_store %arg16[%swap3A_362, %swap3A_363], %mul3A_361 {strides = array<i32>} : memref<128x128xf32, #tpu.memory_space<vmem>>, vector<16xf32>,
          %get3A_365 = arith.index_cast %add3A_344 : i32 to index
          %get3A_366 = arith.constant 48 : index
          %get3A_367 = tpu.vector_load %arg16[%get3A_365, %get3A_366] {strides = array<i32>} : memref<128x128xf32, #tpu.memory_space<vmem>>, vector<16xf32>,
          %mul3A_368 = arith.mulf %get3A_367, %gather3A : vector<16xf32>
          %swap3A_369 = arith.index_cast %add3A_344 : i32 to index
          %swap3A_370 = arith.constant 48 : index
          %swap3A_371 = tpu.vector_load %arg16[%swap3A_369, %swap3A_370] {strides = array<i32>} : memref<128x128xf32, #tpu.memory_space<vmem>>, vector<16xf32>,
          tpu.vector_store %arg16[%swap3A_369, %swap3A_370], %mul3A_368 {strides = array<i32>} : memref<128x128xf32, #tpu.memory_space<vmem>>, vector<16xf32>,
          %get3A_372 = arith.index_cast %add3A_344 : i32 to index
          %get3A_373 = arith.constant 64 : index
          %get3A_374 = tpu.vector_load %arg16[%get3A_372, %get3A_373] {strides = array<i32>} : memref<128x128xf32, #tpu.memory_space<vmem>>, vector<16xf32>,
          %mul3A_375 = arith.mulf %get3A_374, %gather3A : vector<16xf32>
          %swap3A_376 = arith.index_cast %add3A_344 : i32 to index
          %swap3A_377 = arith.constant 64 : index
          %swap3A_378 = tpu.vector_load %arg16[%swap3A_376, %swap3A_377] {strides = array<i32>} : memref<128x128xf32, #tpu.memory_space<vmem>>, vector<16xf32>,
          tpu.vector_store %arg16[%swap3A_376, %swap3A_377], %mul3A_375 {strides = array<i32>} : memref<128x128xf32, #tpu.memory_space<vmem>>, vector<16xf32>,
          %get3A_379 = arith.index_cast %add3A_344 : i32 to index
          %get3A_380 = arith.constant 80 : index
          %get3A_381 = tpu.vector_load %arg16[%get3A_379, %get3A_380] {strides = array<i32>} : memref<128x128xf32, #tpu.memory_space<vmem>>, vector<16xf32>,
          %mul3A_382 = arith.mulf %get3A_381, %gather3A : vector<16xf32>
          %swap3A_383 = arith.index_cast %add3A_344 : i32 to index
          %swap3A_384 = arith.constant 80 : index
          %swap3A_385 = tpu.vector_load %arg16[%swap3A_383, %swap3A_384] {strides = array<i32>} : memref<128x128xf32, #tpu.memory_space<vmem>>, vector<16xf32>,
          tpu.vector_store %arg16[%swap3A_383, %swap3A_384], %mul3A_382 {strides = array<i32>} : memref<128x128xf32, #tpu.memory_space<vmem>>, vector<16xf32>,
          %get3A_386 = arith.index_cast %add3A_344 : i32 to index
          %get3A_387 = arith.constant 96 : index
          %get3A_388 = tpu.vector_load %arg16[%get3A_386, %get3A_387] {strides = array<i32>} : memref<128x128xf32, #tpu.memory_space<vmem>>, vector<16xf32>,
          %mul3A_389 = arith.mulf %get3A_388, %gather3A : vector<16xf32>
          %swap3A_390 = arith.index_cast %add3A_344 : i32 to index
          %swap3A_391 = arith.constant 96 : index
          %swap3A_392 = tpu.vector_load %arg16[%swap3A_390, %swap3A_391] {strides = array<i32>} : memref<128x128xf32, #tpu.memory_space<vmem>>, vector<16xf32>,
          tpu.vector_store %arg16[%swap3A_390, %swap3A_391], %mul3A_389 {strides = array<i32>} : memref<128x128xf32, #tpu.memory_space<vmem>>, vector<16xf32>,
          %get3A_393 = arith.index_cast %add3A_344 : i32 to index
          %get3A_394 = arith.constant 112 : index
          %get3A_395 = tpu.vector_load %arg16[%get3A_393, %get3A_394] {strides = array<i32>} : memref<128x128xf32, #tpu.memory_space<vmem>>, vector<16xf32>,
          %mul3A_396 = arith.mulf %get3A_395, %gather3A : vector<16xf32>
          %swap3A_397 = arith.index_cast %add3A_344 : i32 to index
          %swap3A_398 = arith.constant 112 : index
          %swap3A_399 = tpu.vector_load %arg16[%swap3A_397, %swap3A_398] {strides = array<i32>} : memref<128x128xf32, #tpu.memory_space<vmem>>, vector<16xf32>,
          tpu.vector_store %arg16[%swap3A_397, %swap3A_398], %mul3A_396 {strides = array<i32>} : memref<128x128xf32, #tpu.memory_space<vmem>>, vector<16xf32>,
          %scan3A_400 = arith.constant 1 : i32
          %scan3A_401 = arith.addi %scan3A_340, %scan3A_400 : i32
          %mul3A_402 = arith.constant 1 : i32
          %mul3A_403 = arith.muli %scan3A_401, %mul3A_402 : i32
          %add3A_404 = arith.constant 0 : i32
          %add3A_405 = arith.addi %add3A_404, %mul3A_403 : i32
          %broadcast_in_dim3A_406 = vector.broadcast %add3A_326 : i32 to vector<16xi32>
          %broadcast_in_dim3A_407 = vector.broadcast %add3A_405 : i32 to vector<16xi32>
          %gather3A_408 = tpu.vector_load_idx %arg11[%broadcast_in_dim3A_406, %broadcast_in_dim3A_407] : memref<8x128xf32, #tpu.memory_space<vmem>>[vector<16xi32>, vector<16xi32>], vector<16xf32>,
          %get3A_409 = arith.index_cast %add3A_405 : i32 to index
          %get3A_410 = arith.constant 0 : index
          %get3A_411 = tpu.vector_load %arg16[%get3A_409, %get3A_410] {strides = array<i32>} : memref<128x128xf32, #tpu.memory_space<vmem>>, vector<16xf32>,
          %mul3A_412 = arith.mulf %get3A_411, %gather3A_408 : vector<16xf32>
          %swap3A_413 = arith.index_cast %add3A_405 : i32 to index
          %swap3A_414 = arith.constant 0 : index
          %swap3A_415 = tpu.vector_load %arg16[%swap3A_413, %swap3A_414] {strides = array<i32>} : memref<128x128xf32, #tpu.memory_space<vmem>>, vector<16xf32>,
          tpu.vector_store %arg16[%swap3A_413, %swap3A_414], %mul3A_412 {strides = array<i32>} : memref<128x128xf32, #tpu.memory_space<vmem>>, vector<16xf32>,
          %get3A_416 = arith.index_cast %add3A_405 : i32 to index
          %get3A_417 = arith.constant 16 : index
          %get3A_418 = tpu.vector_load %arg16[%get3A_416, %get3A_417] {strides = array<i32>} : memref<128x128xf32, #tpu.memory_space<vmem>>, vector<16xf32>,
          %mul3A_419 = arith.mulf %get3A_418, %gather3A_408 : vector<16xf32>
          %swap3A_420 = arith.index_cast %add3A_405 : i32 to index
          %swap3A_421 = arith.constant 16 : index
          %swap3A_422 = tpu.vector_load %arg16[%swap3A_420, %swap3A_421] {strides = array<i32>} : memref<128x128xf32, #tpu.memory_space<vmem>>, vector<16xf32>,
          tpu.vector_store %arg16[%swap3A_420, %swap3A_421], %mul3A_419 {strides = array<i32>} : memref<128x128xf32, #tpu.memory_space<vmem>>, vector<16xf32>,
          %get3A_423 = arith.index_cast %add3A_405 : i32 to index
          %get3A_424 = arith.constant 32 : index
          %get3A_425 = tpu.vector_load %arg16[%get3A_423, %get3A_424] {strides = array<i32>} : memref<128x128xf32, #tpu.memory_space<vmem>>, vector<16xf32>,
          %mul3A_426 = arith.mulf %get3A_425, %gather3A_408 : vector<16xf32>
          %swap3A_427 = arith.index_cast %add3A_405 : i32 to index
          %swap3A_428 = arith.constant 32 : index
          %swap3A_429 = tpu.vector_load %arg16[%swap3A_427, %swap3A_428] {strides = array<i32>} : memref<128x128xf32, #tpu.memory_space<vmem>>, vector<16xf32>,
          tpu.vector_store %arg16[%swap3A_427, %swap3A_428], %mul3A_426 {strides = array<i32>} : memref<128x128xf32, #tpu.memory_space<vmem>>, vector<16xf32>,
          %get3A_430 = arith.index_cast %add3A_405 : i32 to index
          %get3A_431 = arith.constant 48 : index
          %get3A_432 = tpu.vector_load %arg16[%get3A_430, %get3A_431] {strides = array<i32>} : memref<128x128xf32, #tpu.memory_space<vmem>>, vector<16xf32>,
          %mul3A_433 = arith.mulf %get3A_432, %gather3A_408 : vector<16xf32>
          %swap3A_434 = arith.index_cast %add3A_405 : i32 to index
          %swap3A_435 = arith.constant 48 : index
          %swap3A_436 = tpu.vector_load %arg16[%swap3A_434, %swap3A_435] {strides = array<i32>} : memref<128x128xf32, #tpu.memory_space<vmem>>, vector<16xf32>,
          tpu.vector_store %arg16[%swap3A_434, %swap3A_435], %mul3A_433 {strides = array<i32>} : memref<128x128xf32, #tpu.memory_space<vmem>>, vector<16xf32>,
          %get3A_437 = arith.index_cast %add3A_405 : i32 to index
          %get3A_438 = arith.constant 64 : index
          %get3A_439 = tpu.vector_load %arg16[%get3A_437, %get3A_438] {strides = array<i32>} : memref<128x128xf32, #tpu.memory_space<vmem>>, vector<16xf32>,
          %mul3A_440 = arith.mulf %get3A_439, %gather3A_408 : vector<16xf32>
          %swap3A_441 = arith.index_cast %add3A_405 : i32 to index
          %swap3A_442 = arith.constant 64 : index
          %swap3A_443 = tpu.vector_load %arg16[%swap3A_441, %swap3A_442] {strides = array<i32>} : memref<128x128xf32, #tpu.memory_space<vmem>>, vector<16xf32>,
          tpu.vector_store %arg16[%swap3A_441, %swap3A_442], %mul3A_440 {strides = array<i32>} : memref<128x128xf32, #tpu.memory_space<vmem>>, vector<16xf32>,
          %get3A_444 = arith.index_cast %add3A_405 : i32 to index
          %get3A_445 = arith.constant 80 : index
          %get3A_446 = tpu.vector_load %arg16[%get3A_444, %get3A_445] {strides = array<i32>} : memref<128x128xf32, #tpu.memory_space<vmem>>, vector<16xf32>,
          %mul3A_447 = arith.mulf %get3A_446, %gather3A_408 : vector<16xf32>
          %swap3A_448 = arith.index_cast %add3A_405 : i32 to index
          %swap3A_449 = arith.constant 80 : index
          %swap3A_450 = tpu.vector_load %arg16[%swap3A_448, %swap3A_449] {strides = array<i32>} : memref<128x128xf32, #tpu.memory_space<vmem>>, vector<16xf32>,
          tpu.vector_store %arg16[%swap3A_448, %swap3A_449], %mul3A_447 {strides = array<i32>} : memref<128x128xf32, #tpu.memory_space<vmem>>, vector<16xf32>,
          %get3A_451 = arith.index_cast %add3A_405 : i32 to index
          %get3A_452 = arith.constant 96 : index
          %get3A_453 = tpu.vector_load %arg16[%get3A_451, %get3A_452] {strides = array<i32>} : memref<128x128xf32, #tpu.memory_space<vmem>>, vector<16xf32>,
          %mul3A_454 = arith.mulf %get3A_453, %gather3A_408 : vector<16xf32>
          %swap3A_455 = arith.index_cast %add3A_405 : i32 to index
          %swap3A_456 = arith.constant 96 : index
          %swap3A_457 = tpu.vector_load %arg16[%swap3A_455, %swap3A_456] {strides = array<i32>} : memref<128x128xf32, #tpu.memory_space<vmem>>, vector<16xf32>,
          tpu.vector_store %arg16[%swap3A_455, %swap3A_456], %mul3A_454 {strides = array<i32>} : memref<128x128xf32, #tpu.memory_space<vmem>>, vector<16xf32>,
          %get3A_458 = arith.index_cast %add3A_405 : i32 to index
          %get3A_459 = arith.constant 112 : index
          %get3A_460 = tpu.vector_load %arg16[%get3A_458, %get3A_459] {strides = array<i32>} : memref<128x128xf32, #tpu.memory_space<vmem>>, vector<16xf32>,
          %mul3A_461 = arith.mulf %get3A_460, %gather3A_408 : vector<16xf32>
          %swap3A_462 = arith.index_cast %add3A_405 : i32 to index
          %swap3A_463 = arith.constant 112 : index
          %swap3A_464 = tpu.vector_load %arg16[%swap3A_462, %swap3A_463] {strides = array<i32>} : memref<128x128xf32, #tpu.memory_space<vmem>>, vector<16xf32>,
          tpu.vector_store %arg16[%swap3A_462, %swap3A_463], %mul3A_461 {strides = array<i32>} : memref<128x128xf32, #tpu.memory_space<vmem>>, vector<16xf32>,
          %scan3A_465 = arith.constant 2 : i32
          %scan3A_466 = arith.addi %scan3A_340, %scan3A_465 : i32
          %mul3A_467 = arith.constant 1 : i32
          %mul3A_468 = arith.muli %scan3A_466, %mul3A_467 : i32
          %add3A_469 = arith.constant 0 : i32
          %add3A_470 = arith.addi %add3A_469, %mul3A_468 : i32
          %broadcast_in_dim3A_471 = vector.broadcast %add3A_326 : i32 to vector<16xi32>
          %broadcast_in_dim3A_472 = vector.broadcast %add3A_470 : i32 to vector<16xi32>
          %gather3A_473 = tpu.vector_load_idx %arg11[%broadcast_in_dim3A_471, %broadcast_in_dim3A_472] : memref<8x128xf32, #tpu.memory_space<vmem>>[vector<16xi32>, vector<16xi32>], vector<16xf32>,
          %get3A_474 = arith.index_cast %add3A_470 : i32 to index
          %get3A_475 = arith.constant 0 : index
          %get3A_476 = tpu.vector_load %arg16[%get3A_474, %get3A_475] {strides = array<i32>} : memref<128x128xf32, #tpu.memory_space<vmem>>, vector<16xf32>,
          %mul3A_477 = arith.mulf %get3A_476, %gather3A_473 : vector<16xf32>
          %swap3A_478 = arith.index_cast %add3A_470 : i32 to index
          %swap3A_479 = arith.constant 0 : index
          %swap3A_480 = tpu.vector_load %arg16[%swap3A_478, %swap3A_479] {strides = array<i32>} : memref<128x128xf32, #tpu.memory_space<vmem>>, vector<16xf32>,
          tpu.vector_store %arg16[%swap3A_478, %swap3A_479], %mul3A_477 {strides = array<i32>} : memref<128x128xf32, #tpu.memory_space<vmem>>, vector<16xf32>,
          %get3A_481 = arith.index_cast %add3A_470 : i32 to index
          %get3A_482 = arith.constant 16 : index
          %get3A_483 = tpu.vector_load %arg16[%get3A_481, %get3A_482] {strides = array<i32>} : memref<128x128xf32, #tpu.memory_space<vmem>>, vector<16xf32>,
          %mul3A_484 = arith.mulf %get3A_483, %gather3A_473 : vector<16xf32>
          %swap3A_485 = arith.index_cast %add3A_470 : i32 to index
          %swap3A_486 = arith.constant 16 : index
          %swap3A_487 = tpu.vector_load %arg16[%swap3A_485, %swap3A_486] {strides = array<i32>} : memref<128x128xf32, #tpu.memory_space<vmem>>, vector<16xf32>,
          tpu.vector_store %arg16[%swap3A_485, %swap3A_486], %mul3A_484 {strides = array<i32>} : memref<128x128xf32, #tpu.memory_space<vmem>>, vector<16xf32>,
          %get3A_488 = arith.index_cast %add3A_470 : i32 to index
          %get3A_489 = arith.constant 32 : index
          %get3A_490 = tpu.vector_load %arg16[%get3A_488, %get3A_489] {strides = array<i32>} : memref<128x128xf32, #tpu.memory_space<vmem>>, vector<16xf32>,
          %mul3A_491 = arith.mulf %get3A_490, %gather3A_473 : vector<16xf32>
          %swap3A_492 = arith.index_cast %add3A_470 : i32 to index
          %swap3A_493 = arith.constant 32 : index
          %swap3A_494 = tpu.vector_load %arg16[%swap3A_492, %swap3A_493] {strides = array<i32>} : memref<128x128xf32, #tpu.memory_space<vmem>>, vector<16xf32>,
          tpu.vector_store %arg16[%swap3A_492, %swap3A_493], %mul3A_491 {strides = array<i32>} : memref<128x128xf32, #tpu.memory_space<vmem>>, vector<16xf32>,
          %get3A_495 = arith.index_cast %add3A_470 : i32 to index
          %get3A_496 = arith.constant 48 : index
          %get3A_497 = tpu.vector_load %arg16[%get3A_495, %get3A_496] {strides = array<i32>} : memref<128x128xf32, #tpu.memory_space<vmem>>, vector<16xf32>,
          %mul3A_498 = arith.mulf %get3A_497, %gather3A_473 : vector<16xf32>
          %swap3A_499 = arith.index_cast %add3A_470 : i32 to index
          %swap3A_500 = arith.constant 48 : index
          %swap3A_501 = tpu.vector_load %arg16[%swap3A_499, %swap3A_500] {strides = array<i32>} : memref<128x128xf32, #tpu.memory_space<vmem>>, vector<16xf32>,
          tpu.vector_store %arg16[%swap3A_499, %swap3A_500], %mul3A_498 {strides = array<i32>} : memref<128x128xf32, #tpu.memory_space<vmem>>, vector<16xf32>,
          %get3A_502 = arith.index_cast %add3A_470 : i32 to index
          %get3A_503 = arith.constant 64 : index
          %get3A_504 = tpu.vector_load %arg16[%get3A_502, %get3A_503] {strides = array<i32>} : memref<128x128xf32, #tpu.memory_space<vmem>>, vector<16xf32>,
          %mul3A_505 = arith.mulf %get3A_504, %gather3A_473 : vector<16xf32>
          %swap3A_506 = arith.index_cast %add3A_470 : i32 to index
          %swap3A_507 = arith.constant 64 : index
          %swap3A_508 = tpu.vector_load %arg16[%swap3A_506, %swap3A_507] {strides = array<i32>} : memref<128x128xf32, #tpu.memory_space<vmem>>, vector<16xf32>,
          tpu.vector_store %arg16[%swap3A_506, %swap3A_507], %mul3A_505 {strides = array<i32>} : memref<128x128xf32, #tpu.memory_space<vmem>>, vector<16xf32>,
          %get3A_509 = arith.index_cast %add3A_470 : i32 to index
          %get3A_510 = arith.constant 80 : index
          %get3A_511 = tpu.vector_load %arg16[%get3A_509, %get3A_510] {strides = array<i32>} : memref<128x128xf32, #tpu.memory_space<vmem>>, vector<16xf32>,
          %mul3A_512 = arith.mulf %get3A_511, %gather3A_473 : vector<16xf32>
          %swap3A_513 = arith.index_cast %add3A_470 : i32 to index
          %swap3A_514 = arith.constant 80 : index
          %swap3A_515 = tpu.vector_load %arg16[%swap3A_513, %swap3A_514] {strides = array<i32>} : memref<128x128xf32, #tpu.memory_space<vmem>>, vector<16xf32>,
          tpu.vector_store %arg16[%swap3A_513, %swap3A_514], %mul3A_512 {strides = array<i32>} : memref<128x128xf32, #tpu.memory_space<vmem>>, vector<16xf32>,
          %get3A_516 = arith.index_cast %add3A_470 : i32 to index
          %get3A_517 = arith.constant 96 : index
          %get3A_518 = tpu.vector_load %arg16[%get3A_516, %get3A_517] {strides = array<i32>} : memref<128x128xf32, #tpu.memory_space<vmem>>, vector<16xf32>,
          %mul3A_519 = arith.mulf %get3A_518, %gather3A_473 : vector<16xf32>
          %swap3A_520 = arith.index_cast %add3A_470 : i32 to index
          %swap3A_521 = arith.constant 96 : index
          %swap3A_522 = tpu.vector_load %arg16[%swap3A_520, %swap3A_521] {strides = array<i32>} : memref<128x128xf32, #tpu.memory_space<vmem>>, vector<16xf32>,
          tpu.vector_store %arg16[%swap3A_520, %swap3A_521], %mul3A_519 {strides = array<i32>} : memref<128x128xf32, #tpu.memory_space<vmem>>, vector<16xf32>,
          %get3A_523 = arith.index_cast %add3A_470 : i32 to index
          %get3A_524 = arith.constant 112 : index
          %get3A_525 = tpu.vector_load %arg16[%get3A_523, %get3A_524] {strides = array<i32>} : memref<128x128xf32, #tpu.memory_space<vmem>>, vector<16xf32>,
          %mul3A_526 = arith.mulf %get3A_525, %gather3A_473 : vector<16xf32>
          %swap3A_527 = arith.index_cast %add3A_470 : i32 to index
          %swap3A_528 = arith.constant 112 : index
          %swap3A_529 = tpu.vector_load %arg16[%swap3A_527, %swap3A_528] {strides = array<i32>} : memref<128x128xf32, #tpu.memory_space<vmem>>, vector<16xf32>,
          tpu.vector_store %arg16[%swap3A_527, %swap3A_528], %mul3A_526 {strides = array<i32>} : memref<128x128xf32, #tpu.memory_space<vmem>>, vector<16xf32>,
          %scan3A_530 = arith.constant 3 : i32
          %scan3A_531 = arith.addi %scan3A_340, %scan3A_530 : i32
          %mul3A_532 = arith.constant 1 : i32
          %mul3A_533 = arith.muli %scan3A_531, %mul3A_532 : i32
          %add3A_534 = arith.constant 0 : i32
          %add3A_535 = arith.addi %add3A_534, %mul3A_533 : i32
          %broadcast_in_dim3A_536 = vector.broadcast %add3A_326 : i32 to vector<16xi32>
          %broadcast_in_dim3A_537 = vector.broadcast %add3A_535 : i32 to vector<16xi32>
          %gather3A_538 = tpu.vector_load_idx %arg11[%broadcast_in_dim3A_536, %broadcast_in_dim3A_537] : memref<8x128xf32, #tpu.memory_space<vmem>>[vector<16xi32>, vector<16xi32>], vector<16xf32>,
          %get3A_539 = arith.index_cast %add3A_535 : i32 to index
          %get3A_540 = arith.constant 0 : index
          %get3A_541 = tpu.vector_load %arg16[%get3A_539, %get3A_540] {strides = array<i32>} : memref<128x128xf32, #tpu.memory_space<vmem>>, vector<16xf32>,
          %mul3A_542 = arith.mulf %get3A_541, %gather3A_538 : vector<16xf32>
          %swap3A_543 = arith.index_cast %add3A_535 : i32 to index
          %swap3A_544 = arith.constant 0 : index
          %swap3A_545 = tpu.vector_load %arg16[%swap3A_543, %swap3A_544] {strides = array<i32>} : memref<128x128xf32, #tpu.memory_space<vmem>>, vector<16xf32>,
          tpu.vector_store %arg16[%swap3A_543, %swap3A_544], %mul3A_542 {strides = array<i32>} : memref<128x128xf32, #tpu.memory_space<vmem>>, vector<16xf32>,
          %get3A_546 = arith.index_cast %add3A_535 : i32 to index
          %get3A_547 = arith.constant 16 : index
          %get3A_548 = tpu.vector_load %arg16[%get3A_546, %get3A_547] {strides = array<i32>} : memref<128x128xf32, #tpu.memory_space<vmem>>, vector<16xf32>,
          %mul3A_549 = arith.mulf %get3A_548, %gather3A_538 : vector<16xf32>
          %swap3A_550 = arith.index_cast %add3A_535 : i32 to index
          %swap3A_551 = arith.constant 16 : index
          %swap3A_552 = tpu.vector_load %arg16[%swap3A_550, %swap3A_551] {strides = array<i32>} : memref<128x128xf32, #tpu.memory_space<vmem>>, vector<16xf32>,
          tpu.vector_store %arg16[%swap3A_550, %swap3A_551], %mul3A_549 {strides = array<i32>} : memref<128x128xf32, #tpu.memory_space<vmem>>, vector<16xf32>,
          %get3A_553 = arith.index_cast %add3A_535 : i32 to index
          %get3A_554 = arith.constant 32 : index
          %get3A_555 = tpu.vector_load %arg16[%get3A_553, %get3A_554] {strides = array<i32>} : memref<128x128xf32, #tpu.memory_space<vmem>>, vector<16xf32>,
          %mul3A_556 = arith.mulf %get3A_555, %gather3A_538 : vector<16xf32>
          %swap3A_557 = arith.index_cast %add3A_535 : i32 to index
          %swap3A_558 = arith.constant 32 : index
          %swap3A_559 = tpu.vector_load %arg16[%swap3A_557, %swap3A_558] {strides = array<i32>} : memref<128x128xf32, #tpu.memory_space<vmem>>, vector<16xf32>,
          tpu.vector_store %arg16[%swap3A_557, %swap3A_558], %mul3A_556 {strides = array<i32>} : memref<128x128xf32, #tpu.memory_space<vmem>>, vector<16xf32>,
          %get3A_560 = arith.index_cast %add3A_535 : i32 to index
          %get3A_561 = arith.constant 48 : index
          %get3A_562 = tpu.vector_load %arg16[%get3A_560, %get3A_561] {strides = array<i32>} : memref<128x128xf32, #tpu.memory_space<vmem>>, vector<16xf32>,
          %mul3A_563 = arith.mulf %get3A_562, %gather3A_538 : vector<16xf32>
          %swap3A_564 = arith.index_cast %add3A_535 : i32 to index
          %swap3A_565 = arith.constant 48 : index
          %swap3A_566 = tpu.vector_load %arg16[%swap3A_564, %swap3A_565] {strides = array<i32>} : memref<128x128xf32, #tpu.memory_space<vmem>>, vector<16xf32>,
          tpu.vector_store %arg16[%swap3A_564, %swap3A_565], %mul3A_563 {strides = array<i32>} : memref<128x128xf32, #tpu.memory_space<vmem>>, vector<16xf32>,
          %get3A_567 = arith.index_cast %add3A_535 : i32 to index
          %get3A_568 = arith.constant 64 : index
          %get3A_569 = tpu.vector_load %arg16[%get3A_567, %get3A_568] {strides = array<i32>} : memref<128x128xf32, #tpu.memory_space<vmem>>, vector<16xf32>,
          %mul3A_570 = arith.mulf %get3A_569, %gather3A_538 : vector<16xf32>
          %swap3A_571 = arith.index_cast %add3A_535 : i32 to index
          %swap3A_572 = arith.constant 64 : index
          %swap3A_573 = tpu.vector_load %arg16[%swap3A_571, %swap3A_572] {strides = array<i32>} : memref<128x128xf32, #tpu.memory_space<vmem>>, vector<16xf32>,
          tpu.vector_store %arg16[%swap3A_571, %swap3A_572], %mul3A_570 {strides = array<i32>} : memref<128x128xf32, #tpu.memory_space<vmem>>, vector<16xf32>,
          %get3A_574 = arith.index_cast %add3A_535 : i32 to index
          %get3A_575 = arith.constant 80 : index
          %get3A_576 = tpu.vector_load %arg16[%get3A_574, %get3A_575] {strides = array<i32>} : memref<128x128xf32, #tpu.memory_space<vmem>>, vector<16xf32>,
          %mul3A_577 = arith.mulf %get3A_576, %gather3A_538 : vector<16xf32>
          %swap3A_578 = arith.index_cast %add3A_535 : i32 to index
          %swap3A_579 = arith.constant 80 : index
          %swap3A_580 = tpu.vector_load %arg16[%swap3A_578, %swap3A_579] {strides = array<i32>} : memref<128x128xf32, #tpu.memory_space<vmem>>, vector<16xf32>,
          tpu.vector_store %arg16[%swap3A_578, %swap3A_579], %mul3A_577 {strides = array<i32>} : memref<128x128xf32, #tpu.memory_space<vmem>>, vector<16xf32>,
          %get3A_581 = arith.index_cast %add3A_535 : i32 to index
          %get3A_582 = arith.constant 96 : index
          %get3A_583 = tpu.vector_load %arg16[%get3A_581, %get3A_582] {strides = array<i32>} : memref<128x128xf32, #tpu.memory_space<vmem>>, vector<16xf32>,
          %mul3A_584 = arith.mulf %get3A_583, %gather3A_538 : vector<16xf32>
          %swap3A_585 = arith.index_cast %add3A_535 : i32 to index
          %swap3A_586 = arith.constant 96 : index
          %swap3A_587 = tpu.vector_load %arg16[%swap3A_585, %swap3A_586] {strides = array<i32>} : memref<128x128xf32, #tpu.memory_space<vmem>>, vector<16xf32>,
          tpu.vector_store %arg16[%swap3A_585, %swap3A_586], %mul3A_584 {strides = array<i32>} : memref<128x128xf32, #tpu.memory_space<vmem>>, vector<16xf32>,
          %get3A_588 = arith.index_cast %add3A_535 : i32 to index
          %get3A_589 = arith.constant 112 : index
          %get3A_590 = tpu.vector_load %arg16[%get3A_588, %get3A_589] {strides = array<i32>} : memref<128x128xf32, #tpu.memory_space<vmem>>, vector<16xf32>,
          %mul3A_591 = arith.mulf %get3A_590, %gather3A_538 : vector<16xf32>
          %swap3A_592 = arith.index_cast %add3A_535 : i32 to index
          %swap3A_593 = arith.constant 112 : index
          %swap3A_594 = tpu.vector_load %arg16[%swap3A_592, %swap3A_593] {strides = array<i32>} : memref<128x128xf32, #tpu.memory_space<vmem>>, vector<16xf32>,
          tpu.vector_store %arg16[%swap3A_592, %swap3A_593], %mul3A_591 {strides = array<i32>} : memref<128x128xf32, #tpu.memory_space<vmem>>, vector<16xf32>,
        }
        %scan3A_331 = arith.constant 128 : i32
        %add3A_332 = arith.constant 1 : i32
        %add3A_333 = arith.addi %mul3A_263, %add3A_332 : i32
        %dma_start3A_334 = arith.constant 0 : i32
        %dma_start3A_335 = tpu.memref_slice %arg10[%add3A_333, %dma_start3A_334] : memref<8x128xi32, #tpu.memory_space<vmem>> -> memref<1x128xi32, #tpu.memory_space<vmem>>
        %dma_start3A_336 = tpu.memref_squeeze %dma_start3A_335 : memref<1x128xi32, #tpu.memory_space<vmem>> -> memref<128xi32, #tpu.memory_space<vmem>>
        %dma_start3A_337 = arith.constant 0 : i32
        %dma_start3A_338 = arith.constant 0 : i32
        %dma_start3A_339 = tpu.memref_slice %arg8[%dma_start3A_337, %dma_start3A_338] : memref<10240x128xf32, #tpu.memory_space<vmem_shared>> -> memref<10240x128xf32, #tpu.memory_space<vmem_shared>>
        tpu.enqueue_indirect_dma source(%arg16 : memref<128x128xf32, #tpu.memory_space<vmem>>) target(%dma_start3A_339 : memref<10240x128xf32, #tpu.memory_space<vmem_shared>>) offsets(%dma_start3A_336 : memref<128xi32, #tpu.memory_space<vmem>>) semaphore(%arg20 : memref<!tpu.dma_semaphore, #tpu.memory_space<semaphore_mem>>) {add = true}
      }
      %scan3A_85 = arith.constant 3 : i32
      %dma_wait3A_86 = arith.constant 6 : i32
      %dma_wait3A_87 = arith.constant 0 : i32
      %dma_wait3A_88 = tpu.memref_slice %arg9[%dma_wait3A_86, %dma_wait3A_87] : memref<8x128xi32, #tpu.memory_space<vmem>> -> memref<1x128xi32, #tpu.memory_space<vmem>>
      %dma_wait3A_89 = tpu.memref_squeeze %dma_wait3A_88 : memref<1x128xi32, #tpu.memory_space<vmem>> -> memref<128xi32, #tpu.memory_space<vmem>>
      %dma_wait3A_90 = arith.constant 0 : i32
      %dma_wait3A_91 = arith.constant 0 : i32
      %dma_wait3A_92 = tpu.memref_slice %arg5[%dma_wait3A_90, %dma_wait3A_91] : memref<10000x128xf32, #tpu.memory_space<hbm>> -> memref<10000x128xf32, #tpu.memory_space<hbm>>
      tpu.wait_indirect_dma semaphore(%arg17 : memref<!tpu.dma_semaphore, #tpu.memory_space<semaphore_mem>>) src(%dma_wait3A_92 : memref<10000x128xf32, #tpu.memory_space<hbm>>) dst(%arg15 : memref<128x128xf32, #tpu.memory_space<vmem>>)
      %dma_wait3A_93 = arith.constant 6 : i32
      %dma_wait3A_94 = arith.constant 0 : i32
      %dma_wait3A_95 = tpu.memref_slice %arg10[%dma_wait3A_93, %dma_wait3A_94] : memref<8x128xi32, #tpu.memory_space<vmem>> -> memref<1x128xi32, #tpu.memory_space<vmem>>
      %dma_wait3A_96 = tpu.memref_squeeze %dma_wait3A_95 : memref<1x128xi32, #tpu.memory_space<vmem>> -> memref<128xi32, #tpu.memory_space<vmem>>
      %dma_wait3A_97 = arith.constant 0 : i32
      %dma_wait3A_98 = arith.constant 0 : i32
      %dma_wait3A_99 = tpu.memref_slice %arg8[%dma_wait3A_97, %dma_wait3A_98] : memref<10240x128xf32, #tpu.memory_space<vmem_shared>> -> memref<10240x128xf32, #tpu.memory_space<vmem_shared>>
      tpu.wait_indirect_dma semaphore(%arg20 : memref<!tpu.dma_semaphore, #tpu.memory_space<semaphore_mem>>) src(%arg16 : memref<128x128xf32, #tpu.memory_space<vmem>>) dst(%dma_wait3A_99 : memref<10240x128xf32, #tpu.memory_space<vmem_shared>>)
      %eq3A_100 = arith.constant 0 : i32
      %eq3A_101 = arith.cmpi eq, %arg0, %eq3A_100 : i32
      %convert_element_type3A_102 = arith.extui %eq3A_101 : i1 to i32
      %cond3A_103 = arith.constant 0 : i32
      %cond3A_104 = arith.cmpi ne, %convert_element_type3A_102, %cond3A_103 : i32
      scf.if %cond3A_104 {
        %dma_start3A_257 = arith.constant 7 : i32
        %dma_start3A_258 = arith.constant 0 : i32
        %dma_start3A_259 = tpu.memref_slice %arg9[%dma_start3A_257, %dma_start3A_258] : memref<8x128xi32, #tpu.memory_space<vmem>> -> memref<1x128xi32, #tpu.memory_space<vmem>>
        %dma_start3A_260 = tpu.memref_squeeze %dma_start3A_259 : memref<1x128xi32, #tpu.memory_space<vmem>> -> memref<128xi32, #tpu.memory_space<vmem>>
        %dma_start3A_261 = arith.constant 0 : i32
        %dma_start3A_262 = arith.constant 0 : i32
        %dma_start3A_263 = tpu.memref_slice %arg5[%dma_start3A_261, %dma_start3A_262] : memref<10000x128xf32, #tpu.memory_space<hbm>> -> memref<10000x128xf32, #tpu.memory_space<hbm>>
        tpu.enqueue_indirect_dma source(%dma_start3A_263 : memref<10000x128xf32, #tpu.memory_space<hbm>>) target(%arg16 : memref<128x128xf32, #tpu.memory_space<vmem>>) offsets(%dma_start3A_260 : memref<128xi32, #tpu.memory_space<vmem>>) semaphore(%arg18 : memref<!tpu.dma_semaphore, #tpu.memory_space<semaphore_mem>>)
      } else {
      }
      %eq3A_105 = arith.constant 1 : i32
      %eq3A_106 = arith.cmpi eq, %arg0, %eq3A_105 : i32
      %convert_element_type3A_107 = arith.extui %eq3A_106 : i1 to i32
      %cond3A_108 = arith.constant 0 : i32
      %cond3A_109 = arith.cmpi ne, %convert_element_type3A_107, %cond3A_108 : i32
      scf.if %cond3A_109 {
        %dma_start3A_257 = arith.constant 7 : i32
        %dma_start3A_258 = arith.constant 0 : i32
        %dma_start3A_259 = tpu.memref_slice %arg9[%dma_start3A_257, %dma_start3A_258] : memref<8x128xi32, #tpu.memory_space<vmem>> -> memref<1x128xi32, #tpu.memory_space<vmem>>
        %dma_start3A_260 = tpu.memref_squeeze %dma_start3A_259 : memref<1x128xi32, #tpu.memory_space<vmem>> -> memref<128xi32, #tpu.memory_space<vmem>>
        %dma_start3A_261 = arith.constant 0 : i32
        %dma_start3A_262 = arith.constant 0 : i32
        %dma_start3A_263 = tpu.memref_slice %arg6[%dma_start3A_261, %dma_start3A_262] : memref<10000x128xf32, #tpu.memory_space<hbm>> -> memref<10000x128xf32, #tpu.memory_space<hbm>>
        tpu.enqueue_indirect_dma source(%dma_start3A_263 : memref<10000x128xf32, #tpu.memory_space<hbm>>) target(%arg16 : memref<128x128xf32, #tpu.memory_space<vmem>>) offsets(%dma_start3A_260 : memref<128xi32, #tpu.memory_space<vmem>>) semaphore(%arg18 : memref<!tpu.dma_semaphore, #tpu.memory_space<semaphore_mem>>)
      } else {
      }
      %scan3A_110 = arith.constant 0 : i32
      %scan3A_111 = arith.constant 128 : i32
      %scan3A_112 = arith.addi %scan3A_110, %scan3A_111 : i32
      %scan3A_113 = arith.constant 4 : i32
      scf.for %scan3A_257 = %scan3A_110 to %scan3A_112 step %scan3A_113  : i32 {
        %mul3A_258 = arith.constant 1 : i32
        %mul3A_259 = arith.muli %scan3A_257, %mul3A_258 : i32
        %add3A_260 = arith.constant 0 : i32
        %add3A_261 = arith.addi %add3A_260, %mul3A_259 : i32
        %broadcast_in_dim3A = arith.constant 6 : i32
        %broadcast_in_dim3A_262 = vector.broadcast %broadcast_in_dim3A : i32 to vector<16xi32>
        %broadcast_in_dim3A_263 = vector.broadcast %add3A_261 : i32 to vector<16xi32>
        %gather3A = tpu.vector_load_idx %arg11[%broadcast_in_dim3A_262, %broadcast_in_dim3A_263] : memref<8x128xf32, #tpu.memory_space<vmem>>[vector<16xi32>, vector<16xi32>], vector<16xf32>,
        %get3A = arith.index_cast %add3A_261 : i32 to index
        %get3A_264 = arith.constant 0 : index
        %get3A_265 = tpu.vector_load %arg15[%get3A, %get3A_264] {strides = array<i32>} : memref<128x128xf32, #tpu.memory_space<vmem>>, vector<16xf32>,
        %mul3A_266 = arith.mulf %get3A_265, %gather3A : vector<16xf32>
        %swap3A = arith.index_cast %add3A_261 : i32 to index
        %swap3A_267 = arith.constant 0 : index
        %swap3A_268 = tpu.vector_load %arg15[%swap3A, %swap3A_267] {strides = array<i32>} : memref<128x128xf32, #tpu.memory_space<vmem>>, vector<16xf32>,
        tpu.vector_store %arg15[%swap3A, %swap3A_267], %mul3A_266 {strides = array<i32>} : memref<128x128xf32, #tpu.memory_space<vmem>>, vector<16xf32>,
        %get3A_269 = arith.index_cast %add3A_261 : i32 to index
        %get3A_270 = arith.constant 16 : index
        %get3A_271 = tpu.vector_load %arg15[%get3A_269, %get3A_270] {strides = array<i32>} : memref<128x128xf32, #tpu.memory_space<vmem>>, vector<16xf32>,
        %mul3A_272 = arith.mulf %get3A_271, %gather3A : vector<16xf32>
        %swap3A_273 = arith.index_cast %add3A_261 : i32 to index
        %swap3A_274 = arith.constant 16 : index
        %swap3A_275 = tpu.vector_load %arg15[%swap3A_273, %swap3A_274] {strides = array<i32>} : memref<128x128xf32, #tpu.memory_space<vmem>>, vector<16xf32>,
        tpu.vector_store %arg15[%swap3A_273, %swap3A_274], %mul3A_272 {strides = array<i32>} : memref<128x128xf32, #tpu.memory_space<vmem>>, vector<16xf32>,
        %get3A_276 = arith.index_cast %add3A_261 : i32 to index
        %get3A_277 = arith.constant 32 : index
        %get3A_278 = tpu.vector_load %arg15[%get3A_276, %get3A_277] {strides = array<i32>} : memref<128x128xf32, #tpu.memory_space<vmem>>, vector<16xf32>,
        %mul3A_279 = arith.mulf %get3A_278, %gather3A : vector<16xf32>
        %swap3A_280 = arith.index_cast %add3A_261 : i32 to index
        %swap3A_281 = arith.constant 32 : index
        %swap3A_282 = tpu.vector_load %arg15[%swap3A_280, %swap3A_281] {strides = array<i32>} : memref<128x128xf32, #tpu.memory_space<vmem>>, vector<16xf32>,
        tpu.vector_store %arg15[%swap3A_280, %swap3A_281], %mul3A_279 {strides = array<i32>} : memref<128x128xf32, #tpu.memory_space<vmem>>, vector<16xf32>,
        %get3A_283 = arith.index_cast %add3A_261 : i32 to index
        %get3A_284 = arith.constant 48 : index
        %get3A_285 = tpu.vector_load %arg15[%get3A_283, %get3A_284] {strides = array<i32>} : memref<128x128xf32, #tpu.memory_space<vmem>>, vector<16xf32>,
        %mul3A_286 = arith.mulf %get3A_285, %gather3A : vector<16xf32>
        %swap3A_287 = arith.index_cast %add3A_261 : i32 to index
        %swap3A_288 = arith.constant 48 : index
        %swap3A_289 = tpu.vector_load %arg15[%swap3A_287, %swap3A_288] {strides = array<i32>} : memref<128x128xf32, #tpu.memory_space<vmem>>, vector<16xf32>,
        tpu.vector_store %arg15[%swap3A_287, %swap3A_288], %mul3A_286 {strides = array<i32>} : memref<128x128xf32, #tpu.memory_space<vmem>>, vector<16xf32>,
        %get3A_290 = arith.index_cast %add3A_261 : i32 to index
        %get3A_291 = arith.constant 64 : index
        %get3A_292 = tpu.vector_load %arg15[%get3A_290, %get3A_291] {strides = array<i32>} : memref<128x128xf32, #tpu.memory_space<vmem>>, vector<16xf32>,
        %mul3A_293 = arith.mulf %get3A_292, %gather3A : vector<16xf32>
        %swap3A_294 = arith.index_cast %add3A_261 : i32 to index
        %swap3A_295 = arith.constant 64 : index
        %swap3A_296 = tpu.vector_load %arg15[%swap3A_294, %swap3A_295] {strides = array<i32>} : memref<128x128xf32, #tpu.memory_space<vmem>>, vector<16xf32>,
        tpu.vector_store %arg15[%swap3A_294, %swap3A_295], %mul3A_293 {strides = array<i32>} : memref<128x128xf32, #tpu.memory_space<vmem>>, vector<16xf32>,
        %get3A_297 = arith.index_cast %add3A_261 : i32 to index
        %get3A_298 = arith.constant 80 : index
        %get3A_299 = tpu.vector_load %arg15[%get3A_297, %get3A_298] {strides = array<i32>} : memref<128x128xf32, #tpu.memory_space<vmem>>, vector<16xf32>,
        %mul3A_300 = arith.mulf %get3A_299, %gather3A : vector<16xf32>
        %swap3A_301 = arith.index_cast %add3A_261 : i32 to index
        %swap3A_302 = arith.constant 80 : index
        %swap3A_303 = tpu.vector_load %arg15[%swap3A_301, %swap3A_302] {strides = array<i32>} : memref<128x128xf32, #tpu.memory_space<vmem>>, vector<16xf32>,
        tpu.vector_store %arg15[%swap3A_301, %swap3A_302], %mul3A_300 {strides = array<i32>} : memref<128x128xf32, #tpu.memory_space<vmem>>, vector<16xf32>,
        %get3A_304 = arith.index_cast %add3A_261 : i32 to index
        %get3A_305 = arith.constant 96 : index
        %get3A_306 = tpu.vector_load %arg15[%get3A_304, %get3A_305] {strides = array<i32>} : memref<128x128xf32, #tpu.memory_space<vmem>>, vector<16xf32>,
        %mul3A_307 = arith.mulf %get3A_306, %gather3A : vector<16xf32>
        %swap3A_308 = arith.index_cast %add3A_261 : i32 to index
        %swap3A_309 = arith.constant 96 : index
        %swap3A_310 = tpu.vector_load %arg15[%swap3A_308, %swap3A_309] {strides = array<i32>} : memref<128x128xf32, #tpu.memory_space<vmem>>, vector<16xf32>,
        tpu.vector_store %arg15[%swap3A_308, %swap3A_309], %mul3A_307 {strides = array<i32>} : memref<128x128xf32, #tpu.memory_space<vmem>>, vector<16xf32>,
        %get3A_311 = arith.index_cast %add3A_261 : i32 to index
        %get3A_312 = arith.constant 112 : index
        %get3A_313 = tpu.vector_load %arg15[%get3A_311, %get3A_312] {strides = array<i32>} : memref<128x128xf32, #tpu.memory_space<vmem>>, vector<16xf32>,
        %mul3A_314 = arith.mulf %get3A_313, %gather3A : vector<16xf32>
        %swap3A_315 = arith.index_cast %add3A_261 : i32 to index
        %swap3A_316 = arith.constant 112 : index
        %swap3A_317 = tpu.vector_load %arg15[%swap3A_315, %swap3A_316] {strides = array<i32>} : memref<128x128xf32, #tpu.memory_space<vmem>>, vector<16xf32>,
        tpu.vector_store %arg15[%swap3A_315, %swap3A_316], %mul3A_314 {strides = array<i32>} : memref<128x128xf32, #tpu.memory_space<vmem>>, vector<16xf32>,
        %scan3A_318 = arith.constant 1 : i32
        %scan3A_319 = arith.addi %scan3A_257, %scan3A_318 : i32
        %mul3A_320 = arith.constant 1 : i32
        %mul3A_321 = arith.muli %scan3A_319, %mul3A_320 : i32
        %add3A_322 = arith.constant 0 : i32
        %add3A_323 = arith.addi %add3A_322, %mul3A_321 : i32
        %broadcast_in_dim3A_324 = arith.constant 6 : i32
        %broadcast_in_dim3A_325 = vector.broadcast %broadcast_in_dim3A_324 : i32 to vector<16xi32>
        %broadcast_in_dim3A_326 = vector.broadcast %add3A_323 : i32 to vector<16xi32>
        %gather3A_327 = tpu.vector_load_idx %arg11[%broadcast_in_dim3A_325, %broadcast_in_dim3A_326] : memref<8x128xf32, #tpu.memory_space<vmem>>[vector<16xi32>, vector<16xi32>], vector<16xf32>,
        %get3A_328 = arith.index_cast %add3A_323 : i32 to index
        %get3A_329 = arith.constant 0 : index
        %get3A_330 = tpu.vector_load %arg15[%get3A_328, %get3A_329] {strides = array<i32>} : memref<128x128xf32, #tpu.memory_space<vmem>>, vector<16xf32>,
        %mul3A_331 = arith.mulf %get3A_330, %gather3A_327 : vector<16xf32>
        %swap3A_332 = arith.index_cast %add3A_323 : i32 to index
        %swap3A_333 = arith.constant 0 : index
        %swap3A_334 = tpu.vector_load %arg15[%swap3A_332, %swap3A_333] {strides = array<i32>} : memref<128x128xf32, #tpu.memory_space<vmem>>, vector<16xf32>,
        tpu.vector_store %arg15[%swap3A_332, %swap3A_333], %mul3A_331 {strides = array<i32>} : memref<128x128xf32, #tpu.memory_space<vmem>>, vector<16xf32>,
        %get3A_335 = arith.index_cast %add3A_323 : i32 to index
        %get3A_336 = arith.constant 16 : index
        %get3A_337 = tpu.vector_load %arg15[%get3A_335, %get3A_336] {strides = array<i32>} : memref<128x128xf32, #tpu.memory_space<vmem>>, vector<16xf32>,
        %mul3A_338 = arith.mulf %get3A_337, %gather3A_327 : vector<16xf32>
        %swap3A_339 = arith.index_cast %add3A_323 : i32 to index
        %swap3A_340 = arith.constant 16 : index
        %swap3A_341 = tpu.vector_load %arg15[%swap3A_339, %swap3A_340] {strides = array<i32>} : memref<128x128xf32, #tpu.memory_space<vmem>>, vector<16xf32>,
        tpu.vector_store %arg15[%swap3A_339, %swap3A_340], %mul3A_338 {strides = array<i32>} : memref<128x128xf32, #tpu.memory_space<vmem>>, vector<16xf32>,
        %get3A_342 = arith.index_cast %add3A_323 : i32 to index
        %get3A_343 = arith.constant 32 : index
        %get3A_344 = tpu.vector_load %arg15[%get3A_342, %get3A_343] {strides = array<i32>} : memref<128x128xf32, #tpu.memory_space<vmem>>, vector<16xf32>,
        %mul3A_345 = arith.mulf %get3A_344, %gather3A_327 : vector<16xf32>
        %swap3A_346 = arith.index_cast %add3A_323 : i32 to index
        %swap3A_347 = arith.constant 32 : index
        %swap3A_348 = tpu.vector_load %arg15[%swap3A_346, %swap3A_347] {strides = array<i32>} : memref<128x128xf32, #tpu.memory_space<vmem>>, vector<16xf32>,
        tpu.vector_store %arg15[%swap3A_346, %swap3A_347], %mul3A_345 {strides = array<i32>} : memref<128x128xf32, #tpu.memory_space<vmem>>, vector<16xf32>,
        %get3A_349 = arith.index_cast %add3A_323 : i32 to index
        %get3A_350 = arith.constant 48 : index
        %get3A_351 = tpu.vector_load %arg15[%get3A_349, %get3A_350] {strides = array<i32>} : memref<128x128xf32, #tpu.memory_space<vmem>>, vector<16xf32>,
        %mul3A_352 = arith.mulf %get3A_351, %gather3A_327 : vector<16xf32>
        %swap3A_353 = arith.index_cast %add3A_323 : i32 to index
        %swap3A_354 = arith.constant 48 : index
        %swap3A_355 = tpu.vector_load %arg15[%swap3A_353, %swap3A_354] {strides = array<i32>} : memref<128x128xf32, #tpu.memory_space<vmem>>, vector<16xf32>,
        tpu.vector_store %arg15[%swap3A_353, %swap3A_354], %mul3A_352 {strides = array<i32>} : memref<128x128xf32, #tpu.memory_space<vmem>>, vector<16xf32>,
        %get3A_356 = arith.index_cast %add3A_323 : i32 to index
        %get3A_357 = arith.constant 64 : index
        %get3A_358 = tpu.vector_load %arg15[%get3A_356, %get3A_357] {strides = array<i32>} : memref<128x128xf32, #tpu.memory_space<vmem>>, vector<16xf32>,
        %mul3A_359 = arith.mulf %get3A_358, %gather3A_327 : vector<16xf32>
        %swap3A_360 = arith.index_cast %add3A_323 : i32 to index
        %swap3A_361 = arith.constant 64 : index
        %swap3A_362 = tpu.vector_load %arg15[%swap3A_360, %swap3A_361] {strides = array<i32>} : memref<128x128xf32, #tpu.memory_space<vmem>>, vector<16xf32>,
        tpu.vector_store %arg15[%swap3A_360, %swap3A_361], %mul3A_359 {strides = array<i32>} : memref<128x128xf32, #tpu.memory_space<vmem>>, vector<16xf32>,
        %get3A_363 = arith.index_cast %add3A_323 : i32 to index
        %get3A_364 = arith.constant 80 : index
        %get3A_365 = tpu.vector_load %arg15[%get3A_363, %get3A_364] {strides = array<i32>} : memref<128x128xf32, #tpu.memory_space<vmem>>, vector<16xf32>,
        %mul3A_366 = arith.mulf %get3A_365, %gather3A_327 : vector<16xf32>
        %swap3A_367 = arith.index_cast %add3A_323 : i32 to index
        %swap3A_368 = arith.constant 80 : index
        %swap3A_369 = tpu.vector_load %arg15[%swap3A_367, %swap3A_368] {strides = array<i32>} : memref<128x128xf32, #tpu.memory_space<vmem>>, vector<16xf32>,
        tpu.vector_store %arg15[%swap3A_367, %swap3A_368], %mul3A_366 {strides = array<i32>} : memref<128x128xf32, #tpu.memory_space<vmem>>, vector<16xf32>,
        %get3A_370 = arith.index_cast %add3A_323 : i32 to index
        %get3A_371 = arith.constant 96 : index
        %get3A_372 = tpu.vector_load %arg15[%get3A_370, %get3A_371] {strides = array<i32>} : memref<128x128xf32, #tpu.memory_space<vmem>>, vector<16xf32>,
        %mul3A_373 = arith.mulf %get3A_372, %gather3A_327 : vector<16xf32>
        %swap3A_374 = arith.index_cast %add3A_323 : i32 to index
        %swap3A_375 = arith.constant 96 : index
        %swap3A_376 = tpu.vector_load %arg15[%swap3A_374, %swap3A_375] {strides = array<i32>} : memref<128x128xf32, #tpu.memory_space<vmem>>, vector<16xf32>,
        tpu.vector_store %arg15[%swap3A_374, %swap3A_375], %mul3A_373 {strides = array<i32>} : memref<128x128xf32, #tpu.memory_space<vmem>>, vector<16xf32>,
        %get3A_377 = arith.index_cast %add3A_323 : i32 to index
        %get3A_378 = arith.constant 112 : index
        %get3A_379 = tpu.vector_load %arg15[%get3A_377, %get3A_378] {strides = array<i32>} : memref<128x128xf32, #tpu.memory_space<vmem>>, vector<16xf32>,
        %mul3A_380 = arith.mulf %get3A_379, %gather3A_327 : vector<16xf32>
        %swap3A_381 = arith.index_cast %add3A_323 : i32 to index
        %swap3A_382 = arith.constant 112 : index
        %swap3A_383 = tpu.vector_load %arg15[%swap3A_381, %swap3A_382] {strides = array<i32>} : memref<128x128xf32, #tpu.memory_space<vmem>>, vector<16xf32>,
        tpu.vector_store %arg15[%swap3A_381, %swap3A_382], %mul3A_380 {strides = array<i32>} : memref<128x128xf32, #tpu.memory_space<vmem>>, vector<16xf32>,
        %scan3A_384 = arith.constant 2 : i32
        %scan3A_385 = arith.addi %scan3A_257, %scan3A_384 : i32
        %mul3A_386 = arith.constant 1 : i32
        %mul3A_387 = arith.muli %scan3A_385, %mul3A_386 : i32
        %add3A_388 = arith.constant 0 : i32
        %add3A_389 = arith.addi %add3A_388, %mul3A_387 : i32
        %broadcast_in_dim3A_390 = arith.constant 6 : i32
        %broadcast_in_dim3A_391 = vector.broadcast %broadcast_in_dim3A_390 : i32 to vector<16xi32>
        %broadcast_in_dim3A_392 = vector.broadcast %add3A_389 : i32 to vector<16xi32>
        %gather3A_393 = tpu.vector_load_idx %arg11[%broadcast_in_dim3A_391, %broadcast_in_dim3A_392] : memref<8x128xf32, #tpu.memory_space<vmem>>[vector<16xi32>, vector<16xi32>], vector<16xf32>,
        %get3A_394 = arith.index_cast %add3A_389 : i32 to index
        %get3A_395 = arith.constant 0 : index
        %get3A_396 = tpu.vector_load %arg15[%get3A_394, %get3A_395] {strides = array<i32>} : memref<128x128xf32, #tpu.memory_space<vmem>>, vector<16xf32>,
        %mul3A_397 = arith.mulf %get3A_396, %gather3A_393 : vector<16xf32>
        %swap3A_398 = arith.index_cast %add3A_389 : i32 to index
        %swap3A_399 = arith.constant 0 : index
        %swap3A_400 = tpu.vector_load %arg15[%swap3A_398, %swap3A_399] {strides = array<i32>} : memref<128x128xf32, #tpu.memory_space<vmem>>, vector<16xf32>,
        tpu.vector_store %arg15[%swap3A_398, %swap3A_399], %mul3A_397 {strides = array<i32>} : memref<128x128xf32, #tpu.memory_space<vmem>>, vector<16xf32>,
        %get3A_401 = arith.index_cast %add3A_389 : i32 to index
        %get3A_402 = arith.constant 16 : index
        %get3A_403 = tpu.vector_load %arg15[%get3A_401, %get3A_402] {strides = array<i32>} : memref<128x128xf32, #tpu.memory_space<vmem>>, vector<16xf32>,
        %mul3A_404 = arith.mulf %get3A_403, %gather3A_393 : vector<16xf32>
        %swap3A_405 = arith.index_cast %add3A_389 : i32 to index
        %swap3A_406 = arith.constant 16 : index
        %swap3A_407 = tpu.vector_load %arg15[%swap3A_405, %swap3A_406] {strides = array<i32>} : memref<128x128xf32, #tpu.memory_space<vmem>>, vector<16xf32>,
        tpu.vector_store %arg15[%swap3A_405, %swap3A_406], %mul3A_404 {strides = array<i32>} : memref<128x128xf32, #tpu.memory_space<vmem>>, vector<16xf32>,
        %get3A_408 = arith.index_cast %add3A_389 : i32 to index
        %get3A_409 = arith.constant 32 : index
        %get3A_410 = tpu.vector_load %arg15[%get3A_408, %get3A_409] {strides = array<i32>} : memref<128x128xf32, #tpu.memory_space<vmem>>, vector<16xf32>,
        %mul3A_411 = arith.mulf %get3A_410, %gather3A_393 : vector<16xf32>
        %swap3A_412 = arith.index_cast %add3A_389 : i32 to index
        %swap3A_413 = arith.constant 32 : index
        %swap3A_414 = tpu.vector_load %arg15[%swap3A_412, %swap3A_413] {strides = array<i32>} : memref<128x128xf32, #tpu.memory_space<vmem>>, vector<16xf32>,
        tpu.vector_store %arg15[%swap3A_412, %swap3A_413], %mul3A_411 {strides = array<i32>} : memref<128x128xf32, #tpu.memory_space<vmem>>, vector<16xf32>,
        %get3A_415 = arith.index_cast %add3A_389 : i32 to index
        %get3A_416 = arith.constant 48 : index
        %get3A_417 = tpu.vector_load %arg15[%get3A_415, %get3A_416] {strides = array<i32>} : memref<128x128xf32, #tpu.memory_space<vmem>>, vector<16xf32>,
        %mul3A_418 = arith.mulf %get3A_417, %gather3A_393 : vector<16xf32>
        %swap3A_419 = arith.index_cast %add3A_389 : i32 to index
        %swap3A_420 = arith.constant 48 : index
        %swap3A_421 = tpu.vector_load %arg15[%swap3A_419, %swap3A_420] {strides = array<i32>} : memref<128x128xf32, #tpu.memory_space<vmem>>, vector<16xf32>,
        tpu.vector_store %arg15[%swap3A_419, %swap3A_420], %mul3A_418 {strides = array<i32>} : memref<128x128xf32, #tpu.memory_space<vmem>>, vector<16xf32>,
        %get3A_422 = arith.index_cast %add3A_389 : i32 to index
        %get3A_423 = arith.constant 64 : index
        %get3A_424 = tpu.vector_load %arg15[%get3A_422, %get3A_423] {strides = array<i32>} : memref<128x128xf32, #tpu.memory_space<vmem>>, vector<16xf32>,
        %mul3A_425 = arith.mulf %get3A_424, %gather3A_393 : vector<16xf32>
        %swap3A_426 = arith.index_cast %add3A_389 : i32 to index
        %swap3A_427 = arith.constant 64 : index
        %swap3A_428 = tpu.vector_load %arg15[%swap3A_426, %swap3A_427] {strides = array<i32>} : memref<128x128xf32, #tpu.memory_space<vmem>>, vector<16xf32>,
        tpu.vector_store %arg15[%swap3A_426, %swap3A_427], %mul3A_425 {strides = array<i32>} : memref<128x128xf32, #tpu.memory_space<vmem>>, vector<16xf32>,
        %get3A_429 = arith.index_cast %add3A_389 : i32 to index
        %get3A_430 = arith.constant 80 : index
        %get3A_431 = tpu.vector_load %arg15[%get3A_429, %get3A_430] {strides = array<i32>} : memref<128x128xf32, #tpu.memory_space<vmem>>, vector<16xf32>,
        %mul3A_432 = arith.mulf %get3A_431, %gather3A_393 : vector<16xf32>
        %swap3A_433 = arith.index_cast %add3A_389 : i32 to index
        %swap3A_434 = arith.constant 80 : index
        %swap3A_435 = tpu.vector_load %arg15[%swap3A_433, %swap3A_434] {strides = array<i32>} : memref<128x128xf32, #tpu.memory_space<vmem>>, vector<16xf32>,
        tpu.vector_store %arg15[%swap3A_433, %swap3A_434], %mul3A_432 {strides = array<i32>} : memref<128x128xf32, #tpu.memory_space<vmem>>, vector<16xf32>,
        %get3A_436 = arith.index_cast %add3A_389 : i32 to index
        %get3A_437 = arith.constant 96 : index
        %get3A_438 = tpu.vector_load %arg15[%get3A_436, %get3A_437] {strides = array<i32>} : memref<128x128xf32, #tpu.memory_space<vmem>>, vector<16xf32>,
        %mul3A_439 = arith.mulf %get3A_438, %gather3A_393 : vector<16xf32>
        %swap3A_440 = arith.index_cast %add3A_389 : i32 to index
        %swap3A_441 = arith.constant 96 : index
        %swap3A_442 = tpu.vector_load %arg15[%swap3A_440, %swap3A_441] {strides = array<i32>} : memref<128x128xf32, #tpu.memory_space<vmem>>, vector<16xf32>,
        tpu.vector_store %arg15[%swap3A_440, %swap3A_441], %mul3A_439 {strides = array<i32>} : memref<128x128xf32, #tpu.memory_space<vmem>>, vector<16xf32>,
        %get3A_443 = arith.index_cast %add3A_389 : i32 to index
        %get3A_444 = arith.constant 112 : index
        %get3A_445 = tpu.vector_load %arg15[%get3A_443, %get3A_444] {strides = array<i32>} : memref<128x128xf32, #tpu.memory_space<vmem>>, vector<16xf32>,
        %mul3A_446 = arith.mulf %get3A_445, %gather3A_393 : vector<16xf32>
        %swap3A_447 = arith.index_cast %add3A_389 : i32 to index
        %swap3A_448 = arith.constant 112 : index
        %swap3A_449 = tpu.vector_load %arg15[%swap3A_447, %swap3A_448] {strides = array<i32>} : memref<128x128xf32, #tpu.memory_space<vmem>>, vector<16xf32>,
        tpu.vector_store %arg15[%swap3A_447, %swap3A_448], %mul3A_446 {strides = array<i32>} : memref<128x128xf32, #tpu.memory_space<vmem>>, vector<16xf32>,
        %scan3A_450 = arith.constant 3 : i32
        %scan3A_451 = arith.addi %scan3A_257, %scan3A_450 : i32
        %mul3A_452 = arith.constant 1 : i32
        %mul3A_453 = arith.muli %scan3A_451, %mul3A_452 : i32
        %add3A_454 = arith.constant 0 : i32
        %add3A_455 = arith.addi %add3A_454, %mul3A_453 : i32
        %broadcast_in_dim3A_456 = arith.constant 6 : i32
        %broadcast_in_dim3A_457 = vector.broadcast %broadcast_in_dim3A_456 : i32 to vector<16xi32>
        %broadcast_in_dim3A_458 = vector.broadcast %add3A_455 : i32 to vector<16xi32>
        %gather3A_459 = tpu.vector_load_idx %arg11[%broadcast_in_dim3A_457, %broadcast_in_dim3A_458] : memref<8x128xf32, #tpu.memory_space<vmem>>[vector<16xi32>, vector<16xi32>], vector<16xf32>,
        %get3A_460 = arith.index_cast %add3A_455 : i32 to index
        %get3A_461 = arith.constant 0 : index
        %get3A_462 = tpu.vector_load %arg15[%get3A_460, %get3A_461] {strides = array<i32>} : memref<128x128xf32, #tpu.memory_space<vmem>>, vector<16xf32>,
        %mul3A_463 = arith.mulf %get3A_462, %gather3A_459 : vector<16xf32>
        %swap3A_464 = arith.index_cast %add3A_455 : i32 to index
        %swap3A_465 = arith.constant 0 : index
        %swap3A_466 = tpu.vector_load %arg15[%swap3A_464, %swap3A_465] {strides = array<i32>} : memref<128x128xf32, #tpu.memory_space<vmem>>, vector<16xf32>,
        tpu.vector_store %arg15[%swap3A_464, %swap3A_465], %mul3A_463 {strides = array<i32>} : memref<128x128xf32, #tpu.memory_space<vmem>>, vector<16xf32>,
        %get3A_467 = arith.index_cast %add3A_455 : i32 to index
        %get3A_468 = arith.constant 16 : index
        %get3A_469 = tpu.vector_load %arg15[%get3A_467, %get3A_468] {strides = array<i32>} : memref<128x128xf32, #tpu.memory_space<vmem>>, vector<16xf32>,
        %mul3A_470 = arith.mulf %get3A_469, %gather3A_459 : vector<16xf32>
        %swap3A_471 = arith.index_cast %add3A_455 : i32 to index
        %swap3A_472 = arith.constant 16 : index
        %swap3A_473 = tpu.vector_load %arg15[%swap3A_471, %swap3A_472] {strides = array<i32>} : memref<128x128xf32, #tpu.memory_space<vmem>>, vector<16xf32>,
        tpu.vector_store %arg15[%swap3A_471, %swap3A_472], %mul3A_470 {strides = array<i32>} : memref<128x128xf32, #tpu.memory_space<vmem>>, vector<16xf32>,
        %get3A_474 = arith.index_cast %add3A_455 : i32 to index
        %get3A_475 = arith.constant 32 : index
        %get3A_476 = tpu.vector_load %arg15[%get3A_474, %get3A_475] {strides = array<i32>} : memref<128x128xf32, #tpu.memory_space<vmem>>, vector<16xf32>,
        %mul3A_477 = arith.mulf %get3A_476, %gather3A_459 : vector<16xf32>
        %swap3A_478 = arith.index_cast %add3A_455 : i32 to index
        %swap3A_479 = arith.constant 32 : index
        %swap3A_480 = tpu.vector_load %arg15[%swap3A_478, %swap3A_479] {strides = array<i32>} : memref<128x128xf32, #tpu.memory_space<vmem>>, vector<16xf32>,
        tpu.vector_store %arg15[%swap3A_478, %swap3A_479], %mul3A_477 {strides = array<i32>} : memref<128x128xf32, #tpu.memory_space<vmem>>, vector<16xf32>,
        %get3A_481 = arith.index_cast %add3A_455 : i32 to index
        %get3A_482 = arith.constant 48 : index
        %get3A_483 = tpu.vector_load %arg15[%get3A_481, %get3A_482] {strides = array<i32>} : memref<128x128xf32, #tpu.memory_space<vmem>>, vector<16xf32>,
        %mul3A_484 = arith.mulf %get3A_483, %gather3A_459 : vector<16xf32>
        %swap3A_485 = arith.index_cast %add3A_455 : i32 to index
        %swap3A_486 = arith.constant 48 : index
        %swap3A_487 = tpu.vector_load %arg15[%swap3A_485, %swap3A_486] {strides = array<i32>} : memref<128x128xf32, #tpu.memory_space<vmem>>, vector<16xf32>,
        tpu.vector_store %arg15[%swap3A_485, %swap3A_486], %mul3A_484 {strides = array<i32>} : memref<128x128xf32, #tpu.memory_space<vmem>>, vector<16xf32>,
        %get3A_488 = arith.index_cast %add3A_455 : i32 to index
        %get3A_489 = arith.constant 64 : index
        %get3A_490 = tpu.vector_load %arg15[%get3A_488, %get3A_489] {strides = array<i32>} : memref<128x128xf32, #tpu.memory_space<vmem>>, vector<16xf32>,
        %mul3A_491 = arith.mulf %get3A_490, %gather3A_459 : vector<16xf32>
        %swap3A_492 = arith.index_cast %add3A_455 : i32 to index
        %swap3A_493 = arith.constant 64 : index
        %swap3A_494 = tpu.vector_load %arg15[%swap3A_492, %swap3A_493] {strides = array<i32>} : memref<128x128xf32, #tpu.memory_space<vmem>>, vector<16xf32>,
        tpu.vector_store %arg15[%swap3A_492, %swap3A_493], %mul3A_491 {strides = array<i32>} : memref<128x128xf32, #tpu.memory_space<vmem>>, vector<16xf32>,
        %get3A_495 = arith.index_cast %add3A_455 : i32 to index
        %get3A_496 = arith.constant 80 : index
        %get3A_497 = tpu.vector_load %arg15[%get3A_495, %get3A_496] {strides = array<i32>} : memref<128x128xf32, #tpu.memory_space<vmem>>, vector<16xf32>,
        %mul3A_498 = arith.mulf %get3A_497, %gather3A_459 : vector<16xf32>
        %swap3A_499 = arith.index_cast %add3A_455 : i32 to index
        %swap3A_500 = arith.constant 80 : index
        %swap3A_501 = tpu.vector_load %arg15[%swap3A_499, %swap3A_500] {strides = array<i32>} : memref<128x128xf32, #tpu.memory_space<vmem>>, vector<16xf32>,
        tpu.vector_store %arg15[%swap3A_499, %swap3A_500], %mul3A_498 {strides = array<i32>} : memref<128x128xf32, #tpu.memory_space<vmem>>, vector<16xf32>,
        %get3A_502 = arith.index_cast %add3A_455 : i32 to index
        %get3A_503 = arith.constant 96 : index
        %get3A_504 = tpu.vector_load %arg15[%get3A_502, %get3A_503] {strides = array<i32>} : memref<128x128xf32, #tpu.memory_space<vmem>>, vector<16xf32>,
        %mul3A_505 = arith.mulf %get3A_504, %gather3A_459 : vector<16xf32>
        %swap3A_506 = arith.index_cast %add3A_455 : i32 to index
        %swap3A_507 = arith.constant 96 : index
        %swap3A_508 = tpu.vector_load %arg15[%swap3A_506, %swap3A_507] {strides = array<i32>} : memref<128x128xf32, #tpu.memory_space<vmem>>, vector<16xf32>,
        tpu.vector_store %arg15[%swap3A_506, %swap3A_507], %mul3A_505 {strides = array<i32>} : memref<128x128xf32, #tpu.memory_space<vmem>>, vector<16xf32>,
        %get3A_509 = arith.index_cast %add3A_455 : i32 to index
        %get3A_510 = arith.constant 112 : index
        %get3A_511 = tpu.vector_load %arg15[%get3A_509, %get3A_510] {strides = array<i32>} : memref<128x128xf32, #tpu.memory_space<vmem>>, vector<16xf32>,
        %mul3A_512 = arith.mulf %get3A_511, %gather3A_459 : vector<16xf32>
        %swap3A_513 = arith.index_cast %add3A_455 : i32 to index
        %swap3A_514 = arith.constant 112 : index
        %swap3A_515 = tpu.vector_load %arg15[%swap3A_513, %swap3A_514] {strides = array<i32>} : memref<128x128xf32, #tpu.memory_space<vmem>>, vector<16xf32>,
        tpu.vector_store %arg15[%swap3A_513, %swap3A_514], %mul3A_512 {strides = array<i32>} : memref<128x128xf32, #tpu.memory_space<vmem>>, vector<16xf32>,
      }
      %scan3A_114 = arith.constant 128 : i32
      %dma_start3A_115 = arith.constant 6 : i32
      %dma_start3A_116 = arith.constant 0 : i32
      %dma_start3A_117 = tpu.memref_slice %arg10[%dma_start3A_115, %dma_start3A_116] : memref<8x128xi32, #tpu.memory_space<vmem>> -> memref<1x128xi32, #tpu.memory_space<vmem>>
      %dma_start3A_118 = tpu.memref_squeeze %dma_start3A_117 : memref<1x128xi32, #tpu.memory_space<vmem>> -> memref<128xi32, #tpu.memory_space<vmem>>
      %dma_start3A_119 = arith.constant 0 : i32
      %dma_start3A_120 = arith.constant 0 : i32
      %dma_start3A_121 = tpu.memref_slice %arg8[%dma_start3A_119, %dma_start3A_120] : memref<10240x128xf32, #tpu.memory_space<vmem_shared>> -> memref<10240x128xf32, #tpu.memory_space<vmem_shared>>
      tpu.enqueue_indirect_dma source(%arg15 : memref<128x128xf32, #tpu.memory_space<vmem>>) target(%dma_start3A_121 : memref<10240x128xf32, #tpu.memory_space<vmem_shared>>) offsets(%dma_start3A_118 : memref<128xi32, #tpu.memory_space<vmem>>) semaphore(%arg19 : memref<!tpu.dma_semaphore, #tpu.memory_space<semaphore_mem>>) {add = true}
      %dma_wait3A_122 = arith.constant 7 : i32
      %dma_wait3A_123 = arith.constant 0 : i32
      %dma_wait3A_124 = tpu.memref_slice %arg9[%dma_wait3A_122, %dma_wait3A_123] : memref<8x128xi32, #tpu.memory_space<vmem>> -> memref<1x128xi32, #tpu.memory_space<vmem>>
      %dma_wait3A_125 = tpu.memref_squeeze %dma_wait3A_124 : memref<1x128xi32, #tpu.memory_space<vmem>> -> memref<128xi32, #tpu.memory_space<vmem>>
      %dma_wait3A_126 = arith.constant 0 : i32
      %dma_wait3A_127 = arith.constant 0 : i32
      %dma_wait3A_128 = tpu.memref_slice %arg5[%dma_wait3A_126, %dma_wait3A_127] : memref<10000x128xf32, #tpu.memory_space<hbm>> -> memref<10000x128xf32, #tpu.memory_space<hbm>>
      tpu.wait_indirect_dma semaphore(%arg18 : memref<!tpu.dma_semaphore, #tpu.memory_space<semaphore_mem>>) src(%dma_wait3A_128 : memref<10000x128xf32, #tpu.memory_space<hbm>>) dst(%arg16 : memref<128x128xf32, #tpu.memory_space<vmem>>)
      %dma_wait3A_129 = arith.constant 6 : i32
      %dma_wait3A_130 = arith.constant 0 : i32
      %dma_wait3A_131 = tpu.memref_slice %arg10[%dma_wait3A_129, %dma_wait3A_130] : memref<8x128xi32, #tpu.memory_space<vmem>> -> memref<1x128xi32, #tpu.memory_space<vmem>>
      %dma_wait3A_132 = tpu.memref_squeeze %dma_wait3A_131 : memref<1x128xi32, #tpu.memory_space<vmem>> -> memref<128xi32, #tpu.memory_space<vmem>>
      %dma_wait3A_133 = arith.constant 0 : i32
      %dma_wait3A_134 = arith.constant 0 : i32
      %dma_wait3A_135 = tpu.memref_slice %arg8[%dma_wait3A_133, %dma_wait3A_134] : memref<10240x128xf32, #tpu.memory_space<vmem_shared>> -> memref<10240x128xf32, #tpu.memory_space<vmem_shared>>
      tpu.wait_indirect_dma semaphore(%arg19 : memref<!tpu.dma_semaphore, #tpu.memory_space<semaphore_mem>>) src(%arg15 : memref<128x128xf32, #tpu.memory_space<vmem>>) dst(%dma_wait3A_135 : memref<10240x128xf32, #tpu.memory_space<vmem_shared>>)
      %mul3A_136 = arith.constant 8 : i32
      %mul3A_137 = arith.muli %add3A_59, %mul3A_136 : i32
      %add3A_138 = arith.addi %mul3A_2, %mul3A_137 : i32
      %dma_wait3A_139 = arith.constant 0 : i32
      %dma_wait3A_140 = tpu.memref_slice %arg2[%add3A_138, %dma_wait3A_139] : memref<2560x128xi32, #tpu.memory_space<hbm>> -> memref<8x128xi32, #tpu.memory_space<hbm>>
      %dma_wait3A_141 = arith.constant 0 : i32
      %dma_wait3A_142 = tpu.memref_slice %arg2[%add3A_138, %dma_wait3A_141] : memref<2560x128xi32, #tpu.memory_space<hbm>> -> memref<8x128xi32, #tpu.memory_space<hbm>>
      tpu.wait_dma2 semaphore(%arg21 : memref<!tpu.dma_semaphore, #tpu.memory_space<semaphore_mem>>) src(%dma_wait3A_142 : memref<8x128xi32, #tpu.memory_space<hbm>>) dst(%arg12 : memref<8x128xi32, #tpu.memory_space<vmem>>)
      %mul3A_143 = arith.constant 8 : i32
      %mul3A_144 = arith.muli %add3A_59, %mul3A_143 : i32
      %add3A_145 = arith.addi %mul3A_2, %mul3A_144 : i32
      %dma_wait3A_146 = arith.constant 0 : i32
      %dma_wait3A_147 = tpu.memref_slice %arg3[%add3A_145, %dma_wait3A_146] : memref<2560x128xi32, #tpu.memory_space<hbm>> -> memref<8x128xi32, #tpu.memory_space<hbm>>
      %dma_wait3A_148 = arith.constant 0 : i32
      %dma_wait3A_149 = tpu.memref_slice %arg3[%add3A_145, %dma_wait3A_148] : memref<2560x128xi32, #tpu.memory_space<hbm>> -> memref<8x128xi32, #tpu.memory_space<hbm>>
      tpu.wait_dma2 semaphore(%arg21 : memref<!tpu.dma_semaphore, #tpu.memory_space<semaphore_mem>>) src(%dma_wait3A_149 : memref<8x128xi32, #tpu.memory_space<hbm>>) dst(%arg13 : memref<8x128xi32, #tpu.memory_space<vmem>>)
      %mul3A_150 = arith.constant 8 : i32
      %mul3A_151 = arith.muli %add3A_59, %mul3A_150 : i32
      %add3A_152 = arith.addi %mul3A_2, %mul3A_151 : i32
      %dma_wait3A_153 = arith.constant 0 : i32
      %dma_wait3A_154 = tpu.memref_slice %arg4[%add3A_152, %dma_wait3A_153] : memref<2560x128xf32, #tpu.memory_space<hbm>> -> memref<8x128xf32, #tpu.memory_space<hbm>>
      %dma_wait3A_155 = arith.constant 0 : i32
      %dma_wait3A_156 = tpu.memref_slice %arg4[%add3A_152, %dma_wait3A_155] : memref<2560x128xf32, #tpu.memory_space<hbm>> -> memref<8x128xf32, #tpu.memory_space<hbm>>
      tpu.wait_dma2 semaphore(%arg21 : memref<!tpu.dma_semaphore, #tpu.memory_space<semaphore_mem>>) src(%dma_wait3A_156 : memref<8x128xf32, #tpu.memory_space<hbm>>) dst(%arg14 : memref<8x128xf32, #tpu.memory_space<vmem>>)
      %eq3A_157 = arith.constant 0 : i32
      %eq3A_158 = arith.cmpi eq, %arg0, %eq3A_157 : i32
      %convert_element_type3A_159 = arith.extui %eq3A_158 : i1 to i32
      %cond3A_160 = arith.constant 0 : i32
      %cond3A_161 = arith.cmpi ne, %convert_element_type3A_159, %cond3A_160 : i32
      scf.if %cond3A_161 {
        %dma_start3A_257 = arith.constant 0 : i32
        %dma_start3A_258 = arith.constant 0 : i32
        %dma_start3A_259 = tpu.memref_slice %arg12[%dma_start3A_257, %dma_start3A_258] : memref<8x128xi32, #tpu.memory_space<vmem>> -> memref<1x128xi32, #tpu.memory_space<vmem>>
        %dma_start3A_260 = tpu.memref_squeeze %dma_start3A_259 : memref<1x128xi32, #tpu.memory_space<vmem>> -> memref<128xi32, #tpu.memory_space<vmem>>
        %dma_start3A_261 = arith.constant 0 : i32
        %dma_start3A_262 = arith.constant 0 : i32
        %dma_start3A_263 = tpu.memref_slice %arg5[%dma_start3A_261, %dma_start3A_262] : memref<10000x128xf32, #tpu.memory_space<hbm>> -> memref<10000x128xf32, #tpu.memory_space<hbm>>
        tpu.enqueue_indirect_dma source(%dma_start3A_263 : memref<10000x128xf32, #tpu.memory_space<hbm>>) target(%arg15 : memref<128x128xf32, #tpu.memory_space<vmem>>) offsets(%dma_start3A_260 : memref<128xi32, #tpu.memory_space<vmem>>) semaphore(%arg17 : memref<!tpu.dma_semaphore, #tpu.memory_space<semaphore_mem>>)
      } else {
      }
      %eq3A_162 = arith.constant 1 : i32
      %eq3A_163 = arith.cmpi eq, %arg0, %eq3A_162 : i32
      %convert_element_type3A_164 = arith.extui %eq3A_163 : i1 to i32
      %cond3A_165 = arith.constant 0 : i32
      %cond3A_166 = arith.cmpi ne, %convert_element_type3A_164, %cond3A_165 : i32
      scf.if %cond3A_166 {
        %dma_start3A_257 = arith.constant 0 : i32
        %dma_start3A_258 = arith.constant 0 : i32
        %dma_start3A_259 = tpu.memref_slice %arg12[%dma_start3A_257, %dma_start3A_258] : memref<8x128xi32, #tpu.memory_space<vmem>> -> memref<1x128xi32, #tpu.memory_space<vmem>>
        %dma_start3A_260 = tpu.memref_squeeze %dma_start3A_259 : memref<1x128xi32, #tpu.memory_space<vmem>> -> memref<128xi32, #tpu.memory_space<vmem>>
        %dma_start3A_261 = arith.constant 0 : i32
        %dma_start3A_262 = arith.constant 0 : i32
        %dma_start3A_263 = tpu.memref_slice %arg6[%dma_start3A_261, %dma_start3A_262] : memref<10000x128xf32, #tpu.memory_space<hbm>> -> memref<10000x128xf32, #tpu.memory_space<hbm>>
        tpu.enqueue_indirect_dma source(%dma_start3A_263 : memref<10000x128xf32, #tpu.memory_space<hbm>>) target(%arg15 : memref<128x128xf32, #tpu.memory_space<vmem>>) offsets(%dma_start3A_260 : memref<128xi32, #tpu.memory_space<vmem>>) semaphore(%arg17 : memref<!tpu.dma_semaphore, #tpu.memory_space<semaphore_mem>>)
      } else {
      }
      %scan3A_167 = arith.constant 0 : i32
      %scan3A_168 = arith.constant 128 : i32
      %scan3A_169 = arith.addi %scan3A_167, %scan3A_168 : i32
      %scan3A_170 = arith.constant 4 : i32
      scf.for %scan3A_257 = %scan3A_167 to %scan3A_169 step %scan3A_170  : i32 {
        %mul3A_258 = arith.constant 1 : i32
        %mul3A_259 = arith.muli %scan3A_257, %mul3A_258 : i32
        %add3A_260 = arith.constant 0 : i32
        %add3A_261 = arith.addi %add3A_260, %mul3A_259 : i32
        %broadcast_in_dim3A = arith.constant 7 : i32
        %broadcast_in_dim3A_262 = vector.broadcast %broadcast_in_dim3A : i32 to vector<16xi32>
        %broadcast_in_dim3A_263 = vector.broadcast %add3A_261 : i32 to vector<16xi32>
        %gather3A = tpu.vector_load_idx %arg11[%broadcast_in_dim3A_262, %broadcast_in_dim3A_263] : memref<8x128xf32, #tpu.memory_space<vmem>>[vector<16xi32>, vector<16xi32>], vector<16xf32>,
        %get3A = arith.index_cast %add3A_261 : i32 to index
        %get3A_264 = arith.constant 0 : index
        %get3A_265 = tpu.vector_load %arg16[%get3A, %get3A_264] {strides = array<i32>} : memref<128x128xf32, #tpu.memory_space<vmem>>, vector<16xf32>,
        %mul3A_266 = arith.mulf %get3A_265, %gather3A : vector<16xf32>
        %swap3A = arith.index_cast %add3A_261 : i32 to index
        %swap3A_267 = arith.constant 0 : index
        %swap3A_268 = tpu.vector_load %arg16[%swap3A, %swap3A_267] {strides = array<i32>} : memref<128x128xf32, #tpu.memory_space<vmem>>, vector<16xf32>,
        tpu.vector_store %arg16[%swap3A, %swap3A_267], %mul3A_266 {strides = array<i32>} : memref<128x128xf32, #tpu.memory_space<vmem>>, vector<16xf32>,
        %get3A_269 = arith.index_cast %add3A_261 : i32 to index
        %get3A_270 = arith.constant 16 : index
        %get3A_271 = tpu.vector_load %arg16[%get3A_269, %get3A_270] {strides = array<i32>} : memref<128x128xf32, #tpu.memory_space<vmem>>, vector<16xf32>,
        %mul3A_272 = arith.mulf %get3A_271, %gather3A : vector<16xf32>
        %swap3A_273 = arith.index_cast %add3A_261 : i32 to index
        %swap3A_274 = arith.constant 16 : index
        %swap3A_275 = tpu.vector_load %arg16[%swap3A_273, %swap3A_274] {strides = array<i32>} : memref<128x128xf32, #tpu.memory_space<vmem>>, vector<16xf32>,
        tpu.vector_store %arg16[%swap3A_273, %swap3A_274], %mul3A_272 {strides = array<i32>} : memref<128x128xf32, #tpu.memory_space<vmem>>, vector<16xf32>,
        %get3A_276 = arith.index_cast %add3A_261 : i32 to index
        %get3A_277 = arith.constant 32 : index
        %get3A_278 = tpu.vector_load %arg16[%get3A_276, %get3A_277] {strides = array<i32>} : memref<128x128xf32, #tpu.memory_space<vmem>>, vector<16xf32>,
        %mul3A_279 = arith.mulf %get3A_278, %gather3A : vector<16xf32>
        %swap3A_280 = arith.index_cast %add3A_261 : i32 to index
        %swap3A_281 = arith.constant 32 : index
        %swap3A_282 = tpu.vector_load %arg16[%swap3A_280, %swap3A_281] {strides = array<i32>} : memref<128x128xf32, #tpu.memory_space<vmem>>, vector<16xf32>,
        tpu.vector_store %arg16[%swap3A_280, %swap3A_281], %mul3A_279 {strides = array<i32>} : memref<128x128xf32, #tpu.memory_space<vmem>>, vector<16xf32>,
        %get3A_283 = arith.index_cast %add3A_261 : i32 to index
        %get3A_284 = arith.constant 48 : index
        %get3A_285 = tpu.vector_load %arg16[%get3A_283, %get3A_284] {strides = array<i32>} : memref<128x128xf32, #tpu.memory_space<vmem>>, vector<16xf32>,
        %mul3A_286 = arith.mulf %get3A_285, %gather3A : vector<16xf32>
        %swap3A_287 = arith.index_cast %add3A_261 : i32 to index
        %swap3A_288 = arith.constant 48 : index
        %swap3A_289 = tpu.vector_load %arg16[%swap3A_287, %swap3A_288] {strides = array<i32>} : memref<128x128xf32, #tpu.memory_space<vmem>>, vector<16xf32>,
        tpu.vector_store %arg16[%swap3A_287, %swap3A_288], %mul3A_286 {strides = array<i32>} : memref<128x128xf32, #tpu.memory_space<vmem>>, vector<16xf32>,
        %get3A_290 = arith.index_cast %add3A_261 : i32 to index
        %get3A_291 = arith.constant 64 : index
        %get3A_292 = tpu.vector_load %arg16[%get3A_290, %get3A_291] {strides = array<i32>} : memref<128x128xf32, #tpu.memory_space<vmem>>, vector<16xf32>,
        %mul3A_293 = arith.mulf %get3A_292, %gather3A : vector<16xf32>
        %swap3A_294 = arith.index_cast %add3A_261 : i32 to index
        %swap3A_295 = arith.constant 64 : index
        %swap3A_296 = tpu.vector_load %arg16[%swap3A_294, %swap3A_295] {strides = array<i32>} : memref<128x128xf32, #tpu.memory_space<vmem>>, vector<16xf32>,
        tpu.vector_store %arg16[%swap3A_294, %swap3A_295], %mul3A_293 {strides = array<i32>} : memref<128x128xf32, #tpu.memory_space<vmem>>, vector<16xf32>,
        %get3A_297 = arith.index_cast %add3A_261 : i32 to index
        %get3A_298 = arith.constant 80 : index
        %get3A_299 = tpu.vector_load %arg16[%get3A_297, %get3A_298] {strides = array<i32>} : memref<128x128xf32, #tpu.memory_space<vmem>>, vector<16xf32>,
        %mul3A_300 = arith.mulf %get3A_299, %gather3A : vector<16xf32>
        %swap3A_301 = arith.index_cast %add3A_261 : i32 to index
        %swap3A_302 = arith.constant 80 : index
        %swap3A_303 = tpu.vector_load %arg16[%swap3A_301, %swap3A_302] {strides = array<i32>} : memref<128x128xf32, #tpu.memory_space<vmem>>, vector<16xf32>,
        tpu.vector_store %arg16[%swap3A_301, %swap3A_302], %mul3A_300 {strides = array<i32>} : memref<128x128xf32, #tpu.memory_space<vmem>>, vector<16xf32>,
        %get3A_304 = arith.index_cast %add3A_261 : i32 to index
        %get3A_305 = arith.constant 96 : index
        %get3A_306 = tpu.vector_load %arg16[%get3A_304, %get3A_305] {strides = array<i32>} : memref<128x128xf32, #tpu.memory_space<vmem>>, vector<16xf32>,
        %mul3A_307 = arith.mulf %get3A_306, %gather3A : vector<16xf32>
        %swap3A_308 = arith.index_cast %add3A_261 : i32 to index
        %swap3A_309 = arith.constant 96 : index
        %swap3A_310 = tpu.vector_load %arg16[%swap3A_308, %swap3A_309] {strides = array<i32>} : memref<128x128xf32, #tpu.memory_space<vmem>>, vector<16xf32>,
        tpu.vector_store %arg16[%swap3A_308, %swap3A_309], %mul3A_307 {strides = array<i32>} : memref<128x128xf32, #tpu.memory_space<vmem>>, vector<16xf32>,
        %get3A_311 = arith.index_cast %add3A_261 : i32 to index
        %get3A_312 = arith.constant 112 : index
        %get3A_313 = tpu.vector_load %arg16[%get3A_311, %get3A_312] {strides = array<i32>} : memref<128x128xf32, #tpu.memory_space<vmem>>, vector<16xf32>,
        %mul3A_314 = arith.mulf %get3A_313, %gather3A : vector<16xf32>
        %swap3A_315 = arith.index_cast %add3A_261 : i32 to index
        %swap3A_316 = arith.constant 112 : index
        %swap3A_317 = tpu.vector_load %arg16[%swap3A_315, %swap3A_316] {strides = array<i32>} : memref<128x128xf32, #tpu.memory_space<vmem>>, vector<16xf32>,
        tpu.vector_store %arg16[%swap3A_315, %swap3A_316], %mul3A_314 {strides = array<i32>} : memref<128x128xf32, #tpu.memory_space<vmem>>, vector<16xf32>,
        %scan3A_318 = arith.constant 1 : i32
        %scan3A_319 = arith.addi %scan3A_257, %scan3A_318 : i32
        %mul3A_320 = arith.constant 1 : i32
        %mul3A_321 = arith.muli %scan3A_319, %mul3A_320 : i32
        %add3A_322 = arith.constant 0 : i32
        %add3A_323 = arith.addi %add3A_322, %mul3A_321 : i32
        %broadcast_in_dim3A_324 = arith.constant 7 : i32
        %broadcast_in_dim3A_325 = vector.broadcast %broadcast_in_dim3A_324 : i32 to vector<16xi32>
        %broadcast_in_dim3A_326 = vector.broadcast %add3A_323 : i32 to vector<16xi32>
        %gather3A_327 = tpu.vector_load_idx %arg11[%broadcast_in_dim3A_325, %broadcast_in_dim3A_326] : memref<8x128xf32, #tpu.memory_space<vmem>>[vector<16xi32>, vector<16xi32>], vector<16xf32>,
        %get3A_328 = arith.index_cast %add3A_323 : i32 to index
        %get3A_329 = arith.constant 0 : index
        %get3A_330 = tpu.vector_load %arg16[%get3A_328, %get3A_329] {strides = array<i32>} : memref<128x128xf32, #tpu.memory_space<vmem>>, vector<16xf32>,
        %mul3A_331 = arith.mulf %get3A_330, %gather3A_327 : vector<16xf32>
        %swap3A_332 = arith.index_cast %add3A_323 : i32 to index
        %swap3A_333 = arith.constant 0 : index
        %swap3A_334 = tpu.vector_load %arg16[%swap3A_332, %swap3A_333] {strides = array<i32>} : memref<128x128xf32, #tpu.memory_space<vmem>>, vector<16xf32>,
        tpu.vector_store %arg16[%swap3A_332, %swap3A_333], %mul3A_331 {strides = array<i32>} : memref<128x128xf32, #tpu.memory_space<vmem>>, vector<16xf32>,
        %get3A_335 = arith.index_cast %add3A_323 : i32 to index
        %get3A_336 = arith.constant 16 : index
        %get3A_337 = tpu.vector_load %arg16[%get3A_335, %get3A_336] {strides = array<i32>} : memref<128x128xf32, #tpu.memory_space<vmem>>, vector<16xf32>,
        %mul3A_338 = arith.mulf %get3A_337, %gather3A_327 : vector<16xf32>
        %swap3A_339 = arith.index_cast %add3A_323 : i32 to index
        %swap3A_340 = arith.constant 16 : index
        %swap3A_341 = tpu.vector_load %arg16[%swap3A_339, %swap3A_340] {strides = array<i32>} : memref<128x128xf32, #tpu.memory_space<vmem>>, vector<16xf32>,
        tpu.vector_store %arg16[%swap3A_339, %swap3A_340], %mul3A_338 {strides = array<i32>} : memref<128x128xf32, #tpu.memory_space<vmem>>, vector<16xf32>,
        %get3A_342 = arith.index_cast %add3A_323 : i32 to index
        %get3A_343 = arith.constant 32 : index
        %get3A_344 = tpu.vector_load %arg16[%get3A_342, %get3A_343] {strides = array<i32>} : memref<128x128xf32, #tpu.memory_space<vmem>>, vector<16xf32>,
        %mul3A_345 = arith.mulf %get3A_344, %gather3A_327 : vector<16xf32>
        %swap3A_346 = arith.index_cast %add3A_323 : i32 to index
        %swap3A_347 = arith.constant 32 : index
        %swap3A_348 = tpu.vector_load %arg16[%swap3A_346, %swap3A_347] {strides = array<i32>} : memref<128x128xf32, #tpu.memory_space<vmem>>, vector<16xf32>,
        tpu.vector_store %arg16[%swap3A_346, %swap3A_347], %mul3A_345 {strides = array<i32>} : memref<128x128xf32, #tpu.memory_space<vmem>>, vector<16xf32>,
        %get3A_349 = arith.index_cast %add3A_323 : i32 to index
        %get3A_350 = arith.constant 48 : index
        %get3A_351 = tpu.vector_load %arg16[%get3A_349, %get3A_350] {strides = array<i32>} : memref<128x128xf32, #tpu.memory_space<vmem>>, vector<16xf32>,
        %mul3A_352 = arith.mulf %get3A_351, %gather3A_327 : vector<16xf32>
        %swap3A_353 = arith.index_cast %add3A_323 : i32 to index
        %swap3A_354 = arith.constant 48 : index
        %swap3A_355 = tpu.vector_load %arg16[%swap3A_353, %swap3A_354] {strides = array<i32>} : memref<128x128xf32, #tpu.memory_space<vmem>>, vector<16xf32>,
        tpu.vector_store %arg16[%swap3A_353, %swap3A_354], %mul3A_352 {strides = array<i32>} : memref<128x128xf32, #tpu.memory_space<vmem>>, vector<16xf32>,
        %get3A_356 = arith.index_cast %add3A_323 : i32 to index
        %get3A_357 = arith.constant 64 : index
        %get3A_358 = tpu.vector_load %arg16[%get3A_356, %get3A_357] {strides = array<i32>} : memref<128x128xf32, #tpu.memory_space<vmem>>, vector<16xf32>,
        %mul3A_359 = arith.mulf %get3A_358, %gather3A_327 : vector<16xf32>
        %swap3A_360 = arith.index_cast %add3A_323 : i32 to index
        %swap3A_361 = arith.constant 64 : index
        %swap3A_362 = tpu.vector_load %arg16[%swap3A_360, %swap3A_361] {strides = array<i32>} : memref<128x128xf32, #tpu.memory_space<vmem>>, vector<16xf32>,
        tpu.vector_store %arg16[%swap3A_360, %swap3A_361], %mul3A_359 {strides = array<i32>} : memref<128x128xf32, #tpu.memory_space<vmem>>, vector<16xf32>,
        %get3A_363 = arith.index_cast %add3A_323 : i32 to index
        %get3A_364 = arith.constant 80 : index
        %get3A_365 = tpu.vector_load %arg16[%get3A_363, %get3A_364] {strides = array<i32>} : memref<128x128xf32, #tpu.memory_space<vmem>>, vector<16xf32>,
        %mul3A_366 = arith.mulf %get3A_365, %gather3A_327 : vector<16xf32>
        %swap3A_367 = arith.index_cast %add3A_323 : i32 to index
        %swap3A_368 = arith.constant 80 : index
        %swap3A_369 = tpu.vector_load %arg16[%swap3A_367, %swap3A_368] {strides = array<i32>} : memref<128x128xf32, #tpu.memory_space<vmem>>, vector<16xf32>,
        tpu.vector_store %arg16[%swap3A_367, %swap3A_368], %mul3A_366 {strides = array<i32>} : memref<128x128xf32, #tpu.memory_space<vmem>>, vector<16xf32>,
        %get3A_370 = arith.index_cast %add3A_323 : i32 to index
        %get3A_371 = arith.constant 96 : index
        %get3A_372 = tpu.vector_load %arg16[%get3A_370, %get3A_371] {strides = array<i32>} : memref<128x128xf32, #tpu.memory_space<vmem>>, vector<16xf32>,
        %mul3A_373 = arith.mulf %get3A_372, %gather3A_327 : vector<16xf32>
        %swap3A_374 = arith.index_cast %add3A_323 : i32 to index
        %swap3A_375 = arith.constant 96 : index
        %swap3A_376 = tpu.vector_load %arg16[%swap3A_374, %swap3A_375] {strides = array<i32>} : memref<128x128xf32, #tpu.memory_space<vmem>>, vector<16xf32>,
        tpu.vector_store %arg16[%swap3A_374, %swap3A_375], %mul3A_373 {strides = array<i32>} : memref<128x128xf32, #tpu.memory_space<vmem>>, vector<16xf32>,
        %get3A_377 = arith.index_cast %add3A_323 : i32 to index
        %get3A_378 = arith.constant 112 : index
        %get3A_379 = tpu.vector_load %arg16[%get3A_377, %get3A_378] {strides = array<i32>} : memref<128x128xf32, #tpu.memory_space<vmem>>, vector<16xf32>,
        %mul3A_380 = arith.mulf %get3A_379, %gather3A_327 : vector<16xf32>
        %swap3A_381 = arith.index_cast %add3A_323 : i32 to index
        %swap3A_382 = arith.constant 112 : index
        %swap3A_383 = tpu.vector_load %arg16[%swap3A_381, %swap3A_382] {strides = array<i32>} : memref<128x128xf32, #tpu.memory_space<vmem>>, vector<16xf32>,
        tpu.vector_store %arg16[%swap3A_381, %swap3A_382], %mul3A_380 {strides = array<i32>} : memref<128x128xf32, #tpu.memory_space<vmem>>, vector<16xf32>,
        %scan3A_384 = arith.constant 2 : i32
        %scan3A_385 = arith.addi %scan3A_257, %scan3A_384 : i32
        %mul3A_386 = arith.constant 1 : i32
        %mul3A_387 = arith.muli %scan3A_385, %mul3A_386 : i32
        %add3A_388 = arith.constant 0 : i32
        %add3A_389 = arith.addi %add3A_388, %mul3A_387 : i32
        %broadcast_in_dim3A_390 = arith.constant 7 : i32
        %broadcast_in_dim3A_391 = vector.broadcast %broadcast_in_dim3A_390 : i32 to vector<16xi32>
        %broadcast_in_dim3A_392 = vector.broadcast %add3A_389 : i32 to vector<16xi32>
        %gather3A_393 = tpu.vector_load_idx %arg11[%broadcast_in_dim3A_391, %broadcast_in_dim3A_392] : memref<8x128xf32, #tpu.memory_space<vmem>>[vector<16xi32>, vector<16xi32>], vector<16xf32>,
        %get3A_394 = arith.index_cast %add3A_389 : i32 to index
        %get3A_395 = arith.constant 0 : index
        %get3A_396 = tpu.vector_load %arg16[%get3A_394, %get3A_395] {strides = array<i32>} : memref<128x128xf32, #tpu.memory_space<vmem>>, vector<16xf32>,
        %mul3A_397 = arith.mulf %get3A_396, %gather3A_393 : vector<16xf32>
        %swap3A_398 = arith.index_cast %add3A_389 : i32 to index
        %swap3A_399 = arith.constant 0 : index
        %swap3A_400 = tpu.vector_load %arg16[%swap3A_398, %swap3A_399] {strides = array<i32>} : memref<128x128xf32, #tpu.memory_space<vmem>>, vector<16xf32>,
        tpu.vector_store %arg16[%swap3A_398, %swap3A_399], %mul3A_397 {strides = array<i32>} : memref<128x128xf32, #tpu.memory_space<vmem>>, vector<16xf32>,
        %get3A_401 = arith.index_cast %add3A_389 : i32 to index
        %get3A_402 = arith.constant 16 : index
        %get3A_403 = tpu.vector_load %arg16[%get3A_401, %get3A_402] {strides = array<i32>} : memref<128x128xf32, #tpu.memory_space<vmem>>, vector<16xf32>,
        %mul3A_404 = arith.mulf %get3A_403, %gather3A_393 : vector<16xf32>
        %swap3A_405 = arith.index_cast %add3A_389 : i32 to index
        %swap3A_406 = arith.constant 16 : index
        %swap3A_407 = tpu.vector_load %arg16[%swap3A_405, %swap3A_406] {strides = array<i32>} : memref<128x128xf32, #tpu.memory_space<vmem>>, vector<16xf32>,
        tpu.vector_store %arg16[%swap3A_405, %swap3A_406], %mul3A_404 {strides = array<i32>} : memref<128x128xf32, #tpu.memory_space<vmem>>, vector<16xf32>,
        %get3A_408 = arith.index_cast %add3A_389 : i32 to index
        %get3A_409 = arith.constant 32 : index
        %get3A_410 = tpu.vector_load %arg16[%get3A_408, %get3A_409] {strides = array<i32>} : memref<128x128xf32, #tpu.memory_space<vmem>>, vector<16xf32>,
        %mul3A_411 = arith.mulf %get3A_410, %gather3A_393 : vector<16xf32>
        %swap3A_412 = arith.index_cast %add3A_389 : i32 to index
        %swap3A_413 = arith.constant 32 : index
        %swap3A_414 = tpu.vector_load %arg16[%swap3A_412, %swap3A_413] {strides = array<i32>} : memref<128x128xf32, #tpu.memory_space<vmem>>, vector<16xf32>,
        tpu.vector_store %arg16[%swap3A_412, %swap3A_413], %mul3A_411 {strides = array<i32>} : memref<128x128xf32, #tpu.memory_space<vmem>>, vector<16xf32>,
        %get3A_415 = arith.index_cast %add3A_389 : i32 to index
        %get3A_416 = arith.constant 48 : index
        %get3A_417 = tpu.vector_load %arg16[%get3A_415, %get3A_416] {strides = array<i32>} : memref<128x128xf32, #tpu.memory_space<vmem>>, vector<16xf32>,
        %mul3A_418 = arith.mulf %get3A_417, %gather3A_393 : vector<16xf32>
        %swap3A_419 = arith.index_cast %add3A_389 : i32 to index
        %swap3A_420 = arith.constant 48 : index
        %swap3A_421 = tpu.vector_load %arg16[%swap3A_419, %swap3A_420] {strides = array<i32>} : memref<128x128xf32, #tpu.memory_space<vmem>>, vector<16xf32>,
        tpu.vector_store %arg16[%swap3A_419, %swap3A_420], %mul3A_418 {strides = array<i32>} : memref<128x128xf32, #tpu.memory_space<vmem>>, vector<16xf32>,
        %get3A_422 = arith.index_cast %add3A_389 : i32 to index
        %get3A_423 = arith.constant 64 : index
        %get3A_424 = tpu.vector_load %arg16[%get3A_422, %get3A_423] {strides = array<i32>} : memref<128x128xf32, #tpu.memory_space<vmem>>, vector<16xf32>,
        %mul3A_425 = arith.mulf %get3A_424, %gather3A_393 : vector<16xf32>
        %swap3A_426 = arith.index_cast %add3A_389 : i32 to index
        %swap3A_427 = arith.constant 64 : index
        %swap3A_428 = tpu.vector_load %arg16[%swap3A_426, %swap3A_427] {strides = array<i32>} : memref<128x128xf32, #tpu.memory_space<vmem>>, vector<16xf32>,
        tpu.vector_store %arg16[%swap3A_426, %swap3A_427], %mul3A_425 {strides = array<i32>} : memref<128x128xf32, #tpu.memory_space<vmem>>, vector<16xf32>,
        %get3A_429 = arith.index_cast %add3A_389 : i32 to index
        %get3A_430 = arith.constant 80 : index
        %get3A_431 = tpu.vector_load %arg16[%get3A_429, %get3A_430] {strides = array<i32>} : memref<128x128xf32, #tpu.memory_space<vmem>>, vector<16xf32>,
        %mul3A_432 = arith.mulf %get3A_431, %gather3A_393 : vector<16xf32>
        %swap3A_433 = arith.index_cast %add3A_389 : i32 to index
        %swap3A_434 = arith.constant 80 : index
        %swap3A_435 = tpu.vector_load %arg16[%swap3A_433, %swap3A_434] {strides = array<i32>} : memref<128x128xf32, #tpu.memory_space<vmem>>, vector<16xf32>,
        tpu.vector_store %arg16[%swap3A_433, %swap3A_434], %mul3A_432 {strides = array<i32>} : memref<128x128xf32, #tpu.memory_space<vmem>>, vector<16xf32>,
        %get3A_436 = arith.index_cast %add3A_389 : i32 to index
        %get3A_437 = arith.constant 96 : index
        %get3A_438 = tpu.vector_load %arg16[%get3A_436, %get3A_437] {strides = array<i32>} : memref<128x128xf32, #tpu.memory_space<vmem>>, vector<16xf32>,
        %mul3A_439 = arith.mulf %get3A_438, %gather3A_393 : vector<16xf32>
        %swap3A_440 = arith.index_cast %add3A_389 : i32 to index
        %swap3A_441 = arith.constant 96 : index
        %swap3A_442 = tpu.vector_load %arg16[%swap3A_440, %swap3A_441] {strides = array<i32>} : memref<128x128xf32, #tpu.memory_space<vmem>>, vector<16xf32>,
        tpu.vector_store %arg16[%swap3A_440, %swap3A_441], %mul3A_439 {strides = array<i32>} : memref<128x128xf32, #tpu.memory_space<vmem>>, vector<16xf32>,
        %get3A_443 = arith.index_cast %add3A_389 : i32 to index
        %get3A_444 = arith.constant 112 : index
        %get3A_445 = tpu.vector_load %arg16[%get3A_443, %get3A_444] {strides = array<i32>} : memref<128x128xf32, #tpu.memory_space<vmem>>, vector<16xf32>,
        %mul3A_446 = arith.mulf %get3A_445, %gather3A_393 : vector<16xf32>
        %swap3A_447 = arith.index_cast %add3A_389 : i32 to index
        %swap3A_448 = arith.constant 112 : index
        %swap3A_449 = tpu.vector_load %arg16[%swap3A_447, %swap3A_448] {strides = array<i32>} : memref<128x128xf32, #tpu.memory_space<vmem>>, vector<16xf32>,
        tpu.vector_store %arg16[%swap3A_447, %swap3A_448], %mul3A_446 {strides = array<i32>} : memref<128x128xf32, #tpu.memory_space<vmem>>, vector<16xf32>,
        %scan3A_450 = arith.constant 3 : i32
        %scan3A_451 = arith.addi %scan3A_257, %scan3A_450 : i32
        %mul3A_452 = arith.constant 1 : i32
        %mul3A_453 = arith.muli %scan3A_451, %mul3A_452 : i32
        %add3A_454 = arith.constant 0 : i32
        %add3A_455 = arith.addi %add3A_454, %mul3A_453 : i32
        %broadcast_in_dim3A_456 = arith.constant 7 : i32
        %broadcast_in_dim3A_457 = vector.broadcast %broadcast_in_dim3A_456 : i32 to vector<16xi32>
        %broadcast_in_dim3A_458 = vector.broadcast %add3A_455 : i32 to vector<16xi32>
        %gather3A_459 = tpu.vector_load_idx %arg11[%broadcast_in_dim3A_457, %broadcast_in_dim3A_458] : memref<8x128xf32, #tpu.memory_space<vmem>>[vector<16xi32>, vector<16xi32>], vector<16xf32>,
        %get3A_460 = arith.index_cast %add3A_455 : i32 to index
        %get3A_461 = arith.constant 0 : index
        %get3A_462 = tpu.vector_load %arg16[%get3A_460, %get3A_461] {strides = array<i32>} : memref<128x128xf32, #tpu.memory_space<vmem>>, vector<16xf32>,
        %mul3A_463 = arith.mulf %get3A_462, %gather3A_459 : vector<16xf32>
        %swap3A_464 = arith.index_cast %add3A_455 : i32 to index
        %swap3A_465 = arith.constant 0 : index
        %swap3A_466 = tpu.vector_load %arg16[%swap3A_464, %swap3A_465] {strides = array<i32>} : memref<128x128xf32, #tpu.memory_space<vmem>>, vector<16xf32>,
        tpu.vector_store %arg16[%swap3A_464, %swap3A_465], %mul3A_463 {strides = array<i32>} : memref<128x128xf32, #tpu.memory_space<vmem>>, vector<16xf32>,
        %get3A_467 = arith.index_cast %add3A_455 : i32 to index
        %get3A_468 = arith.constant 16 : index
        %get3A_469 = tpu.vector_load %arg16[%get3A_467, %get3A_468] {strides = array<i32>} : memref<128x128xf32, #tpu.memory_space<vmem>>, vector<16xf32>,
        %mul3A_470 = arith.mulf %get3A_469, %gather3A_459 : vector<16xf32>
        %swap3A_471 = arith.index_cast %add3A_455 : i32 to index
        %swap3A_472 = arith.constant 16 : index
        %swap3A_473 = tpu.vector_load %arg16[%swap3A_471, %swap3A_472] {strides = array<i32>} : memref<128x128xf32, #tpu.memory_space<vmem>>, vector<16xf32>,
        tpu.vector_store %arg16[%swap3A_471, %swap3A_472], %mul3A_470 {strides = array<i32>} : memref<128x128xf32, #tpu.memory_space<vmem>>, vector<16xf32>,
        %get3A_474 = arith.index_cast %add3A_455 : i32 to index
        %get3A_475 = arith.constant 32 : index
        %get3A_476 = tpu.vector_load %arg16[%get3A_474, %get3A_475] {strides = array<i32>} : memref<128x128xf32, #tpu.memory_space<vmem>>, vector<16xf32>,
        %mul3A_477 = arith.mulf %get3A_476, %gather3A_459 : vector<16xf32>
        %swap3A_478 = arith.index_cast %add3A_455 : i32 to index
        %swap3A_479 = arith.constant 32 : index
        %swap3A_480 = tpu.vector_load %arg16[%swap3A_478, %swap3A_479] {strides = array<i32>} : memref<128x128xf32, #tpu.memory_space<vmem>>, vector<16xf32>,
        tpu.vector_store %arg16[%swap3A_478, %swap3A_479], %mul3A_477 {strides = array<i32>} : memref<128x128xf32, #tpu.memory_space<vmem>>, vector<16xf32>,
        %get3A_481 = arith.index_cast %add3A_455 : i32 to index
        %get3A_482 = arith.constant 48 : index
        %get3A_483 = tpu.vector_load %arg16[%get3A_481, %get3A_482] {strides = array<i32>} : memref<128x128xf32, #tpu.memory_space<vmem>>, vector<16xf32>,
        %mul3A_484 = arith.mulf %get3A_483, %gather3A_459 : vector<16xf32>
        %swap3A_485 = arith.index_cast %add3A_455 : i32 to index
        %swap3A_486 = arith.constant 48 : index
        %swap3A_487 = tpu.vector_load %arg16[%swap3A_485, %swap3A_486] {strides = array<i32>} : memref<128x128xf32, #tpu.memory_space<vmem>>, vector<16xf32>,
        tpu.vector_store %arg16[%swap3A_485, %swap3A_486], %mul3A_484 {strides = array<i32>} : memref<128x128xf32, #tpu.memory_space<vmem>>, vector<16xf32>,
        %get3A_488 = arith.index_cast %add3A_455 : i32 to index
        %get3A_489 = arith.constant 64 : index
        %get3A_490 = tpu.vector_load %arg16[%get3A_488, %get3A_489] {strides = array<i32>} : memref<128x128xf32, #tpu.memory_space<vmem>>, vector<16xf32>,
        %mul3A_491 = arith.mulf %get3A_490, %gather3A_459 : vector<16xf32>
        %swap3A_492 = arith.index_cast %add3A_455 : i32 to index
        %swap3A_493 = arith.constant 64 : index
        %swap3A_494 = tpu.vector_load %arg16[%swap3A_492, %swap3A_493] {strides = array<i32>} : memref<128x128xf32, #tpu.memory_space<vmem>>, vector<16xf32>,
        tpu.vector_store %arg16[%swap3A_492, %swap3A_493], %mul3A_491 {strides = array<i32>} : memref<128x128xf32, #tpu.memory_space<vmem>>, vector<16xf32>,
        %get3A_495 = arith.index_cast %add3A_455 : i32 to index
        %get3A_496 = arith.constant 80 : index
        %get3A_497 = tpu.vector_load %arg16[%get3A_495, %get3A_496] {strides = array<i32>} : memref<128x128xf32, #tpu.memory_space<vmem>>, vector<16xf32>,
        %mul3A_498 = arith.mulf %get3A_497, %gather3A_459 : vector<16xf32>
        %swap3A_499 = arith.index_cast %add3A_455 : i32 to index
        %swap3A_500 = arith.constant 80 : index
        %swap3A_501 = tpu.vector_load %arg16[%swap3A_499, %swap3A_500] {strides = array<i32>} : memref<128x128xf32, #tpu.memory_space<vmem>>, vector<16xf32>,
        tpu.vector_store %arg16[%swap3A_499, %swap3A_500], %mul3A_498 {strides = array<i32>} : memref<128x128xf32, #tpu.memory_space<vmem>>, vector<16xf32>,
        %get3A_502 = arith.index_cast %add3A_455 : i32 to index
        %get3A_503 = arith.constant 96 : index
        %get3A_504 = tpu.vector_load %arg16[%get3A_502, %get3A_503] {strides = array<i32>} : memref<128x128xf32, #tpu.memory_space<vmem>>, vector<16xf32>,
        %mul3A_505 = arith.mulf %get3A_504, %gather3A_459 : vector<16xf32>
        %swap3A_506 = arith.index_cast %add3A_455 : i32 to index
        %swap3A_507 = arith.constant 96 : index
        %swap3A_508 = tpu.vector_load %arg16[%swap3A_506, %swap3A_507] {strides = array<i32>} : memref<128x128xf32, #tpu.memory_space<vmem>>, vector<16xf32>,
        tpu.vector_store %arg16[%swap3A_506, %swap3A_507], %mul3A_505 {strides = array<i32>} : memref<128x128xf32, #tpu.memory_space<vmem>>, vector<16xf32>,
        %get3A_509 = arith.index_cast %add3A_455 : i32 to index
        %get3A_510 = arith.constant 112 : index
        %get3A_511 = tpu.vector_load %arg16[%get3A_509, %get3A_510] {strides = array<i32>} : memref<128x128xf32, #tpu.memory_space<vmem>>, vector<16xf32>,
        %mul3A_512 = arith.mulf %get3A_511, %gather3A_459 : vector<16xf32>
        %swap3A_513 = arith.index_cast %add3A_455 : i32 to index
        %swap3A_514 = arith.constant 112 : index
        %swap3A_515 = tpu.vector_load %arg16[%swap3A_513, %swap3A_514] {strides = array<i32>} : memref<128x128xf32, #tpu.memory_space<vmem>>, vector<16xf32>,
        tpu.vector_store %arg16[%swap3A_513, %swap3A_514], %mul3A_512 {strides = array<i32>} : memref<128x128xf32, #tpu.memory_space<vmem>>, vector<16xf32>,
      }
      %scan3A_171 = arith.constant 128 : i32
      %dma_start3A_172 = arith.constant 7 : i32
      %dma_start3A_173 = arith.constant 0 : i32
      %dma_start3A_174 = tpu.memref_slice %arg10[%dma_start3A_172, %dma_start3A_173] : memref<8x128xi32, #tpu.memory_space<vmem>> -> memref<1x128xi32, #tpu.memory_space<vmem>>
      %dma_start3A_175 = tpu.memref_squeeze %dma_start3A_174 : memref<1x128xi32, #tpu.memory_space<vmem>> -> memref<128xi32, #tpu.memory_space<vmem>>
      %dma_start3A_176 = arith.constant 0 : i32
      %dma_start3A_177 = arith.constant 0 : i32
      %dma_start3A_178 = tpu.memref_slice %arg8[%dma_start3A_176, %dma_start3A_177] : memref<10240x128xf32, #tpu.memory_space<vmem_shared>> -> memref<10240x128xf32, #tpu.memory_space<vmem_shared>>
      tpu.enqueue_indirect_dma source(%arg16 : memref<128x128xf32, #tpu.memory_space<vmem>>) target(%dma_start3A_178 : memref<10240x128xf32, #tpu.memory_space<vmem_shared>>) offsets(%dma_start3A_175 : memref<128xi32, #tpu.memory_space<vmem>>) semaphore(%arg20 : memref<!tpu.dma_semaphore, #tpu.memory_space<semaphore_mem>>) {add = true}
      %mul3A_179 = arith.constant 2 : i32
      %mul3A_180 = arith.muli %mul3A_179, %add3A_55 : i32
      %add3A_181 = arith.constant 2 : i32
      %add3A_182 = arith.addi %mul3A_180, %add3A_181 : i32
      %lt3A = arith.constant 4 : i32
      %lt3A_183 = arith.cmpi slt, %add3A_55, %lt3A : i32
      %convert_element_type3A_184 = arith.extui %lt3A_183 : i1 to i32
      %cond3A_185 = arith.constant 0 : i32
      %cond3A_186 = arith.cmpi ne, %convert_element_type3A_184, %cond3A_185 : i32
      scf.if %cond3A_186 {
        %mul3A_257 = arith.constant 8 : i32
        %mul3A_258 = arith.muli %add3A_182, %mul3A_257 : i32
        %add3A_259 = arith.addi %mul3A_2, %mul3A_258 : i32
        %dma_start3A_260 = arith.constant 0 : i32
        %dma_start3A_261 = tpu.memref_slice %arg2[%add3A_259, %dma_start3A_260] : memref<2560x128xi32, #tpu.memory_space<hbm>> -> memref<8x128xi32, #tpu.memory_space<hbm>>
        %dma_start3A_262 = arith.constant 0 : i32
        %dma_start3A_263 = tpu.memref_slice %arg2[%add3A_259, %dma_start3A_262] : memref<2560x128xi32, #tpu.memory_space<hbm>> -> memref<8x128xi32, #tpu.memory_space<hbm>>
        tpu.enqueue_dma source(%dma_start3A_263 : memref<8x128xi32, #tpu.memory_space<hbm>>) target(%arg9 : memref<8x128xi32, #tpu.memory_space<vmem>>) target_semaphore(%arg21 : memref<!tpu.dma_semaphore, #tpu.memory_space<semaphore_mem>>)
        %mul3A_264 = arith.constant 8 : i32
        %mul3A_265 = arith.muli %add3A_182, %mul3A_264 : i32
        %add3A_266 = arith.addi %mul3A_2, %mul3A_265 : i32
        %dma_start3A_267 = arith.constant 0 : i32
        %dma_start3A_268 = tpu.memref_slice %arg3[%add3A_266, %dma_start3A_267] : memref<2560x128xi32, #tpu.memory_space<hbm>> -> memref<8x128xi32, #tpu.memory_space<hbm>>
        %dma_start3A_269 = arith.constant 0 : i32
        %dma_start3A_270 = tpu.memref_slice %arg3[%add3A_266, %dma_start3A_269] : memref<2560x128xi32, #tpu.memory_space<hbm>> -> memref<8x128xi32, #tpu.memory_space<hbm>>
        tpu.enqueue_dma source(%dma_start3A_270 : memref<8x128xi32, #tpu.memory_space<hbm>>) target(%arg10 : memref<8x128xi32, #tpu.memory_space<vmem>>) target_semaphore(%arg21 : memref<!tpu.dma_semaphore, #tpu.memory_space<semaphore_mem>>)
        %mul3A_271 = arith.constant 8 : i32
        %mul3A_272 = arith.muli %add3A_182, %mul3A_271 : i32
        %add3A_273 = arith.addi %mul3A_2, %mul3A_272 : i32
        %dma_start3A_274 = arith.constant 0 : i32
        %dma_start3A_275 = tpu.memref_slice %arg4[%add3A_273, %dma_start3A_274] : memref<2560x128xf32, #tpu.memory_space<hbm>> -> memref<8x128xf32, #tpu.memory_space<hbm>>
        %dma_start3A_276 = arith.constant 0 : i32
        %dma_start3A_277 = tpu.memref_slice %arg4[%add3A_273, %dma_start3A_276] : memref<2560x128xf32, #tpu.memory_space<hbm>> -> memref<8x128xf32, #tpu.memory_space<hbm>>
        tpu.enqueue_dma source(%dma_start3A_277 : memref<8x128xf32, #tpu.memory_space<hbm>>) target(%arg11 : memref<8x128xf32, #tpu.memory_space<vmem>>) target_semaphore(%arg21 : memref<!tpu.dma_semaphore, #tpu.memory_space<semaphore_mem>>)
      } else {
      }
      %scan3A_187 = arith.constant 0 : i32
      %scan3A_188 = arith.constant 3 : i32
      %scan3A_189 = arith.addi %scan3A_187, %scan3A_188 : i32
      %scan3A_190 = arith.constant 1 : i32
      scf.for %scan3A_257 = %scan3A_187 to %scan3A_189 step %scan3A_190  : i32 {
        %mul3A_258 = arith.constant 1 : i32
        %mul3A_259 = arith.muli %scan3A_257, %mul3A_258 : i32
        %add3A_260 = arith.constant 0 : i32
        %add3A_261 = arith.addi %add3A_260, %mul3A_259 : i32
        %mul3A_262 = arith.constant 2 : i32
        %mul3A_263 = arith.muli %mul3A_262, %add3A_261 : i32
        %dma_wait3A_264 = arith.constant 0 : i32
        %dma_wait3A_265 = tpu.memref_slice %arg12[%mul3A_263, %dma_wait3A_264] : memref<8x128xi32, #tpu.memory_space<vmem>> -> memref<1x128xi32, #tpu.memory_space<vmem>>
        %dma_wait3A_266 = tpu.memref_squeeze %dma_wait3A_265 : memref<1x128xi32, #tpu.memory_space<vmem>> -> memref<128xi32, #tpu.memory_space<vmem>>
        %dma_wait3A_267 = arith.constant 0 : i32
        %dma_wait3A_268 = arith.constant 0 : i32
        %dma_wait3A_269 = tpu.memref_slice %arg5[%dma_wait3A_267, %dma_wait3A_268] : memref<10000x128xf32, #tpu.memory_space<hbm>> -> memref<10000x128xf32, #tpu.memory_space<hbm>>
        tpu.wait_indirect_dma semaphore(%arg17 : memref<!tpu.dma_semaphore, #tpu.memory_space<semaphore_mem>>) src(%dma_wait3A_269 : memref<10000x128xf32, #tpu.memory_space<hbm>>) dst(%arg15 : memref<128x128xf32, #tpu.memory_space<vmem>>)
        %dma_wait3A_270 = arith.constant 0 : i32
        %dma_wait3A_271 = tpu.memref_slice %arg13[%mul3A_263, %dma_wait3A_270] : memref<8x128xi32, #tpu.memory_space<vmem>> -> memref<1x128xi32, #tpu.memory_space<vmem>>
        %dma_wait3A_272 = tpu.memref_squeeze %dma_wait3A_271 : memref<1x128xi32, #tpu.memory_space<vmem>> -> memref<128xi32, #tpu.memory_space<vmem>>
        %dma_wait3A_273 = arith.constant 0 : i32
        %dma_wait3A_274 = arith.constant 0 : i32
        %dma_wait3A_275 = tpu.memref_slice %arg8[%dma_wait3A_273, %dma_wait3A_274] : memref<10240x128xf32, #tpu.memory_space<vmem_shared>> -> memref<10240x128xf32, #tpu.memory_space<vmem_shared>>
        tpu.wait_indirect_dma semaphore(%arg20 : memref<!tpu.dma_semaphore, #tpu.memory_space<semaphore_mem>>) src(%arg16 : memref<128x128xf32, #tpu.memory_space<vmem>>) dst(%dma_wait3A_275 : memref<10240x128xf32, #tpu.memory_space<vmem_shared>>)
        %add3A_276 = arith.constant 1 : i32
        %add3A_277 = arith.addi %mul3A_263, %add3A_276 : i32
        %eq3A_278 = arith.constant 0 : i32
        %eq3A_279 = arith.cmpi eq, %arg0, %eq3A_278 : i32
        %convert_element_type3A_280 = arith.extui %eq3A_279 : i1 to i32
        %cond3A_281 = arith.constant 0 : i32
        %cond3A_282 = arith.cmpi ne, %convert_element_type3A_280, %cond3A_281 : i32
        scf.if %cond3A_282 {
          %dma_start3A_340 = arith.constant 0 : i32
          %dma_start3A_341 = tpu.memref_slice %arg12[%add3A_277, %dma_start3A_340] : memref<8x128xi32, #tpu.memory_space<vmem>> -> memref<1x128xi32, #tpu.memory_space<vmem>>
          %dma_start3A_342 = tpu.memref_squeeze %dma_start3A_341 : memref<1x128xi32, #tpu.memory_space<vmem>> -> memref<128xi32, #tpu.memory_space<vmem>>
          %dma_start3A_343 = arith.constant 0 : i32
          %dma_start3A_344 = arith.constant 0 : i32
          %dma_start3A_345 = tpu.memref_slice %arg5[%dma_start3A_343, %dma_start3A_344] : memref<10000x128xf32, #tpu.memory_space<hbm>> -> memref<10000x128xf32, #tpu.memory_space<hbm>>
          tpu.enqueue_indirect_dma source(%dma_start3A_345 : memref<10000x128xf32, #tpu.memory_space<hbm>>) target(%arg16 : memref<128x128xf32, #tpu.memory_space<vmem>>) offsets(%dma_start3A_342 : memref<128xi32, #tpu.memory_space<vmem>>) semaphore(%arg18 : memref<!tpu.dma_semaphore, #tpu.memory_space<semaphore_mem>>)
        } else {
        }
        %eq3A_283 = arith.constant 1 : i32
        %eq3A_284 = arith.cmpi eq, %arg0, %eq3A_283 : i32
        %convert_element_type3A_285 = arith.extui %eq3A_284 : i1 to i32
        %cond3A_286 = arith.constant 0 : i32
        %cond3A_287 = arith.cmpi ne, %convert_element_type3A_285, %cond3A_286 : i32
        scf.if %cond3A_287 {
          %dma_start3A_340 = arith.constant 0 : i32
          %dma_start3A_341 = tpu.memref_slice %arg12[%add3A_277, %dma_start3A_340] : memref<8x128xi32, #tpu.memory_space<vmem>> -> memref<1x128xi32, #tpu.memory_space<vmem>>
          %dma_start3A_342 = tpu.memref_squeeze %dma_start3A_341 : memref<1x128xi32, #tpu.memory_space<vmem>> -> memref<128xi32, #tpu.memory_space<vmem>>
          %dma_start3A_343 = arith.constant 0 : i32
          %dma_start3A_344 = arith.constant 0 : i32
          %dma_start3A_345 = tpu.memref_slice %arg6[%dma_start3A_343, %dma_start3A_344] : memref<10000x128xf32, #tpu.memory_space<hbm>> -> memref<10000x128xf32, #tpu.memory_space<hbm>>
          tpu.enqueue_indirect_dma source(%dma_start3A_345 : memref<10000x128xf32, #tpu.memory_space<hbm>>) target(%arg16 : memref<128x128xf32, #tpu.memory_space<vmem>>) offsets(%dma_start3A_342 : memref<128xi32, #tpu.memory_space<vmem>>) semaphore(%arg18 : memref<!tpu.dma_semaphore, #tpu.memory_space<semaphore_mem>>)
        } else {
        }
        %scan3A_288 = arith.constant 0 : i32
        %scan3A_289 = arith.constant 128 : i32
        %scan3A_290 = arith.addi %scan3A_288, %scan3A_289 : i32
        %scan3A_291 = arith.constant 4 : i32
        scf.for %scan3A_340 = %scan3A_288 to %scan3A_290 step %scan3A_291  : i32 {
          %mul3A_341 = arith.constant 1 : i32
          %mul3A_342 = arith.muli %scan3A_340, %mul3A_341 : i32
          %add3A_343 = arith.constant 0 : i32
          %add3A_344 = arith.addi %add3A_343, %mul3A_342 : i32
          %broadcast_in_dim3A = vector.broadcast %mul3A_263 : i32 to vector<16xi32>
          %broadcast_in_dim3A_345 = vector.broadcast %add3A_344 : i32 to vector<16xi32>
          %gather3A = tpu.vector_load_idx %arg14[%broadcast_in_dim3A, %broadcast_in_dim3A_345] : memref<8x128xf32, #tpu.memory_space<vmem>>[vector<16xi32>, vector<16xi32>], vector<16xf32>,
          %get3A = arith.index_cast %add3A_344 : i32 to index
          %get3A_346 = arith.constant 0 : index
          %get3A_347 = tpu.vector_load %arg15[%get3A, %get3A_346] {strides = array<i32>} : memref<128x128xf32, #tpu.memory_space<vmem>>, vector<16xf32>,
          %mul3A_348 = arith.mulf %get3A_347, %gather3A : vector<16xf32>
          %swap3A = arith.index_cast %add3A_344 : i32 to index
          %swap3A_349 = arith.constant 0 : index
          %swap3A_350 = tpu.vector_load %arg15[%swap3A, %swap3A_349] {strides = array<i32>} : memref<128x128xf32, #tpu.memory_space<vmem>>, vector<16xf32>,
          tpu.vector_store %arg15[%swap3A, %swap3A_349], %mul3A_348 {strides = array<i32>} : memref<128x128xf32, #tpu.memory_space<vmem>>, vector<16xf32>,
          %get3A_351 = arith.index_cast %add3A_344 : i32 to index
          %get3A_352 = arith.constant 16 : index
          %get3A_353 = tpu.vector_load %arg15[%get3A_351, %get3A_352] {strides = array<i32>} : memref<128x128xf32, #tpu.memory_space<vmem>>, vector<16xf32>,
          %mul3A_354 = arith.mulf %get3A_353, %gather3A : vector<16xf32>
          %swap3A_355 = arith.index_cast %add3A_344 : i32 to index
          %swap3A_356 = arith.constant 16 : index
          %swap3A_357 = tpu.vector_load %arg15[%swap3A_355, %swap3A_356] {strides = array<i32>} : memref<128x128xf32, #tpu.memory_space<vmem>>, vector<16xf32>,
          tpu.vector_store %arg15[%swap3A_355, %swap3A_356], %mul3A_354 {strides = array<i32>} : memref<128x128xf32, #tpu.memory_space<vmem>>, vector<16xf32>,
          %get3A_358 = arith.index_cast %add3A_344 : i32 to index
          %get3A_359 = arith.constant 32 : index
          %get3A_360 = tpu.vector_load %arg15[%get3A_358, %get3A_359] {strides = array<i32>} : memref<128x128xf32, #tpu.memory_space<vmem>>, vector<16xf32>,
          %mul3A_361 = arith.mulf %get3A_360, %gather3A : vector<16xf32>
          %swap3A_362 = arith.index_cast %add3A_344 : i32 to index
          %swap3A_363 = arith.constant 32 : index
          %swap3A_364 = tpu.vector_load %arg15[%swap3A_362, %swap3A_363] {strides = array<i32>} : memref<128x128xf32, #tpu.memory_space<vmem>>, vector<16xf32>,
          tpu.vector_store %arg15[%swap3A_362, %swap3A_363], %mul3A_361 {strides = array<i32>} : memref<128x128xf32, #tpu.memory_space<vmem>>, vector<16xf32>,
          %get3A_365 = arith.index_cast %add3A_344 : i32 to index
          %get3A_366 = arith.constant 48 : index
          %get3A_367 = tpu.vector_load %arg15[%get3A_365, %get3A_366] {strides = array<i32>} : memref<128x128xf32, #tpu.memory_space<vmem>>, vector<16xf32>,
          %mul3A_368 = arith.mulf %get3A_367, %gather3A : vector<16xf32>
          %swap3A_369 = arith.index_cast %add3A_344 : i32 to index
          %swap3A_370 = arith.constant 48 : index
          %swap3A_371 = tpu.vector_load %arg15[%swap3A_369, %swap3A_370] {strides = array<i32>} : memref<128x128xf32, #tpu.memory_space<vmem>>, vector<16xf32>,
          tpu.vector_store %arg15[%swap3A_369, %swap3A_370], %mul3A_368 {strides = array<i32>} : memref<128x128xf32, #tpu.memory_space<vmem>>, vector<16xf32>,
          %get3A_372 = arith.index_cast %add3A_344 : i32 to index
          %get3A_373 = arith.constant 64 : index
          %get3A_374 = tpu.vector_load %arg15[%get3A_372, %get3A_373] {strides = array<i32>} : memref<128x128xf32, #tpu.memory_space<vmem>>, vector<16xf32>,
          %mul3A_375 = arith.mulf %get3A_374, %gather3A : vector<16xf32>
          %swap3A_376 = arith.index_cast %add3A_344 : i32 to index
          %swap3A_377 = arith.constant 64 : index
          %swap3A_378 = tpu.vector_load %arg15[%swap3A_376, %swap3A_377] {strides = array<i32>} : memref<128x128xf32, #tpu.memory_space<vmem>>, vector<16xf32>,
          tpu.vector_store %arg15[%swap3A_376, %swap3A_377], %mul3A_375 {strides = array<i32>} : memref<128x128xf32, #tpu.memory_space<vmem>>, vector<16xf32>,
          %get3A_379 = arith.index_cast %add3A_344 : i32 to index
          %get3A_380 = arith.constant 80 : index
          %get3A_381 = tpu.vector_load %arg15[%get3A_379, %get3A_380] {strides = array<i32>} : memref<128x128xf32, #tpu.memory_space<vmem>>, vector<16xf32>,
          %mul3A_382 = arith.mulf %get3A_381, %gather3A : vector<16xf32>
          %swap3A_383 = arith.index_cast %add3A_344 : i32 to index
          %swap3A_384 = arith.constant 80 : index
          %swap3A_385 = tpu.vector_load %arg15[%swap3A_383, %swap3A_384] {strides = array<i32>} : memref<128x128xf32, #tpu.memory_space<vmem>>, vector<16xf32>,
          tpu.vector_store %arg15[%swap3A_383, %swap3A_384], %mul3A_382 {strides = array<i32>} : memref<128x128xf32, #tpu.memory_space<vmem>>, vector<16xf32>,
          %get3A_386 = arith.index_cast %add3A_344 : i32 to index
          %get3A_387 = arith.constant 96 : index
          %get3A_388 = tpu.vector_load %arg15[%get3A_386, %get3A_387] {strides = array<i32>} : memref<128x128xf32, #tpu.memory_space<vmem>>, vector<16xf32>,
          %mul3A_389 = arith.mulf %get3A_388, %gather3A : vector<16xf32>
          %swap3A_390 = arith.index_cast %add3A_344 : i32 to index
          %swap3A_391 = arith.constant 96 : index
          %swap3A_392 = tpu.vector_load %arg15[%swap3A_390, %swap3A_391] {strides = array<i32>} : memref<128x128xf32, #tpu.memory_space<vmem>>, vector<16xf32>,
          tpu.vector_store %arg15[%swap3A_390, %swap3A_391], %mul3A_389 {strides = array<i32>} : memref<128x128xf32, #tpu.memory_space<vmem>>, vector<16xf32>,
          %get3A_393 = arith.index_cast %add3A_344 : i32 to index
          %get3A_394 = arith.constant 112 : index
          %get3A_395 = tpu.vector_load %arg15[%get3A_393, %get3A_394] {strides = array<i32>} : memref<128x128xf32, #tpu.memory_space<vmem>>, vector<16xf32>,
          %mul3A_396 = arith.mulf %get3A_395, %gather3A : vector<16xf32>
          %swap3A_397 = arith.index_cast %add3A_344 : i32 to index
          %swap3A_398 = arith.constant 112 : index
          %swap3A_399 = tpu.vector_load %arg15[%swap3A_397, %swap3A_398] {strides = array<i32>} : memref<128x128xf32, #tpu.memory_space<vmem>>, vector<16xf32>,
          tpu.vector_store %arg15[%swap3A_397, %swap3A_398], %mul3A_396 {strides = array<i32>} : memref<128x128xf32, #tpu.memory_space<vmem>>, vector<16xf32>,
          %scan3A_400 = arith.constant 1 : i32
          %scan3A_401 = arith.addi %scan3A_340, %scan3A_400 : i32
          %mul3A_402 = arith.constant 1 : i32
          %mul3A_403 = arith.muli %scan3A_401, %mul3A_402 : i32
          %add3A_404 = arith.constant 0 : i32
          %add3A_405 = arith.addi %add3A_404, %mul3A_403 : i32
          %broadcast_in_dim3A_406 = vector.broadcast %mul3A_263 : i32 to vector<16xi32>
          %broadcast_in_dim3A_407 = vector.broadcast %add3A_405 : i32 to vector<16xi32>
          %gather3A_408 = tpu.vector_load_idx %arg14[%broadcast_in_dim3A_406, %broadcast_in_dim3A_407] : memref<8x128xf32, #tpu.memory_space<vmem>>[vector<16xi32>, vector<16xi32>], vector<16xf32>,
          %get3A_409 = arith.index_cast %add3A_405 : i32 to index
          %get3A_410 = arith.constant 0 : index
          %get3A_411 = tpu.vector_load %arg15[%get3A_409, %get3A_410] {strides = array<i32>} : memref<128x128xf32, #tpu.memory_space<vmem>>, vector<16xf32>,
          %mul3A_412 = arith.mulf %get3A_411, %gather3A_408 : vector<16xf32>
          %swap3A_413 = arith.index_cast %add3A_405 : i32 to index
          %swap3A_414 = arith.constant 0 : index
          %swap3A_415 = tpu.vector_load %arg15[%swap3A_413, %swap3A_414] {strides = array<i32>} : memref<128x128xf32, #tpu.memory_space<vmem>>, vector<16xf32>,
          tpu.vector_store %arg15[%swap3A_413, %swap3A_414], %mul3A_412 {strides = array<i32>} : memref<128x128xf32, #tpu.memory_space<vmem>>, vector<16xf32>,
          %get3A_416 = arith.index_cast %add3A_405 : i32 to index
          %get3A_417 = arith.constant 16 : index
          %get3A_418 = tpu.vector_load %arg15[%get3A_416, %get3A_417] {strides = array<i32>} : memref<128x128xf32, #tpu.memory_space<vmem>>, vector<16xf32>,
          %mul3A_419 = arith.mulf %get3A_418, %gather3A_408 : vector<16xf32>
          %swap3A_420 = arith.index_cast %add3A_405 : i32 to index
          %swap3A_421 = arith.constant 16 : index
          %swap3A_422 = tpu.vector_load %arg15[%swap3A_420, %swap3A_421] {strides = array<i32>} : memref<128x128xf32, #tpu.memory_space<vmem>>, vector<16xf32>,
          tpu.vector_store %arg15[%swap3A_420, %swap3A_421], %mul3A_419 {strides = array<i32>} : memref<128x128xf32, #tpu.memory_space<vmem>>, vector<16xf32>,
          %get3A_423 = arith.index_cast %add3A_405 : i32 to index
          %get3A_424 = arith.constant 32 : index
          %get3A_425 = tpu.vector_load %arg15[%get3A_423, %get3A_424] {strides = array<i32>} : memref<128x128xf32, #tpu.memory_space<vmem>>, vector<16xf32>,
          %mul3A_426 = arith.mulf %get3A_425, %gather3A_408 : vector<16xf32>
          %swap3A_427 = arith.index_cast %add3A_405 : i32 to index
          %swap3A_428 = arith.constant 32 : index
          %swap3A_429 = tpu.vector_load %arg15[%swap3A_427, %swap3A_428] {strides = array<i32>} : memref<128x128xf32, #tpu.memory_space<vmem>>, vector<16xf32>,
          tpu.vector_store %arg15[%swap3A_427, %swap3A_428], %mul3A_426 {strides = array<i32>} : memref<128x128xf32, #tpu.memory_space<vmem>>, vector<16xf32>,
          %get3A_430 = arith.index_cast %add3A_405 : i32 to index
          %get3A_431 = arith.constant 48 : index
          %get3A_432 = tpu.vector_load %arg15[%get3A_430, %get3A_431] {strides = array<i32>} : memref<128x128xf32, #tpu.memory_space<vmem>>, vector<16xf32>,
          %mul3A_433 = arith.mulf %get3A_432, %gather3A_408 : vector<16xf32>
          %swap3A_434 = arith.index_cast %add3A_405 : i32 to index
          %swap3A_435 = arith.constant 48 : index
          %swap3A_436 = tpu.vector_load %arg15[%swap3A_434, %swap3A_435] {strides = array<i32>} : memref<128x128xf32, #tpu.memory_space<vmem>>, vector<16xf32>,
          tpu.vector_store %arg15[%swap3A_434, %swap3A_435], %mul3A_433 {strides = array<i32>} : memref<128x128xf32, #tpu.memory_space<vmem>>, vector<16xf32>,
          %get3A_437 = arith.index_cast %add3A_405 : i32 to index
          %get3A_438 = arith.constant 64 : index
          %get3A_439 = tpu.vector_load %arg15[%get3A_437, %get3A_438] {strides = array<i32>} : memref<128x128xf32, #tpu.memory_space<vmem>>, vector<16xf32>,
          %mul3A_440 = arith.mulf %get3A_439, %gather3A_408 : vector<16xf32>
          %swap3A_441 = arith.index_cast %add3A_405 : i32 to index
          %swap3A_442 = arith.constant 64 : index
          %swap3A_443 = tpu.vector_load %arg15[%swap3A_441, %swap3A_442] {strides = array<i32>} : memref<128x128xf32, #tpu.memory_space<vmem>>, vector<16xf32>,
          tpu.vector_store %arg15[%swap3A_441, %swap3A_442], %mul3A_440 {strides = array<i32>} : memref<128x128xf32, #tpu.memory_space<vmem>>, vector<16xf32>,
          %get3A_444 = arith.index_cast %add3A_405 : i32 to index
          %get3A_445 = arith.constant 80 : index
          %get3A_446 = tpu.vector_load %arg15[%get3A_444, %get3A_445] {strides = array<i32>} : memref<128x128xf32, #tpu.memory_space<vmem>>, vector<16xf32>,
          %mul3A_447 = arith.mulf %get3A_446, %gather3A_408 : vector<16xf32>
          %swap3A_448 = arith.index_cast %add3A_405 : i32 to index
          %swap3A_449 = arith.constant 80 : index
          %swap3A_450 = tpu.vector_load %arg15[%swap3A_448, %swap3A_449] {strides = array<i32>} : memref<128x128xf32, #tpu.memory_space<vmem>>, vector<16xf32>,
          tpu.vector_store %arg15[%swap3A_448, %swap3A_449], %mul3A_447 {strides = array<i32>} : memref<128x128xf32, #tpu.memory_space<vmem>>, vector<16xf32>,
          %get3A_451 = arith.index_cast %add3A_405 : i32 to index
          %get3A_452 = arith.constant 96 : index
          %get3A_453 = tpu.vector_load %arg15[%get3A_451, %get3A_452] {strides = array<i32>} : memref<128x128xf32, #tpu.memory_space<vmem>>, vector<16xf32>,
          %mul3A_454 = arith.mulf %get3A_453, %gather3A_408 : vector<16xf32>
          %swap3A_455 = arith.index_cast %add3A_405 : i32 to index
          %swap3A_456 = arith.constant 96 : index
          %swap3A_457 = tpu.vector_load %arg15[%swap3A_455, %swap3A_456] {strides = array<i32>} : memref<128x128xf32, #tpu.memory_space<vmem>>, vector<16xf32>,
          tpu.vector_store %arg15[%swap3A_455, %swap3A_456], %mul3A_454 {strides = array<i32>} : memref<128x128xf32, #tpu.memory_space<vmem>>, vector<16xf32>,
          %get3A_458 = arith.index_cast %add3A_405 : i32 to index
          %get3A_459 = arith.constant 112 : index
          %get3A_460 = tpu.vector_load %arg15[%get3A_458, %get3A_459] {strides = array<i32>} : memref<128x128xf32, #tpu.memory_space<vmem>>, vector<16xf32>,
          %mul3A_461 = arith.mulf %get3A_460, %gather3A_408 : vector<16xf32>
          %swap3A_462 = arith.index_cast %add3A_405 : i32 to index
          %swap3A_463 = arith.constant 112 : index
          %swap3A_464 = tpu.vector_load %arg15[%swap3A_462, %swap3A_463] {strides = array<i32>} : memref<128x128xf32, #tpu.memory_space<vmem>>, vector<16xf32>,
          tpu.vector_store %arg15[%swap3A_462, %swap3A_463], %mul3A_461 {strides = array<i32>} : memref<128x128xf32, #tpu.memory_space<vmem>>, vector<16xf32>,
          %scan3A_465 = arith.constant 2 : i32
          %scan3A_466 = arith.addi %scan3A_340, %scan3A_465 : i32
          %mul3A_467 = arith.constant 1 : i32
          %mul3A_468 = arith.muli %scan3A_466, %mul3A_467 : i32
          %add3A_469 = arith.constant 0 : i32
          %add3A_470 = arith.addi %add3A_469, %mul3A_468 : i32
          %broadcast_in_dim3A_471 = vector.broadcast %mul3A_263 : i32 to vector<16xi32>
          %broadcast_in_dim3A_472 = vector.broadcast %add3A_470 : i32 to vector<16xi32>
          %gather3A_473 = tpu.vector_load_idx %arg14[%broadcast_in_dim3A_471, %broadcast_in_dim3A_472] : memref<8x128xf32, #tpu.memory_space<vmem>>[vector<16xi32>, vector<16xi32>], vector<16xf32>,
          %get3A_474 = arith.index_cast %add3A_470 : i32 to index
          %get3A_475 = arith.constant 0 : index
          %get3A_476 = tpu.vector_load %arg15[%get3A_474, %get3A_475] {strides = array<i32>} : memref<128x128xf32, #tpu.memory_space<vmem>>, vector<16xf32>,
          %mul3A_477 = arith.mulf %get3A_476, %gather3A_473 : vector<16xf32>
          %swap3A_478 = arith.index_cast %add3A_470 : i32 to index
          %swap3A_479 = arith.constant 0 : index
          %swap3A_480 = tpu.vector_load %arg15[%swap3A_478, %swap3A_479] {strides = array<i32>} : memref<128x128xf32, #tpu.memory_space<vmem>>, vector<16xf32>,
          tpu.vector_store %arg15[%swap3A_478, %swap3A_479], %mul3A_477 {strides = array<i32>} : memref<128x128xf32, #tpu.memory_space<vmem>>, vector<16xf32>,
          %get3A_481 = arith.index_cast %add3A_470 : i32 to index
          %get3A_482 = arith.constant 16 : index
          %get3A_483 = tpu.vector_load %arg15[%get3A_481, %get3A_482] {strides = array<i32>} : memref<128x128xf32, #tpu.memory_space<vmem>>, vector<16xf32>,
          %mul3A_484 = arith.mulf %get3A_483, %gather3A_473 : vector<16xf32>
          %swap3A_485 = arith.index_cast %add3A_470 : i32 to index
          %swap3A_486 = arith.constant 16 : index
          %swap3A_487 = tpu.vector_load %arg15[%swap3A_485, %swap3A_486] {strides = array<i32>} : memref<128x128xf32, #tpu.memory_space<vmem>>, vector<16xf32>,
          tpu.vector_store %arg15[%swap3A_485, %swap3A_486], %mul3A_484 {strides = array<i32>} : memref<128x128xf32, #tpu.memory_space<vmem>>, vector<16xf32>,
          %get3A_488 = arith.index_cast %add3A_470 : i32 to index
          %get3A_489 = arith.constant 32 : index
          %get3A_490 = tpu.vector_load %arg15[%get3A_488, %get3A_489] {strides = array<i32>} : memref<128x128xf32, #tpu.memory_space<vmem>>, vector<16xf32>,
          %mul3A_491 = arith.mulf %get3A_490, %gather3A_473 : vector<16xf32>
          %swap3A_492 = arith.index_cast %add3A_470 : i32 to index
          %swap3A_493 = arith.constant 32 : index
          %swap3A_494 = tpu.vector_load %arg15[%swap3A_492, %swap3A_493] {strides = array<i32>} : memref<128x128xf32, #tpu.memory_space<vmem>>, vector<16xf32>,
          tpu.vector_store %arg15[%swap3A_492, %swap3A_493], %mul3A_491 {strides = array<i32>} : memref<128x128xf32, #tpu.memory_space<vmem>>, vector<16xf32>,
          %get3A_495 = arith.index_cast %add3A_470 : i32 to index
          %get3A_496 = arith.constant 48 : index
          %get3A_497 = tpu.vector_load %arg15[%get3A_495, %get3A_496] {strides = array<i32>} : memref<128x128xf32, #tpu.memory_space<vmem>>, vector<16xf32>,
          %mul3A_498 = arith.mulf %get3A_497, %gather3A_473 : vector<16xf32>
          %swap3A_499 = arith.index_cast %add3A_470 : i32 to index
          %swap3A_500 = arith.constant 48 : index
          %swap3A_501 = tpu.vector_load %arg15[%swap3A_499, %swap3A_500] {strides = array<i32>} : memref<128x128xf32, #tpu.memory_space<vmem>>, vector<16xf32>,
          tpu.vector_store %arg15[%swap3A_499, %swap3A_500], %mul3A_498 {strides = array<i32>} : memref<128x128xf32, #tpu.memory_space<vmem>>, vector<16xf32>,
          %get3A_502 = arith.index_cast %add3A_470 : i32 to index
          %get3A_503 = arith.constant 64 : index
          %get3A_504 = tpu.vector_load %arg15[%get3A_502, %get3A_503] {strides = array<i32>} : memref<128x128xf32, #tpu.memory_space<vmem>>, vector<16xf32>,
          %mul3A_505 = arith.mulf %get3A_504, %gather3A_473 : vector<16xf32>
          %swap3A_506 = arith.index_cast %add3A_470 : i32 to index
          %swap3A_507 = arith.constant 64 : index
          %swap3A_508 = tpu.vector_load %arg15[%swap3A_506, %swap3A_507] {strides = array<i32>} : memref<128x128xf32, #tpu.memory_space<vmem>>, vector<16xf32>,
          tpu.vector_store %arg15[%swap3A_506, %swap3A_507], %mul3A_505 {strides = array<i32>} : memref<128x128xf32, #tpu.memory_space<vmem>>, vector<16xf32>,
          %get3A_509 = arith.index_cast %add3A_470 : i32 to index
          %get3A_510 = arith.constant 80 : index
          %get3A_511 = tpu.vector_load %arg15[%get3A_509, %get3A_510] {strides = array<i32>} : memref<128x128xf32, #tpu.memory_space<vmem>>, vector<16xf32>,
          %mul3A_512 = arith.mulf %get3A_511, %gather3A_473 : vector<16xf32>
          %swap3A_513 = arith.index_cast %add3A_470 : i32 to index
          %swap3A_514 = arith.constant 80 : index
          %swap3A_515 = tpu.vector_load %arg15[%swap3A_513, %swap3A_514] {strides = array<i32>} : memref<128x128xf32, #tpu.memory_space<vmem>>, vector<16xf32>,
          tpu.vector_store %arg15[%swap3A_513, %swap3A_514], %mul3A_512 {strides = array<i32>} : memref<128x128xf32, #tpu.memory_space<vmem>>, vector<16xf32>,
          %get3A_516 = arith.index_cast %add3A_470 : i32 to index
          %get3A_517 = arith.constant 96 : index
          %get3A_518 = tpu.vector_load %arg15[%get3A_516, %get3A_517] {strides = array<i32>} : memref<128x128xf32, #tpu.memory_space<vmem>>, vector<16xf32>,
          %mul3A_519 = arith.mulf %get3A_518, %gather3A_473 : vector<16xf32>
          %swap3A_520 = arith.index_cast %add3A_470 : i32 to index
          %swap3A_521 = arith.constant 96 : index
          %swap3A_522 = tpu.vector_load %arg15[%swap3A_520, %swap3A_521] {strides = array<i32>} : memref<128x128xf32, #tpu.memory_space<vmem>>, vector<16xf32>,
          tpu.vector_store %arg15[%swap3A_520, %swap3A_521], %mul3A_519 {strides = array<i32>} : memref<128x128xf32, #tpu.memory_space<vmem>>, vector<16xf32>,
          %get3A_523 = arith.index_cast %add3A_470 : i32 to index
          %get3A_524 = arith.constant 112 : index
          %get3A_525 = tpu.vector_load %arg15[%get3A_523, %get3A_524] {strides = array<i32>} : memref<128x128xf32, #tpu.memory_space<vmem>>, vector<16xf32>,
          %mul3A_526 = arith.mulf %get3A_525, %gather3A_473 : vector<16xf32>
          %swap3A_527 = arith.index_cast %add3A_470 : i32 to index
          %swap3A_528 = arith.constant 112 : index
          %swap3A_529 = tpu.vector_load %arg15[%swap3A_527, %swap3A_528] {strides = array<i32>} : memref<128x128xf32, #tpu.memory_space<vmem>>, vector<16xf32>,
          tpu.vector_store %arg15[%swap3A_527, %swap3A_528], %mul3A_526 {strides = array<i32>} : memref<128x128xf32, #tpu.memory_space<vmem>>, vector<16xf32>,
          %scan3A_530 = arith.constant 3 : i32
          %scan3A_531 = arith.addi %scan3A_340, %scan3A_530 : i32
          %mul3A_532 = arith.constant 1 : i32
          %mul3A_533 = arith.muli %scan3A_531, %mul3A_532 : i32
          %add3A_534 = arith.constant 0 : i32
          %add3A_535 = arith.addi %add3A_534, %mul3A_533 : i32
          %broadcast_in_dim3A_536 = vector.broadcast %mul3A_263 : i32 to vector<16xi32>
          %broadcast_in_dim3A_537 = vector.broadcast %add3A_535 : i32 to vector<16xi32>
          %gather3A_538 = tpu.vector_load_idx %arg14[%broadcast_in_dim3A_536, %broadcast_in_dim3A_537] : memref<8x128xf32, #tpu.memory_space<vmem>>[vector<16xi32>, vector<16xi32>], vector<16xf32>,
          %get3A_539 = arith.index_cast %add3A_535 : i32 to index
          %get3A_540 = arith.constant 0 : index
          %get3A_541 = tpu.vector_load %arg15[%get3A_539, %get3A_540] {strides = array<i32>} : memref<128x128xf32, #tpu.memory_space<vmem>>, vector<16xf32>,
          %mul3A_542 = arith.mulf %get3A_541, %gather3A_538 : vector<16xf32>
          %swap3A_543 = arith.index_cast %add3A_535 : i32 to index
          %swap3A_544 = arith.constant 0 : index
          %swap3A_545 = tpu.vector_load %arg15[%swap3A_543, %swap3A_544] {strides = array<i32>} : memref<128x128xf32, #tpu.memory_space<vmem>>, vector<16xf32>,
          tpu.vector_store %arg15[%swap3A_543, %swap3A_544], %mul3A_542 {strides = array<i32>} : memref<128x128xf32, #tpu.memory_space<vmem>>, vector<16xf32>,
          %get3A_546 = arith.index_cast %add3A_535 : i32 to index
          %get3A_547 = arith.constant 16 : index
          %get3A_548 = tpu.vector_load %arg15[%get3A_546, %get3A_547] {strides = array<i32>} : memref<128x128xf32, #tpu.memory_space<vmem>>, vector<16xf32>,
          %mul3A_549 = arith.mulf %get3A_548, %gather3A_538 : vector<16xf32>
          %swap3A_550 = arith.index_cast %add3A_535 : i32 to index
          %swap3A_551 = arith.constant 16 : index
          %swap3A_552 = tpu.vector_load %arg15[%swap3A_550, %swap3A_551] {strides = array<i32>} : memref<128x128xf32, #tpu.memory_space<vmem>>, vector<16xf32>,
          tpu.vector_store %arg15[%swap3A_550, %swap3A_551], %mul3A_549 {strides = array<i32>} : memref<128x128xf32, #tpu.memory_space<vmem>>, vector<16xf32>,
          %get3A_553 = arith.index_cast %add3A_535 : i32 to index
          %get3A_554 = arith.constant 32 : index
          %get3A_555 = tpu.vector_load %arg15[%get3A_553, %get3A_554] {strides = array<i32>} : memref<128x128xf32, #tpu.memory_space<vmem>>, vector<16xf32>,
          %mul3A_556 = arith.mulf %get3A_555, %gather3A_538 : vector<16xf32>
          %swap3A_557 = arith.index_cast %add3A_535 : i32 to index
          %swap3A_558 = arith.constant 32 : index
          %swap3A_559 = tpu.vector_load %arg15[%swap3A_557, %swap3A_558] {strides = array<i32>} : memref<128x128xf32, #tpu.memory_space<vmem>>, vector<16xf32>,
          tpu.vector_store %arg15[%swap3A_557, %swap3A_558], %mul3A_556 {strides = array<i32>} : memref<128x128xf32, #tpu.memory_space<vmem>>, vector<16xf32>,
          %get3A_560 = arith.index_cast %add3A_535 : i32 to index
          %get3A_561 = arith.constant 48 : index
          %get3A_562 = tpu.vector_load %arg15[%get3A_560, %get3A_561] {strides = array<i32>} : memref<128x128xf32, #tpu.memory_space<vmem>>, vector<16xf32>,
          %mul3A_563 = arith.mulf %get3A_562, %gather3A_538 : vector<16xf32>
          %swap3A_564 = arith.index_cast %add3A_535 : i32 to index
          %swap3A_565 = arith.constant 48 : index
          %swap3A_566 = tpu.vector_load %arg15[%swap3A_564, %swap3A_565] {strides = array<i32>} : memref<128x128xf32, #tpu.memory_space<vmem>>, vector<16xf32>,
          tpu.vector_store %arg15[%swap3A_564, %swap3A_565], %mul3A_563 {strides = array<i32>} : memref<128x128xf32, #tpu.memory_space<vmem>>, vector<16xf32>,
          %get3A_567 = arith.index_cast %add3A_535 : i32 to index
          %get3A_568 = arith.constant 64 : index
          %get3A_569 = tpu.vector_load %arg15[%get3A_567, %get3A_568] {strides = array<i32>} : memref<128x128xf32, #tpu.memory_space<vmem>>, vector<16xf32>,
          %mul3A_570 = arith.mulf %get3A_569, %gather3A_538 : vector<16xf32>
          %swap3A_571 = arith.index_cast %add3A_535 : i32 to index
          %swap3A_572 = arith.constant 64 : index
          %swap3A_573 = tpu.vector_load %arg15[%swap3A_571, %swap3A_572] {strides = array<i32>} : memref<128x128xf32, #tpu.memory_space<vmem>>, vector<16xf32>,
          tpu.vector_store %arg15[%swap3A_571, %swap3A_572], %mul3A_570 {strides = array<i32>} : memref<128x128xf32, #tpu.memory_space<vmem>>, vector<16xf32>,
          %get3A_574 = arith.index_cast %add3A_535 : i32 to index
          %get3A_575 = arith.constant 80 : index
          %get3A_576 = tpu.vector_load %arg15[%get3A_574, %get3A_575] {strides = array<i32>} : memref<128x128xf32, #tpu.memory_space<vmem>>, vector<16xf32>,
          %mul3A_577 = arith.mulf %get3A_576, %gather3A_538 : vector<16xf32>
          %swap3A_578 = arith.index_cast %add3A_535 : i32 to index
          %swap3A_579 = arith.constant 80 : index
          %swap3A_580 = tpu.vector_load %arg15[%swap3A_578, %swap3A_579] {strides = array<i32>} : memref<128x128xf32, #tpu.memory_space<vmem>>, vector<16xf32>,
          tpu.vector_store %arg15[%swap3A_578, %swap3A_579], %mul3A_577 {strides = array<i32>} : memref<128x128xf32, #tpu.memory_space<vmem>>, vector<16xf32>,
          %get3A_581 = arith.index_cast %add3A_535 : i32 to index
          %get3A_582 = arith.constant 96 : index
          %get3A_583 = tpu.vector_load %arg15[%get3A_581, %get3A_582] {strides = array<i32>} : memref<128x128xf32, #tpu.memory_space<vmem>>, vector<16xf32>,
          %mul3A_584 = arith.mulf %get3A_583, %gather3A_538 : vector<16xf32>
          %swap3A_585 = arith.index_cast %add3A_535 : i32 to index
          %swap3A_586 = arith.constant 96 : index
          %swap3A_587 = tpu.vector_load %arg15[%swap3A_585, %swap3A_586] {strides = array<i32>} : memref<128x128xf32, #tpu.memory_space<vmem>>, vector<16xf32>,
          tpu.vector_store %arg15[%swap3A_585, %swap3A_586], %mul3A_584 {strides = array<i32>} : memref<128x128xf32, #tpu.memory_space<vmem>>, vector<16xf32>,
          %get3A_588 = arith.index_cast %add3A_535 : i32 to index
          %get3A_589 = arith.constant 112 : index
          %get3A_590 = tpu.vector_load %arg15[%get3A_588, %get3A_589] {strides = array<i32>} : memref<128x128xf32, #tpu.memory_space<vmem>>, vector<16xf32>,
          %mul3A_591 = arith.mulf %get3A_590, %gather3A_538 : vector<16xf32>
          %swap3A_592 = arith.index_cast %add3A_535 : i32 to index
          %swap3A_593 = arith.constant 112 : index
          %swap3A_594 = tpu.vector_load %arg15[%swap3A_592, %swap3A_593] {strides = array<i32>} : memref<128x128xf32, #tpu.memory_space<vmem>>, vector<16xf32>,
          tpu.vector_store %arg15[%swap3A_592, %swap3A_593], %mul3A_591 {strides = array<i32>} : memref<128x128xf32, #tpu.memory_space<vmem>>, vector<16xf32>,
        }
        %scan3A_292 = arith.constant 128 : i32
        %dma_start3A_293 = arith.constant 0 : i32
        %dma_start3A_294 = tpu.memref_slice %arg13[%mul3A_263, %dma_start3A_293] : memref<8x128xi32, #tpu.memory_space<vmem>> -> memref<1x128xi32, #tpu.memory_space<vmem>>
        %dma_start3A_295 = tpu.memref_squeeze %dma_start3A_294 : memref<1x128xi32, #tpu.memory_space<vmem>> -> memref<128xi32, #tpu.memory_space<vmem>>
        %dma_start3A_296 = arith.constant 0 : i32
        %dma_start3A_297 = arith.constant 0 : i32
        %dma_start3A_298 = tpu.memref_slice %arg8[%dma_start3A_296, %dma_start3A_297] : memref<10240x128xf32, #tpu.memory_space<vmem_shared>> -> memref<10240x128xf32, #tpu.memory_space<vmem_shared>>
        tpu.enqueue_indirect_dma source(%arg15 : memref<128x128xf32, #tpu.memory_space<vmem>>) target(%dma_start3A_298 : memref<10240x128xf32, #tpu.memory_space<vmem_shared>>) offsets(%dma_start3A_295 : memref<128xi32, #tpu.memory_space<vmem>>) semaphore(%arg19 : memref<!tpu.dma_semaphore, #tpu.memory_space<semaphore_mem>>) {add = true}
        %add3A_299 = arith.constant 1 : i32
        %add3A_300 = arith.addi %mul3A_263, %add3A_299 : i32
        %dma_wait3A_301 = arith.constant 0 : i32
        %dma_wait3A_302 = tpu.memref_slice %arg12[%add3A_300, %dma_wait3A_301] : memref<8x128xi32, #tpu.memory_space<vmem>> -> memref<1x128xi32, #tpu.memory_space<vmem>>
        %dma_wait3A_303 = tpu.memref_squeeze %dma_wait3A_302 : memref<1x128xi32, #tpu.memory_space<vmem>> -> memref<128xi32, #tpu.memory_space<vmem>>
        %dma_wait3A_304 = arith.constant 0 : i32
        %dma_wait3A_305 = arith.constant 0 : i32
        %dma_wait3A_306 = tpu.memref_slice %arg5[%dma_wait3A_304, %dma_wait3A_305] : memref<10000x128xf32, #tpu.memory_space<hbm>> -> memref<10000x128xf32, #tpu.memory_space<hbm>>
        tpu.wait_indirect_dma semaphore(%arg18 : memref<!tpu.dma_semaphore, #tpu.memory_space<semaphore_mem>>) src(%dma_wait3A_306 : memref<10000x128xf32, #tpu.memory_space<hbm>>) dst(%arg16 : memref<128x128xf32, #tpu.memory_space<vmem>>)
        %dma_wait3A_307 = arith.constant 0 : i32
        %dma_wait3A_308 = tpu.memref_slice %arg13[%mul3A_263, %dma_wait3A_307] : memref<8x128xi32, #tpu.memory_space<vmem>> -> memref<1x128xi32, #tpu.memory_space<vmem>>
        %dma_wait3A_309 = tpu.memref_squeeze %dma_wait3A_308 : memref<1x128xi32, #tpu.memory_space<vmem>> -> memref<128xi32, #tpu.memory_space<vmem>>
        %dma_wait3A_310 = arith.constant 0 : i32
        %dma_wait3A_311 = arith.constant 0 : i32
        %dma_wait3A_312 = tpu.memref_slice %arg8[%dma_wait3A_310, %dma_wait3A_311] : memref<10240x128xf32, #tpu.memory_space<vmem_shared>> -> memref<10240x128xf32, #tpu.memory_space<vmem_shared>>
        tpu.wait_indirect_dma semaphore(%arg19 : memref<!tpu.dma_semaphore, #tpu.memory_space<semaphore_mem>>) src(%arg15 : memref<128x128xf32, #tpu.memory_space<vmem>>) dst(%dma_wait3A_312 : memref<10240x128xf32, #tpu.memory_space<vmem_shared>>)
        %add3A_313 = arith.constant 2 : i32
        %add3A_314 = arith.addi %mul3A_263, %add3A_313 : i32
        %eq3A_315 = arith.constant 0 : i32
        %eq3A_316 = arith.cmpi eq, %arg0, %eq3A_315 : i32
        %convert_element_type3A_317 = arith.extui %eq3A_316 : i1 to i32
        %cond3A_318 = arith.constant 0 : i32
        %cond3A_319 = arith.cmpi ne, %convert_element_type3A_317, %cond3A_318 : i32
        scf.if %cond3A_319 {
          %dma_start3A_340 = arith.constant 0 : i32
          %dma_start3A_341 = tpu.memref_slice %arg12[%add3A_314, %dma_start3A_340] : memref<8x128xi32, #tpu.memory_space<vmem>> -> memref<1x128xi32, #tpu.memory_space<vmem>>
          %dma_start3A_342 = tpu.memref_squeeze %dma_start3A_341 : memref<1x128xi32, #tpu.memory_space<vmem>> -> memref<128xi32, #tpu.memory_space<vmem>>
          %dma_start3A_343 = arith.constant 0 : i32
          %dma_start3A_344 = arith.constant 0 : i32
          %dma_start3A_345 = tpu.memref_slice %arg5[%dma_start3A_343, %dma_start3A_344] : memref<10000x128xf32, #tpu.memory_space<hbm>> -> memref<10000x128xf32, #tpu.memory_space<hbm>>
          tpu.enqueue_indirect_dma source(%dma_start3A_345 : memref<10000x128xf32, #tpu.memory_space<hbm>>) target(%arg15 : memref<128x128xf32, #tpu.memory_space<vmem>>) offsets(%dma_start3A_342 : memref<128xi32, #tpu.memory_space<vmem>>) semaphore(%arg17 : memref<!tpu.dma_semaphore, #tpu.memory_space<semaphore_mem>>)
        } else {
        }
        %eq3A_320 = arith.constant 1 : i32
        %eq3A_321 = arith.cmpi eq, %arg0, %eq3A_320 : i32
        %convert_element_type3A_322 = arith.extui %eq3A_321 : i1 to i32
        %cond3A_323 = arith.constant 0 : i32
        %cond3A_324 = arith.cmpi ne, %convert_element_type3A_322, %cond3A_323 : i32
        scf.if %cond3A_324 {
          %dma_start3A_340 = arith.constant 0 : i32
          %dma_start3A_341 = tpu.memref_slice %arg12[%add3A_314, %dma_start3A_340] : memref<8x128xi32, #tpu.memory_space<vmem>> -> memref<1x128xi32, #tpu.memory_space<vmem>>
          %dma_start3A_342 = tpu.memref_squeeze %dma_start3A_341 : memref<1x128xi32, #tpu.memory_space<vmem>> -> memref<128xi32, #tpu.memory_space<vmem>>
          %dma_start3A_343 = arith.constant 0 : i32
          %dma_start3A_344 = arith.constant 0 : i32
          %dma_start3A_345 = tpu.memref_slice %arg6[%dma_start3A_343, %dma_start3A_344] : memref<10000x128xf32, #tpu.memory_space<hbm>> -> memref<10000x128xf32, #tpu.memory_space<hbm>>
          tpu.enqueue_indirect_dma source(%dma_start3A_345 : memref<10000x128xf32, #tpu.memory_space<hbm>>) target(%arg15 : memref<128x128xf32, #tpu.memory_space<vmem>>) offsets(%dma_start3A_342 : memref<128xi32, #tpu.memory_space<vmem>>) semaphore(%arg17 : memref<!tpu.dma_semaphore, #tpu.memory_space<semaphore_mem>>)
        } else {
        }
        %add3A_325 = arith.constant 1 : i32
        %add3A_326 = arith.addi %mul3A_263, %add3A_325 : i32
        %scan3A_327 = arith.constant 0 : i32
        %scan3A_328 = arith.constant 128 : i32
        %scan3A_329 = arith.addi %scan3A_327, %scan3A_328 : i32
        %scan3A_330 = arith.constant 4 : i32
        scf.for %scan3A_340 = %scan3A_327 to %scan3A_329 step %scan3A_330  : i32 {
          %mul3A_341 = arith.constant 1 : i32
          %mul3A_342 = arith.muli %scan3A_340, %mul3A_341 : i32
          %add3A_343 = arith.constant 0 : i32
          %add3A_344 = arith.addi %add3A_343, %mul3A_342 : i32
          %broadcast_in_dim3A = vector.broadcast %add3A_326 : i32 to vector<16xi32>
          %broadcast_in_dim3A_345 = vector.broadcast %add3A_344 : i32 to vector<16xi32>
          %gather3A = tpu.vector_load_idx %arg14[%broadcast_in_dim3A, %broadcast_in_dim3A_345] : memref<8x128xf32, #tpu.memory_space<vmem>>[vector<16xi32>, vector<16xi32>], vector<16xf32>,
          %get3A = arith.index_cast %add3A_344 : i32 to index
          %get3A_346 = arith.constant 0 : index
          %get3A_347 = tpu.vector_load %arg16[%get3A, %get3A_346] {strides = array<i32>} : memref<128x128xf32, #tpu.memory_space<vmem>>, vector<16xf32>,
          %mul3A_348 = arith.mulf %get3A_347, %gather3A : vector<16xf32>
          %swap3A = arith.index_cast %add3A_344 : i32 to index
          %swap3A_349 = arith.constant 0 : index
          %swap3A_350 = tpu.vector_load %arg16[%swap3A, %swap3A_349] {strides = array<i32>} : memref<128x128xf32, #tpu.memory_space<vmem>>, vector<16xf32>,
          tpu.vector_store %arg16[%swap3A, %swap3A_349], %mul3A_348 {strides = array<i32>} : memref<128x128xf32, #tpu.memory_space<vmem>>, vector<16xf32>,
          %get3A_351 = arith.index_cast %add3A_344 : i32 to index
          %get3A_352 = arith.constant 16 : index
          %get3A_353 = tpu.vector_load %arg16[%get3A_351, %get3A_352] {strides = array<i32>} : memref<128x128xf32, #tpu.memory_space<vmem>>, vector<16xf32>,
          %mul3A_354 = arith.mulf %get3A_353, %gather3A : vector<16xf32>
          %swap3A_355 = arith.index_cast %add3A_344 : i32 to index
          %swap3A_356 = arith.constant 16 : index
          %swap3A_357 = tpu.vector_load %arg16[%swap3A_355, %swap3A_356] {strides = array<i32>} : memref<128x128xf32, #tpu.memory_space<vmem>>, vector<16xf32>,
          tpu.vector_store %arg16[%swap3A_355, %swap3A_356], %mul3A_354 {strides = array<i32>} : memref<128x128xf32, #tpu.memory_space<vmem>>, vector<16xf32>,
          %get3A_358 = arith.index_cast %add3A_344 : i32 to index
          %get3A_359 = arith.constant 32 : index
          %get3A_360 = tpu.vector_load %arg16[%get3A_358, %get3A_359] {strides = array<i32>} : memref<128x128xf32, #tpu.memory_space<vmem>>, vector<16xf32>,
          %mul3A_361 = arith.mulf %get3A_360, %gather3A : vector<16xf32>
          %swap3A_362 = arith.index_cast %add3A_344 : i32 to index
          %swap3A_363 = arith.constant 32 : index
          %swap3A_364 = tpu.vector_load %arg16[%swap3A_362, %swap3A_363] {strides = array<i32>} : memref<128x128xf32, #tpu.memory_space<vmem>>, vector<16xf32>,
          tpu.vector_store %arg16[%swap3A_362, %swap3A_363], %mul3A_361 {strides = array<i32>} : memref<128x128xf32, #tpu.memory_space<vmem>>, vector<16xf32>,
          %get3A_365 = arith.index_cast %add3A_344 : i32 to index
          %get3A_366 = arith.constant 48 : index
          %get3A_367 = tpu.vector_load %arg16[%get3A_365, %get3A_366] {strides = array<i32>} : memref<128x128xf32, #tpu.memory_space<vmem>>, vector<16xf32>,
          %mul3A_368 = arith.mulf %get3A_367, %gather3A : vector<16xf32>
          %swap3A_369 = arith.index_cast %add3A_344 : i32 to index
          %swap3A_370 = arith.constant 48 : index
          %swap3A_371 = tpu.vector_load %arg16[%swap3A_369, %swap3A_370] {strides = array<i32>} : memref<128x128xf32, #tpu.memory_space<vmem>>, vector<16xf32>,
          tpu.vector_store %arg16[%swap3A_369, %swap3A_370], %mul3A_368 {strides = array<i32>} : memref<128x128xf32, #tpu.memory_space<vmem>>, vector<16xf32>,
          %get3A_372 = arith.index_cast %add3A_344 : i32 to index
          %get3A_373 = arith.constant 64 : index
          %get3A_374 = tpu.vector_load %arg16[%get3A_372, %get3A_373] {strides = array<i32>} : memref<128x128xf32, #tpu.memory_space<vmem>>, vector<16xf32>,
          %mul3A_375 = arith.mulf %get3A_374, %gather3A : vector<16xf32>
          %swap3A_376 = arith.index_cast %add3A_344 : i32 to index
          %swap3A_377 = arith.constant 64 : index
          %swap3A_378 = tpu.vector_load %arg16[%swap3A_376, %swap3A_377] {strides = array<i32>} : memref<128x128xf32, #tpu.memory_space<vmem>>, vector<16xf32>,
          tpu.vector_store %arg16[%swap3A_376, %swap3A_377], %mul3A_375 {strides = array<i32>} : memref<128x128xf32, #tpu.memory_space<vmem>>, vector<16xf32>,
          %get3A_379 = arith.index_cast %add3A_344 : i32 to index
          %get3A_380 = arith.constant 80 : index
          %get3A_381 = tpu.vector_load %arg16[%get3A_379, %get3A_380] {strides = array<i32>} : memref<128x128xf32, #tpu.memory_space<vmem>>, vector<16xf32>,
          %mul3A_382 = arith.mulf %get3A_381, %gather3A : vector<16xf32>
          %swap3A_383 = arith.index_cast %add3A_344 : i32 to index
          %swap3A_384 = arith.constant 80 : index
          %swap3A_385 = tpu.vector_load %arg16[%swap3A_383, %swap3A_384] {strides = array<i32>} : memref<128x128xf32, #tpu.memory_space<vmem>>, vector<16xf32>,
          tpu.vector_store %arg16[%swap3A_383, %swap3A_384], %mul3A_382 {strides = array<i32>} : memref<128x128xf32, #tpu.memory_space<vmem>>, vector<16xf32>,
          %get3A_386 = arith.index_cast %add3A_344 : i32 to index
          %get3A_387 = arith.constant 96 : index
          %get3A_388 = tpu.vector_load %arg16[%get3A_386, %get3A_387] {strides = array<i32>} : memref<128x128xf32, #tpu.memory_space<vmem>>, vector<16xf32>,
          %mul3A_389 = arith.mulf %get3A_388, %gather3A : vector<16xf32>
          %swap3A_390 = arith.index_cast %add3A_344 : i32 to index
          %swap3A_391 = arith.constant 96 : index
          %swap3A_392 = tpu.vector_load %arg16[%swap3A_390, %swap3A_391] {strides = array<i32>} : memref<128x128xf32, #tpu.memory_space<vmem>>, vector<16xf32>,
          tpu.vector_store %arg16[%swap3A_390, %swap3A_391], %mul3A_389 {strides = array<i32>} : memref<128x128xf32, #tpu.memory_space<vmem>>, vector<16xf32>,
          %get3A_393 = arith.index_cast %add3A_344 : i32 to index
          %get3A_394 = arith.constant 112 : index
          %get3A_395 = tpu.vector_load %arg16[%get3A_393, %get3A_394] {strides = array<i32>} : memref<128x128xf32, #tpu.memory_space<vmem>>, vector<16xf32>,
          %mul3A_396 = arith.mulf %get3A_395, %gather3A : vector<16xf32>
          %swap3A_397 = arith.index_cast %add3A_344 : i32 to index
          %swap3A_398 = arith.constant 112 : index
          %swap3A_399 = tpu.vector_load %arg16[%swap3A_397, %swap3A_398] {strides = array<i32>} : memref<128x128xf32, #tpu.memory_space<vmem>>, vector<16xf32>,
          tpu.vector_store %arg16[%swap3A_397, %swap3A_398], %mul3A_396 {strides = array<i32>} : memref<128x128xf32, #tpu.memory_space<vmem>>, vector<16xf32>,
          %scan3A_400 = arith.constant 1 : i32
          %scan3A_401 = arith.addi %scan3A_340, %scan3A_400 : i32
          %mul3A_402 = arith.constant 1 : i32
          %mul3A_403 = arith.muli %scan3A_401, %mul3A_402 : i32
          %add3A_404 = arith.constant 0 : i32
          %add3A_405 = arith.addi %add3A_404, %mul3A_403 : i32
          %broadcast_in_dim3A_406 = vector.broadcast %add3A_326 : i32 to vector<16xi32>
          %broadcast_in_dim3A_407 = vector.broadcast %add3A_405 : i32 to vector<16xi32>
          %gather3A_408 = tpu.vector_load_idx %arg14[%broadcast_in_dim3A_406, %broadcast_in_dim3A_407] : memref<8x128xf32, #tpu.memory_space<vmem>>[vector<16xi32>, vector<16xi32>], vector<16xf32>,
          %get3A_409 = arith.index_cast %add3A_405 : i32 to index
          %get3A_410 = arith.constant 0 : index
          %get3A_411 = tpu.vector_load %arg16[%get3A_409, %get3A_410] {strides = array<i32>} : memref<128x128xf32, #tpu.memory_space<vmem>>, vector<16xf32>,
          %mul3A_412 = arith.mulf %get3A_411, %gather3A_408 : vector<16xf32>
          %swap3A_413 = arith.index_cast %add3A_405 : i32 to index
          %swap3A_414 = arith.constant 0 : index
          %swap3A_415 = tpu.vector_load %arg16[%swap3A_413, %swap3A_414] {strides = array<i32>} : memref<128x128xf32, #tpu.memory_space<vmem>>, vector<16xf32>,
          tpu.vector_store %arg16[%swap3A_413, %swap3A_414], %mul3A_412 {strides = array<i32>} : memref<128x128xf32, #tpu.memory_space<vmem>>, vector<16xf32>,
          %get3A_416 = arith.index_cast %add3A_405 : i32 to index
          %get3A_417 = arith.constant 16 : index
          %get3A_418 = tpu.vector_load %arg16[%get3A_416, %get3A_417] {strides = array<i32>} : memref<128x128xf32, #tpu.memory_space<vmem>>, vector<16xf32>,
          %mul3A_419 = arith.mulf %get3A_418, %gather3A_408 : vector<16xf32>
          %swap3A_420 = arith.index_cast %add3A_405 : i32 to index
          %swap3A_421 = arith.constant 16 : index
          %swap3A_422 = tpu.vector_load %arg16[%swap3A_420, %swap3A_421] {strides = array<i32>} : memref<128x128xf32, #tpu.memory_space<vmem>>, vector<16xf32>,
          tpu.vector_store %arg16[%swap3A_420, %swap3A_421], %mul3A_419 {strides = array<i32>} : memref<128x128xf32, #tpu.memory_space<vmem>>, vector<16xf32>,
          %get3A_423 = arith.index_cast %add3A_405 : i32 to index
          %get3A_424 = arith.constant 32 : index
          %get3A_425 = tpu.vector_load %arg16[%get3A_423, %get3A_424] {strides = array<i32>} : memref<128x128xf32, #tpu.memory_space<vmem>>, vector<16xf32>,
          %mul3A_426 = arith.mulf %get3A_425, %gather3A_408 : vector<16xf32>
          %swap3A_427 = arith.index_cast %add3A_405 : i32 to index
          %swap3A_428 = arith.constant 32 : index
          %swap3A_429 = tpu.vector_load %arg16[%swap3A_427, %swap3A_428] {strides = array<i32>} : memref<128x128xf32, #tpu.memory_space<vmem>>, vector<16xf32>,
          tpu.vector_store %arg16[%swap3A_427, %swap3A_428], %mul3A_426 {strides = array<i32>} : memref<128x128xf32, #tpu.memory_space<vmem>>, vector<16xf32>,
          %get3A_430 = arith.index_cast %add3A_405 : i32 to index
          %get3A_431 = arith.constant 48 : index
          %get3A_432 = tpu.vector_load %arg16[%get3A_430, %get3A_431] {strides = array<i32>} : memref<128x128xf32, #tpu.memory_space<vmem>>, vector<16xf32>,
          %mul3A_433 = arith.mulf %get3A_432, %gather3A_408 : vector<16xf32>
          %swap3A_434 = arith.index_cast %add3A_405 : i32 to index
          %swap3A_435 = arith.constant 48 : index
          %swap3A_436 = tpu.vector_load %arg16[%swap3A_434, %swap3A_435] {strides = array<i32>} : memref<128x128xf32, #tpu.memory_space<vmem>>, vector<16xf32>,
          tpu.vector_store %arg16[%swap3A_434, %swap3A_435], %mul3A_433 {strides = array<i32>} : memref<128x128xf32, #tpu.memory_space<vmem>>, vector<16xf32>,
          %get3A_437 = arith.index_cast %add3A_405 : i32 to index
          %get3A_438 = arith.constant 64 : index
          %get3A_439 = tpu.vector_load %arg16[%get3A_437, %get3A_438] {strides = array<i32>} : memref<128x128xf32, #tpu.memory_space<vmem>>, vector<16xf32>,
          %mul3A_440 = arith.mulf %get3A_439, %gather3A_408 : vector<16xf32>
          %swap3A_441 = arith.index_cast %add3A_405 : i32 to index
          %swap3A_442 = arith.constant 64 : index
          %swap3A_443 = tpu.vector_load %arg16[%swap3A_441, %swap3A_442] {strides = array<i32>} : memref<128x128xf32, #tpu.memory_space<vmem>>, vector<16xf32>,
          tpu.vector_store %arg16[%swap3A_441, %swap3A_442], %mul3A_440 {strides = array<i32>} : memref<128x128xf32, #tpu.memory_space<vmem>>, vector<16xf32>,
          %get3A_444 = arith.index_cast %add3A_405 : i32 to index
          %get3A_445 = arith.constant 80 : index
          %get3A_446 = tpu.vector_load %arg16[%get3A_444, %get3A_445] {strides = array<i32>} : memref<128x128xf32, #tpu.memory_space<vmem>>, vector<16xf32>,
          %mul3A_447 = arith.mulf %get3A_446, %gather3A_408 : vector<16xf32>
          %swap3A_448 = arith.index_cast %add3A_405 : i32 to index
          %swap3A_449 = arith.constant 80 : index
          %swap3A_450 = tpu.vector_load %arg16[%swap3A_448, %swap3A_449] {strides = array<i32>} : memref<128x128xf32, #tpu.memory_space<vmem>>, vector<16xf32>,
          tpu.vector_store %arg16[%swap3A_448, %swap3A_449], %mul3A_447 {strides = array<i32>} : memref<128x128xf32, #tpu.memory_space<vmem>>, vector<16xf32>,
          %get3A_451 = arith.index_cast %add3A_405 : i32 to index
          %get3A_452 = arith.constant 96 : index
          %get3A_453 = tpu.vector_load %arg16[%get3A_451, %get3A_452] {strides = array<i32>} : memref<128x128xf32, #tpu.memory_space<vmem>>, vector<16xf32>,
          %mul3A_454 = arith.mulf %get3A_453, %gather3A_408 : vector<16xf32>
          %swap3A_455 = arith.index_cast %add3A_405 : i32 to index
          %swap3A_456 = arith.constant 96 : index
          %swap3A_457 = tpu.vector_load %arg16[%swap3A_455, %swap3A_456] {strides = array<i32>} : memref<128x128xf32, #tpu.memory_space<vmem>>, vector<16xf32>,
          tpu.vector_store %arg16[%swap3A_455, %swap3A_456], %mul3A_454 {strides = array<i32>} : memref<128x128xf32, #tpu.memory_space<vmem>>, vector<16xf32>,
          %get3A_458 = arith.index_cast %add3A_405 : i32 to index
          %get3A_459 = arith.constant 112 : index
          %get3A_460 = tpu.vector_load %arg16[%get3A_458, %get3A_459] {strides = array<i32>} : memref<128x128xf32, #tpu.memory_space<vmem>>, vector<16xf32>,
          %mul3A_461 = arith.mulf %get3A_460, %gather3A_408 : vector<16xf32>
          %swap3A_462 = arith.index_cast %add3A_405 : i32 to index
          %swap3A_463 = arith.constant 112 : index
          %swap3A_464 = tpu.vector_load %arg16[%swap3A_462, %swap3A_463] {strides = array<i32>} : memref<128x128xf32, #tpu.memory_space<vmem>>, vector<16xf32>,
          tpu.vector_store %arg16[%swap3A_462, %swap3A_463], %mul3A_461 {strides = array<i32>} : memref<128x128xf32, #tpu.memory_space<vmem>>, vector<16xf32>,
          %scan3A_465 = arith.constant 2 : i32
          %scan3A_466 = arith.addi %scan3A_340, %scan3A_465 : i32
          %mul3A_467 = arith.constant 1 : i32
          %mul3A_468 = arith.muli %scan3A_466, %mul3A_467 : i32
          %add3A_469 = arith.constant 0 : i32
          %add3A_470 = arith.addi %add3A_469, %mul3A_468 : i32
          %broadcast_in_dim3A_471 = vector.broadcast %add3A_326 : i32 to vector<16xi32>
          %broadcast_in_dim3A_472 = vector.broadcast %add3A_470 : i32 to vector<16xi32>
          %gather3A_473 = tpu.vector_load_idx %arg14[%broadcast_in_dim3A_471, %broadcast_in_dim3A_472] : memref<8x128xf32, #tpu.memory_space<vmem>>[vector<16xi32>, vector<16xi32>], vector<16xf32>,
          %get3A_474 = arith.index_cast %add3A_470 : i32 to index
          %get3A_475 = arith.constant 0 : index
          %get3A_476 = tpu.vector_load %arg16[%get3A_474, %get3A_475] {strides = array<i32>} : memref<128x128xf32, #tpu.memory_space<vmem>>, vector<16xf32>,
          %mul3A_477 = arith.mulf %get3A_476, %gather3A_473 : vector<16xf32>
          %swap3A_478 = arith.index_cast %add3A_470 : i32 to index
          %swap3A_479 = arith.constant 0 : index
          %swap3A_480 = tpu.vector_load %arg16[%swap3A_478, %swap3A_479] {strides = array<i32>} : memref<128x128xf32, #tpu.memory_space<vmem>>, vector<16xf32>,
          tpu.vector_store %arg16[%swap3A_478, %swap3A_479], %mul3A_477 {strides = array<i32>} : memref<128x128xf32, #tpu.memory_space<vmem>>, vector<16xf32>,
          %get3A_481 = arith.index_cast %add3A_470 : i32 to index
          %get3A_482 = arith.constant 16 : index
          %get3A_483 = tpu.vector_load %arg16[%get3A_481, %get3A_482] {strides = array<i32>} : memref<128x128xf32, #tpu.memory_space<vmem>>, vector<16xf32>,
          %mul3A_484 = arith.mulf %get3A_483, %gather3A_473 : vector<16xf32>
          %swap3A_485 = arith.index_cast %add3A_470 : i32 to index
          %swap3A_486 = arith.constant 16 : index
          %swap3A_487 = tpu.vector_load %arg16[%swap3A_485, %swap3A_486] {strides = array<i32>} : memref<128x128xf32, #tpu.memory_space<vmem>>, vector<16xf32>,
          tpu.vector_store %arg16[%swap3A_485, %swap3A_486], %mul3A_484 {strides = array<i32>} : memref<128x128xf32, #tpu.memory_space<vmem>>, vector<16xf32>,
          %get3A_488 = arith.index_cast %add3A_470 : i32 to index
          %get3A_489 = arith.constant 32 : index
          %get3A_490 = tpu.vector_load %arg16[%get3A_488, %get3A_489] {strides = array<i32>} : memref<128x128xf32, #tpu.memory_space<vmem>>, vector<16xf32>,
          %mul3A_491 = arith.mulf %get3A_490, %gather3A_473 : vector<16xf32>
          %swap3A_492 = arith.index_cast %add3A_470 : i32 to index
          %swap3A_493 = arith.constant 32 : index
          %swap3A_494 = tpu.vector_load %arg16[%swap3A_492, %swap3A_493] {strides = array<i32>} : memref<128x128xf32, #tpu.memory_space<vmem>>, vector<16xf32>,
          tpu.vector_store %arg16[%swap3A_492, %swap3A_493], %mul3A_491 {strides = array<i32>} : memref<128x128xf32, #tpu.memory_space<vmem>>, vector<16xf32>,
          %get3A_495 = arith.index_cast %add3A_470 : i32 to index
          %get3A_496 = arith.constant 48 : index
          %get3A_497 = tpu.vector_load %arg16[%get3A_495, %get3A_496] {strides = array<i32>} : memref<128x128xf32, #tpu.memory_space<vmem>>, vector<16xf32>,
          %mul3A_498 = arith.mulf %get3A_497, %gather3A_473 : vector<16xf32>
          %swap3A_499 = arith.index_cast %add3A_470 : i32 to index
          %swap3A_500 = arith.constant 48 : index
          %swap3A_501 = tpu.vector_load %arg16[%swap3A_499, %swap3A_500] {strides = array<i32>} : memref<128x128xf32, #tpu.memory_space<vmem>>, vector<16xf32>,
          tpu.vector_store %arg16[%swap3A_499, %swap3A_500], %mul3A_498 {strides = array<i32>} : memref<128x128xf32, #tpu.memory_space<vmem>>, vector<16xf32>,
          %get3A_502 = arith.index_cast %add3A_470 : i32 to index
          %get3A_503 = arith.constant 64 : index
          %get3A_504 = tpu.vector_load %arg16[%get3A_502, %get3A_503] {strides = array<i32>} : memref<128x128xf32, #tpu.memory_space<vmem>>, vector<16xf32>,
          %mul3A_505 = arith.mulf %get3A_504, %gather3A_473 : vector<16xf32>
          %swap3A_506 = arith.index_cast %add3A_470 : i32 to index
          %swap3A_507 = arith.constant 64 : index
          %swap3A_508 = tpu.vector_load %arg16[%swap3A_506, %swap3A_507] {strides = array<i32>} : memref<128x128xf32, #tpu.memory_space<vmem>>, vector<16xf32>,
          tpu.vector_store %arg16[%swap3A_506, %swap3A_507], %mul3A_505 {strides = array<i32>} : memref<128x128xf32, #tpu.memory_space<vmem>>, vector<16xf32>,
          %get3A_509 = arith.index_cast %add3A_470 : i32 to index
          %get3A_510 = arith.constant 80 : index
          %get3A_511 = tpu.vector_load %arg16[%get3A_509, %get3A_510] {strides = array<i32>} : memref<128x128xf32, #tpu.memory_space<vmem>>, vector<16xf32>,
          %mul3A_512 = arith.mulf %get3A_511, %gather3A_473 : vector<16xf32>
          %swap3A_513 = arith.index_cast %add3A_470 : i32 to index
          %swap3A_514 = arith.constant 80 : index
          %swap3A_515 = tpu.vector_load %arg16[%swap3A_513, %swap3A_514] {strides = array<i32>} : memref<128x128xf32, #tpu.memory_space<vmem>>, vector<16xf32>,
          tpu.vector_store %arg16[%swap3A_513, %swap3A_514], %mul3A_512 {strides = array<i32>} : memref<128x128xf32, #tpu.memory_space<vmem>>, vector<16xf32>,
          %get3A_516 = arith.index_cast %add3A_470 : i32 to index
          %get3A_517 = arith.constant 96 : index
          %get3A_518 = tpu.vector_load %arg16[%get3A_516, %get3A_517] {strides = array<i32>} : memref<128x128xf32, #tpu.memory_space<vmem>>, vector<16xf32>,
          %mul3A_519 = arith.mulf %get3A_518, %gather3A_473 : vector<16xf32>
          %swap3A_520 = arith.index_cast %add3A_470 : i32 to index
          %swap3A_521 = arith.constant 96 : index
          %swap3A_522 = tpu.vector_load %arg16[%swap3A_520, %swap3A_521] {strides = array<i32>} : memref<128x128xf32, #tpu.memory_space<vmem>>, vector<16xf32>,
          tpu.vector_store %arg16[%swap3A_520, %swap3A_521], %mul3A_519 {strides = array<i32>} : memref<128x128xf32, #tpu.memory_space<vmem>>, vector<16xf32>,
          %get3A_523 = arith.index_cast %add3A_470 : i32 to index
          %get3A_524 = arith.constant 112 : index
          %get3A_525 = tpu.vector_load %arg16[%get3A_523, %get3A_524] {strides = array<i32>} : memref<128x128xf32, #tpu.memory_space<vmem>>, vector<16xf32>,
          %mul3A_526 = arith.mulf %get3A_525, %gather3A_473 : vector<16xf32>
          %swap3A_527 = arith.index_cast %add3A_470 : i32 to index
          %swap3A_528 = arith.constant 112 : index
          %swap3A_529 = tpu.vector_load %arg16[%swap3A_527, %swap3A_528] {strides = array<i32>} : memref<128x128xf32, #tpu.memory_space<vmem>>, vector<16xf32>,
          tpu.vector_store %arg16[%swap3A_527, %swap3A_528], %mul3A_526 {strides = array<i32>} : memref<128x128xf32, #tpu.memory_space<vmem>>, vector<16xf32>,
          %scan3A_530 = arith.constant 3 : i32
          %scan3A_531 = arith.addi %scan3A_340, %scan3A_530 : i32
          %mul3A_532 = arith.constant 1 : i32
          %mul3A_533 = arith.muli %scan3A_531, %mul3A_532 : i32
          %add3A_534 = arith.constant 0 : i32
          %add3A_535 = arith.addi %add3A_534, %mul3A_533 : i32
          %broadcast_in_dim3A_536 = vector.broadcast %add3A_326 : i32 to vector<16xi32>
          %broadcast_in_dim3A_537 = vector.broadcast %add3A_535 : i32 to vector<16xi32>
          %gather3A_538 = tpu.vector_load_idx %arg14[%broadcast_in_dim3A_536, %broadcast_in_dim3A_537] : memref<8x128xf32, #tpu.memory_space<vmem>>[vector<16xi32>, vector<16xi32>], vector<16xf32>,
          %get3A_539 = arith.index_cast %add3A_535 : i32 to index
          %get3A_540 = arith.constant 0 : index
          %get3A_541 = tpu.vector_load %arg16[%get3A_539, %get3A_540] {strides = array<i32>} : memref<128x128xf32, #tpu.memory_space<vmem>>, vector<16xf32>,
          %mul3A_542 = arith.mulf %get3A_541, %gather3A_538 : vector<16xf32>
          %swap3A_543 = arith.index_cast %add3A_535 : i32 to index
          %swap3A_544 = arith.constant 0 : index
          %swap3A_545 = tpu.vector_load %arg16[%swap3A_543, %swap3A_544] {strides = array<i32>} : memref<128x128xf32, #tpu.memory_space<vmem>>, vector<16xf32>,
          tpu.vector_store %arg16[%swap3A_543, %swap3A_544], %mul3A_542 {strides = array<i32>} : memref<128x128xf32, #tpu.memory_space<vmem>>, vector<16xf32>,
          %get3A_546 = arith.index_cast %add3A_535 : i32 to index
          %get3A_547 = arith.constant 16 : index
          %get3A_548 = tpu.vector_load %arg16[%get3A_546, %get3A_547] {strides = array<i32>} : memref<128x128xf32, #tpu.memory_space<vmem>>, vector<16xf32>,
          %mul3A_549 = arith.mulf %get3A_548, %gather3A_538 : vector<16xf32>
          %swap3A_550 = arith.index_cast %add3A_535 : i32 to index
          %swap3A_551 = arith.constant 16 : index
          %swap3A_552 = tpu.vector_load %arg16[%swap3A_550, %swap3A_551] {strides = array<i32>} : memref<128x128xf32, #tpu.memory_space<vmem>>, vector<16xf32>,
          tpu.vector_store %arg16[%swap3A_550, %swap3A_551], %mul3A_549 {strides = array<i32>} : memref<128x128xf32, #tpu.memory_space<vmem>>, vector<16xf32>,
          %get3A_553 = arith.index_cast %add3A_535 : i32 to index
          %get3A_554 = arith.constant 32 : index
          %get3A_555 = tpu.vector_load %arg16[%get3A_553, %get3A_554] {strides = array<i32>} : memref<128x128xf32, #tpu.memory_space<vmem>>, vector<16xf32>,
          %mul3A_556 = arith.mulf %get3A_555, %gather3A_538 : vector<16xf32>
          %swap3A_557 = arith.index_cast %add3A_535 : i32 to index
          %swap3A_558 = arith.constant 32 : index
          %swap3A_559 = tpu.vector_load %arg16[%swap3A_557, %swap3A_558] {strides = array<i32>} : memref<128x128xf32, #tpu.memory_space<vmem>>, vector<16xf32>,
          tpu.vector_store %arg16[%swap3A_557, %swap3A_558], %mul3A_556 {strides = array<i32>} : memref<128x128xf32, #tpu.memory_space<vmem>>, vector<16xf32>,
          %get3A_560 = arith.index_cast %add3A_535 : i32 to index
          %get3A_561 = arith.constant 48 : index
          %get3A_562 = tpu.vector_load %arg16[%get3A_560, %get3A_561] {strides = array<i32>} : memref<128x128xf32, #tpu.memory_space<vmem>>, vector<16xf32>,
          %mul3A_563 = arith.mulf %get3A_562, %gather3A_538 : vector<16xf32>
          %swap3A_564 = arith.index_cast %add3A_535 : i32 to index
          %swap3A_565 = arith.constant 48 : index
          %swap3A_566 = tpu.vector_load %arg16[%swap3A_564, %swap3A_565] {strides = array<i32>} : memref<128x128xf32, #tpu.memory_space<vmem>>, vector<16xf32>,
          tpu.vector_store %arg16[%swap3A_564, %swap3A_565], %mul3A_563 {strides = array<i32>} : memref<128x128xf32, #tpu.memory_space<vmem>>, vector<16xf32>,
          %get3A_567 = arith.index_cast %add3A_535 : i32 to index
          %get3A_568 = arith.constant 64 : index
          %get3A_569 = tpu.vector_load %arg16[%get3A_567, %get3A_568] {strides = array<i32>} : memref<128x128xf32, #tpu.memory_space<vmem>>, vector<16xf32>,
          %mul3A_570 = arith.mulf %get3A_569, %gather3A_538 : vector<16xf32>
          %swap3A_571 = arith.index_cast %add3A_535 : i32 to index
          %swap3A_572 = arith.constant 64 : index
          %swap3A_573 = tpu.vector_load %arg16[%swap3A_571, %swap3A_572] {strides = array<i32>} : memref<128x128xf32, #tpu.memory_space<vmem>>, vector<16xf32>,
          tpu.vector_store %arg16[%swap3A_571, %swap3A_572], %mul3A_570 {strides = array<i32>} : memref<128x128xf32, #tpu.memory_space<vmem>>, vector<16xf32>,
          %get3A_574 = arith.index_cast %add3A_535 : i32 to index
          %get3A_575 = arith.constant 80 : index
          %get3A_576 = tpu.vector_load %arg16[%get3A_574, %get3A_575] {strides = array<i32>} : memref<128x128xf32, #tpu.memory_space<vmem>>, vector<16xf32>,
          %mul3A_577 = arith.mulf %get3A_576, %gather3A_538 : vector<16xf32>
          %swap3A_578 = arith.index_cast %add3A_535 : i32 to index
          %swap3A_579 = arith.constant 80 : index
          %swap3A_580 = tpu.vector_load %arg16[%swap3A_578, %swap3A_579] {strides = array<i32>} : memref<128x128xf32, #tpu.memory_space<vmem>>, vector<16xf32>,
          tpu.vector_store %arg16[%swap3A_578, %swap3A_579], %mul3A_577 {strides = array<i32>} : memref<128x128xf32, #tpu.memory_space<vmem>>, vector<16xf32>,
          %get3A_581 = arith.index_cast %add3A_535 : i32 to index
          %get3A_582 = arith.constant 96 : index
          %get3A_583 = tpu.vector_load %arg16[%get3A_581, %get3A_582] {strides = array<i32>} : memref<128x128xf32, #tpu.memory_space<vmem>>, vector<16xf32>,
          %mul3A_584 = arith.mulf %get3A_583, %gather3A_538 : vector<16xf32>
          %swap3A_585 = arith.index_cast %add3A_535 : i32 to index
          %swap3A_586 = arith.constant 96 : index
          %swap3A_587 = tpu.vector_load %arg16[%swap3A_585, %swap3A_586] {strides = array<i32>} : memref<128x128xf32, #tpu.memory_space<vmem>>, vector<16xf32>,
          tpu.vector_store %arg16[%swap3A_585, %swap3A_586], %mul3A_584 {strides = array<i32>} : memref<128x128xf32, #tpu.memory_space<vmem>>, vector<16xf32>,
          %get3A_588 = arith.index_cast %add3A_535 : i32 to index
          %get3A_589 = arith.constant 112 : index
          %get3A_590 = tpu.vector_load %arg16[%get3A_588, %get3A_589] {strides = array<i32>} : memref<128x128xf32, #tpu.memory_space<vmem>>, vector<16xf32>,
          %mul3A_591 = arith.mulf %get3A_590, %gather3A_538 : vector<16xf32>
          %swap3A_592 = arith.index_cast %add3A_535 : i32 to index
          %swap3A_593 = arith.constant 112 : index
          %swap3A_594 = tpu.vector_load %arg16[%swap3A_592, %swap3A_593] {strides = array<i32>} : memref<128x128xf32, #tpu.memory_space<vmem>>, vector<16xf32>,
          tpu.vector_store %arg16[%swap3A_592, %swap3A_593], %mul3A_591 {strides = array<i32>} : memref<128x128xf32, #tpu.memory_space<vmem>>, vector<16xf32>,
        }
        %scan3A_331 = arith.constant 128 : i32
        %add3A_332 = arith.constant 1 : i32
        %add3A_333 = arith.addi %mul3A_263, %add3A_332 : i32
        %dma_start3A_334 = arith.constant 0 : i32
        %dma_start3A_335 = tpu.memref_slice %arg13[%add3A_333, %dma_start3A_334] : memref<8x128xi32, #tpu.memory_space<vmem>> -> memref<1x128xi32, #tpu.memory_space<vmem>>
        %dma_start3A_336 = tpu.memref_squeeze %dma_start3A_335 : memref<1x128xi32, #tpu.memory_space<vmem>> -> memref<128xi32, #tpu.memory_space<vmem>>
        %dma_start3A_337 = arith.constant 0 : i32
        %dma_start3A_338 = arith.constant 0 : i32
        %dma_start3A_339 = tpu.memref_slice %arg8[%dma_start3A_337, %dma_start3A_338] : memref<10240x128xf32, #tpu.memory_space<vmem_shared>> -> memref<10240x128xf32, #tpu.memory_space<vmem_shared>>
        tpu.enqueue_indirect_dma source(%arg16 : memref<128x128xf32, #tpu.memory_space<vmem>>) target(%dma_start3A_339 : memref<10240x128xf32, #tpu.memory_space<vmem_shared>>) offsets(%dma_start3A_336 : memref<128xi32, #tpu.memory_space<vmem>>) semaphore(%arg20 : memref<!tpu.dma_semaphore, #tpu.memory_space<semaphore_mem>>) {add = true}
      }
      %scan3A_191 = arith.constant 3 : i32
      %dma_wait3A_192 = arith.constant 6 : i32
      %dma_wait3A_193 = arith.constant 0 : i32
      %dma_wait3A_194 = tpu.memref_slice %arg12[%dma_wait3A_192, %dma_wait3A_193] : memref<8x128xi32, #tpu.memory_space<vmem>> -> memref<1x128xi32, #tpu.memory_space<vmem>>
      %dma_wait3A_195 = tpu.memref_squeeze %dma_wait3A_194 : memref<1x128xi32, #tpu.memory_space<vmem>> -> memref<128xi32, #tpu.memory_space<vmem>>
      %dma_wait3A_196 = arith.constant 0 : i32
      %dma_wait3A_197 = arith.constant 0 : i32
      %dma_wait3A_198 = tpu.memref_slice %arg5[%dma_wait3A_196, %dma_wait3A_197] : memref<10000x128xf32, #tpu.memory_space<hbm>> -> memref<10000x128xf32, #tpu.memory_space<hbm>>
      tpu.wait_indirect_dma semaphore(%arg17 : memref<!tpu.dma_semaphore, #tpu.memory_space<semaphore_mem>>) src(%dma_wait3A_198 : memref<10000x128xf32, #tpu.memory_space<hbm>>) dst(%arg15 : memref<128x128xf32, #tpu.memory_space<vmem>>)
      %dma_wait3A_199 = arith.constant 6 : i32
      %dma_wait3A_200 = arith.constant 0 : i32
      %dma_wait3A_201 = tpu.memref_slice %arg13[%dma_wait3A_199, %dma_wait3A_200] : memref<8x128xi32, #tpu.memory_space<vmem>> -> memref<1x128xi32, #tpu.memory_space<vmem>>
      %dma_wait3A_202 = tpu.memref_squeeze %dma_wait3A_201 : memref<1x128xi32, #tpu.memory_space<vmem>> -> memref<128xi32, #tpu.memory_space<vmem>>
      %dma_wait3A_203 = arith.constant 0 : i32
      %dma_wait3A_204 = arith.constant 0 : i32
      %dma_wait3A_205 = tpu.memref_slice %arg8[%dma_wait3A_203, %dma_wait3A_204] : memref<10240x128xf32, #tpu.memory_space<vmem_shared>> -> memref<10240x128xf32, #tpu.memory_space<vmem_shared>>
      tpu.wait_indirect_dma semaphore(%arg20 : memref<!tpu.dma_semaphore, #tpu.memory_space<semaphore_mem>>) src(%arg16 : memref<128x128xf32, #tpu.memory_space<vmem>>) dst(%dma_wait3A_205 : memref<10240x128xf32, #tpu.memory_space<vmem_shared>>)
      %eq3A_206 = arith.constant 0 : i32
      %eq3A_207 = arith.cmpi eq, %arg0, %eq3A_206 : i32
      %convert_element_type3A_208 = arith.extui %eq3A_207 : i1 to i32
      %cond3A_209 = arith.constant 0 : i32
      %cond3A_210 = arith.cmpi ne, %convert_element_type3A_208, %cond3A_209 : i32
      scf.if %cond3A_210 {
        %dma_start3A_257 = arith.constant 7 : i32
        %dma_start3A_258 = arith.constant 0 : i32
        %dma_start3A_259 = tpu.memref_slice %arg12[%dma_start3A_257, %dma_start3A_258] : memref<8x128xi32, #tpu.memory_space<vmem>> -> memref<1x128xi32, #tpu.memory_space<vmem>>
        %dma_start3A_260 = tpu.memref_squeeze %dma_start3A_259 : memref<1x128xi32, #tpu.memory_space<vmem>> -> memref<128xi32, #tpu.memory_space<vmem>>
        %dma_start3A_261 = arith.constant 0 : i32
        %dma_start3A_262 = arith.constant 0 : i32
        %dma_start3A_263 = tpu.memref_slice %arg5[%dma_start3A_261, %dma_start3A_262] : memref<10000x128xf32, #tpu.memory_space<hbm>> -> memref<10000x128xf32, #tpu.memory_space<hbm>>
        tpu.enqueue_indirect_dma source(%dma_start3A_263 : memref<10000x128xf32, #tpu.memory_space<hbm>>) target(%arg16 : memref<128x128xf32, #tpu.memory_space<vmem>>) offsets(%dma_start3A_260 : memref<128xi32, #tpu.memory_space<vmem>>) semaphore(%arg18 : memref<!tpu.dma_semaphore, #tpu.memory_space<semaphore_mem>>)
      } else {
      }
      %eq3A_211 = arith.constant 1 : i32
      %eq3A_212 = arith.cmpi eq, %arg0, %eq3A_211 : i32
      %convert_element_type3A_213 = arith.extui %eq3A_212 : i1 to i32
      %cond3A_214 = arith.constant 0 : i32
      %cond3A_215 = arith.cmpi ne, %convert_element_type3A_213, %cond3A_214 : i32
      scf.if %cond3A_215 {
        %dma_start3A_257 = arith.constant 7 : i32
        %dma_start3A_258 = arith.constant 0 : i32
        %dma_start3A_259 = tpu.memref_slice %arg12[%dma_start3A_257, %dma_start3A_258] : memref<8x128xi32, #tpu.memory_space<vmem>> -> memref<1x128xi32, #tpu.memory_space<vmem>>
        %dma_start3A_260 = tpu.memref_squeeze %dma_start3A_259 : memref<1x128xi32, #tpu.memory_space<vmem>> -> memref<128xi32, #tpu.memory_space<vmem>>
        %dma_start3A_261 = arith.constant 0 : i32
        %dma_start3A_262 = arith.constant 0 : i32
        %dma_start3A_263 = tpu.memref_slice %arg6[%dma_start3A_261, %dma_start3A_262] : memref<10000x128xf32, #tpu.memory_space<hbm>> -> memref<10000x128xf32, #tpu.memory_space<hbm>>
        tpu.enqueue_indirect_dma source(%dma_start3A_263 : memref<10000x128xf32, #tpu.memory_space<hbm>>) target(%arg16 : memref<128x128xf32, #tpu.memory_space<vmem>>) offsets(%dma_start3A_260 : memref<128xi32, #tpu.memory_space<vmem>>) semaphore(%arg18 : memref<!tpu.dma_semaphore, #tpu.memory_space<semaphore_mem>>)
      } else {
      }
      %scan3A_216 = arith.constant 0 : i32
      %scan3A_217 = arith.constant 128 : i32
      %scan3A_218 = arith.addi %scan3A_216, %scan3A_217 : i32
      %scan3A_219 = arith.constant 4 : i32
      scf.for %scan3A_257 = %scan3A_216 to %scan3A_218 step %scan3A_219  : i32 {
        %mul3A_258 = arith.constant 1 : i32
        %mul3A_259 = arith.muli %scan3A_257, %mul3A_258 : i32
        %add3A_260 = arith.constant 0 : i32
        %add3A_261 = arith.addi %add3A_260, %mul3A_259 : i32
        %broadcast_in_dim3A = arith.constant 6 : i32
        %broadcast_in_dim3A_262 = vector.broadcast %broadcast_in_dim3A : i32 to vector<16xi32>
        %broadcast_in_dim3A_263 = vector.broadcast %add3A_261 : i32 to vector<16xi32>
        %gather3A = tpu.vector_load_idx %arg14[%broadcast_in_dim3A_262, %broadcast_in_dim3A_263] : memref<8x128xf32, #tpu.memory_space<vmem>>[vector<16xi32>, vector<16xi32>], vector<16xf32>,
        %get3A = arith.index_cast %add3A_261 : i32 to index
        %get3A_264 = arith.constant 0 : index
        %get3A_265 = tpu.vector_load %arg15[%get3A, %get3A_264] {strides = array<i32>} : memref<128x128xf32, #tpu.memory_space<vmem>>, vector<16xf32>,
        %mul3A_266 = arith.mulf %get3A_265, %gather3A : vector<16xf32>
        %swap3A = arith.index_cast %add3A_261 : i32 to index
        %swap3A_267 = arith.constant 0 : index
        %swap3A_268 = tpu.vector_load %arg15[%swap3A, %swap3A_267] {strides = array<i32>} : memref<128x128xf32, #tpu.memory_space<vmem>>, vector<16xf32>,
        tpu.vector_store %arg15[%swap3A, %swap3A_267], %mul3A_266 {strides = array<i32>} : memref<128x128xf32, #tpu.memory_space<vmem>>, vector<16xf32>,
        %get3A_269 = arith.index_cast %add3A_261 : i32 to index
        %get3A_270 = arith.constant 16 : index
        %get3A_271 = tpu.vector_load %arg15[%get3A_269, %get3A_270] {strides = array<i32>} : memref<128x128xf32, #tpu.memory_space<vmem>>, vector<16xf32>,
        %mul3A_272 = arith.mulf %get3A_271, %gather3A : vector<16xf32>
        %swap3A_273 = arith.index_cast %add3A_261 : i32 to index
        %swap3A_274 = arith.constant 16 : index
        %swap3A_275 = tpu.vector_load %arg15[%swap3A_273, %swap3A_274] {strides = array<i32>} : memref<128x128xf32, #tpu.memory_space<vmem>>, vector<16xf32>,
        tpu.vector_store %arg15[%swap3A_273, %swap3A_274], %mul3A_272 {strides = array<i32>} : memref<128x128xf32, #tpu.memory_space<vmem>>, vector<16xf32>,
        %get3A_276 = arith.index_cast %add3A_261 : i32 to index
        %get3A_277 = arith.constant 32 : index
        %get3A_278 = tpu.vector_load %arg15[%get3A_276, %get3A_277] {strides = array<i32>} : memref<128x128xf32, #tpu.memory_space<vmem>>, vector<16xf32>,
        %mul3A_279 = arith.mulf %get3A_278, %gather3A : vector<16xf32>
        %swap3A_280 = arith.index_cast %add3A_261 : i32 to index
        %swap3A_281 = arith.constant 32 : index
        %swap3A_282 = tpu.vector_load %arg15[%swap3A_280, %swap3A_281] {strides = array<i32>} : memref<128x128xf32, #tpu.memory_space<vmem>>, vector<16xf32>,
        tpu.vector_store %arg15[%swap3A_280, %swap3A_281], %mul3A_279 {strides = array<i32>} : memref<128x128xf32, #tpu.memory_space<vmem>>, vector<16xf32>,
        %get3A_283 = arith.index_cast %add3A_261 : i32 to index
        %get3A_284 = arith.constant 48 : index
        %get3A_285 = tpu.vector_load %arg15[%get3A_283, %get3A_284] {strides = array<i32>} : memref<128x128xf32, #tpu.memory_space<vmem>>, vector<16xf32>,
        %mul3A_286 = arith.mulf %get3A_285, %gather3A : vector<16xf32>
        %swap3A_287 = arith.index_cast %add3A_261 : i32 to index
        %swap3A_288 = arith.constant 48 : index
        %swap3A_289 = tpu.vector_load %arg15[%swap3A_287, %swap3A_288] {strides = array<i32>} : memref<128x128xf32, #tpu.memory_space<vmem>>, vector<16xf32>,
        tpu.vector_store %arg15[%swap3A_287, %swap3A_288], %mul3A_286 {strides = array<i32>} : memref<128x128xf32, #tpu.memory_space<vmem>>, vector<16xf32>,
        %get3A_290 = arith.index_cast %add3A_261 : i32 to index
        %get3A_291 = arith.constant 64 : index
        %get3A_292 = tpu.vector_load %arg15[%get3A_290, %get3A_291] {strides = array<i32>} : memref<128x128xf32, #tpu.memory_space<vmem>>, vector<16xf32>,
        %mul3A_293 = arith.mulf %get3A_292, %gather3A : vector<16xf32>
        %swap3A_294 = arith.index_cast %add3A_261 : i32 to index
        %swap3A_295 = arith.constant 64 : index
        %swap3A_296 = tpu.vector_load %arg15[%swap3A_294, %swap3A_295] {strides = array<i32>} : memref<128x128xf32, #tpu.memory_space<vmem>>, vector<16xf32>,
        tpu.vector_store %arg15[%swap3A_294, %swap3A_295], %mul3A_293 {strides = array<i32>} : memref<128x128xf32, #tpu.memory_space<vmem>>, vector<16xf32>,
        %get3A_297 = arith.index_cast %add3A_261 : i32 to index
        %get3A_298 = arith.constant 80 : index
        %get3A_299 = tpu.vector_load %arg15[%get3A_297, %get3A_298] {strides = array<i32>} : memref<128x128xf32, #tpu.memory_space<vmem>>, vector<16xf32>,
        %mul3A_300 = arith.mulf %get3A_299, %gather3A : vector<16xf32>
        %swap3A_301 = arith.index_cast %add3A_261 : i32 to index
        %swap3A_302 = arith.constant 80 : index
        %swap3A_303 = tpu.vector_load %arg15[%swap3A_301, %swap3A_302] {strides = array<i32>} : memref<128x128xf32, #tpu.memory_space<vmem>>, vector<16xf32>,
        tpu.vector_store %arg15[%swap3A_301, %swap3A_302], %mul3A_300 {strides = array<i32>} : memref<128x128xf32, #tpu.memory_space<vmem>>, vector<16xf32>,
        %get3A_304 = arith.index_cast %add3A_261 : i32 to index
        %get3A_305 = arith.constant 96 : index
        %get3A_306 = tpu.vector_load %arg15[%get3A_304, %get3A_305] {strides = array<i32>} : memref<128x128xf32, #tpu.memory_space<vmem>>, vector<16xf32>,
        %mul3A_307 = arith.mulf %get3A_306, %gather3A : vector<16xf32>
        %swap3A_308 = arith.index_cast %add3A_261 : i32 to index
        %swap3A_309 = arith.constant 96 : index
        %swap3A_310 = tpu.vector_load %arg15[%swap3A_308, %swap3A_309] {strides = array<i32>} : memref<128x128xf32, #tpu.memory_space<vmem>>, vector<16xf32>,
        tpu.vector_store %arg15[%swap3A_308, %swap3A_309], %mul3A_307 {strides = array<i32>} : memref<128x128xf32, #tpu.memory_space<vmem>>, vector<16xf32>,
        %get3A_311 = arith.index_cast %add3A_261 : i32 to index
        %get3A_312 = arith.constant 112 : index
        %get3A_313 = tpu.vector_load %arg15[%get3A_311, %get3A_312] {strides = array<i32>} : memref<128x128xf32, #tpu.memory_space<vmem>>, vector<16xf32>,
        %mul3A_314 = arith.mulf %get3A_313, %gather3A : vector<16xf32>
        %swap3A_315 = arith.index_cast %add3A_261 : i32 to index
        %swap3A_316 = arith.constant 112 : index
        %swap3A_317 = tpu.vector_load %arg15[%swap3A_315, %swap3A_316] {strides = array<i32>} : memref<128x128xf32, #tpu.memory_space<vmem>>, vector<16xf32>,
        tpu.vector_store %arg15[%swap3A_315, %swap3A_316], %mul3A_314 {strides = array<i32>} : memref<128x128xf32, #tpu.memory_space<vmem>>, vector<16xf32>,
        %scan3A_318 = arith.constant 1 : i32
        %scan3A_319 = arith.addi %scan3A_257, %scan3A_318 : i32
        %mul3A_320 = arith.constant 1 : i32
        %mul3A_321 = arith.muli %scan3A_319, %mul3A_320 : i32
        %add3A_322 = arith.constant 0 : i32
        %add3A_323 = arith.addi %add3A_322, %mul3A_321 : i32
        %broadcast_in_dim3A_324 = arith.constant 6 : i32
        %broadcast_in_dim3A_325 = vector.broadcast %broadcast_in_dim3A_324 : i32 to vector<16xi32>
        %broadcast_in_dim3A_326 = vector.broadcast %add3A_323 : i32 to vector<16xi32>
        %gather3A_327 = tpu.vector_load_idx %arg14[%broadcast_in_dim3A_325, %broadcast_in_dim3A_326] : memref<8x128xf32, #tpu.memory_space<vmem>>[vector<16xi32>, vector<16xi32>], vector<16xf32>,
        %get3A_328 = arith.index_cast %add3A_323 : i32 to index
        %get3A_329 = arith.constant 0 : index
        %get3A_330 = tpu.vector_load %arg15[%get3A_328, %get3A_329] {strides = array<i32>} : memref<128x128xf32, #tpu.memory_space<vmem>>, vector<16xf32>,
        %mul3A_331 = arith.mulf %get3A_330, %gather3A_327 : vector<16xf32>
        %swap3A_332 = arith.index_cast %add3A_323 : i32 to index
        %swap3A_333 = arith.constant 0 : index
        %swap3A_334 = tpu.vector_load %arg15[%swap3A_332, %swap3A_333] {strides = array<i32>} : memref<128x128xf32, #tpu.memory_space<vmem>>, vector<16xf32>,
        tpu.vector_store %arg15[%swap3A_332, %swap3A_333], %mul3A_331 {strides = array<i32>} : memref<128x128xf32, #tpu.memory_space<vmem>>, vector<16xf32>,
        %get3A_335 = arith.index_cast %add3A_323 : i32 to index
        %get3A_336 = arith.constant 16 : index
        %get3A_337 = tpu.vector_load %arg15[%get3A_335, %get3A_336] {strides = array<i32>} : memref<128x128xf32, #tpu.memory_space<vmem>>, vector<16xf32>,
        %mul3A_338 = arith.mulf %get3A_337, %gather3A_327 : vector<16xf32>
        %swap3A_339 = arith.index_cast %add3A_323 : i32 to index
        %swap3A_340 = arith.constant 16 : index
        %swap3A_341 = tpu.vector_load %arg15[%swap3A_339, %swap3A_340] {strides = array<i32>} : memref<128x128xf32, #tpu.memory_space<vmem>>, vector<16xf32>,
        tpu.vector_store %arg15[%swap3A_339, %swap3A_340], %mul3A_338 {strides = array<i32>} : memref<128x128xf32, #tpu.memory_space<vmem>>, vector<16xf32>,
        %get3A_342 = arith.index_cast %add3A_323 : i32 to index
        %get3A_343 = arith.constant 32 : index
        %get3A_344 = tpu.vector_load %arg15[%get3A_342, %get3A_343] {strides = array<i32>} : memref<128x128xf32, #tpu.memory_space<vmem>>, vector<16xf32>,
        %mul3A_345 = arith.mulf %get3A_344, %gather3A_327 : vector<16xf32>
        %swap3A_346 = arith.index_cast %add3A_323 : i32 to index
        %swap3A_347 = arith.constant 32 : index
        %swap3A_348 = tpu.vector_load %arg15[%swap3A_346, %swap3A_347] {strides = array<i32>} : memref<128x128xf32, #tpu.memory_space<vmem>>, vector<16xf32>,
        tpu.vector_store %arg15[%swap3A_346, %swap3A_347], %mul3A_345 {strides = array<i32>} : memref<128x128xf32, #tpu.memory_space<vmem>>, vector<16xf32>,
        %get3A_349 = arith.index_cast %add3A_323 : i32 to index
        %get3A_350 = arith.constant 48 : index
        %get3A_351 = tpu.vector_load %arg15[%get3A_349, %get3A_350] {strides = array<i32>} : memref<128x128xf32, #tpu.memory_space<vmem>>, vector<16xf32>,
        %mul3A_352 = arith.mulf %get3A_351, %gather3A_327 : vector<16xf32>
        %swap3A_353 = arith.index_cast %add3A_323 : i32 to index
        %swap3A_354 = arith.constant 48 : index
        %swap3A_355 = tpu.vector_load %arg15[%swap3A_353, %swap3A_354] {strides = array<i32>} : memref<128x128xf32, #tpu.memory_space<vmem>>, vector<16xf32>,
        tpu.vector_store %arg15[%swap3A_353, %swap3A_354], %mul3A_352 {strides = array<i32>} : memref<128x128xf32, #tpu.memory_space<vmem>>, vector<16xf32>,
        %get3A_356 = arith.index_cast %add3A_323 : i32 to index
        %get3A_357 = arith.constant 64 : index
        %get3A_358 = tpu.vector_load %arg15[%get3A_356, %get3A_357] {strides = array<i32>} : memref<128x128xf32, #tpu.memory_space<vmem>>, vector<16xf32>,
        %mul3A_359 = arith.mulf %get3A_358, %gather3A_327 : vector<16xf32>
        %swap3A_360 = arith.index_cast %add3A_323 : i32 to index
        %swap3A_361 = arith.constant 64 : index
        %swap3A_362 = tpu.vector_load %arg15[%swap3A_360, %swap3A_361] {strides = array<i32>} : memref<128x128xf32, #tpu.memory_space<vmem>>, vector<16xf32>,
        tpu.vector_store %arg15[%swap3A_360, %swap3A_361], %mul3A_359 {strides = array<i32>} : memref<128x128xf32, #tpu.memory_space<vmem>>, vector<16xf32>,
        %get3A_363 = arith.index_cast %add3A_323 : i32 to index
        %get3A_364 = arith.constant 80 : index
        %get3A_365 = tpu.vector_load %arg15[%get3A_363, %get3A_364] {strides = array<i32>} : memref<128x128xf32, #tpu.memory_space<vmem>>, vector<16xf32>,
        %mul3A_366 = arith.mulf %get3A_365, %gather3A_327 : vector<16xf32>
        %swap3A_367 = arith.index_cast %add3A_323 : i32 to index
        %swap3A_368 = arith.constant 80 : index
        %swap3A_369 = tpu.vector_load %arg15[%swap3A_367, %swap3A_368] {strides = array<i32>} : memref<128x128xf32, #tpu.memory_space<vmem>>, vector<16xf32>,
        tpu.vector_store %arg15[%swap3A_367, %swap3A_368], %mul3A_366 {strides = array<i32>} : memref<128x128xf32, #tpu.memory_space<vmem>>, vector<16xf32>,
        %get3A_370 = arith.index_cast %add3A_323 : i32 to index
        %get3A_371 = arith.constant 96 : index
        %get3A_372 = tpu.vector_load %arg15[%get3A_370, %get3A_371] {strides = array<i32>} : memref<128x128xf32, #tpu.memory_space<vmem>>, vector<16xf32>,
        %mul3A_373 = arith.mulf %get3A_372, %gather3A_327 : vector<16xf32>
        %swap3A_374 = arith.index_cast %add3A_323 : i32 to index
        %swap3A_375 = arith.constant 96 : index
        %swap3A_376 = tpu.vector_load %arg15[%swap3A_374, %swap3A_375] {strides = array<i32>} : memref<128x128xf32, #tpu.memory_space<vmem>>, vector<16xf32>,
        tpu.vector_store %arg15[%swap3A_374, %swap3A_375], %mul3A_373 {strides = array<i32>} : memref<128x128xf32, #tpu.memory_space<vmem>>, vector<16xf32>,
        %get3A_377 = arith.index_cast %add3A_323 : i32 to index
        %get3A_378 = arith.constant 112 : index
        %get3A_379 = tpu.vector_load %arg15[%get3A_377, %get3A_378] {strides = array<i32>} : memref<128x128xf32, #tpu.memory_space<vmem>>, vector<16xf32>,
        %mul3A_380 = arith.mulf %get3A_379, %gather3A_327 : vector<16xf32>
        %swap3A_381 = arith.index_cast %add3A_323 : i32 to index
        %swap3A_382 = arith.constant 112 : index
        %swap3A_383 = tpu.vector_load %arg15[%swap3A_381, %swap3A_382] {strides = array<i32>} : memref<128x128xf32, #tpu.memory_space<vmem>>, vector<16xf32>,
        tpu.vector_store %arg15[%swap3A_381, %swap3A_382], %mul3A_380 {strides = array<i32>} : memref<128x128xf32, #tpu.memory_space<vmem>>, vector<16xf32>,
        %scan3A_384 = arith.constant 2 : i32
        %scan3A_385 = arith.addi %scan3A_257, %scan3A_384 : i32
        %mul3A_386 = arith.constant 1 : i32
        %mul3A_387 = arith.muli %scan3A_385, %mul3A_386 : i32
        %add3A_388 = arith.constant 0 : i32
        %add3A_389 = arith.addi %add3A_388, %mul3A_387 : i32
        %broadcast_in_dim3A_390 = arith.constant 6 : i32
        %broadcast_in_dim3A_391 = vector.broadcast %broadcast_in_dim3A_390 : i32 to vector<16xi32>
        %broadcast_in_dim3A_392 = vector.broadcast %add3A_389 : i32 to vector<16xi32>
        %gather3A_393 = tpu.vector_load_idx %arg14[%broadcast_in_dim3A_391, %broadcast_in_dim3A_392] : memref<8x128xf32, #tpu.memory_space<vmem>>[vector<16xi32>, vector<16xi32>], vector<16xf32>,
        %get3A_394 = arith.index_cast %add3A_389 : i32 to index
        %get3A_395 = arith.constant 0 : index
        %get3A_396 = tpu.vector_load %arg15[%get3A_394, %get3A_395] {strides = array<i32>} : memref<128x128xf32, #tpu.memory_space<vmem>>, vector<16xf32>,
        %mul3A_397 = arith.mulf %get3A_396, %gather3A_393 : vector<16xf32>
        %swap3A_398 = arith.index_cast %add3A_389 : i32 to index
        %swap3A_399 = arith.constant 0 : index
        %swap3A_400 = tpu.vector_load %arg15[%swap3A_398, %swap3A_399] {strides = array<i32>} : memref<128x128xf32, #tpu.memory_space<vmem>>, vector<16xf32>,
        tpu.vector_store %arg15[%swap3A_398, %swap3A_399], %mul3A_397 {strides = array<i32>} : memref<128x128xf32, #tpu.memory_space<vmem>>, vector<16xf32>,
        %get3A_401 = arith.index_cast %add3A_389 : i32 to index
        %get3A_402 = arith.constant 16 : index
        %get3A_403 = tpu.vector_load %arg15[%get3A_401, %get3A_402] {strides = array<i32>} : memref<128x128xf32, #tpu.memory_space<vmem>>, vector<16xf32>,
        %mul3A_404 = arith.mulf %get3A_403, %gather3A_393 : vector<16xf32>
        %swap3A_405 = arith.index_cast %add3A_389 : i32 to index
        %swap3A_406 = arith.constant 16 : index
        %swap3A_407 = tpu.vector_load %arg15[%swap3A_405, %swap3A_406] {strides = array<i32>} : memref<128x128xf32, #tpu.memory_space<vmem>>, vector<16xf32>,
        tpu.vector_store %arg15[%swap3A_405, %swap3A_406], %mul3A_404 {strides = array<i32>} : memref<128x128xf32, #tpu.memory_space<vmem>>, vector<16xf32>,
        %get3A_408 = arith.index_cast %add3A_389 : i32 to index
        %get3A_409 = arith.constant 32 : index
        %get3A_410 = tpu.vector_load %arg15[%get3A_408, %get3A_409] {strides = array<i32>} : memref<128x128xf32, #tpu.memory_space<vmem>>, vector<16xf32>,
        %mul3A_411 = arith.mulf %get3A_410, %gather3A_393 : vector<16xf32>
        %swap3A_412 = arith.index_cast %add3A_389 : i32 to index
        %swap3A_413 = arith.constant 32 : index
        %swap3A_414 = tpu.vector_load %arg15[%swap3A_412, %swap3A_413] {strides = array<i32>} : memref<128x128xf32, #tpu.memory_space<vmem>>, vector<16xf32>,
        tpu.vector_store %arg15[%swap3A_412, %swap3A_413], %mul3A_411 {strides = array<i32>} : memref<128x128xf32, #tpu.memory_space<vmem>>, vector<16xf32>,
        %get3A_415 = arith.index_cast %add3A_389 : i32 to index
        %get3A_416 = arith.constant 48 : index
        %get3A_417 = tpu.vector_load %arg15[%get3A_415, %get3A_416] {strides = array<i32>} : memref<128x128xf32, #tpu.memory_space<vmem>>, vector<16xf32>,
        %mul3A_418 = arith.mulf %get3A_417, %gather3A_393 : vector<16xf32>
        %swap3A_419 = arith.index_cast %add3A_389 : i32 to index
        %swap3A_420 = arith.constant 48 : index
        %swap3A_421 = tpu.vector_load %arg15[%swap3A_419, %swap3A_420] {strides = array<i32>} : memref<128x128xf32, #tpu.memory_space<vmem>>, vector<16xf32>,
        tpu.vector_store %arg15[%swap3A_419, %swap3A_420], %mul3A_418 {strides = array<i32>} : memref<128x128xf32, #tpu.memory_space<vmem>>, vector<16xf32>,
        %get3A_422 = arith.index_cast %add3A_389 : i32 to index
        %get3A_423 = arith.constant 64 : index
        %get3A_424 = tpu.vector_load %arg15[%get3A_422, %get3A_423] {strides = array<i32>} : memref<128x128xf32, #tpu.memory_space<vmem>>, vector<16xf32>,
        %mul3A_425 = arith.mulf %get3A_424, %gather3A_393 : vector<16xf32>
        %swap3A_426 = arith.index_cast %add3A_389 : i32 to index
        %swap3A_427 = arith.constant 64 : index
        %swap3A_428 = tpu.vector_load %arg15[%swap3A_426, %swap3A_427] {strides = array<i32>} : memref<128x128xf32, #tpu.memory_space<vmem>>, vector<16xf32>,
        tpu.vector_store %arg15[%swap3A_426, %swap3A_427], %mul3A_425 {strides = array<i32>} : memref<128x128xf32, #tpu.memory_space<vmem>>, vector<16xf32>,
        %get3A_429 = arith.index_cast %add3A_389 : i32 to index
        %get3A_430 = arith.constant 80 : index
        %get3A_431 = tpu.vector_load %arg15[%get3A_429, %get3A_430] {strides = array<i32>} : memref<128x128xf32, #tpu.memory_space<vmem>>, vector<16xf32>,
        %mul3A_432 = arith.mulf %get3A_431, %gather3A_393 : vector<16xf32>
        %swap3A_433 = arith.index_cast %add3A_389 : i32 to index
        %swap3A_434 = arith.constant 80 : index
        %swap3A_435 = tpu.vector_load %arg15[%swap3A_433, %swap3A_434] {strides = array<i32>} : memref<128x128xf32, #tpu.memory_space<vmem>>, vector<16xf32>,
        tpu.vector_store %arg15[%swap3A_433, %swap3A_434], %mul3A_432 {strides = array<i32>} : memref<128x128xf32, #tpu.memory_space<vmem>>, vector<16xf32>,
        %get3A_436 = arith.index_cast %add3A_389 : i32 to index
        %get3A_437 = arith.constant 96 : index
        %get3A_438 = tpu.vector_load %arg15[%get3A_436, %get3A_437] {strides = array<i32>} : memref<128x128xf32, #tpu.memory_space<vmem>>, vector<16xf32>,
        %mul3A_439 = arith.mulf %get3A_438, %gather3A_393 : vector<16xf32>
        %swap3A_440 = arith.index_cast %add3A_389 : i32 to index
        %swap3A_441 = arith.constant 96 : index
        %swap3A_442 = tpu.vector_load %arg15[%swap3A_440, %swap3A_441] {strides = array<i32>} : memref<128x128xf32, #tpu.memory_space<vmem>>, vector<16xf32>,
        tpu.vector_store %arg15[%swap3A_440, %swap3A_441], %mul3A_439 {strides = array<i32>} : memref<128x128xf32, #tpu.memory_space<vmem>>, vector<16xf32>,
        %get3A_443 = arith.index_cast %add3A_389 : i32 to index
        %get3A_444 = arith.constant 112 : index
        %get3A_445 = tpu.vector_load %arg15[%get3A_443, %get3A_444] {strides = array<i32>} : memref<128x128xf32, #tpu.memory_space<vmem>>, vector<16xf32>,
        %mul3A_446 = arith.mulf %get3A_445, %gather3A_393 : vector<16xf32>
        %swap3A_447 = arith.index_cast %add3A_389 : i32 to index
        %swap3A_448 = arith.constant 112 : index
        %swap3A_449 = tpu.vector_load %arg15[%swap3A_447, %swap3A_448] {strides = array<i32>} : memref<128x128xf32, #tpu.memory_space<vmem>>, vector<16xf32>,
        tpu.vector_store %arg15[%swap3A_447, %swap3A_448], %mul3A_446 {strides = array<i32>} : memref<128x128xf32, #tpu.memory_space<vmem>>, vector<16xf32>,
        %scan3A_450 = arith.constant 3 : i32
        %scan3A_451 = arith.addi %scan3A_257, %scan3A_450 : i32
        %mul3A_452 = arith.constant 1 : i32
        %mul3A_453 = arith.muli %scan3A_451, %mul3A_452 : i32
        %add3A_454 = arith.constant 0 : i32
        %add3A_455 = arith.addi %add3A_454, %mul3A_453 : i32
        %broadcast_in_dim3A_456 = arith.constant 6 : i32
        %broadcast_in_dim3A_457 = vector.broadcast %broadcast_in_dim3A_456 : i32 to vector<16xi32>
        %broadcast_in_dim3A_458 = vector.broadcast %add3A_455 : i32 to vector<16xi32>
        %gather3A_459 = tpu.vector_load_idx %arg14[%broadcast_in_dim3A_457, %broadcast_in_dim3A_458] : memref<8x128xf32, #tpu.memory_space<vmem>>[vector<16xi32>, vector<16xi32>], vector<16xf32>,
        %get3A_460 = arith.index_cast %add3A_455 : i32 to index
        %get3A_461 = arith.constant 0 : index
        %get3A_462 = tpu.vector_load %arg15[%get3A_460, %get3A_461] {strides = array<i32>} : memref<128x128xf32, #tpu.memory_space<vmem>>, vector<16xf32>,
        %mul3A_463 = arith.mulf %get3A_462, %gather3A_459 : vector<16xf32>
        %swap3A_464 = arith.index_cast %add3A_455 : i32 to index
        %swap3A_465 = arith.constant 0 : index
        %swap3A_466 = tpu.vector_load %arg15[%swap3A_464, %swap3A_465] {strides = array<i32>} : memref<128x128xf32, #tpu.memory_space<vmem>>, vector<16xf32>,
        tpu.vector_store %arg15[%swap3A_464, %swap3A_465], %mul3A_463 {strides = array<i32>} : memref<128x128xf32, #tpu.memory_space<vmem>>, vector<16xf32>,
        %get3A_467 = arith.index_cast %add3A_455 : i32 to index
        %get3A_468 = arith.constant 16 : index
        %get3A_469 = tpu.vector_load %arg15[%get3A_467, %get3A_468] {strides = array<i32>} : memref<128x128xf32, #tpu.memory_space<vmem>>, vector<16xf32>,
        %mul3A_470 = arith.mulf %get3A_469, %gather3A_459 : vector<16xf32>
        %swap3A_471 = arith.index_cast %add3A_455 : i32 to index
        %swap3A_472 = arith.constant 16 : index
        %swap3A_473 = tpu.vector_load %arg15[%swap3A_471, %swap3A_472] {strides = array<i32>} : memref<128x128xf32, #tpu.memory_space<vmem>>, vector<16xf32>,
        tpu.vector_store %arg15[%swap3A_471, %swap3A_472], %mul3A_470 {strides = array<i32>} : memref<128x128xf32, #tpu.memory_space<vmem>>, vector<16xf32>,
        %get3A_474 = arith.index_cast %add3A_455 : i32 to index
        %get3A_475 = arith.constant 32 : index
        %get3A_476 = tpu.vector_load %arg15[%get3A_474, %get3A_475] {strides = array<i32>} : memref<128x128xf32, #tpu.memory_space<vmem>>, vector<16xf32>,
        %mul3A_477 = arith.mulf %get3A_476, %gather3A_459 : vector<16xf32>
        %swap3A_478 = arith.index_cast %add3A_455 : i32 to index
        %swap3A_479 = arith.constant 32 : index
        %swap3A_480 = tpu.vector_load %arg15[%swap3A_478, %swap3A_479] {strides = array<i32>} : memref<128x128xf32, #tpu.memory_space<vmem>>, vector<16xf32>,
        tpu.vector_store %arg15[%swap3A_478, %swap3A_479], %mul3A_477 {strides = array<i32>} : memref<128x128xf32, #tpu.memory_space<vmem>>, vector<16xf32>,
        %get3A_481 = arith.index_cast %add3A_455 : i32 to index
        %get3A_482 = arith.constant 48 : index
        %get3A_483 = tpu.vector_load %arg15[%get3A_481, %get3A_482] {strides = array<i32>} : memref<128x128xf32, #tpu.memory_space<vmem>>, vector<16xf32>,
        %mul3A_484 = arith.mulf %get3A_483, %gather3A_459 : vector<16xf32>
        %swap3A_485 = arith.index_cast %add3A_455 : i32 to index
        %swap3A_486 = arith.constant 48 : index
        %swap3A_487 = tpu.vector_load %arg15[%swap3A_485, %swap3A_486] {strides = array<i32>} : memref<128x128xf32, #tpu.memory_space<vmem>>, vector<16xf32>,
        tpu.vector_store %arg15[%swap3A_485, %swap3A_486], %mul3A_484 {strides = array<i32>} : memref<128x128xf32, #tpu.memory_space<vmem>>, vector<16xf32>,
        %get3A_488 = arith.index_cast %add3A_455 : i32 to index
        %get3A_489 = arith.constant 64 : index
        %get3A_490 = tpu.vector_load %arg15[%get3A_488, %get3A_489] {strides = array<i32>} : memref<128x128xf32, #tpu.memory_space<vmem>>, vector<16xf32>,
        %mul3A_491 = arith.mulf %get3A_490, %gather3A_459 : vector<16xf32>
        %swap3A_492 = arith.index_cast %add3A_455 : i32 to index
        %swap3A_493 = arith.constant 64 : index
        %swap3A_494 = tpu.vector_load %arg15[%swap3A_492, %swap3A_493] {strides = array<i32>} : memref<128x128xf32, #tpu.memory_space<vmem>>, vector<16xf32>,
        tpu.vector_store %arg15[%swap3A_492, %swap3A_493], %mul3A_491 {strides = array<i32>} : memref<128x128xf32, #tpu.memory_space<vmem>>, vector<16xf32>,
        %get3A_495 = arith.index_cast %add3A_455 : i32 to index
        %get3A_496 = arith.constant 80 : index
        %get3A_497 = tpu.vector_load %arg15[%get3A_495, %get3A_496] {strides = array<i32>} : memref<128x128xf32, #tpu.memory_space<vmem>>, vector<16xf32>,
        %mul3A_498 = arith.mulf %get3A_497, %gather3A_459 : vector<16xf32>
        %swap3A_499 = arith.index_cast %add3A_455 : i32 to index
        %swap3A_500 = arith.constant 80 : index
        %swap3A_501 = tpu.vector_load %arg15[%swap3A_499, %swap3A_500] {strides = array<i32>} : memref<128x128xf32, #tpu.memory_space<vmem>>, vector<16xf32>,
        tpu.vector_store %arg15[%swap3A_499, %swap3A_500], %mul3A_498 {strides = array<i32>} : memref<128x128xf32, #tpu.memory_space<vmem>>, vector<16xf32>,
        %get3A_502 = arith.index_cast %add3A_455 : i32 to index
        %get3A_503 = arith.constant 96 : index
        %get3A_504 = tpu.vector_load %arg15[%get3A_502, %get3A_503] {strides = array<i32>} : memref<128x128xf32, #tpu.memory_space<vmem>>, vector<16xf32>,
        %mul3A_505 = arith.mulf %get3A_504, %gather3A_459 : vector<16xf32>
        %swap3A_506 = arith.index_cast %add3A_455 : i32 to index
        %swap3A_507 = arith.constant 96 : index
        %swap3A_508 = tpu.vector_load %arg15[%swap3A_506, %swap3A_507] {strides = array<i32>} : memref<128x128xf32, #tpu.memory_space<vmem>>, vector<16xf32>,
        tpu.vector_store %arg15[%swap3A_506, %swap3A_507], %mul3A_505 {strides = array<i32>} : memref<128x128xf32, #tpu.memory_space<vmem>>, vector<16xf32>,
        %get3A_509 = arith.index_cast %add3A_455 : i32 to index
        %get3A_510 = arith.constant 112 : index
        %get3A_511 = tpu.vector_load %arg15[%get3A_509, %get3A_510] {strides = array<i32>} : memref<128x128xf32, #tpu.memory_space<vmem>>, vector<16xf32>,
        %mul3A_512 = arith.mulf %get3A_511, %gather3A_459 : vector<16xf32>
        %swap3A_513 = arith.index_cast %add3A_455 : i32 to index
        %swap3A_514 = arith.constant 112 : index
        %swap3A_515 = tpu.vector_load %arg15[%swap3A_513, %swap3A_514] {strides = array<i32>} : memref<128x128xf32, #tpu.memory_space<vmem>>, vector<16xf32>,
        tpu.vector_store %arg15[%swap3A_513, %swap3A_514], %mul3A_512 {strides = array<i32>} : memref<128x128xf32, #tpu.memory_space<vmem>>, vector<16xf32>,
      }
      %scan3A_220 = arith.constant 128 : i32
      %dma_start3A_221 = arith.constant 6 : i32
      %dma_start3A_222 = arith.constant 0 : i32
      %dma_start3A_223 = tpu.memref_slice %arg13[%dma_start3A_221, %dma_start3A_222] : memref<8x128xi32, #tpu.memory_space<vmem>> -> memref<1x128xi32, #tpu.memory_space<vmem>>
      %dma_start3A_224 = tpu.memref_squeeze %dma_start3A_223 : memref<1x128xi32, #tpu.memory_space<vmem>> -> memref<128xi32, #tpu.memory_space<vmem>>
      %dma_start3A_225 = arith.constant 0 : i32
      %dma_start3A_226 = arith.constant 0 : i32
      %dma_start3A_227 = tpu.memref_slice %arg8[%dma_start3A_225, %dma_start3A_226] : memref<10240x128xf32, #tpu.memory_space<vmem_shared>> -> memref<10240x128xf32, #tpu.memory_space<vmem_shared>>
      tpu.enqueue_indirect_dma source(%arg15 : memref<128x128xf32, #tpu.memory_space<vmem>>) target(%dma_start3A_227 : memref<10240x128xf32, #tpu.memory_space<vmem_shared>>) offsets(%dma_start3A_224 : memref<128xi32, #tpu.memory_space<vmem>>) semaphore(%arg19 : memref<!tpu.dma_semaphore, #tpu.memory_space<semaphore_mem>>) {add = true}
      %dma_wait3A_228 = arith.constant 7 : i32
      %dma_wait3A_229 = arith.constant 0 : i32
      %dma_wait3A_230 = tpu.memref_slice %arg12[%dma_wait3A_228, %dma_wait3A_229] : memref<8x128xi32, #tpu.memory_space<vmem>> -> memref<1x128xi32, #tpu.memory_space<vmem>>
      %dma_wait3A_231 = tpu.memref_squeeze %dma_wait3A_230 : memref<1x128xi32, #tpu.memory_space<vmem>> -> memref<128xi32, #tpu.memory_space<vmem>>
      %dma_wait3A_232 = arith.constant 0 : i32
      %dma_wait3A_233 = arith.constant 0 : i32
      %dma_wait3A_234 = tpu.memref_slice %arg5[%dma_wait3A_232, %dma_wait3A_233] : memref<10000x128xf32, #tpu.memory_space<hbm>> -> memref<10000x128xf32, #tpu.memory_space<hbm>>
      tpu.wait_indirect_dma semaphore(%arg18 : memref<!tpu.dma_semaphore, #tpu.memory_space<semaphore_mem>>) src(%dma_wait3A_234 : memref<10000x128xf32, #tpu.memory_space<hbm>>) dst(%arg16 : memref<128x128xf32, #tpu.memory_space<vmem>>)
      %dma_wait3A_235 = arith.constant 6 : i32
      %dma_wait3A_236 = arith.constant 0 : i32
      %dma_wait3A_237 = tpu.memref_slice %arg13[%dma_wait3A_235, %dma_wait3A_236] : memref<8x128xi32, #tpu.memory_space<vmem>> -> memref<1x128xi32, #tpu.memory_space<vmem>>
      %dma_wait3A_238 = tpu.memref_squeeze %dma_wait3A_237 : memref<1x128xi32, #tpu.memory_space<vmem>> -> memref<128xi32, #tpu.memory_space<vmem>>
      %dma_wait3A_239 = arith.constant 0 : i32
      %dma_wait3A_240 = arith.constant 0 : i32
      %dma_wait3A_241 = tpu.memref_slice %arg8[%dma_wait3A_239, %dma_wait3A_240] : memref<10240x128xf32, #tpu.memory_space<vmem_shared>> -> memref<10240x128xf32, #tpu.memory_space<vmem_shared>>
      tpu.wait_indirect_dma semaphore(%arg19 : memref<!tpu.dma_semaphore, #tpu.memory_space<semaphore_mem>>) src(%arg15 : memref<128x128xf32, #tpu.memory_space<vmem>>) dst(%dma_wait3A_241 : memref<10240x128xf32, #tpu.memory_space<vmem_shared>>)
      %convert_element_type3A_242 = arith.extui %lt3A_183 : i1 to i32
      %cond3A_243 = arith.constant 0 : i32
      %cond3A_244 = arith.cmpi ne, %convert_element_type3A_242, %cond3A_243 : i32
      scf.if %cond3A_244 {
        %mul3A_257 = arith.constant 8 : i32
        %mul3A_258 = arith.muli %add3A_182, %mul3A_257 : i32
        %add3A_259 = arith.addi %mul3A_2, %mul3A_258 : i32
        %dma_wait3A_260 = arith.constant 0 : i32
        %dma_wait3A_261 = tpu.memref_slice %arg2[%add3A_259, %dma_wait3A_260] : memref<2560x128xi32, #tpu.memory_space<hbm>> -> memref<8x128xi32, #tpu.memory_space<hbm>>
        %dma_wait3A_262 = arith.constant 0 : i32
        %dma_wait3A_263 = tpu.memref_slice %arg2[%add3A_259, %dma_wait3A_262] : memref<2560x128xi32, #tpu.memory_space<hbm>> -> memref<8x128xi32, #tpu.memory_space<hbm>>
        tpu.wait_dma2 semaphore(%arg21 : memref<!tpu.dma_semaphore, #tpu.memory_space<semaphore_mem>>) src(%dma_wait3A_263 : memref<8x128xi32, #tpu.memory_space<hbm>>) dst(%arg9 : memref<8x128xi32, #tpu.memory_space<vmem>>)
        %mul3A_264 = arith.constant 8 : i32
        %mul3A_265 = arith.muli %add3A_182, %mul3A_264 : i32
        %add3A_266 = arith.addi %mul3A_2, %mul3A_265 : i32
        %dma_wait3A_267 = arith.constant 0 : i32
        %dma_wait3A_268 = tpu.memref_slice %arg3[%add3A_266, %dma_wait3A_267] : memref<2560x128xi32, #tpu.memory_space<hbm>> -> memref<8x128xi32, #tpu.memory_space<hbm>>
        %dma_wait3A_269 = arith.constant 0 : i32
        %dma_wait3A_270 = tpu.memref_slice %arg3[%add3A_266, %dma_wait3A_269] : memref<2560x128xi32, #tpu.memory_space<hbm>> -> memref<8x128xi32, #tpu.memory_space<hbm>>
        tpu.wait_dma2 semaphore(%arg21 : memref<!tpu.dma_semaphore, #tpu.memory_space<semaphore_mem>>) src(%dma_wait3A_270 : memref<8x128xi32, #tpu.memory_space<hbm>>) dst(%arg10 : memref<8x128xi32, #tpu.memory_space<vmem>>)
        %mul3A_271 = arith.constant 8 : i32
        %mul3A_272 = arith.muli %add3A_182, %mul3A_271 : i32
        %add3A_273 = arith.addi %mul3A_2, %mul3A_272 : i32
        %dma_wait3A_274 = arith.constant 0 : i32
        %dma_wait3A_275 = tpu.memref_slice %arg4[%add3A_273, %dma_wait3A_274] : memref<2560x128xf32, #tpu.memory_space<hbm>> -> memref<8x128xf32, #tpu.memory_space<hbm>>
        %dma_wait3A_276 = arith.constant 0 : i32
        %dma_wait3A_277 = tpu.memref_slice %arg4[%add3A_273, %dma_wait3A_276] : memref<2560x128xf32, #tpu.memory_space<hbm>> -> memref<8x128xf32, #tpu.memory_space<hbm>>
        tpu.wait_dma2 semaphore(%arg21 : memref<!tpu.dma_semaphore, #tpu.memory_space<semaphore_mem>>) src(%dma_wait3A_277 : memref<8x128xf32, #tpu.memory_space<hbm>>) dst(%arg11 : memref<8x128xf32, #tpu.memory_space<vmem>>)
        %eq3A_278 = arith.constant 0 : i32
        %eq3A_279 = arith.cmpi eq, %arg0, %eq3A_278 : i32
        %convert_element_type3A_280 = arith.extui %eq3A_279 : i1 to i32
        %cond3A_281 = arith.constant 0 : i32
        %cond3A_282 = arith.cmpi ne, %convert_element_type3A_280, %cond3A_281 : i32
        scf.if %cond3A_282 {
          %dma_start3A_288 = arith.constant 0 : i32
          %dma_start3A_289 = arith.constant 0 : i32
          %dma_start3A_290 = tpu.memref_slice %arg9[%dma_start3A_288, %dma_start3A_289] : memref<8x128xi32, #tpu.memory_space<vmem>> -> memref<1x128xi32, #tpu.memory_space<vmem>>
          %dma_start3A_291 = tpu.memref_squeeze %dma_start3A_290 : memref<1x128xi32, #tpu.memory_space<vmem>> -> memref<128xi32, #tpu.memory_space<vmem>>
          %dma_start3A_292 = arith.constant 0 : i32
          %dma_start3A_293 = arith.constant 0 : i32
          %dma_start3A_294 = tpu.memref_slice %arg5[%dma_start3A_292, %dma_start3A_293] : memref<10000x128xf32, #tpu.memory_space<hbm>> -> memref<10000x128xf32, #tpu.memory_space<hbm>>
          tpu.enqueue_indirect_dma source(%dma_start3A_294 : memref<10000x128xf32, #tpu.memory_space<hbm>>) target(%arg15 : memref<128x128xf32, #tpu.memory_space<vmem>>) offsets(%dma_start3A_291 : memref<128xi32, #tpu.memory_space<vmem>>) semaphore(%arg17 : memref<!tpu.dma_semaphore, #tpu.memory_space<semaphore_mem>>)
        } else {
        }
        %eq3A_283 = arith.constant 1 : i32
        %eq3A_284 = arith.cmpi eq, %arg0, %eq3A_283 : i32
        %convert_element_type3A_285 = arith.extui %eq3A_284 : i1 to i32
        %cond3A_286 = arith.constant 0 : i32
        %cond3A_287 = arith.cmpi ne, %convert_element_type3A_285, %cond3A_286 : i32
        scf.if %cond3A_287 {
          %dma_start3A_288 = arith.constant 0 : i32
          %dma_start3A_289 = arith.constant 0 : i32
          %dma_start3A_290 = tpu.memref_slice %arg9[%dma_start3A_288, %dma_start3A_289] : memref<8x128xi32, #tpu.memory_space<vmem>> -> memref<1x128xi32, #tpu.memory_space<vmem>>
          %dma_start3A_291 = tpu.memref_squeeze %dma_start3A_290 : memref<1x128xi32, #tpu.memory_space<vmem>> -> memref<128xi32, #tpu.memory_space<vmem>>
          %dma_start3A_292 = arith.constant 0 : i32
          %dma_start3A_293 = arith.constant 0 : i32
          %dma_start3A_294 = tpu.memref_slice %arg6[%dma_start3A_292, %dma_start3A_293] : memref<10000x128xf32, #tpu.memory_space<hbm>> -> memref<10000x128xf32, #tpu.memory_space<hbm>>
          tpu.enqueue_indirect_dma source(%dma_start3A_294 : memref<10000x128xf32, #tpu.memory_space<hbm>>) target(%arg15 : memref<128x128xf32, #tpu.memory_space<vmem>>) offsets(%dma_start3A_291 : memref<128xi32, #tpu.memory_space<vmem>>) semaphore(%arg17 : memref<!tpu.dma_semaphore, #tpu.memory_space<semaphore_mem>>)
        } else {
        }
      } else {
      }
      %scan3A_245 = arith.constant 0 : i32
      %scan3A_246 = arith.constant 128 : i32
      %scan3A_247 = arith.addi %scan3A_245, %scan3A_246 : i32
      %scan3A_248 = arith.constant 4 : i32
      scf.for %scan3A_257 = %scan3A_245 to %scan3A_247 step %scan3A_248  : i32 {
        %mul3A_258 = arith.constant 1 : i32
        %mul3A_259 = arith.muli %scan3A_257, %mul3A_258 : i32
        %add3A_260 = arith.constant 0 : i32
        %add3A_261 = arith.addi %add3A_260, %mul3A_259 : i32
        %broadcast_in_dim3A = arith.constant 7 : i32
        %broadcast_in_dim3A_262 = vector.broadcast %broadcast_in_dim3A : i32 to vector<16xi32>
        %broadcast_in_dim3A_263 = vector.broadcast %add3A_261 : i32 to vector<16xi32>
        %gather3A = tpu.vector_load_idx %arg14[%broadcast_in_dim3A_262, %broadcast_in_dim3A_263] : memref<8x128xf32, #tpu.memory_space<vmem>>[vector<16xi32>, vector<16xi32>], vector<16xf32>,
        %get3A = arith.index_cast %add3A_261 : i32 to index
        %get3A_264 = arith.constant 0 : index
        %get3A_265 = tpu.vector_load %arg16[%get3A, %get3A_264] {strides = array<i32>} : memref<128x128xf32, #tpu.memory_space<vmem>>, vector<16xf32>,
        %mul3A_266 = arith.mulf %get3A_265, %gather3A : vector<16xf32>
        %swap3A = arith.index_cast %add3A_261 : i32 to index
        %swap3A_267 = arith.constant 0 : index
        %swap3A_268 = tpu.vector_load %arg16[%swap3A, %swap3A_267] {strides = array<i32>} : memref<128x128xf32, #tpu.memory_space<vmem>>, vector<16xf32>,
        tpu.vector_store %arg16[%swap3A, %swap3A_267], %mul3A_266 {strides = array<i32>} : memref<128x128xf32, #tpu.memory_space<vmem>>, vector<16xf32>,
        %get3A_269 = arith.index_cast %add3A_261 : i32 to index
        %get3A_270 = arith.constant 16 : index
        %get3A_271 = tpu.vector_load %arg16[%get3A_269, %get3A_270] {strides = array<i32>} : memref<128x128xf32, #tpu.memory_space<vmem>>, vector<16xf32>,
        %mul3A_272 = arith.mulf %get3A_271, %gather3A : vector<16xf32>
        %swap3A_273 = arith.index_cast %add3A_261 : i32 to index
        %swap3A_274 = arith.constant 16 : index
        %swap3A_275 = tpu.vector_load %arg16[%swap3A_273, %swap3A_274] {strides = array<i32>} : memref<128x128xf32, #tpu.memory_space<vmem>>, vector<16xf32>,
        tpu.vector_store %arg16[%swap3A_273, %swap3A_274], %mul3A_272 {strides = array<i32>} : memref<128x128xf32, #tpu.memory_space<vmem>>, vector<16xf32>,
        %get3A_276 = arith.index_cast %add3A_261 : i32 to index
        %get3A_277 = arith.constant 32 : index
        %get3A_278 = tpu.vector_load %arg16[%get3A_276, %get3A_277] {strides = array<i32>} : memref<128x128xf32, #tpu.memory_space<vmem>>, vector<16xf32>,
        %mul3A_279 = arith.mulf %get3A_278, %gather3A : vector<16xf32>
        %swap3A_280 = arith.index_cast %add3A_261 : i32 to index
        %swap3A_281 = arith.constant 32 : index
        %swap3A_282 = tpu.vector_load %arg16[%swap3A_280, %swap3A_281] {strides = array<i32>} : memref<128x128xf32, #tpu.memory_space<vmem>>, vector<16xf32>,
        tpu.vector_store %arg16[%swap3A_280, %swap3A_281], %mul3A_279 {strides = array<i32>} : memref<128x128xf32, #tpu.memory_space<vmem>>, vector<16xf32>,
        %get3A_283 = arith.index_cast %add3A_261 : i32 to index
        %get3A_284 = arith.constant 48 : index
        %get3A_285 = tpu.vector_load %arg16[%get3A_283, %get3A_284] {strides = array<i32>} : memref<128x128xf32, #tpu.memory_space<vmem>>, vector<16xf32>,
        %mul3A_286 = arith.mulf %get3A_285, %gather3A : vector<16xf32>
        %swap3A_287 = arith.index_cast %add3A_261 : i32 to index
        %swap3A_288 = arith.constant 48 : index
        %swap3A_289 = tpu.vector_load %arg16[%swap3A_287, %swap3A_288] {strides = array<i32>} : memref<128x128xf32, #tpu.memory_space<vmem>>, vector<16xf32>,
        tpu.vector_store %arg16[%swap3A_287, %swap3A_288], %mul3A_286 {strides = array<i32>} : memref<128x128xf32, #tpu.memory_space<vmem>>, vector<16xf32>,
        %get3A_290 = arith.index_cast %add3A_261 : i32 to index
        %get3A_291 = arith.constant 64 : index
        %get3A_292 = tpu.vector_load %arg16[%get3A_290, %get3A_291] {strides = array<i32>} : memref<128x128xf32, #tpu.memory_space<vmem>>, vector<16xf32>,
        %mul3A_293 = arith.mulf %get3A_292, %gather3A : vector<16xf32>
        %swap3A_294 = arith.index_cast %add3A_261 : i32 to index
        %swap3A_295 = arith.constant 64 : index
        %swap3A_296 = tpu.vector_load %arg16[%swap3A_294, %swap3A_295] {strides = array<i32>} : memref<128x128xf32, #tpu.memory_space<vmem>>, vector<16xf32>,
        tpu.vector_store %arg16[%swap3A_294, %swap3A_295], %mul3A_293 {strides = array<i32>} : memref<128x128xf32, #tpu.memory_space<vmem>>, vector<16xf32>,
        %get3A_297 = arith.index_cast %add3A_261 : i32 to index
        %get3A_298 = arith.constant 80 : index
        %get3A_299 = tpu.vector_load %arg16[%get3A_297, %get3A_298] {strides = array<i32>} : memref<128x128xf32, #tpu.memory_space<vmem>>, vector<16xf32>,
        %mul3A_300 = arith.mulf %get3A_299, %gather3A : vector<16xf32>
        %swap3A_301 = arith.index_cast %add3A_261 : i32 to index
        %swap3A_302 = arith.constant 80 : index
        %swap3A_303 = tpu.vector_load %arg16[%swap3A_301, %swap3A_302] {strides = array<i32>} : memref<128x128xf32, #tpu.memory_space<vmem>>, vector<16xf32>,
        tpu.vector_store %arg16[%swap3A_301, %swap3A_302], %mul3A_300 {strides = array<i32>} : memref<128x128xf32, #tpu.memory_space<vmem>>, vector<16xf32>,
        %get3A_304 = arith.index_cast %add3A_261 : i32 to index
        %get3A_305 = arith.constant 96 : index
        %get3A_306 = tpu.vector_load %arg16[%get3A_304, %get3A_305] {strides = array<i32>} : memref<128x128xf32, #tpu.memory_space<vmem>>, vector<16xf32>,
        %mul3A_307 = arith.mulf %get3A_306, %gather3A : vector<16xf32>
        %swap3A_308 = arith.index_cast %add3A_261 : i32 to index
        %swap3A_309 = arith.constant 96 : index
        %swap3A_310 = tpu.vector_load %arg16[%swap3A_308, %swap3A_309] {strides = array<i32>} : memref<128x128xf32, #tpu.memory_space<vmem>>, vector<16xf32>,
        tpu.vector_store %arg16[%swap3A_308, %swap3A_309], %mul3A_307 {strides = array<i32>} : memref<128x128xf32, #tpu.memory_space<vmem>>, vector<16xf32>,
        %get3A_311 = arith.index_cast %add3A_261 : i32 to index
        %get3A_312 = arith.constant 112 : index
        %get3A_313 = tpu.vector_load %arg16[%get3A_311, %get3A_312] {strides = array<i32>} : memref<128x128xf32, #tpu.memory_space<vmem>>, vector<16xf32>,
        %mul3A_314 = arith.mulf %get3A_313, %gather3A : vector<16xf32>
        %swap3A_315 = arith.index_cast %add3A_261 : i32 to index
        %swap3A_316 = arith.constant 112 : index
        %swap3A_317 = tpu.vector_load %arg16[%swap3A_315, %swap3A_316] {strides = array<i32>} : memref<128x128xf32, #tpu.memory_space<vmem>>, vector<16xf32>,
        tpu.vector_store %arg16[%swap3A_315, %swap3A_316], %mul3A_314 {strides = array<i32>} : memref<128x128xf32, #tpu.memory_space<vmem>>, vector<16xf32>,
        %scan3A_318 = arith.constant 1 : i32
        %scan3A_319 = arith.addi %scan3A_257, %scan3A_318 : i32
        %mul3A_320 = arith.constant 1 : i32
        %mul3A_321 = arith.muli %scan3A_319, %mul3A_320 : i32
        %add3A_322 = arith.constant 0 : i32
        %add3A_323 = arith.addi %add3A_322, %mul3A_321 : i32
        %broadcast_in_dim3A_324 = arith.constant 7 : i32
        %broadcast_in_dim3A_325 = vector.broadcast %broadcast_in_dim3A_324 : i32 to vector<16xi32>
        %broadcast_in_dim3A_326 = vector.broadcast %add3A_323 : i32 to vector<16xi32>
        %gather3A_327 = tpu.vector_load_idx %arg14[%broadcast_in_dim3A_325, %broadcast_in_dim3A_326] : memref<8x128xf32, #tpu.memory_space<vmem>>[vector<16xi32>, vector<16xi32>], vector<16xf32>,
        %get3A_328 = arith.index_cast %add3A_323 : i32 to index
        %get3A_329 = arith.constant 0 : index
        %get3A_330 = tpu.vector_load %arg16[%get3A_328, %get3A_329] {strides = array<i32>} : memref<128x128xf32, #tpu.memory_space<vmem>>, vector<16xf32>,
        %mul3A_331 = arith.mulf %get3A_330, %gather3A_327 : vector<16xf32>
        %swap3A_332 = arith.index_cast %add3A_323 : i32 to index
        %swap3A_333 = arith.constant 0 : index
        %swap3A_334 = tpu.vector_load %arg16[%swap3A_332, %swap3A_333] {strides = array<i32>} : memref<128x128xf32, #tpu.memory_space<vmem>>, vector<16xf32>,
        tpu.vector_store %arg16[%swap3A_332, %swap3A_333], %mul3A_331 {strides = array<i32>} : memref<128x128xf32, #tpu.memory_space<vmem>>, vector<16xf32>,
        %get3A_335 = arith.index_cast %add3A_323 : i32 to index
        %get3A_336 = arith.constant 16 : index
        %get3A_337 = tpu.vector_load %arg16[%get3A_335, %get3A_336] {strides = array<i32>} : memref<128x128xf32, #tpu.memory_space<vmem>>, vector<16xf32>,
        %mul3A_338 = arith.mulf %get3A_337, %gather3A_327 : vector<16xf32>
        %swap3A_339 = arith.index_cast %add3A_323 : i32 to index
        %swap3A_340 = arith.constant 16 : index
        %swap3A_341 = tpu.vector_load %arg16[%swap3A_339, %swap3A_340] {strides = array<i32>} : memref<128x128xf32, #tpu.memory_space<vmem>>, vector<16xf32>,
        tpu.vector_store %arg16[%swap3A_339, %swap3A_340], %mul3A_338 {strides = array<i32>} : memref<128x128xf32, #tpu.memory_space<vmem>>, vector<16xf32>,
        %get3A_342 = arith.index_cast %add3A_323 : i32 to index
        %get3A_343 = arith.constant 32 : index
        %get3A_344 = tpu.vector_load %arg16[%get3A_342, %get3A_343] {strides = array<i32>} : memref<128x128xf32, #tpu.memory_space<vmem>>, vector<16xf32>,
        %mul3A_345 = arith.mulf %get3A_344, %gather3A_327 : vector<16xf32>
        %swap3A_346 = arith.index_cast %add3A_323 : i32 to index
        %swap3A_347 = arith.constant 32 : index
        %swap3A_348 = tpu.vector_load %arg16[%swap3A_346, %swap3A_347] {strides = array<i32>} : memref<128x128xf32, #tpu.memory_space<vmem>>, vector<16xf32>,
        tpu.vector_store %arg16[%swap3A_346, %swap3A_347], %mul3A_345 {strides = array<i32>} : memref<128x128xf32, #tpu.memory_space<vmem>>, vector<16xf32>,
        %get3A_349 = arith.index_cast %add3A_323 : i32 to index
        %get3A_350 = arith.constant 48 : index
        %get3A_351 = tpu.vector_load %arg16[%get3A_349, %get3A_350] {strides = array<i32>} : memref<128x128xf32, #tpu.memory_space<vmem>>, vector<16xf32>,
        %mul3A_352 = arith.mulf %get3A_351, %gather3A_327 : vector<16xf32>
        %swap3A_353 = arith.index_cast %add3A_323 : i32 to index
        %swap3A_354 = arith.constant 48 : index
        %swap3A_355 = tpu.vector_load %arg16[%swap3A_353, %swap3A_354] {strides = array<i32>} : memref<128x128xf32, #tpu.memory_space<vmem>>, vector<16xf32>,
        tpu.vector_store %arg16[%swap3A_353, %swap3A_354], %mul3A_352 {strides = array<i32>} : memref<128x128xf32, #tpu.memory_space<vmem>>, vector<16xf32>,
        %get3A_356 = arith.index_cast %add3A_323 : i32 to index
        %get3A_357 = arith.constant 64 : index
        %get3A_358 = tpu.vector_load %arg16[%get3A_356, %get3A_357] {strides = array<i32>} : memref<128x128xf32, #tpu.memory_space<vmem>>, vector<16xf32>,
        %mul3A_359 = arith.mulf %get3A_358, %gather3A_327 : vector<16xf32>
        %swap3A_360 = arith.index_cast %add3A_323 : i32 to index
        %swap3A_361 = arith.constant 64 : index
        %swap3A_362 = tpu.vector_load %arg16[%swap3A_360, %swap3A_361] {strides = array<i32>} : memref<128x128xf32, #tpu.memory_space<vmem>>, vector<16xf32>,
        tpu.vector_store %arg16[%swap3A_360, %swap3A_361], %mul3A_359 {strides = array<i32>} : memref<128x128xf32, #tpu.memory_space<vmem>>, vector<16xf32>,
        %get3A_363 = arith.index_cast %add3A_323 : i32 to index
        %get3A_364 = arith.constant 80 : index
        %get3A_365 = tpu.vector_load %arg16[%get3A_363, %get3A_364] {strides = array<i32>} : memref<128x128xf32, #tpu.memory_space<vmem>>, vector<16xf32>,
        %mul3A_366 = arith.mulf %get3A_365, %gather3A_327 : vector<16xf32>
        %swap3A_367 = arith.index_cast %add3A_323 : i32 to index
        %swap3A_368 = arith.constant 80 : index
        %swap3A_369 = tpu.vector_load %arg16[%swap3A_367, %swap3A_368] {strides = array<i32>} : memref<128x128xf32, #tpu.memory_space<vmem>>, vector<16xf32>,
        tpu.vector_store %arg16[%swap3A_367, %swap3A_368], %mul3A_366 {strides = array<i32>} : memref<128x128xf32, #tpu.memory_space<vmem>>, vector<16xf32>,
        %get3A_370 = arith.index_cast %add3A_323 : i32 to index
        %get3A_371 = arith.constant 96 : index
        %get3A_372 = tpu.vector_load %arg16[%get3A_370, %get3A_371] {strides = array<i32>} : memref<128x128xf32, #tpu.memory_space<vmem>>, vector<16xf32>,
        %mul3A_373 = arith.mulf %get3A_372, %gather3A_327 : vector<16xf32>
        %swap3A_374 = arith.index_cast %add3A_323 : i32 to index
        %swap3A_375 = arith.constant 96 : index
        %swap3A_376 = tpu.vector_load %arg16[%swap3A_374, %swap3A_375] {strides = array<i32>} : memref<128x128xf32, #tpu.memory_space<vmem>>, vector<16xf32>,
        tpu.vector_store %arg16[%swap3A_374, %swap3A_375], %mul3A_373 {strides = array<i32>} : memref<128x128xf32, #tpu.memory_space<vmem>>, vector<16xf32>,
        %get3A_377 = arith.index_cast %add3A_323 : i32 to index
        %get3A_378 = arith.constant 112 : index
        %get3A_379 = tpu.vector_load %arg16[%get3A_377, %get3A_378] {strides = array<i32>} : memref<128x128xf32, #tpu.memory_space<vmem>>, vector<16xf32>,
        %mul3A_380 = arith.mulf %get3A_379, %gather3A_327 : vector<16xf32>
        %swap3A_381 = arith.index_cast %add3A_323 : i32 to index
        %swap3A_382 = arith.constant 112 : index
        %swap3A_383 = tpu.vector_load %arg16[%swap3A_381, %swap3A_382] {strides = array<i32>} : memref<128x128xf32, #tpu.memory_space<vmem>>, vector<16xf32>,
        tpu.vector_store %arg16[%swap3A_381, %swap3A_382], %mul3A_380 {strides = array<i32>} : memref<128x128xf32, #tpu.memory_space<vmem>>, vector<16xf32>,
        %scan3A_384 = arith.constant 2 : i32
        %scan3A_385 = arith.addi %scan3A_257, %scan3A_384 : i32
        %mul3A_386 = arith.constant 1 : i32
        %mul3A_387 = arith.muli %scan3A_385, %mul3A_386 : i32
        %add3A_388 = arith.constant 0 : i32
        %add3A_389 = arith.addi %add3A_388, %mul3A_387 : i32
        %broadcast_in_dim3A_390 = arith.constant 7 : i32
        %broadcast_in_dim3A_391 = vector.broadcast %broadcast_in_dim3A_390 : i32 to vector<16xi32>
        %broadcast_in_dim3A_392 = vector.broadcast %add3A_389 : i32 to vector<16xi32>
        %gather3A_393 = tpu.vector_load_idx %arg14[%broadcast_in_dim3A_391, %broadcast_in_dim3A_392] : memref<8x128xf32, #tpu.memory_space<vmem>>[vector<16xi32>, vector<16xi32>], vector<16xf32>,
        %get3A_394 = arith.index_cast %add3A_389 : i32 to index
        %get3A_395 = arith.constant 0 : index
        %get3A_396 = tpu.vector_load %arg16[%get3A_394, %get3A_395] {strides = array<i32>} : memref<128x128xf32, #tpu.memory_space<vmem>>, vector<16xf32>,
        %mul3A_397 = arith.mulf %get3A_396, %gather3A_393 : vector<16xf32>
        %swap3A_398 = arith.index_cast %add3A_389 : i32 to index
        %swap3A_399 = arith.constant 0 : index
        %swap3A_400 = tpu.vector_load %arg16[%swap3A_398, %swap3A_399] {strides = array<i32>} : memref<128x128xf32, #tpu.memory_space<vmem>>, vector<16xf32>,
        tpu.vector_store %arg16[%swap3A_398, %swap3A_399], %mul3A_397 {strides = array<i32>} : memref<128x128xf32, #tpu.memory_space<vmem>>, vector<16xf32>,
        %get3A_401 = arith.index_cast %add3A_389 : i32 to index
        %get3A_402 = arith.constant 16 : index
        %get3A_403 = tpu.vector_load %arg16[%get3A_401, %get3A_402] {strides = array<i32>} : memref<128x128xf32, #tpu.memory_space<vmem>>, vector<16xf32>,
        %mul3A_404 = arith.mulf %get3A_403, %gather3A_393 : vector<16xf32>
        %swap3A_405 = arith.index_cast %add3A_389 : i32 to index
        %swap3A_406 = arith.constant 16 : index
        %swap3A_407 = tpu.vector_load %arg16[%swap3A_405, %swap3A_406] {strides = array<i32>} : memref<128x128xf32, #tpu.memory_space<vmem>>, vector<16xf32>,
        tpu.vector_store %arg16[%swap3A_405, %swap3A_406], %mul3A_404 {strides = array<i32>} : memref<128x128xf32, #tpu.memory_space<vmem>>, vector<16xf32>,
        %get3A_408 = arith.index_cast %add3A_389 : i32 to index
        %get3A_409 = arith.constant 32 : index
        %get3A_410 = tpu.vector_load %arg16[%get3A_408, %get3A_409] {strides = array<i32>} : memref<128x128xf32, #tpu.memory_space<vmem>>, vector<16xf32>,
        %mul3A_411 = arith.mulf %get3A_410, %gather3A_393 : vector<16xf32>
        %swap3A_412 = arith.index_cast %add3A_389 : i32 to index
        %swap3A_413 = arith.constant 32 : index
        %swap3A_414 = tpu.vector_load %arg16[%swap3A_412, %swap3A_413] {strides = array<i32>} : memref<128x128xf32, #tpu.memory_space<vmem>>, vector<16xf32>,
        tpu.vector_store %arg16[%swap3A_412, %swap3A_413], %mul3A_411 {strides = array<i32>} : memref<128x128xf32, #tpu.memory_space<vmem>>, vector<16xf32>,
        %get3A_415 = arith.index_cast %add3A_389 : i32 to index
        %get3A_416 = arith.constant 48 : index
        %get3A_417 = tpu.vector_load %arg16[%get3A_415, %get3A_416] {strides = array<i32>} : memref<128x128xf32, #tpu.memory_space<vmem>>, vector<16xf32>,
        %mul3A_418 = arith.mulf %get3A_417, %gather3A_393 : vector<16xf32>
        %swap3A_419 = arith.index_cast %add3A_389 : i32 to index
        %swap3A_420 = arith.constant 48 : index
        %swap3A_421 = tpu.vector_load %arg16[%swap3A_419, %swap3A_420] {strides = array<i32>} : memref<128x128xf32, #tpu.memory_space<vmem>>, vector<16xf32>,
        tpu.vector_store %arg16[%swap3A_419, %swap3A_420], %mul3A_418 {strides = array<i32>} : memref<128x128xf32, #tpu.memory_space<vmem>>, vector<16xf32>,
        %get3A_422 = arith.index_cast %add3A_389 : i32 to index
        %get3A_423 = arith.constant 64 : index
        %get3A_424 = tpu.vector_load %arg16[%get3A_422, %get3A_423] {strides = array<i32>} : memref<128x128xf32, #tpu.memory_space<vmem>>, vector<16xf32>,
        %mul3A_425 = arith.mulf %get3A_424, %gather3A_393 : vector<16xf32>
        %swap3A_426 = arith.index_cast %add3A_389 : i32 to index
        %swap3A_427 = arith.constant 64 : index
        %swap3A_428 = tpu.vector_load %arg16[%swap3A_426, %swap3A_427] {strides = array<i32>} : memref<128x128xf32, #tpu.memory_space<vmem>>, vector<16xf32>,
        tpu.vector_store %arg16[%swap3A_426, %swap3A_427], %mul3A_425 {strides = array<i32>} : memref<128x128xf32, #tpu.memory_space<vmem>>, vector<16xf32>,
        %get3A_429 = arith.index_cast %add3A_389 : i32 to index
        %get3A_430 = arith.constant 80 : index
        %get3A_431 = tpu.vector_load %arg16[%get3A_429, %get3A_430] {strides = array<i32>} : memref<128x128xf32, #tpu.memory_space<vmem>>, vector<16xf32>,
        %mul3A_432 = arith.mulf %get3A_431, %gather3A_393 : vector<16xf32>
        %swap3A_433 = arith.index_cast %add3A_389 : i32 to index
        %swap3A_434 = arith.constant 80 : index
        %swap3A_435 = tpu.vector_load %arg16[%swap3A_433, %swap3A_434] {strides = array<i32>} : memref<128x128xf32, #tpu.memory_space<vmem>>, vector<16xf32>,
        tpu.vector_store %arg16[%swap3A_433, %swap3A_434], %mul3A_432 {strides = array<i32>} : memref<128x128xf32, #tpu.memory_space<vmem>>, vector<16xf32>,
        %get3A_436 = arith.index_cast %add3A_389 : i32 to index
        %get3A_437 = arith.constant 96 : index
        %get3A_438 = tpu.vector_load %arg16[%get3A_436, %get3A_437] {strides = array<i32>} : memref<128x128xf32, #tpu.memory_space<vmem>>, vector<16xf32>,
        %mul3A_439 = arith.mulf %get3A_438, %gather3A_393 : vector<16xf32>
        %swap3A_440 = arith.index_cast %add3A_389 : i32 to index
        %swap3A_441 = arith.constant 96 : index
        %swap3A_442 = tpu.vector_load %arg16[%swap3A_440, %swap3A_441] {strides = array<i32>} : memref<128x128xf32, #tpu.memory_space<vmem>>, vector<16xf32>,
        tpu.vector_store %arg16[%swap3A_440, %swap3A_441], %mul3A_439 {strides = array<i32>} : memref<128x128xf32, #tpu.memory_space<vmem>>, vector<16xf32>,
        %get3A_443 = arith.index_cast %add3A_389 : i32 to index
        %get3A_444 = arith.constant 112 : index
        %get3A_445 = tpu.vector_load %arg16[%get3A_443, %get3A_444] {strides = array<i32>} : memref<128x128xf32, #tpu.memory_space<vmem>>, vector<16xf32>,
        %mul3A_446 = arith.mulf %get3A_445, %gather3A_393 : vector<16xf32>
        %swap3A_447 = arith.index_cast %add3A_389 : i32 to index
        %swap3A_448 = arith.constant 112 : index
        %swap3A_449 = tpu.vector_load %arg16[%swap3A_447, %swap3A_448] {strides = array<i32>} : memref<128x128xf32, #tpu.memory_space<vmem>>, vector<16xf32>,
        tpu.vector_store %arg16[%swap3A_447, %swap3A_448], %mul3A_446 {strides = array<i32>} : memref<128x128xf32, #tpu.memory_space<vmem>>, vector<16xf32>,
        %scan3A_450 = arith.constant 3 : i32
        %scan3A_451 = arith.addi %scan3A_257, %scan3A_450 : i32
        %mul3A_452 = arith.constant 1 : i32
        %mul3A_453 = arith.muli %scan3A_451, %mul3A_452 : i32
        %add3A_454 = arith.constant 0 : i32
        %add3A_455 = arith.addi %add3A_454, %mul3A_453 : i32
        %broadcast_in_dim3A_456 = arith.constant 7 : i32
        %broadcast_in_dim3A_457 = vector.broadcast %broadcast_in_dim3A_456 : i32 to vector<16xi32>
        %broadcast_in_dim3A_458 = vector.broadcast %add3A_455 : i32 to vector<16xi32>
        %gather3A_459 = tpu.vector_load_idx %arg14[%broadcast_in_dim3A_457, %broadcast_in_dim3A_458] : memref<8x128xf32, #tpu.memory_space<vmem>>[vector<16xi32>, vector<16xi32>], vector<16xf32>,
        %get3A_460 = arith.index_cast %add3A_455 : i32 to index
        %get3A_461 = arith.constant 0 : index
        %get3A_462 = tpu.vector_load %arg16[%get3A_460, %get3A_461] {strides = array<i32>} : memref<128x128xf32, #tpu.memory_space<vmem>>, vector<16xf32>,
        %mul3A_463 = arith.mulf %get3A_462, %gather3A_459 : vector<16xf32>
        %swap3A_464 = arith.index_cast %add3A_455 : i32 to index
        %swap3A_465 = arith.constant 0 : index
        %swap3A_466 = tpu.vector_load %arg16[%swap3A_464, %swap3A_465] {strides = array<i32>} : memref<128x128xf32, #tpu.memory_space<vmem>>, vector<16xf32>,
        tpu.vector_store %arg16[%swap3A_464, %swap3A_465], %mul3A_463 {strides = array<i32>} : memref<128x128xf32, #tpu.memory_space<vmem>>, vector<16xf32>,
        %get3A_467 = arith.index_cast %add3A_455 : i32 to index
        %get3A_468 = arith.constant 16 : index
        %get3A_469 = tpu.vector_load %arg16[%get3A_467, %get3A_468] {strides = array<i32>} : memref<128x128xf32, #tpu.memory_space<vmem>>, vector<16xf32>,
        %mul3A_470 = arith.mulf %get3A_469, %gather3A_459 : vector<16xf32>
        %swap3A_471 = arith.index_cast %add3A_455 : i32 to index
        %swap3A_472 = arith.constant 16 : index
        %swap3A_473 = tpu.vector_load %arg16[%swap3A_471, %swap3A_472] {strides = array<i32>} : memref<128x128xf32, #tpu.memory_space<vmem>>, vector<16xf32>,
        tpu.vector_store %arg16[%swap3A_471, %swap3A_472], %mul3A_470 {strides = array<i32>} : memref<128x128xf32, #tpu.memory_space<vmem>>, vector<16xf32>,
        %get3A_474 = arith.index_cast %add3A_455 : i32 to index
        %get3A_475 = arith.constant 32 : index
        %get3A_476 = tpu.vector_load %arg16[%get3A_474, %get3A_475] {strides = array<i32>} : memref<128x128xf32, #tpu.memory_space<vmem>>, vector<16xf32>,
        %mul3A_477 = arith.mulf %get3A_476, %gather3A_459 : vector<16xf32>
        %swap3A_478 = arith.index_cast %add3A_455 : i32 to index
        %swap3A_479 = arith.constant 32 : index
        %swap3A_480 = tpu.vector_load %arg16[%swap3A_478, %swap3A_479] {strides = array<i32>} : memref<128x128xf32, #tpu.memory_space<vmem>>, vector<16xf32>,
        tpu.vector_store %arg16[%swap3A_478, %swap3A_479], %mul3A_477 {strides = array<i32>} : memref<128x128xf32, #tpu.memory_space<vmem>>, vector<16xf32>,
        %get3A_481 = arith.index_cast %add3A_455 : i32 to index
        %get3A_482 = arith.constant 48 : index
        %get3A_483 = tpu.vector_load %arg16[%get3A_481, %get3A_482] {strides = array<i32>} : memref<128x128xf32, #tpu.memory_space<vmem>>, vector<16xf32>,
        %mul3A_484 = arith.mulf %get3A_483, %gather3A_459 : vector<16xf32>
        %swap3A_485 = arith.index_cast %add3A_455 : i32 to index
        %swap3A_486 = arith.constant 48 : index
        %swap3A_487 = tpu.vector_load %arg16[%swap3A_485, %swap3A_486] {strides = array<i32>} : memref<128x128xf32, #tpu.memory_space<vmem>>, vector<16xf32>,
        tpu.vector_store %arg16[%swap3A_485, %swap3A_486], %mul3A_484 {strides = array<i32>} : memref<128x128xf32, #tpu.memory_space<vmem>>, vector<16xf32>,
        %get3A_488 = arith.index_cast %add3A_455 : i32 to index
        %get3A_489 = arith.constant 64 : index
        %get3A_490 = tpu.vector_load %arg16[%get3A_488, %get3A_489] {strides = array<i32>} : memref<128x128xf32, #tpu.memory_space<vmem>>, vector<16xf32>,
        %mul3A_491 = arith.mulf %get3A_490, %gather3A_459 : vector<16xf32>
        %swap3A_492 = arith.index_cast %add3A_455 : i32 to index
        %swap3A_493 = arith.constant 64 : index
        %swap3A_494 = tpu.vector_load %arg16[%swap3A_492, %swap3A_493] {strides = array<i32>} : memref<128x128xf32, #tpu.memory_space<vmem>>, vector<16xf32>,
        tpu.vector_store %arg16[%swap3A_492, %swap3A_493], %mul3A_491 {strides = array<i32>} : memref<128x128xf32, #tpu.memory_space<vmem>>, vector<16xf32>,
        %get3A_495 = arith.index_cast %add3A_455 : i32 to index
        %get3A_496 = arith.constant 80 : index
        %get3A_497 = tpu.vector_load %arg16[%get3A_495, %get3A_496] {strides = array<i32>} : memref<128x128xf32, #tpu.memory_space<vmem>>, vector<16xf32>,
        %mul3A_498 = arith.mulf %get3A_497, %gather3A_459 : vector<16xf32>
        %swap3A_499 = arith.index_cast %add3A_455 : i32 to index
        %swap3A_500 = arith.constant 80 : index
        %swap3A_501 = tpu.vector_load %arg16[%swap3A_499, %swap3A_500] {strides = array<i32>} : memref<128x128xf32, #tpu.memory_space<vmem>>, vector<16xf32>,
        tpu.vector_store %arg16[%swap3A_499, %swap3A_500], %mul3A_498 {strides = array<i32>} : memref<128x128xf32, #tpu.memory_space<vmem>>, vector<16xf32>,
        %get3A_502 = arith.index_cast %add3A_455 : i32 to index
        %get3A_503 = arith.constant 96 : index
        %get3A_504 = tpu.vector_load %arg16[%get3A_502, %get3A_503] {strides = array<i32>} : memref<128x128xf32, #tpu.memory_space<vmem>>, vector<16xf32>,
        %mul3A_505 = arith.mulf %get3A_504, %gather3A_459 : vector<16xf32>
        %swap3A_506 = arith.index_cast %add3A_455 : i32 to index
        %swap3A_507 = arith.constant 96 : index
        %swap3A_508 = tpu.vector_load %arg16[%swap3A_506, %swap3A_507] {strides = array<i32>} : memref<128x128xf32, #tpu.memory_space<vmem>>, vector<16xf32>,
        tpu.vector_store %arg16[%swap3A_506, %swap3A_507], %mul3A_505 {strides = array<i32>} : memref<128x128xf32, #tpu.memory_space<vmem>>, vector<16xf32>,
        %get3A_509 = arith.index_cast %add3A_455 : i32 to index
        %get3A_510 = arith.constant 112 : index
        %get3A_511 = tpu.vector_load %arg16[%get3A_509, %get3A_510] {strides = array<i32>} : memref<128x128xf32, #tpu.memory_space<vmem>>, vector<16xf32>,
        %mul3A_512 = arith.mulf %get3A_511, %gather3A_459 : vector<16xf32>
        %swap3A_513 = arith.index_cast %add3A_455 : i32 to index
        %swap3A_514 = arith.constant 112 : index
        %swap3A_515 = tpu.vector_load %arg16[%swap3A_513, %swap3A_514] {strides = array<i32>} : memref<128x128xf32, #tpu.memory_space<vmem>>, vector<16xf32>,
        tpu.vector_store %arg16[%swap3A_513, %swap3A_514], %mul3A_512 {strides = array<i32>} : memref<128x128xf32, #tpu.memory_space<vmem>>, vector<16xf32>,
      }
      %scan3A_249 = arith.constant 128 : i32
      %dma_start3A_250 = arith.constant 7 : i32
      %dma_start3A_251 = arith.constant 0 : i32
      %dma_start3A_252 = tpu.memref_slice %arg13[%dma_start3A_250, %dma_start3A_251] : memref<8x128xi32, #tpu.memory_space<vmem>> -> memref<1x128xi32, #tpu.memory_space<vmem>>
      %dma_start3A_253 = tpu.memref_squeeze %dma_start3A_252 : memref<1x128xi32, #tpu.memory_space<vmem>> -> memref<128xi32, #tpu.memory_space<vmem>>
      %dma_start3A_254 = arith.constant 0 : i32
      %dma_start3A_255 = arith.constant 0 : i32
      %dma_start3A_256 = tpu.memref_slice %arg8[%dma_start3A_254, %dma_start3A_255] : memref<10240x128xf32, #tpu.memory_space<vmem_shared>> -> memref<10240x128xf32, #tpu.memory_space<vmem_shared>>
      tpu.enqueue_indirect_dma source(%arg16 : memref<128x128xf32, #tpu.memory_space<vmem>>) target(%dma_start3A_256 : memref<10240x128xf32, #tpu.memory_space<vmem_shared>>) offsets(%dma_start3A_253 : memref<128xi32, #tpu.memory_space<vmem>>) semaphore(%arg20 : memref<!tpu.dma_semaphore, #tpu.memory_space<semaphore_mem>>) {add = true}
    }
    %scan3A_39 = arith.constant 5 : i32
    %dma_wait3A = arith.constant 7 : i32
    %dma_wait3A_40 = arith.constant 0 : i32
    %dma_wait3A_41 = tpu.memref_slice %arg13[%dma_wait3A, %dma_wait3A_40] : memref<8x128xi32, #tpu.memory_space<vmem>> -> memref<1x128xi32, #tpu.memory_space<vmem>>
    %dma_wait3A_42 = tpu.memref_squeeze %dma_wait3A_41 : memref<1x128xi32, #tpu.memory_space<vmem>> -> memref<128xi32, #tpu.memory_space<vmem>>
    %dma_wait3A_43 = arith.constant 0 : i32
    %dma_wait3A_44 = arith.constant 0 : i32
    %dma_wait3A_45 = tpu.memref_slice %arg8[%dma_wait3A_43, %dma_wait3A_44] : memref<10240x128xf32, #tpu.memory_space<vmem_shared>> -> memref<10240x128xf32, #tpu.memory_space<vmem_shared>>
    tpu.wait_indirect_dma semaphore(%arg20 : memref<!tpu.dma_semaphore, #tpu.memory_space<semaphore_mem>>) src(%arg16 : memref<128x128xf32, #tpu.memory_space<vmem>>) dst(%dma_wait3A_45 : memref<10240x128xf32, #tpu.memory_space<vmem_shared>>)
    %barrier3A_46 = arith.constant 0 : index
    tpu.barrier barrier_id(%barrier3A_46)
    %mul3A_47 = arith.constant 640 : i32
    %mul3A_48 = arith.muli %arg1, %mul3A_47 : i32
    %mul3A_49 = arith.constant 640 : i32
    %mul3A_50 = arith.muli %arg1, %mul3A_49 : i32
    "tpu.region"() ({
      %run_scoped3A = tpu.sem_alloc : memref<!tpu.dma_semaphore, #tpu.memory_space<semaphore_mem>>
      %dma_start3A_51 = arith.constant 0 : i32
      %dma_start3A_52 = tpu.memref_slice %arg7[%arg0, %mul3A_50, %dma_start3A_51] : memref<2x10240x128xf32, #tpu.memory_space<hbm>> -> memref<1x640x128xf32, #tpu.memory_space<hbm>>
      %dma_start3A_53 = tpu.memref_squeeze %dma_start3A_52 : memref<1x640x128xf32, #tpu.memory_space<hbm>> -> memref<640x128xf32, #tpu.memory_space<hbm>>
      %dma_start3A_54 = arith.constant 0 : i32
      %dma_start3A_55 = tpu.memref_slice %arg8[%mul3A_48, %dma_start3A_54] : memref<10240x128xf32, #tpu.memory_space<vmem_shared>> -> memref<640x128xf32, #tpu.memory_space<vmem_shared>>
      tpu.enqueue_dma source(%dma_start3A_55 : memref<640x128xf32, #tpu.memory_space<vmem_shared>>) target(%dma_start3A_53 : memref<640x128xf32, #tpu.memory_space<hbm>>) target_semaphore(%run_scoped3A : memref<!tpu.dma_semaphore, #tpu.memory_space<semaphore_mem>>)
      %dma_wait3A_56 = arith.constant 0 : i32
      %dma_wait3A_57 = tpu.memref_slice %arg7[%arg0, %mul3A_50, %dma_wait3A_56] : memref<2x10240x128xf32, #tpu.memory_space<hbm>> -> memref<1x640x128xf32, #tpu.memory_space<hbm>>
      %dma_wait3A_58 = tpu.memref_squeeze %dma_wait3A_57 : memref<1x640x128xf32, #tpu.memory_space<hbm>> -> memref<640x128xf32, #tpu.memory_space<hbm>>
      %dma_wait3A_59 = arith.constant 0 : i32
      %dma_wait3A_60 = tpu.memref_slice %arg8[%mul3A_48, %dma_wait3A_59] : memref<10240x128xf32, #tpu.memory_space<vmem_shared>> -> memref<640x128xf32, #tpu.memory_space<vmem_shared>>
      tpu.wait_dma2 semaphore(%run_scoped3A : memref<!tpu.dma_semaphore, #tpu.memory_space<semaphore_mem>>) src(%dma_wait3A_60 : memref<640x128xf32, #tpu.memory_space<vmem_shared>>) dst(%dma_wait3A_58 : memref<640x128xf32, #tpu.memory_space<hbm>>)
      tpu.yield
    }) : () -> ()
    return
  }
}

#map = affine_map<(d0, d1) -> (0, 0, 0)>
#map1 = affine_map<(d0, d1) -> (0, 0)>
module attributes {stable_mosaic.version = 14 : i64} {
  func.func @_sc_degree_body(%arg0: i32, %arg1: i32, %arg2: memref<32x80x128xi32, #tpu.memory_space<hbm>>, %arg3: memref<32x80x128xf32, #tpu.memory_space<hbm>>, %arg4: memref<2x10240xf32, #tpu.memory_space<hbm>>, %arg5: memref<10240xf32, #tpu.memory_space<vmem_shared>>, %arg6: memref<80x128xi32, #tpu.memory_space<vmem>>, %arg7: memref<80x128xf32, #tpu.memory_space<vmem>>, %arg8: memref<640xf32, #tpu.memory_space<vmem>>) attributes {dimension_semantics = [#tpu.dimension_semantics<core_parallel>, #tpu.dimension_semantics<subcore_parallel>], iteration_bounds = array<i64: 2, 16>, scalar_prefetch = 0 : i64, scratch_operands = 4 : i64, tpu.core_type = #tpu.core_type<sc_vector_subcore>, window_params = [{transform_indices = #map}, {transform_indices = #map}, {transform_indices = #map1}]} {
    %mul3A = arith.constant 16 : i32
    %mul3A_0 = arith.muli %arg0, %mul3A : i32
    %add3A = arith.addi %mul3A_0, %arg1 : i32
    %scan3A = arith.constant 0 : i32
    %scan3A_1 = arith.constant 40 : i32
    %scan3A_2 = arith.addi %scan3A, %scan3A_1 : i32
    %scan3A_3 = arith.constant 1 : i32
    scf.for %scan3A_17 = %scan3A to %scan3A_2 step %scan3A_3  : i32 {
      %mul3A_18 = arith.constant 1 : i32
      %mul3A_19 = arith.muli %scan3A_17, %mul3A_18 : i32
      %add3A_20 = arith.constant 0 : i32
      %add3A_21 = arith.addi %add3A_20, %mul3A_19 : i32
      %broadcast_in_dim3A = arith.constant 0.000000e+00 : f32
      %broadcast_in_dim3A_22 = vector.broadcast %broadcast_in_dim3A : f32 to vector<16xf32>
      %mul3A_23 = arith.constant 16 : i32
      %mul3A_24 = arith.muli %add3A_21, %mul3A_23 : i32
      %swap3A = arith.index_cast %mul3A_24 : i32 to index
      %swap3A_25 = tpu.vector_load %arg8[%swap3A] {strides = array<i32>} : memref<640xf32, #tpu.memory_space<vmem>>, vector<16xf32>,
      %swap3A_26 = vector.shape_cast %swap3A_25 : vector<16xf32> to vector<16xf32>
      %swap3A_27 = vector.shape_cast %broadcast_in_dim3A_22 : vector<16xf32> to vector<16xf32>
      tpu.vector_store %arg8[%swap3A], %swap3A_27 {strides = array<i32>} : memref<640xf32, #tpu.memory_space<vmem>>, vector<16xf32>,
    }
    %scan3A_4 = arith.constant 40 : i32
    %mul3A_5 = arith.constant 640 : i32
    %mul3A_6 = arith.muli %arg1, %mul3A_5 : i32
    "tpu.region"() ({
      %run_scoped3A = tpu.sem_alloc : memref<!tpu.dma_semaphore, #tpu.memory_space<semaphore_mem>>
      %dma_start3A = tpu.memref_slice %arg5[%mul3A_6] : memref<10240xf32, #tpu.memory_space<vmem_shared>> -> memref<640xf32, #tpu.memory_space<vmem_shared>>
      %dma_start3A_17 = tpu.memref_slice %arg5[%mul3A_6] : memref<10240xf32, #tpu.memory_space<vmem_shared>> -> memref<640xf32, #tpu.memory_space<vmem_shared>>
      tpu.enqueue_dma source(%arg8 : memref<640xf32, #tpu.memory_space<vmem>>) target(%dma_start3A_17 : memref<640xf32, #tpu.memory_space<vmem_shared>>) target_semaphore(%run_scoped3A : memref<!tpu.dma_semaphore, #tpu.memory_space<semaphore_mem>>)
      %dma_wait3A = tpu.memref_slice %arg5[%mul3A_6] : memref<10240xf32, #tpu.memory_space<vmem_shared>> -> memref<640xf32, #tpu.memory_space<vmem_shared>>
      %dma_wait3A_18 = tpu.memref_slice %arg5[%mul3A_6] : memref<10240xf32, #tpu.memory_space<vmem_shared>> -> memref<640xf32, #tpu.memory_space<vmem_shared>>
      tpu.wait_dma2 semaphore(%run_scoped3A : memref<!tpu.dma_semaphore, #tpu.memory_space<semaphore_mem>>) src(%arg8 : memref<640xf32, #tpu.memory_space<vmem>>) dst(%dma_wait3A_18 : memref<640xf32, #tpu.memory_space<vmem_shared>>)
      tpu.yield
    }) : () -> ()
    %barrier3A = arith.constant 0 : index
    tpu.barrier barrier_id(%barrier3A)
    "tpu.region"() ({
      %run_scoped3A = tpu.sem_alloc : memref<!tpu.dma_semaphore, #tpu.memory_space<semaphore_mem>>
      %dma_start3A = arith.constant 0 : i32
      %dma_start3A_17 = arith.constant 0 : i32
      %dma_start3A_18 = tpu.memref_slice %arg2[%add3A, %dma_start3A, %dma_start3A_17] : memref<32x80x128xi32, #tpu.memory_space<hbm>> -> memref<1x80x128xi32, #tpu.memory_space<hbm>>
      %dma_start3A_19 = tpu.memref_squeeze %dma_start3A_18 : memref<1x80x128xi32, #tpu.memory_space<hbm>> -> memref<80x128xi32, #tpu.memory_space<hbm>>
      %dma_start3A_20 = arith.constant 0 : i32
      %dma_start3A_21 = arith.constant 0 : i32
      %dma_start3A_22 = tpu.memref_slice %arg2[%add3A, %dma_start3A_20, %dma_start3A_21] : memref<32x80x128xi32, #tpu.memory_space<hbm>> -> memref<1x80x128xi32, #tpu.memory_space<hbm>>
      %dma_start3A_23 = tpu.memref_squeeze %dma_start3A_22 : memref<1x80x128xi32, #tpu.memory_space<hbm>> -> memref<80x128xi32, #tpu.memory_space<hbm>>
      tpu.enqueue_dma source(%dma_start3A_23 : memref<80x128xi32, #tpu.memory_space<hbm>>) target(%arg6 : memref<80x128xi32, #tpu.memory_space<vmem>>) target_semaphore(%run_scoped3A : memref<!tpu.dma_semaphore, #tpu.memory_space<semaphore_mem>>)
      %dma_wait3A = arith.constant 0 : i32
      %dma_wait3A_24 = arith.constant 0 : i32
      %dma_wait3A_25 = tpu.memref_slice %arg2[%add3A, %dma_wait3A, %dma_wait3A_24] : memref<32x80x128xi32, #tpu.memory_space<hbm>> -> memref<1x80x128xi32, #tpu.memory_space<hbm>>
      %dma_wait3A_26 = tpu.memref_squeeze %dma_wait3A_25 : memref<1x80x128xi32, #tpu.memory_space<hbm>> -> memref<80x128xi32, #tpu.memory_space<hbm>>
      %dma_wait3A_27 = arith.constant 0 : i32
      %dma_wait3A_28 = arith.constant 0 : i32
      %dma_wait3A_29 = tpu.memref_slice %arg2[%add3A, %dma_wait3A_27, %dma_wait3A_28] : memref<32x80x128xi32, #tpu.memory_space<hbm>> -> memref<1x80x128xi32, #tpu.memory_space<hbm>>
      %dma_wait3A_30 = tpu.memref_squeeze %dma_wait3A_29 : memref<1x80x128xi32, #tpu.memory_space<hbm>> -> memref<80x128xi32, #tpu.memory_space<hbm>>
      tpu.wait_dma2 semaphore(%run_scoped3A : memref<!tpu.dma_semaphore, #tpu.memory_space<semaphore_mem>>) src(%dma_wait3A_30 : memref<80x128xi32, #tpu.memory_space<hbm>>) dst(%arg6 : memref<80x128xi32, #tpu.memory_space<vmem>>)
      tpu.yield
    }) : () -> ()
    "tpu.region"() ({
      %run_scoped3A = tpu.sem_alloc : memref<!tpu.dma_semaphore, #tpu.memory_space<semaphore_mem>>
      %dma_start3A = arith.constant 0 : i32
      %dma_start3A_17 = arith.constant 0 : i32
      %dma_start3A_18 = tpu.memref_slice %arg3[%add3A, %dma_start3A, %dma_start3A_17] : memref<32x80x128xf32, #tpu.memory_space<hbm>> -> memref<1x80x128xf32, #tpu.memory_space<hbm>>
      %dma_start3A_19 = tpu.memref_squeeze %dma_start3A_18 : memref<1x80x128xf32, #tpu.memory_space<hbm>> -> memref<80x128xf32, #tpu.memory_space<hbm>>
      %dma_start3A_20 = arith.constant 0 : i32
      %dma_start3A_21 = arith.constant 0 : i32
      %dma_start3A_22 = tpu.memref_slice %arg3[%add3A, %dma_start3A_20, %dma_start3A_21] : memref<32x80x128xf32, #tpu.memory_space<hbm>> -> memref<1x80x128xf32, #tpu.memory_space<hbm>>
      %dma_start3A_23 = tpu.memref_squeeze %dma_start3A_22 : memref<1x80x128xf32, #tpu.memory_space<hbm>> -> memref<80x128xf32, #tpu.memory_space<hbm>>
      tpu.enqueue_dma source(%dma_start3A_23 : memref<80x128xf32, #tpu.memory_space<hbm>>) target(%arg7 : memref<80x128xf32, #tpu.memory_space<vmem>>) target_semaphore(%run_scoped3A : memref<!tpu.dma_semaphore, #tpu.memory_space<semaphore_mem>>)
      %dma_wait3A = arith.constant 0 : i32
      %dma_wait3A_24 = arith.constant 0 : i32
      %dma_wait3A_25 = tpu.memref_slice %arg3[%add3A, %dma_wait3A, %dma_wait3A_24] : memref<32x80x128xf32, #tpu.memory_space<hbm>> -> memref<1x80x128xf32, #tpu.memory_space<hbm>>
      %dma_wait3A_26 = tpu.memref_squeeze %dma_wait3A_25 : memref<1x80x128xf32, #tpu.memory_space<hbm>> -> memref<80x128xf32, #tpu.memory_space<hbm>>
      %dma_wait3A_27 = arith.constant 0 : i32
      %dma_wait3A_28 = arith.constant 0 : i32
      %dma_wait3A_29 = tpu.memref_slice %arg3[%add3A, %dma_wait3A_27, %dma_wait3A_28] : memref<32x80x128xf32, #tpu.memory_space<hbm>> -> memref<1x80x128xf32, #tpu.memory_space<hbm>>
      %dma_wait3A_30 = tpu.memref_squeeze %dma_wait3A_29 : memref<1x80x128xf32, #tpu.memory_space<hbm>> -> memref<80x128xf32, #tpu.memory_space<hbm>>
      tpu.wait_dma2 semaphore(%run_scoped3A : memref<!tpu.dma_semaphore, #tpu.memory_space<semaphore_mem>>) src(%dma_wait3A_30 : memref<80x128xf32, #tpu.memory_space<hbm>>) dst(%arg7 : memref<80x128xf32, #tpu.memory_space<vmem>>)
      tpu.yield
    }) : () -> ()
    %scan3A_7 = arith.constant 0 : i32
    %scan3A_8 = arith.constant 80 : i32
    %scan3A_9 = arith.addi %scan3A_7, %scan3A_8 : i32
    %scan3A_10 = arith.constant 1 : i32
    scf.for %scan3A_17 = %scan3A_7 to %scan3A_9 step %scan3A_10  : i32 {
      %mul3A_18 = arith.constant 1 : i32
      %mul3A_19 = arith.muli %scan3A_17, %mul3A_18 : i32
      %add3A_20 = arith.constant 0 : i32
      %add3A_21 = arith.addi %add3A_20, %mul3A_19 : i32
      "tpu.region"() ({
        %run_scoped3A = tpu.sem_alloc : memref<!tpu.dma_semaphore, #tpu.memory_space<semaphore_mem>>
        %dma_start3A = arith.constant 0 : i32
        %dma_start3A_22 = tpu.memref_slice %arg7[%add3A_21, %dma_start3A] : memref<80x128xf32, #tpu.memory_space<vmem>> -> memref<1x128xf32, #tpu.memory_space<vmem>>
        %dma_start3A_23 = tpu.memref_squeeze %dma_start3A_22 : memref<1x128xf32, #tpu.memory_space<vmem>> -> memref<128xf32, #tpu.memory_space<vmem>>
        %dma_start3A_24 = arith.constant 0 : i32
        %dma_start3A_25 = tpu.memref_slice %arg6[%add3A_21, %dma_start3A_24] : memref<80x128xi32, #tpu.memory_space<vmem>> -> memref<1x128xi32, #tpu.memory_space<vmem>>
        %dma_start3A_26 = tpu.memref_squeeze %dma_start3A_25 : memref<1x128xi32, #tpu.memory_space<vmem>> -> memref<128xi32, #tpu.memory_space<vmem>>
        %dma_start3A_27 = arith.constant 0 : i32
        %dma_start3A_28 = tpu.memref_slice %arg5[%dma_start3A_27] : memref<10240xf32, #tpu.memory_space<vmem_shared>> -> memref<10240xf32, #tpu.memory_space<vmem_shared>>
        tpu.enqueue_indirect_dma source(%dma_start3A_23 : memref<128xf32, #tpu.memory_space<vmem>>) target(%dma_start3A_28 : memref<10240xf32, #tpu.memory_space<vmem_shared>>) offsets(%dma_start3A_26 : memref<128xi32, #tpu.memory_space<vmem>>) semaphore(%run_scoped3A : memref<!tpu.dma_semaphore, #tpu.memory_space<semaphore_mem>>) {add = true}
        %dma_wait3A = arith.constant 0 : i32
        %dma_wait3A_29 = tpu.memref_slice %arg7[%add3A_21, %dma_wait3A] : memref<80x128xf32, #tpu.memory_space<vmem>> -> memref<1x128xf32, #tpu.memory_space<vmem>>
        %dma_wait3A_30 = tpu.memref_squeeze %dma_wait3A_29 : memref<1x128xf32, #tpu.memory_space<vmem>> -> memref<128xf32, #tpu.memory_space<vmem>>
        %dma_wait3A_31 = arith.constant 0 : i32
        %dma_wait3A_32 = tpu.memref_slice %arg6[%add3A_21, %dma_wait3A_31] : memref<80x128xi32, #tpu.memory_space<vmem>> -> memref<1x128xi32, #tpu.memory_space<vmem>>
        %dma_wait3A_33 = tpu.memref_squeeze %dma_wait3A_32 : memref<1x128xi32, #tpu.memory_space<vmem>> -> memref<128xi32, #tpu.memory_space<vmem>>
        %dma_wait3A_34 = arith.constant 0 : i32
        %dma_wait3A_35 = tpu.memref_slice %arg5[%dma_wait3A_34] : memref<10240xf32, #tpu.memory_space<vmem_shared>> -> memref<10240xf32, #tpu.memory_space<vmem_shared>>
        tpu.wait_indirect_dma semaphore(%run_scoped3A : memref<!tpu.dma_semaphore, #tpu.memory_space<semaphore_mem>>) src(%dma_wait3A_30 : memref<128xf32, #tpu.memory_space<vmem>>) dst(%dma_wait3A_35 : memref<10240xf32, #tpu.memory_space<vmem_shared>>)
        tpu.yield
      }) : () -> ()
    }
    %scan3A_11 = arith.constant 80 : i32
    %barrier3A_12 = arith.constant 0 : index
    tpu.barrier barrier_id(%barrier3A_12)
    %mul3A_13 = arith.constant 640 : i32
    %mul3A_14 = arith.muli %arg1, %mul3A_13 : i32
    %mul3A_15 = arith.constant 640 : i32
    %mul3A_16 = arith.muli %arg1, %mul3A_15 : i32
    "tpu.region"() ({
      %run_scoped3A = tpu.sem_alloc : memref<!tpu.dma_semaphore, #tpu.memory_space<semaphore_mem>>
      %dma_start3A = tpu.memref_slice %arg4[%arg0, %mul3A_16] : memref<2x10240xf32, #tpu.memory_space<hbm>> -> memref<1x640xf32, #tpu.memory_space<hbm>>
      %dma_start3A_17 = tpu.memref_squeeze %dma_start3A : memref<1x640xf32, #tpu.memory_space<hbm>> -> memref<640xf32, #tpu.memory_space<hbm>>
      %dma_start3A_18 = tpu.memref_slice %arg5[%mul3A_14] : memref<10240xf32, #tpu.memory_space<vmem_shared>> -> memref<640xf32, #tpu.memory_space<vmem_shared>>
      tpu.enqueue_dma source(%dma_start3A_18 : memref<640xf32, #tpu.memory_space<vmem_shared>>) target(%dma_start3A_17 : memref<640xf32, #tpu.memory_space<hbm>>) target_semaphore(%run_scoped3A : memref<!tpu.dma_semaphore, #tpu.memory_space<semaphore_mem>>)
      %dma_wait3A = tpu.memref_slice %arg4[%arg0, %mul3A_16] : memref<2x10240xf32, #tpu.memory_space<hbm>> -> memref<1x640xf32, #tpu.memory_space<hbm>>
      %dma_wait3A_19 = tpu.memref_squeeze %dma_wait3A : memref<1x640xf32, #tpu.memory_space<hbm>> -> memref<640xf32, #tpu.memory_space<hbm>>
      %dma_wait3A_20 = tpu.memref_slice %arg5[%mul3A_14] : memref<10240xf32, #tpu.memory_space<vmem_shared>> -> memref<640xf32, #tpu.memory_space<vmem_shared>>
      tpu.wait_dma2 semaphore(%run_scoped3A : memref<!tpu.dma_semaphore, #tpu.memory_space<semaphore_mem>>) src(%dma_wait3A_20 : memref<640xf32, #tpu.memory_space<vmem_shared>>) dst(%dma_wait3A_19 : memref<640xf32, #tpu.memory_space<hbm>>)
      tpu.yield
    }) : () -> ()
    return
  }
}

module attributes {stable_mosaic.version = 14 : i64} {
  func.func @_tc_matmul_body(%arg0: memref<10000x128xf32, #tpu.memory_space<vmem>>, %arg1: memref<128x128xf32, #tpu.memory_space<vmem>>, %arg2: memref<10000x128xf32, #tpu.memory_space<vmem>>) attributes {dimension_semantics = [], scalar_prefetch = 0 : i64, scratch_operands = 0 : i64, tpu.core_type = #tpu.core_type<tc>} {
    %get3A = arith.constant 0 : index
    %get3A_0 = arith.constant 0 : index
    %get3A_1 = vector.load %arg0[%get3A, %get3A_0] : memref<10000x128xf32, #tpu.memory_space<vmem>>, vector<10000x128xf32>
    %get3A_2 = arith.constant 0 : index
    %get3A_3 = arith.constant 0 : index
    %get3A_4 = vector.load %arg1[%get3A_2, %get3A_3] : memref<128x128xf32, #tpu.memory_space<vmem>>, vector<128x128xf32>
    %dot_general3A = arith.constant dense<0.000000e+00> : vector<10000x128xf32>
    %dot_general3A_5 = tpu.matmul %get3A_1, %get3A_4, %dot_general3A {dimension_numbers = #tpu.dot_dimension_numbers<[1], [0], [0], [1], [0, 0, 1, 1], [], []>, transpose_lhs_hint = false} : vector<10000x128xf32>, vector<128x128xf32>, vector<10000x128xf32> -> vector<10000x128xf32>
    %swap3A = arith.constant 0 : index
    %swap3A_6 = arith.constant 0 : index
    %swap3A_7 = vector.load %arg2[%swap3A, %swap3A_6] : memref<10000x128xf32, #tpu.memory_space<vmem>>, vector<10000x128xf32>
    tpu.vector_store %arg2[%swap3A, %swap3A_6], %dot_general3A_5 {strides = array<i32>} : memref<10000x128xf32, #tpu.memory_space<vmem>>, vector<10000x128xf32>,
    return
  }
}

module attributes {stable_mosaic.version = 14 : i64} {
  func.func @_tc_dis_body(%arg0: memref<80x128xf32, #tpu.memory_space<vmem>>, %arg1: memref<80x128xf32, #tpu.memory_space<vmem>>, %arg2: memref<80x128xf32, #tpu.memory_space<vmem>>) attributes {dimension_semantics = [], scalar_prefetch = 0 : i64, scratch_operands = 0 : i64, tpu.core_type = #tpu.core_type<tc>} {
    %get3A = arith.constant 0 : index
    %get3A_0 = arith.constant 0 : index
    %get3A_1 = vector.load %arg0[%get3A, %get3A_0] : memref<80x128xf32, #tpu.memory_space<vmem>>, vector<80x128xf32>
    %get3A_2 = arith.constant 0 : index
    %get3A_3 = arith.constant 0 : index
    %get3A_4 = vector.load %arg1[%get3A_2, %get3A_3] : memref<80x128xf32, #tpu.memory_space<vmem>>, vector<80x128xf32>
    %add3A = arith.addf %get3A_1, %get3A_4 : vector<80x128xf32>
    %add3A_5 = arith.constant 1.000000e+00 : f32
    %add3A_6 = vector.broadcast %add3A_5 : f32 to vector<80x128xf32>
    %add3A_7 = arith.addf %add3A, %add3A_6 : vector<80x128xf32>
    %gt3A = arith.constant 0.000000e+00 : f32
    %gt3A_8 = vector.broadcast %gt3A : f32 to vector<80x128xf32>
    %gt3A_9 = arith.cmpf ogt, %add3A_7, %gt3A_8 : vector<80x128xf32>
    %gt3A_10 = arith.constant 0.000000e+00 : f32
    %gt3A_11 = vector.broadcast %gt3A_10 : f32 to vector<80x128xf32>
    %gt3A_12 = arith.cmpf ogt, %add3A_7, %gt3A_11 : vector<80x128xf32>
    %jit3A = arith.constant 1.000000e+00 : f32
    %broadcast_in_dim3A = vector.broadcast %jit3A : f32 to vector<80x128xf32>
    %select_n3A = arith.select %gt3A_12, %add3A_7, %broadcast_in_dim3A : vector<80x128xi1>, vector<80x128xf32>
    %rsqrt3A = math.rsqrt %select_n3A : vector<80x128xf32>
    %jit3A_13 = arith.constant 0.000000e+00 : f32
    %broadcast_in_dim3A_14 = vector.broadcast %jit3A_13 : f32 to vector<80x128xf32>
    %select_n3A_15 = arith.select %gt3A_9, %rsqrt3A, %broadcast_in_dim3A_14 : vector<80x128xi1>, vector<80x128xf32>
    %swap3A = arith.constant 0 : index
    %swap3A_16 = arith.constant 0 : index
    %swap3A_17 = vector.load %arg2[%swap3A, %swap3A_16] : memref<80x128xf32, #tpu.memory_space<vmem>>, vector<80x128xf32>
    tpu.vector_store %arg2[%swap3A, %swap3A_16], %select_n3A_15 {strides = array<i32>} : memref<80x128xf32, #tpu.memory_space<vmem>>, vector<80x128xf32>,
    return
  }
}

module attributes {stable_mosaic.version = 14 : i64} {
  func.func @_tc_scale_body(%arg0: memref<10000x1xf32, #tpu.memory_space<vmem>>, %arg1: memref<10000x128xf32, #tpu.memory_space<vmem>>, %arg2: memref<10000x128xf32, #tpu.memory_space<vmem>>, %arg3: memref<10000x128xf32, #tpu.memory_space<vmem>>) attributes {dimension_semantics = [], scalar_prefetch = 0 : i64, scratch_operands = 0 : i64, tpu.core_type = #tpu.core_type<tc>} {
    %get3A = arith.constant 0 : index
    %get3A_0 = arith.constant 0 : index
    %get3A_1 = vector.load %arg0[%get3A, %get3A_0] : memref<10000x1xf32, #tpu.memory_space<vmem>>, vector<10000x1xf32>
    %get3A_2 = arith.constant 0 : index
    %get3A_3 = arith.constant 0 : index
    %get3A_4 = vector.load %arg1[%get3A_2, %get3A_3] : memref<10000x128xf32, #tpu.memory_space<vmem>>, vector<10000x128xf32>
    %mul3A = vector.broadcast %get3A_1 : vector<10000x1xf32> to vector<10000x128xf32>
    %mul3A_5 = arith.mulf %mul3A, %get3A_4 : vector<10000x128xf32>
    %swap3A = arith.constant 0 : index
    %swap3A_6 = arith.constant 0 : index
    %swap3A_7 = vector.load %arg2[%swap3A, %swap3A_6] : memref<10000x128xf32, #tpu.memory_space<vmem>>, vector<10000x128xf32>
    tpu.vector_store %arg2[%swap3A, %swap3A_6], %mul3A_5 {strides = array<i32>} : memref<10000x128xf32, #tpu.memory_space<vmem>>, vector<10000x128xf32>,
    %swap3A_8 = arith.constant 0 : index
    %swap3A_9 = arith.constant 0 : index
    %swap3A_10 = vector.load %arg3[%swap3A_8, %swap3A_9] : memref<10000x128xf32, #tpu.memory_space<vmem>>, vector<10000x128xf32>
    tpu.vector_store %arg3[%swap3A_8, %swap3A_9], %mul3A_5 {strides = array<i32>} : memref<10000x128xf32, #tpu.memory_space<vmem>>, vector<10000x128xf32>,
    return
  }
}

module attributes {stable_mosaic.version = 14 : i64} {
  func.func @_tc_final_body(%arg0: memref<2x10240x128xf32, #tpu.memory_space<vmem>>, %arg1: memref<10000x128xf32, #tpu.memory_space<vmem>>, %arg2: memref<10000x1xf32, #tpu.memory_space<vmem>>, %arg3: memref<1x128xf32, #tpu.memory_space<vmem>>, %arg4: memref<1x1xf32, #tpu.memory_space<vmem>>, %arg5: memref<10000x128xf32, #tpu.memory_space<vmem>>) attributes {dimension_semantics = [], scalar_prefetch = 0 : i64, scratch_operands = 0 : i64, tpu.core_type = #tpu.core_type<tc>} {
    %get3A = arith.constant 0 : index
    %get3A_0 = arith.constant 0 : index
    %get3A_1 = vector.load %arg2[%get3A, %get3A_0] : memref<10000x1xf32, #tpu.memory_space<vmem>>, vector<10000x1xf32>
    %get3A_2 = arith.constant 0 : index
    %get3A_3 = arith.constant 0 : index
    %get3A_4 = arith.constant 0 : index
    %get3A_5 = vector.load %arg0[%get3A_2, %get3A_3, %get3A_4] : memref<2x10240x128xf32, #tpu.memory_space<vmem>>, vector<1x10000x128xf32>
    %get3A_6 = vector.shape_cast %get3A_5 : vector<1x10000x128xf32> to vector<10000x128xf32>
    %get3A_7 = arith.constant 1 : index
    %get3A_8 = arith.constant 0 : index
    %get3A_9 = arith.constant 0 : index
    %get3A_10 = vector.load %arg0[%get3A_7, %get3A_8, %get3A_9] : memref<2x10240x128xf32, #tpu.memory_space<vmem>>, vector<1x10000x128xf32>
    %get3A_11 = vector.shape_cast %get3A_10 : vector<1x10000x128xf32> to vector<10000x128xf32>
    %add3A = arith.addf %get3A_6, %get3A_11 : vector<10000x128xf32>
    %get3A_12 = arith.constant 0 : index
    %get3A_13 = arith.constant 0 : index
    %get3A_14 = vector.load %arg1[%get3A_12, %get3A_13] : memref<10000x128xf32, #tpu.memory_space<vmem>>, vector<10000x128xf32>
    %add3A_15 = arith.addf %add3A, %get3A_14 : vector<10000x128xf32>
    %mul3A = vector.broadcast %get3A_1 : vector<10000x1xf32> to vector<10000x128xf32>
    %mul3A_16 = arith.mulf %mul3A, %add3A_15 : vector<10000x128xf32>
    %get3A_17 = arith.constant 0 : index
    %get3A_18 = arith.constant 0 : index
    %get3A_19 = vector.load %arg3[%get3A_17, %get3A_18] : memref<1x128xf32, #tpu.memory_space<vmem>>, vector<1x128xf32>
    %add3A_20 = vector.broadcast %get3A_19 : vector<1x128xf32> to vector<10000x128xf32>
    %add3A_21 = arith.addf %mul3A_16, %add3A_20 : vector<10000x128xf32>
    %ge3A = arith.constant 0.000000e+00 : f32
    %ge3A_22 = vector.broadcast %ge3A : f32 to vector<10000x128xf32>
    %ge3A_23 = arith.cmpf oge, %add3A_21, %ge3A_22 : vector<10000x128xf32>
    %get3A_24 = arith.constant 0 : index
    %get3A_25 = arith.constant 0 : index
    %get3A_26 = vector.load %arg4[%get3A_24, %get3A_25] : memref<1x1xf32, #tpu.memory_space<vmem>>, vector<1x1xf32>
    %mul3A_27 = vector.broadcast %get3A_26 : vector<1x1xf32> to vector<10000x128xf32>
    %mul3A_28 = arith.mulf %mul3A_27, %add3A_21 : vector<10000x128xf32>
    %select_n3A = arith.select %ge3A_23, %add3A_21, %mul3A_28 : vector<10000x128xi1>, vector<10000x128xf32>
    %swap3A = arith.constant 0 : index
    %swap3A_29 = arith.constant 0 : index
    %swap3A_30 = vector.load %arg5[%swap3A, %swap3A_29] : memref<10000x128xf32, #tpu.memory_space<vmem>>, vector<10000x128xf32>
    tpu.vector_store %arg5[%swap3A, %swap3A_29], %select_n3A {strides = array<i32>} : memref<10000x128xf32, #tpu.memory_space<vmem>>, vector<10000x128xf32>,
    return
  }
}

</mosaic_0001>

<sc_bundles>
// kernel: kernel.11.cloned.1.call-start
scs
__scs_entry_jumppad:
0x0: {  	(pc) =	sbr.rel $0x88, $3  }
0x1: {  	(tag) =	ssettag $0x0;
	lr =	simm.s32 $0x1  }
0x2: {  	[smem:$0x3F9B] =	sst lr;
	_ =	strace $0xD0000000  }
0x3: {  	_ = 	snop  }
0x4: {  	_ = 	snop  }
0x5: {  	_ = 	snop  }
0x6: {  	_ = 	snop  }
0x7: {  	_ = 	snop  }
__scs_overlays_trampoline_lowered:
0x8: {  	[smem:$0x3FAA] =	sst s0  }
0x9: {  	[smem:$0x3FAB] =	sst s1  }
0xa: {  	[smem:$0x3FAC] =	sst s2  }
0xb: {  	[smem:$0x3FAD] =	sst s3  }
0xc: {  	[smem:$0x3FAE] =	sst s4  }
0xd: {  	[smem:$0x3FAF] =	sst s5  }
0xe: {  	[smem:$0x3FB0] =	sst s6  }
0xf: {  	[smem:$0x3FB1] =	sst s7  }
0x10: {  	[smem:$0x3FB2] =	sst s8  }
0x11: {  	[smem:$0x3FB3] =	sst s9;
	s0 =	simm.s32 @!p0 $0x0  }
0x12: {  	s1 =	sld [smem:$0x3F99];
	s0 =	simm.s32 @p0 $0x1  }
0x13: {  	[smem:$0x3FB4] =	sst s0;
	s0 =	simm.s32 @!p1 $0x0  }
0x14: {  	s2 =	sld [smem:$0x3F98];
	s0 =	simm.s32 @p1 $0x1  }
0x15: {  	[smem:$0x3FB5] =	sst s0;
	s0 =	simm.s32 @!p2 $0x0  }
0x16: {  	s3 =	sld [smem:$0x3FDB];
	s0 =	simm.s32 @p2 $0x1  }
0x17: {  	s4 =	simm.s32 $0x1BF5;
	[smem:$0x3FB7] =	sst s0  }
0x18: {  	s0 =	sld [smem:$0x3F9A];
	_ =	swait.ge [sflag:s4], $0x0  }
0x19: {  	s7 =	sld [smem:$0x3F9B]  }
0x1a: {  	s8 =	sadd.s32 $0xFFFFE003, lr  }
0x1b: {  	s9 =	sadd.s32 $0xFFFFFEF7, lr;
	s5 =	simm.s32 $0xFFFFFFFF;
	p2 =	slt.u32 s8, $0xFFFFF086  }
0x1c: {  	p1 =	slt.u32 s9, $0xF7A;
	s5 =	simm.s32 @!p2 $0x0  }
0x1d: {  	s5 =	simm.s32 @p1 $0x1;
	p0 =	seq.s32 s7, s2  }
0x1e: {  	s7 =	smul.u32 @!p0 $0xF7A, s2;
	p2 =	seq.s32 @!p0 s5, $0x0  }
0x1f: {  	s9 =	smul.u32 $0xF7A, s1;
	s8 =	simm.s32 @!p0 $0x1BF5;
	p2 =	por !p2, p0  }
0x20: {  	[sflag:s8] =	ssyncset.s32 @!p0 $0xFFFFF086;
	s6 =	sadd.s32 @!p0 s3, s7;
	s7 =	simm.s32 @!p0 $0x108  }
0x21: {  	s3 =	sadd.s32 s3, s9;
	s6 =	sadd.s32 @!p0 $0x88, s6;
	s7 =	simm.s32 @p2 $0x1082  }
0x22: {  	[simem:s7], [sflag:s8] =	dma.local @!p0 [hbm:s6], $0xF7A  }
0x23: {  	s9 =	sor.u32 $0xD0000000, s2;
	s6 =	simm.s32 $0x108;
	_ =	swait.ge @!p0 [sflag:s8], $0x0  }
0x24: {  	s3 =	sadd.s32 $0x88, s3;
	s6 =	simm.s32 @!p1 $0x1082;
	[sflag:s4] =	ssyncset.s32 $0xFFFFF086  }
0x25: {  	[simem:s6], [sflag:s4] =	dma.local [hbm:s3], $0xF7A  }
0x26: {  	[smem:$0x3F9B] =	sst s1;
	(tag) =	ssettag s2;
	_ =	strace s9  }
0x27: {  	s1 =	sld [smem:$0x3FAB]  }
0x28: {  	s2 =	sld [smem:$0x3FAC]  }
0x29: {  	s4 =	sld [smem:$0x3FAE]  }
0x2a: {  	p0 =	seq.s32 s5, $0x0;
	s5 =	sld [smem:$0x3FAF]  }
0x2b: {  	s6 =	sld [smem:$0x3FB0]  }
0x2c: {  	s7 =	sld [smem:$0x3FB1]  }
0x2d: {  	s3 =	simm.s32 $0x108;
	s8 =	sld [smem:$0x3FB2]  }
0x2e: {  	s3 =	simm.s32 @!p0 $0x1082;
	s9 =	sld [smem:$0x3FB3]  }
0x2f: {  	lr =	sadd.s32 s0, s3;
	s0 =	sld [smem:$0x3FAA]  }
0x30: {  	s3 =	sld [smem:$0x3FAD]  }
0x31: {  	[smem:$0x3FB6] =	sst s10  }
0x32: {  	s10 =	sld [smem:$0x3FB4];
	_ =	sdelay $0x3  }
0x33: {  	p0 =	seq.s32 s10, $0x1;
	s10 =	sld [smem:$0x3FB6];
	_ =	sdelay $0x3  }
0x34: {  	[smem:$0x3FB6] =	sst s10  }
0x35: {  	s10 =	sld [smem:$0x3FB5];
	_ =	sdelay $0x3  }
0x36: {  	p1 =	seq.s32 s10, $0x1;
	s10 =	sld [smem:$0x3FB6];
	_ =	sdelay $0x3  }
0x37: {  	[smem:$0x3FB6] =	sst s10  }
0x38: {  	s10 =	sld [smem:$0x3FB7]  }
0x39: {  	_ = 	snop;
	(pc) =	sbr.ind lr, $3  }
0x3a: {  	_ = 	snop  }
0x3b: {  	_ = 	snop  }
0x3c: {  	p2 =	seq.s32 s10, $0x1;
	s10 =	sld [smem:$0x3FB6]  }
0x3d: {  	_ =	shalt  }
0x3e: {  	_ =	shalt  }
0x3f: {  	_ =	shalt  }
0x40: {  	_ =	shalt  }
0x41: {  	_ =	shalt  }
0x42: {  	_ =	shalt  }
0x43: {  	_ =	shalt  }
0x44: {  	_ =	shalt  }
0x45: {  	_ =	shalt  }
0x46: {  	_ =	shalt  }
0x47: {  	_ =	shalt  }
0x48: {  	_ =	shalt  }
0x49: {  	_ =	shalt  }
0x4a: {  	_ =	shalt  }
0x4b: {  	_ =	shalt  }
0x4c: {  	_ =	shalt  }
0x4d: {  	_ =	shalt  }
0x4e: {  	_ =	shalt  }
0x4f: {  	_ =	shalt  }
0x50: {  	_ =	shalt  }
0x51: {  	_ =	shalt  }
0x52: {  	_ =	shalt  }
0x53: {  	_ =	shalt  }
0x54: {  	_ =	shalt  }
0x55: {  	_ =	shalt  }
0x56: {  	_ =	shalt  }
0x57: {  	_ =	shalt  }
0x58: {  	_ =	shalt  }
0x59: {  	_ =	shalt  }
0x5a: {  	_ =	shalt  }
0x5b: {  	_ =	shalt  }
0x5c: {  	_ =	shalt  }
0x5d: {  	_ =	shalt  }
0x5e: {  	_ =	shalt  }
0x5f: {  	_ =	shalt  }
0x60: {  	_ =	shalt  }
0x61: {  	_ =	shalt  }
0x62: {  	_ =	shalt  }
0x63: {  	_ =	shalt  }
0x64: {  	_ =	shalt  }
0x65: {  	_ =	shalt  }
0x66: {  	_ =	shalt  }
0x67: {  	_ =	shalt  }
0x68: {  	_ =	shalt  }
0x69: {  	_ =	shalt  }
0x6a: {  	_ =	shalt  }
0x6b: {  	_ =	shalt  }
0x6c: {  	_ =	shalt  }
0x6d: {  	_ =	shalt  }
0x6e: {  	_ =	shalt  }
0x6f: {  	_ =	shalt  }
0x70: {  	_ =	shalt  }
0x71: {  	_ =	shalt  }
0x72: {  	_ =	shalt  }
0x73: {  	_ =	shalt  }
0x74: {  	_ =	shalt  }
0x75: {  	_ =	shalt  }
0x76: {  	_ =	shalt  }
0x77: {  	_ =	shalt  }
0x78: {  	_ =	shalt  }
0x79: {  	_ =	shalt  }
0x7a: {  	_ =	shalt  }
0x7b: {  	_ =	shalt  }
0x7c: {  	_ =	shalt  }
0x7d: {  	_ =	shalt  }
0x7e: {  	_ =	shalt  }
0x7f: {  	_ =	shalt  }
0x80: {  	_ =	shalt  }
0x81: {  	_ =	shalt  }
0x82: {  	_ =	shalt  }
0x83: {  	_ =	shalt  }
0x84: {  	_ =	shalt  }
0x85: {  	_ =	shalt  }
0x86: {  	_ =	shalt  }
0x87: {  	_ =	shalt  }
.Lfunc_end0:
.L_simem_size_0:
called_computation.1_lowered:
.L_overlay_start_0:
0x88: {  	s2 =	sld [smem:$0x3FD9]  }
0x89: {  	s3 =	sld [smem:$0x3FFE];
	_ =	sdelay $0x1  }
0x8a: {  	s1 =	srdreg.scid  }
0x8b: {  	s0 =	sand.u32 $0x1, s1  }
0x8c: {  	s17 =	sshll.u32 s0, $0xA;
	s2 =	sadd.s32 s3, s2  }
0x8d: {  	s2 =	sadd.s32 s2, s17  }
0x8e: {  	[smem:$0x3FC2] =	sst s2  }
0x8f: {  	_ = 	snop  }
0x90: {  	s2 =	sld [smem:$0x3FD0];
	(tm) =	ssettm $0x1  }
0x91: {  	s18 =	sld [smem:$0x3FFB];
	_ =	sdelay $0x3  }
0x92: {  	_ =	strace s18  }
0x93: {  	s3 =	sld [smem:$0x3FFC];
	_ =	sdelay $0x3  }
0x94: {  	_ =	strace s3  }
0x95: {  	s3 =	sld [smem:$0x3FFD];
	_ =	sdelay $0x3  }
0x96: {  	_ =	strace s3  }
0x97: {  	_ =	strace $0x8FFFFFFF  }
0x98: {  	s19 =	sld [smem:$0x3FDB];
	_ =	sdelay $0x1  }
0x99: {  	s4 =	simm.s32 $_scs_section_size  }
0x9a: {  	s5 =	simm.s32 $_size__tile_overlayer_lowered;
	s6 =	simm.s32 $_tile_overlayer_lowered  }
0x9b: {  	s22 =	simm.s32 $0x1BFF;
	s21 =	sshll.u32 s6, $0x1;
	s3 =	sadd.s32 s4, s19  }
0x9c: {  	s7 =	simm.s32 $0x0;
	s20 =	sshll.u32 s5, $0x1;
	s5 =	sadd.s32 s21, s3  }
0x9d: {  	[timem:s7], [sflag:s22] =	dma.local [hbm:s5], s20  }
0x9e: {  	_ =	swait.ge [sflag:s22], s20  }
0x9f: {  	s4 =	ssub.s32 $0x0, s20;
	[sflag:s22] =	ssyncset.done $0x0  }
0xa0: {  	[sflag:s22] =	ssyncadd.s32 s4;
	_ =	sdelay $0x1  }
0xa1: {  	s23 =	simm.s32 $0x1B8B  }
0xa2: {  	_ =	swait.ge [sflag:s23], $0x1  }
0xa3: {  	[sflag:s23] =	ssyncset.done $0x0  }
0xa4: {  	s25 =	simm.s32 $0x1B8E;
	s24 =	sld [smem:$0x3FFE];
	[sflag:s23] =	ssyncadd.s32 $0xFFFFFFFF  }
0xa5: {  	s26 =	simm.s32 $execute0_lowered;
	[smem:$0x3FD2] =	sst s25  }
0xa6: {  	s5 =	sshll.u32 s26, $0x1;
	_ =	strace $0x80000049;
	[dreg:$0x1] =	wrdreg $0xFFFFFFFF  }
0xa7: {  	s28 =	simm.s32 $_size_execute0_lowered;
	s3 =	sadd.s32 s3, s5;
	[dreg:$0x0] =	wrdreg $0x0  }
0xa8: {  	s5 =	sshll.u32 s28, $0x1;
	[dreg:$0x2] =	wrdreg s3  }
0xa9: {  	[dreg:$0x3] =	wrdreg s5  }
0xaa: {  	[dreg:$0x4] =	wrdreg $0xC0  }
0xab: {  	_ =	task [dreg:s7], $0x5FFFF  }
0xac: {  	[dreg:$0x1] =	wrdreg $0xFFFFFFFF  }
0xad: {  	[dreg:$0x0] =	wrdreg $0x60  }
0xae: {  	[dreg:$0x2] =	wrdreg s24  }
0xaf: {  	[dreg:$0x3] =	wrdreg s2  }
0xb0: {  	[dreg:$0x4] =	wrdreg $0x0  }
0xb1: {  	[dreg:$0x5] =	wrdreg $0x9  }
0xb2: {  	_ =	task.clear_ibuf [dreg:s7], $0x6FFFF;
	_ =	strace $0x90000049  }
0xb3: {  	s29 =	simm.s32 $0x9;
	_ =	strace $0x8000004B  }
0xb4: {  	_ =	swait.ge [sflag:s29], $0x1  }
0xb5: {  	[sflag:s29] =	ssyncadd.s32 $0xFFFFFFFF  }
0xb6: {  	_ =	strace $0x9000004B  }
0xb7: {  	_ =	sfence  }
0xb8: {  	s30 =	sld [smem:$0x0];
	_ =	sdelay $0x2  }
0xb9: {  	s31 =	sshll.u32 s1, $0xD;
	s1 =	sshrl.u32 s1, $0x2  }
0xba: {  	s3 =	sand.u32 $0x4000, s31;
	s1 =	sadd.s32 s1, s30  }
0xbb: {  	s0 =	sor.u32 s3, s0;
	s1 =	sshll.u32 s1, $0x11  }
0xbc: {  	s0 =	sor.u32 s1, s0  }
0xbd: {  	s0 =	sadd.s32 $0x8F2B, s0  }
0xbe: {  	[sflag:s0] =	ssyncadd.remote.s32 $0x1  }
0xbf: {  	_ =	sfence.sel $0xFFFF  }
0xc0: {  	[dreg:$0x0] =	wrdreg $0xFFFFFFFF;
	(pc) =	sbr.abs _section_cstart, $3  }
0xc1: {  	[dreg:$0x1] =	wrdreg $0xFFFFFFFF  }
0xc2: {  	_ =	task.clear_ibuf [dreg:s7], $0x2FFFF;
	_ =	strace $0x9FFFFFFF  }
0xc3: {  	(tm) =	ssettm $0x7FFFFFFF  }
tec
execute0_lowered:
.L_overlay_start_1:
0x0: {  	(tag) =	ssettag $0x1  }
0x1: {  	s0 =	rddreg [dreg:$0x0]  }
0x2: {  	s2 =	rddreg [dreg:$0x1]  }
0x3: {  	s1 =	rddreg [dreg:$0x2];
	s14 =	simm.s32 $0x0;
	s3 =	srdreg.scid  }
0x4: {  	s11 =	stileid.u32;
	s15 =	simm.s32 $0x6;
	s28 =	simm.s32 $0x14C00  }
0x5: {  	s30 =	simm.s32 $0x15400;
	s31 =	simm.s32 $0x1;
	s16 =	simm.s32 $0x15380  }
0x6: {  	[smem:$0x7FF] =	sst s14;
	s3 =	sand.u32 $0x1, s3;
	s9 =	smul.u32 $0x14000, s11  }
0x7: {  	s4 =	sadd.s32 $0x20E00, s0;
	s5 =	sadd.s32 $0x2400, s0;
	s6 =	sadd.s32 $0x16400, s0  }
0x8: {  	s7 =	sadd.s32 $0x2AE00, s0;
	s8 =	smul.u32 $0x140000, s3;
	_ =	strace $0x8000004A  }
0x9: {  	s17 =	sshll.u32 s3, $0x4;
	s10 =	ssub.s32 $0x2, s3;
	p0 =	seq.s32 s3, $0x0  }
0xa: {  	s12 =	sshrl.u32 s10, $0x1;
	s8 =	sadd.s32 s9, s8;
	s9 =	sor.u32 s11, s17  }
0xb: {  	s7 =	smov.u32 @p0 s2;
	s18 =	ssub.s32 s10, s12;
	s13 =	smul.u32 $0x500, s9  }
0xc: {  	s2 =	simm.s32 $0x3;
	s11 =	smul.u32 $0x50000, s11;
	s23 =	smax.u32 s18, $0x1  }
0xd: {  	s10 =	simm.s32 $0x5;
	[dreg:$0xa] =	wrdreg s23;
	s20 =	sadd.s32 s4, s13  }
0xe: {  	s8 =	sshrl.u32 s8, $0x3;
	s21 =	sadd.s32 s5, s13;
	[dreg:$0x6] =	wrdreg s20  }
0xf: {  	s0 =	sadd.s32 s8, s0;
	s22 =	sadd.s32 s6, s13;
	[dreg:$0x7] =	wrdreg s21  }
0x10: {  	s19 =	sshrl.u32 s11, $0x2;
	s0 =	sadd.s32 $0x52000, s0;
	[dreg:$0x8] =	wrdreg s22  }
0x11: {  	s17 =	simm.s32 $0x0;
	s11 =	sadd.s32 s19, s1;
	[dreg:$0x9] =	wrdreg s0  }
0x12: {  	s9 =	smul.u32 $0x50, s9;
	s24 =	sadd.s32 $0x4000, s11;
	[dreg:$0x5] =	wrdreg s11  }
0x13: {  	s23 =	simm.s32 $0x2;
	s25 =	sadd.s32 $0x8000, s11;
	[dreg:$0xb] =	wrdreg s24  }
0x14: {  	s12 =	sor.u32 $0x8, s9;
	s26 =	sadd.s32 $0xC000, s11;
	[dreg:$0xc] =	wrdreg s25  }
0x15: {  	s13 =	sadd.s32 $0x10, s9;
	s29 =	sadd.s32 $0x10000, s11;
	[dreg:$0xd] =	wrdreg s26  }
0x16: {  	s20 =	simm.s32 $0x15800;
	s0 =	simm.s32 $0x4;
	[dreg:$0xe] =	wrdreg s29  }
0x17: {  	v0 =	vimm.f32 $0.0e+00;
	s24 =	simm.s32 $0x14800;
	s25 =	simm.s32 $0x19800;
	s26 =	simm.s32 $0x80  }
.LBB2_1:
0x18: {  	s8 =	simm.s32 $0x15900  }
0x19: {  	[tilespmem:s8+$0xFFFFFF00] =	vst v0  }
0x1a: {  	[tilespmem:s8+$0xF0] =	vst v0  }
0x1b: {  	[tilespmem:s8+$0xE0] =	vst v0  }
0x1c: {  	[tilespmem:s8+$0xD0] =	vst v0  }
0x1d: {  	[tilespmem:s8+$0xC0] =	vst v0  }
0x1e: {  	[tilespmem:s8+$0xB0] =	vst v0  }
0x1f: {  	[tilespmem:s8+$0xA0] =	vst v0  }
0x20: {  	[tilespmem:s8+$0x90] =	vst v0  }
0x21: {  	[tilespmem:s8+$0x80] =	vst v0  }
0x22: {  	[tilespmem:s8+$0x70] =	vst v0  }
0x23: {  	[tilespmem:s8+$0x60] =	vst v0  }
0x24: {  	[tilespmem:s8+$0x50] =	vst v0  }
0x25: {  	[tilespmem:s8+$0x40] =	vst v0  }
0x26: {  	[tilespmem:s8+$0x30] =	vst v0  }
0x27: {  	[tilespmem:s8+$0x20] =	vst v0  }
0x28: {  	[tilespmem:s8+$0x10] =	vst v0  }
0x29: {  	[tilespmem:s8+$0x0] =	vst v0  }
0x2a: {  	[tilespmem:s8+$0xFFFFFFF0] =	vst v0  }
0x2b: {  	[tilespmem:s8+$0xFFFFFFE0] =	vst v0  }
0x2c: {  	[tilespmem:s8+$0xFFFFFFD0] =	vst v0  }
0x2d: {  	[tilespmem:s8+$0xFFFFFFC0] =	vst v0  }
0x2e: {  	[tilespmem:s8+$0xFFFFFFB0] =	vst v0  }
0x2f: {  	[tilespmem:s8+$0xFFFFFFA0] =	vst v0  }
0x30: {  	[tilespmem:s8+$0xFFFFFF90] =	vst v0  }
0x31: {  	[tilespmem:s8+$0xFFFFFF80] =	vst v0  }
0x32: {  	[tilespmem:s8+$0xFFFFFF70] =	vst v0  }
0x33: {  	[tilespmem:s8+$0xFFFFFF60] =	vst v0  }
0x34: {  	[tilespmem:s8+$0xFFFFFF50] =	vst v0  }
0x35: {  	[tilespmem:s8+$0xFFFFFF40] =	vst v0  }
0x36: {  	[tilespmem:s8+$0xFFFFFF30] =	vst v0  }
0x37: {  	s9 =	simm.s32 $0x0;
	[tilespmem:s8+$0xFFFFFF20] =	vst v0  }
.LBB2_2:
0x38: {  	s9 =	sadd.s32 $0x4, s9;
	[tilespmem:s8+$0xFFFFFF10] =	vst v0;
	s8 =	sadd.s32 $0x200, s8;
	s3 =	simm.s32 $0x19900  }
0x39: {  	[tilespmem:s8+$0xFFFFFF00] =	vst v0;
	p0 =	slt.u32 s9, $0x7C  }
0x3a: {  	[tilespmem:s8+$0xF0] =	vst v0  }
0x3b: {  	[tilespmem:s8+$0xE0] =	vst v0  }
0x3c: {  	[tilespmem:s8+$0xD0] =	vst v0  }
0x3d: {  	[tilespmem:s8+$0xC0] =	vst v0  }
0x3e: {  	[tilespmem:s8+$0xB0] =	vst v0  }
0x3f: {  	[tilespmem:s8+$0xA0] =	vst v0  }
0x40: {  	[tilespmem:s8+$0x90] =	vst v0  }
0x41: {  	[tilespmem:s8+$0x80] =	vst v0  }
0x42: {  	[tilespmem:s8+$0x70] =	vst v0  }
0x43: {  	[tilespmem:s8+$0x60] =	vst v0  }
0x44: {  	[tilespmem:s8+$0x50] =	vst v0  }
0x45: {  	[tilespmem:s8+$0x40] =	vst v0  }
0x46: {  	[tilespmem:s8+$0x30] =	vst v0  }
0x47: {  	[tilespmem:s8+$0x20] =	vst v0  }
0x48: {  	[tilespmem:s8+$0x10] =	vst v0  }
0x49: {  	[tilespmem:s8+$0x0] =	vst v0  }
0x4a: {  	[tilespmem:s8+$0xFFFFFFF0] =	vst v0  }
0x4b: {  	[tilespmem:s8+$0xFFFFFFE0] =	vst v0  }
0x4c: {  	[tilespmem:s8+$0xFFFFFFD0] =	vst v0  }
0x4d: {  	[tilespmem:s8+$0xFFFFFFC0] =	vst v0  }
0x4e: {  	[tilespmem:s8+$0xFFFFFFB0] =	vst v0  }
0x4f: {  	[tilespmem:s8+$0xFFFFFFA0] =	vst v0  }
0x50: {  	[tilespmem:s8+$0xFFFFFF90] =	vst v0  }
0x51: {  	[tilespmem:s8+$0xFFFFFF80] =	vst v0  }
0x52: {  	[tilespmem:s8+$0xFFFFFF70] =	vst v0  }
.Ltmp0:
0x53: {  	[tilespmem:s8+$0xFFFFFF60] =	vst v0;
	(pc) =	sbr.rel @p0 .LBB2_2-.Ltmp0, $4  }
0x54: {  	[tilespmem:s8+$0xFFFFFF50] =	vst v0  }
0x55: {  	[tilespmem:s8+$0xFFFFFF40] =	vst v0  }
0x56: {  	[tilespmem:s8+$0xFFFFFF30] =	vst v0  }
0x57: {  	[tilespmem:s8+$0xFFFFFF20] =	vst v0  }
0x58: {  	[tilespmem:s8+$0xFFFFFF10] =	vst v0  }
0x59: {  	[tilespmem:s3+$0xFFFFFF00] =	vst v0  }
0x5a: {  	[tilespmem:s3+$0xF0] =	vst v0  }
0x5b: {  	[tilespmem:s3+$0xE0] =	vst v0  }
0x5c: {  	[tilespmem:s3+$0xD0] =	vst v0  }
0x5d: {  	[tilespmem:s3+$0xC0] =	vst v0  }
0x5e: {  	[tilespmem:s3+$0xB0] =	vst v0  }
0x5f: {  	[tilespmem:s3+$0xA0] =	vst v0  }
0x60: {  	[tilespmem:s3+$0x90] =	vst v0  }
0x61: {  	[tilespmem:s3+$0x80] =	vst v0  }
0x62: {  	[tilespmem:s3+$0x70] =	vst v0  }
0x63: {  	[tilespmem:s3+$0x60] =	vst v0  }
0x64: {  	[tilespmem:s3+$0x50] =	vst v0  }
0x65: {  	[tilespmem:s3+$0x40] =	vst v0  }
0x66: {  	[tilespmem:s3+$0x30] =	vst v0  }
0x67: {  	[tilespmem:s3+$0x20] =	vst v0  }
0x68: {  	[tilespmem:s3+$0x10] =	vst v0  }
0x69: {  	[tilespmem:s3+$0x0] =	vst v0  }
0x6a: {  	[tilespmem:s3+$0xFFFFFFF0] =	vst v0  }
0x6b: {  	[tilespmem:s3+$0xFFFFFFE0] =	vst v0  }
0x6c: {  	[tilespmem:s3+$0xFFFFFFD0] =	vst v0  }
0x6d: {  	[tilespmem:s3+$0xFFFFFFC0] =	vst v0  }
0x6e: {  	[tilespmem:s3+$0xFFFFFFB0] =	vst v0  }
0x6f: {  	[tilespmem:s3+$0xFFFFFFA0] =	vst v0  }
0x70: {  	[tilespmem:s3+$0xFFFFFF90] =	vst v0  }
0x71: {  	[tilespmem:s3+$0xFFFFFF80] =	vst v0  }
0x72: {  	[tilespmem:s3+$0xFFFFFF70] =	vst v0  }
0x73: {  	[tilespmem:s3+$0xFFFFFF60] =	vst v0  }
0x74: {  	[tilespmem:s3+$0xFFFFFF50] =	vst v0  }
0x75: {  	[tilespmem:s3+$0xFFFFFF40] =	vst v0  }
0x76: {  	[tilespmem:s3+$0xFFFFFF30] =	vst v0  }
0x77: {  	[dreg:$0x4] =	wrdreg s14;
	s8 =	simm.s32 $0x0;
	[tilespmem:s3+$0xFFFFFF20] =	vst v0  }
.LBB2_4:
0x78: {  	s8 =	sadd.s32 $0x4, s8;
	[tilespmem:s3+$0xFFFFFF10] =	vst v0;
	s3 =	sadd.s32 $0x200, s3  }
0x79: {  	[tilespmem:s3+$0xFFFFFF00] =	vst v0;
	p0 =	slt.u32 s8, $0x7C  }
0x7a: {  	[tilespmem:s3+$0xF0] =	vst v0  }
0x7b: {  	[tilespmem:s3+$0xE0] =	vst v0  }
0x7c: {  	[tilespmem:s3+$0xD0] =	vst v0  }
0x7d: {  	[tilespmem:s3+$0xC0] =	vst v0  }
0x7e: {  	[tilespmem:s3+$0xB0] =	vst v0  }
0x7f: {  	[tilespmem:s3+$0xA0] =	vst v0  }
0x80: {  	[tilespmem:s3+$0x90] =	vst v0  }
0x81: {  	[tilespmem:s3+$0x80] =	vst v0  }
0x82: {  	[tilespmem:s3+$0x70] =	vst v0  }
0x83: {  	[tilespmem:s3+$0x60] =	vst v0  }
0x84: {  	[tilespmem:s3+$0x50] =	vst v0  }
0x85: {  	[tilespmem:s3+$0x40] =	vst v0  }
0x86: {  	[tilespmem:s3+$0x30] =	vst v0  }
0x87: {  	[tilespmem:s3+$0x20] =	vst v0  }
0x88: {  	[tilespmem:s3+$0x10] =	vst v0  }
0x89: {  	[tilespmem:s3+$0x0] =	vst v0  }
0x8a: {  	[tilespmem:s3+$0xFFFFFFF0] =	vst v0  }
0x8b: {  	[tilespmem:s3+$0xFFFFFFE0] =	vst v0  }
0x8c: {  	[tilespmem:s3+$0xFFFFFFD0] =	vst v0  }
0x8d: {  	[tilespmem:s3+$0xFFFFFFC0] =	vst v0  }
0x8e: {  	[tilespmem:s3+$0xFFFFFFB0] =	vst v0  }
0x8f: {  	[tilespmem:s3+$0xFFFFFFA0] =	vst v0  }
0x90: {  	[tilespmem:s3+$0xFFFFFF90] =	vst v0  }
0x91: {  	[tilespmem:s3+$0xFFFFFF80] =	vst v0  }
0x92: {  	[tilespmem:s3+$0xFFFFFF70] =	vst v0  }
.Ltmp1:
0x93: {  	[tilespmem:s3+$0xFFFFFF60] =	vst v0;
	(pc) =	sbr.rel @p0 .LBB2_4-.Ltmp1, $4  }
0x94: {  	[tilespmem:s3+$0xFFFFFF50] =	vst v0  }
0x95: {  	[tilespmem:s3+$0xFFFFFF40] =	vst v0  }
0x96: {  	[tilespmem:s3+$0xFFFFFF30] =	vst v0  }
0x97: {  	[tilespmem:s3+$0xFFFFFF20] =	vst v0  }
0x98: {  	[tilespmem:s3+$0xFFFFFF10] =	vst v0  }
0x99: {  	[spmem:s11] =	stream.linear.scatter [tilespmem:s20], [sflag:$0x6], $0x4000, $0x38;
	[tilespmem:$0x1D800] =	vst v63  }
0x9a: {  	_ =	swait.ge [sflag:s15], $0x4000  }
0x9b: {  	[sflag:s15] =	ssyncset.done $0x0  }
0x9c: {  	s9 =	rddreg [dreg:$0xb];
	[sflag:s15] =	ssyncadd.s32 $0xFFFFC000  }
0x9d: {  	[spmem:s9] =	stream.linear.scatter [tilespmem:s20], [sflag:$0x6], $0x4000, $0x38;
	[tilespmem:$0x1D800] =	vst v63  }
0x9e: {  	_ =	swait.ge [sflag:s15], $0x4000  }
0x9f: {  	[sflag:s15] =	ssyncset.done $0x0  }
0xa0: {  	s14 =	rddreg [dreg:$0xc];
	[sflag:s15] =	ssyncadd.s32 $0xFFFFC000  }
0xa1: {  	[spmem:s14] =	stream.linear.scatter [tilespmem:s20], [sflag:$0x6], $0x4000, $0x38;
	[tilespmem:$0x1D800] =	vst v63  }
0xa2: {  	_ =	swait.ge [sflag:s15], $0x4000  }
0xa3: {  	[sflag:s15] =	ssyncset.done $0x0  }
0xa4: {  	s18 =	rddreg [dreg:$0xd];
	[sflag:s15] =	ssyncadd.s32 $0xFFFFC000  }
0xa5: {  	[spmem:s18] =	stream.linear.scatter [tilespmem:s20], [sflag:$0x6], $0x4000, $0x38;
	[tilespmem:$0x1D800] =	vst v63  }
0xa6: {  	_ =	swait.ge [sflag:s15], $0x4000  }
0xa7: {  	[sflag:s15] =	ssyncset.done $0x0  }
0xa8: {  	s19 =	rddreg [dreg:$0xe];
	[sflag:s15] =	ssyncadd.s32 $0xFFFFC000  }
0xa9: {  	[spmem:s19] =	stream.linear.scatter [tilespmem:s20], [sflag:$0x6], $0x4000, $0x38;
	[tilespmem:$0x1D800] =	vst v63  }
0xaa: {  	_ =	swait.ge [sflag:s15], $0x4000  }
0xab: {  	[sflag:s15] =	ssyncset.done $0x0  }
0xac: {  	[sflag:s15] =	ssyncadd.s32 $0xFFFFC000  }
0xad: {  	[bflag:$0x0] =	sbarrier.arrive $0xFFFF  }
0xae: {  	s8 =	simm.s32 $0x14000;
	s21 =	rddreg [dreg:$0x6]  }
0xaf: {  	[tilespmem:s8], [sflag:$0x6] =	stream.linear.gather [hbm4b:s21+s17], $0x400, $0x38;
	[tilespmem:$0x1D800] =	vst v63  }
0xb0: {  	_ =	swait.ge [sflag:s15], $0x400  }
0xb1: {  	[sflag:s15] =	ssyncset.done $0x0  }
0xb2: {  	s9 =	simm.s32 $0x14400;
	s22 =	rddreg [dreg:$0x7];
	[sflag:s15] =	ssyncadd.s32 $0xFFFFFC00  }
0xb3: {  	[tilespmem:s9], [sflag:$0x6] =	stream.linear.gather [hbm4b:s22+s17], $0x400, $0x38;
	[tilespmem:$0x1D800] =	vst v63  }
0xb4: {  	_ =	swait.ge [sflag:s15], $0x400  }
0xb5: {  	[sflag:s15] =	ssyncset.done $0x0  }
0xb6: {  	s29 =	rddreg [dreg:$0x8];
	[sflag:s15] =	ssyncadd.s32 $0xFFFFFC00  }
0xb7: {  	[tilespmem:s24], [sflag:$0x6] =	stream.linear.gather [hbm4b:s29+s17], $0x400, $0x38;
	[tilespmem:$0x1D800] =	vst v63  }
0xb8: {  	_ =	swait.ge [sflag:s15], $0x400  }
0xb9: {  	[sflag:s15] =	ssyncset.done $0x0  }
0xba: {  	[sflag:s15] =	ssyncadd.s32 $0xFFFFFC00  }
0xbb: {  	[spmem:s11] =	stream.linear.scatter [tilespmem:s25], [sflag:$0x4], $0x4000, $0x38;
	[tilespmem:$0x1D800] =	vst v63  }
0xbc: {  	s18 =	simm.s32 $0x0  }
0xbd: {  	[tilespmem:s20], [sflag:$0x1] =	stream.indirect.gather [hbm4b:s7+s26], $0x80, s8, s26, $0xb8;
	[tilespmem:$0x1D800] =	vst v63  }
.LBB2_6:
0xbe: {  	s19 =	sshll.u32 s18, $0x4  }
0xbf: {  	s3 =	sadd.s32 s19, s12  }
0xc0: {  	s3 =	sshll.u32 s3, $0x4  }
0xc1: {  	s8 =	sadd.s32 s4, s3  }
0xc2: {  	[tilespmem:s28], [sflag:$0x5] =	stream.linear.gather [hbm4b:s8+s17], $0x400, $0x38;
	[tilespmem:$0x1D800] =	vst v63  }
0xc3: {  	s9 =	simm.s32 $0x15000;
	s29 =	sadd.s32 s5, s3  }
0xc4: {  	[tilespmem:s9], [sflag:$0x5] =	stream.linear.gather [hbm4b:s29+s17], $0x400, $0x38;
	[tilespmem:$0x1D800] =	vst v63  }
0xc5: {  	s3 =	sadd.s32 s6, s3;
	s8 =	simm.s32 $0x0  }
0xc6: {  	[tilespmem:s30], [sflag:$0x5] =	stream.linear.gather [hbm4b:s3+s17], $0x400, $0x38;
	[tilespmem:$0x1D800] =	vst v63  }
.LBB2_7:
0xc7: {  	s22 =	simm.s32 $0x0  }
0xc8: {  	s3 =	sshll.u32 s8, $0x8;
	v2 =	vmov s22  }
0xc9: {  	_ =	swait.ge [sflag:s31], $0x4000;
	v1 =	vmov s3;
	v2 =	vand.u32 $0x7C, v2  }
0xca: {  	[sflag:s31] =	ssyncset.done $0x0;
	v2 =	vor.u32 v1, v2  }
0xcb: {  	s21 =	sshllo.u32 s8, $0x1;
	[sflag:s31] =	ssyncadd.s32 $0xFFFFC000;
	v2 =	vbroadcast v2, $0x0  }
0xcc: {  	s11 =	sshll.u32 s21, $0x9;
	_ =	swait.ge [sflag:s0], $0x4000  }
0xcd: {  	s3 =	sshrl.u32 s11, $0x2;
	[sflag:s0] =	ssyncset.done $0x0  }
0xce: {  	s29 =	simm.s32 $0x15900;
	s9 =	sadd.s32 $0x14000, s3;
	[sflag:s0] =	ssyncadd.s32 $0xFFFFC000  }
0xcf: {  	[tilespmem:s25], [sflag:$0x2] =	stream.indirect.gather [hbm4b:s7+s26], $0x80, s9, s26, $0xb8;
	[tilespmem:$0x1D800] =	vst v63  }
0xd0: {  	v4 =	vld [tilespmem:s29+$0xFFFFFF70]  }
0xd1: {  	v2 =	vld.idx.msk [tilespmem:v2+s24+$0x0], $0xffff  }
0xd2: {  	v5 =	vld [tilespmem:s29+$0xFFFFFF00]  }
0xd3: {  	v6 =	vld [tilespmem:s29+$0xFFFFFF20]  }
0xd4: {  	v7 =	vld [tilespmem:s29+$0xFFFFFF30]  }
0xd5: {  	v3 =	vld [tilespmem:s29+$0xFFFFFF50]  }
0xd6: {  	s14 =	simm.s32 $0x1;
	v9 =	vld [tilespmem:s29+$0xFFFFFF10];
	v4 =	vmul.f32 v4, v2  }
0xd7: {  	v11 =	vmov s14;
	v8 =	vld [tilespmem:s29+$0xFFFFFF60];
	v5 =	vmul.f32 v5, v2  }
0xd8: {  	v10 =	vld [tilespmem:s29+$0xFFFFFF40];
	v6 =	vmul.f32 v6, v2;
	[tilespmem:s29+$0xFFFFFF70] =	vst v4;
	v4 =	vand.u32 $0x7D, v11  }
0xd9: {  	v7 =	vmul.f32 v7, v2;
	[tilespmem:s29+$0xFFFFFF00] =	vst v5;
	v4 =	vor.u32 v1, v4  }
0xda: {  	v3 =	vmul.f32 v3, v2;
	[tilespmem:s29+$0xFFFFFF20] =	vst v6;
	v4 =	vbroadcast v4, $0x0  }
0xdb: {  	v5 =	vmul.f32 v9, v2;
	[tilespmem:s29+$0xFFFFFF30] =	vst v7  }
0xdc: {  	v6 =	vmul.f32 v8, v2;
	[tilespmem:s29+$0xFFFFFF50] =	vst v3  }
0xdd: {  	v2 =	vmul.f32 v10, v2;
	[tilespmem:s29+$0xFFFFFF10] =	vst v5  }
0xde: {  	[tilespmem:s29+$0xFFFFFF60] =	vst v6  }
0xdf: {  	[tilespmem:s29+$0xFFFFFF40] =	vst v2;
	v2 =	vld [tilespmem:s29+$0xFFFFFF80]  }
0xe0: {  	v4 =	vld.idx.msk [tilespmem:v4+s24+$0x0], $0xffff  }
0xe1: {  	v3 =	vld [tilespmem:s29+$0xFFFFFFA0]  }
0xe2: {  	v5 =	vld [tilespmem:s29+$0xFFFFFFF0]  }
0xe3: {  	v6 =	vld [tilespmem:s29+$0xFFFFFFC0]  }
0xe4: {  	v7 =	vld [tilespmem:s29+$0xFFFFFF90]  }
0xe5: {  	s15 =	simm.s32 $0x2;
	v8 =	vld [tilespmem:s29+$0xFFFFFFD0];
	v2 =	vmul.f32 v2, v4  }
0xe6: {  	v9 =	vld [tilespmem:s29+$0xFFFFFFB0];
	v10 =	vmov s15;
	v3 =	vmul.f32 v3, v4  }
0xe7: {  	v11 =	vld [tilespmem:s29+$0xFFFFFFE0];
	v5 =	vmul.f32 v5, v4;
	[tilespmem:s29+$0xFFFFFF80] =	vst v2;
	v2 =	vand.u32 $0x7E, v10  }
0xe8: {  	v6 =	vmul.f32 v6, v4;
	[tilespmem:s29+$0xFFFFFFA0] =	vst v3;
	v2 =	vor.u32 v1, v2  }
0xe9: {  	v3 =	vmul.f32 v7, v4;
	[tilespmem:s29+$0xFFFFFFF0] =	vst v5;
	v5 =	vbroadcast v2, $0x0  }
0xea: {  	v7 =	vmul.f32 v8, v4;
	[tilespmem:s29+$0xFFFFFFC0] =	vst v6;
	v8 =	vld [tilespmem:s29+$0x30]  }
0xeb: {  	v6 =	vmul.f32 v9, v4;
	v2 =	vld [tilespmem:s29+$0x60];
	[tilespmem:s29+$0xFFFFFF90] =	vst v3  }
0xec: {  	v4 =	vmul.f32 v11, v4;
	v3 =	vld [tilespmem:s29+$0x70];
	[tilespmem:s29+$0xFFFFFFD0] =	vst v7  }
0xed: {  	[tilespmem:s29+$0xFFFFFFB0] =	vst v6;
	v7 =	vld [tilespmem:s29+$0x20]  }
0xee: {  	[tilespmem:s29+$0xFFFFFFE0] =	vst v4;
	v6 =	vld [tilespmem:s29+$0x0]  }
0xef: {  	v4 =	vld.idx.msk [tilespmem:v5+s24+$0x0], $0xffff  }
0xf0: {  	s11 =	simm.s32 $0x15900;
	s9 =	simm.s32 $0x4;
	v5 =	vld [tilespmem:s29+$0x10]  }
.LBB2_8:
0xf1: {  	p0 =	slt.u32 s9, $0x7C  }
0xf2: {  	v9 =	vld [tilespmem:s29+$0x50];
	s11 =	sadd.s32 $0x200, s11;
	s14 =	smov.u32 s9;
	s9 =	sadd.s32 $0x4, s9  }
0xf3: {  	v10 =	vld [tilespmem:s29+$0x40];
	_ =	sdelay $0x1  }
0xf4: {  	s15 =	sadd.s32 $0x3, s22;
	s22 =	smov.u32 s14;
	v8 =	vmul.f32 v8, v4;
	v6 =	vmul.f32 v6, v4  }
0xf5: {  	v11 =	vmov s15;
	v7 =	vmul.f32 v7, v4;
	v5 =	vmul.f32 v5, v4  }
0xf6: {  	v2 =	vmul.f32 v2, v4;
	v3 =	vmul.f32 v3, v4;
	[tilespmem:s29+$0x30] =	vst v8;
	v8 =	vand.u32 $0x7F, v11  }
0xf7: {  	[tilespmem:s29+$0x20] =	vst v7;
	v7 =	vmul.f32 v10, v4;
	v4 =	vmul.f32 v9, v4;
	v8 =	vor.u32 v1, v8  }
0xf8: {  	[tilespmem:s29+$0x70] =	vst v3;
	v8 =	vbroadcast v8, $0x0;
	v9 =	vld [tilespmem:s29+$0x80]  }
0xf9: {  	[tilespmem:s29+$0x60] =	vst v2;
	v10 =	vld [tilespmem:s29+$0xF0]  }
0xfa: {  	v2 =	vld [tilespmem:s11+$0x60];
	[tilespmem:s29+$0x50] =	vst v4  }
0xfb: {  	v3 =	vld [tilespmem:s11+$0x70];
	[tilespmem:s29+$0x40] =	vst v7  }
0xfc: {  	[tilespmem:s29+$0x0] =	vst v6;
	v4 =	vld [tilespmem:s29+$0xD0]  }
0xfd: {  	[tilespmem:s29+$0x10] =	vst v5;
	v5 =	vld [tilespmem:s29+$0xB0]  }
0xfe: {  	v6 =	vld.idx.msk [tilespmem:v8+s24+$0x0], $0xffff  }
0xff: {  	v7 =	vld [tilespmem:s29+$0x90]  }
0x100: {  	v8 =	vld [tilespmem:s29+$0xA0]  }
0x101: {  	v11 =	vld [tilespmem:s29+$0xC0]  }
0x102: {  	v12 =	vld [tilespmem:s29+$0xE0];
	_ =	sdelay $0x1  }
0x103: {  	v9 =	vmul.f32 v9, v6;
	v7 =	vmul.f32 v7, v6  }
0x104: {  	v13 =	vmov s22;
	v5 =	vmul.f32 v5, v6;
	v8 =	vmul.f32 v8, v6  }
0x105: {  	v13 =	vand.u32 $0x7C, v13;
	v4 =	vmul.f32 v4, v6;
	[tilespmem:s29+$0x80] =	vst v9;
	v9 =	vmul.f32 v11, v6  }
0x106: {  	v11 =	vor.u32 v1, v13;
	[tilespmem:s29+$0xB0] =	vst v5;
	v5 =	vmul.f32 v12, v6;
	v6 =	vmul.f32 v10, v6  }
0x107: {  	v10 =	vbroadcast v11, $0x0;
	[tilespmem:s29+$0xA0] =	vst v8  }
0x108: {  	[tilespmem:s29+$0xD0] =	vst v4  }
0x109: {  	v4 =	vld [tilespmem:s11+$0xFFFFFF50];
	[tilespmem:s29+$0xF0] =	vst v6  }
0x10a: {  	v6 =	vld [tilespmem:s11+$0xFFFFFF30];
	[tilespmem:s29+$0x90] =	vst v7  }
0x10b: {  	v7 =	vld [tilespmem:s11+$0xFFFFFF60];
	[tilespmem:s29+$0xC0] =	vst v9  }
0x10c: {  	v8 =	vld [tilespmem:s11+$0xFFFFFF70];
	[tilespmem:s29+$0xE0] =	vst v5;
	s29 =	smov.u32 s11  }
0x10d: {  	v5 =	vld.idx.msk [tilespmem:v10+s24+$0x0], $0xffff  }
0x10e: {  	v9 =	vld [tilespmem:s11+$0xFFFFFF00]  }
0x10f: {  	v10 =	vld [tilespmem:s11+$0xFFFFFF20]  }
0x110: {  	v11 =	vld [tilespmem:s11+$0xFFFFFF10]  }
0x111: {  	v12 =	vld [tilespmem:s11+$0xFFFFFF40];
	_ =	sdelay $0x1  }
0x112: {  	s14 =	sadd.s32 $0x1, s22;
	v8 =	vmul.f32 v8, v5;
	v9 =	vmul.f32 v9, v5  }
0x113: {  	v13 =	vmov s14;
	v7 =	vmul.f32 v7, v5;
	v10 =	vmul.f32 v10, v5  }
0x114: {  	v6 =	vmul.f32 v6, v5;
	v11 =	vmul.f32 v11, v5;
	[tilespmem:s11+$0xFFFFFF70] =	vst v8;
	v8 =	vand.u32 $0x7D, v13  }
0x115: {  	v4 =	vmul.f32 v4, v5;
	[tilespmem:s11+$0xFFFFFF00] =	vst v9;
	v9 =	vmul.f32 v12, v5;
	v5 =	vor.u32 v1, v8  }
0x116: {  	[tilespmem:s11+$0xFFFFFF20] =	vst v10;
	v5 =	vbroadcast v5, $0x0  }
0x117: {  	[tilespmem:s11+$0xFFFFFF30] =	vst v6  }
0x118: {  	[tilespmem:s11+$0xFFFFFF50] =	vst v4;
	v4 =	vld [tilespmem:s11+$0xFFFFFFD0]  }
0x119: {  	[tilespmem:s11+$0xFFFFFF10] =	vst v11;
	v6 =	vld [tilespmem:s11+$0xFFFFFFE0]  }
0x11a: {  	[tilespmem:s11+$0xFFFFFF60] =	vst v7;
	v7 =	vld [tilespmem:s11+$0xFFFFFFB0]  }
0x11b: {  	[tilespmem:s11+$0xFFFFFF40] =	vst v9;
	v8 =	vld [tilespmem:s11+$0xFFFFFFF0]  }
0x11c: {  	v5 =	vld.idx.msk [tilespmem:v5+s24+$0x0], $0xffff  }
0x11d: {  	v9 =	vld [tilespmem:s11+$0xFFFFFF80]  }
0x11e: {  	v10 =	vld [tilespmem:s11+$0xFFFFFFA0]  }
0x11f: {  	v11 =	vld [tilespmem:s11+$0xFFFFFFC0]  }
0x120: {  	v12 =	vld [tilespmem:s11+$0xFFFFFF90];
	_ =	sdelay $0x1  }
0x121: {  	s14 =	sadd.s32 $0x2, s22;
	v8 =	vmul.f32 v8, v5;
	v9 =	vmul.f32 v9, v5  }
0x122: {  	v13 =	vmov s14;
	v7 =	vmul.f32 v7, v5;
	v10 =	vmul.f32 v10, v5  }
0x123: {  	v6 =	vmul.f32 v6, v5;
	[tilespmem:s11+$0xFFFFFF80] =	vst v9;
	v9 =	vmul.f32 v11, v5;
	v11 =	vand.u32 $0x7E, v13  }
0x124: {  	v4 =	vmul.f32 v4, v5;
	v12 =	vmul.f32 v12, v5;
	[tilespmem:s11+$0xFFFFFFA0] =	vst v10;
	v5 =	vor.u32 v1, v11  }
0x125: {  	[tilespmem:s11+$0xFFFFFFF0] =	vst v8;
	v5 =	vbroadcast v5, $0x0  }
0x126: {  	[tilespmem:s11+$0xFFFFFFC0] =	vst v9  }
0x127: {  	[tilespmem:s11+$0xFFFFFF90] =	vst v12  }
0x128: {  	[tilespmem:s11+$0xFFFFFFD0] =	vst v4  }
.Ltmp2:
0x129: {  	[tilespmem:s11+$0xFFFFFFB0] =	vst v7;
	v8 =	vld [tilespmem:s11+$0x30];
	(pc) =	sbr.rel @p0 .LBB2_8-.Ltmp2, $4  }
0x12a: {  	[tilespmem:s11+$0xFFFFFFE0] =	vst v6;
	v7 =	vld [tilespmem:s11+$0x20]  }
0x12b: {  	v4 =	vld.idx.msk [tilespmem:v5+s24+$0x0], $0xffff  }
0x12c: {  	v6 =	vld [tilespmem:s11+$0x0]  }
0x12d: {  	v5 =	vld [tilespmem:s11+$0x10]  }
0x12e: {  	_ =	sdelay $0x1  }
0x12f: {  	v9 =	vld [tilespmem:s29+$0x50];
	s9 =	sadd.s32 $0x3, s22;
	v8 =	vmul.f32 v8, v4  }
0x130: {  	v10 =	vld [tilespmem:s29+$0x40];
	v11 =	vmov s9;
	v3 =	vmul.f32 v3, v4  }
0x131: {  	v2 =	vmul.f32 v2, v4;
	[tilespmem:s29+$0x30] =	vst v8;
	v8 =	vand.u32 $0x7F, v11  }
0x132: {  	v7 =	vmul.f32 v7, v4;
	[tilespmem:s29+$0x70] =	vst v3;
	v1 =	vor.u32 v1, v8  }
0x133: {  	[tilespmem:s29+$0x60] =	vst v2;
	v2 =	vmul.f32 v6, v4;
	v1 =	vbroadcast v1, $0x0  }
0x134: {  	[tilespmem:s29+$0x20] =	vst v7;
	v3 =	vmul.f32 v9, v4  }
0x135: {  	v8 =	vmul.f32 v10, v4;
	[tilespmem:s29+$0x0] =	vst v2  }
0x136: {  	[tilespmem:s29+$0x50] =	vst v3;
	v3 =	vmul.f32 v5, v4  }
0x137: {  	[tilespmem:s29+$0x40] =	vst v8  }
0x138: {  	v7 =	vld [tilespmem:s29+$0x80];
	[tilespmem:s29+$0x10] =	vst v3  }
0x139: {  	v1 =	vld.idx.msk [tilespmem:v1+s24+$0x0], $0xffff  }
0x13a: {  	v2 =	vld [tilespmem:s29+$0xB0]  }
0x13b: {  	v3 =	vld [tilespmem:s29+$0xA0]  }
0x13c: {  	v4 =	vld [tilespmem:s29+$0xD0]  }
0x13d: {  	v5 =	vld [tilespmem:s29+$0xF0]  }
0x13e: {  	v6 =	vld [tilespmem:s29+$0x90];
	v7 =	vmul.f32 v7, v1  }
0x13f: {  	v8 =	vld [tilespmem:s29+$0xC0];
	v2 =	vmul.f32 v2, v1  }
0x140: {  	v9 =	vld [tilespmem:s29+$0xE0];
	v3 =	vmul.f32 v3, v1;
	[tilespmem:s29+$0x80] =	vst v7  }
0x141: {  	v4 =	vmul.f32 v4, v1;
	[tilespmem:s29+$0xB0] =	vst v2  }
0x142: {  	v2 =	vmul.f32 v5, v1;
	[tilespmem:s29+$0xA0] =	vst v3  }
0x143: {  	v3 =	vmul.f32 v6, v1;
	[tilespmem:s29+$0xD0] =	vst v4  }
0x144: {  	v4 =	vmul.f32 v8, v1;
	[tilespmem:s29+$0xF0] =	vst v2  }
0x145: {  	s11 =	sshll.u32 s8, $0xA;
	v1 =	vmul.f32 v9, v1;
	[tilespmem:s29+$0x90] =	vst v3  }
0x146: {  	s9 =	sshra.s32 s11, $0x2;
	[tilespmem:s29+$0xC0] =	vst v4  }
0x147: {  	s22 =	simm.s32 $0x0;
	s14 =	sshll.u32 s21, $0x7;
	s11 =	sadd.s32 $0x14400, s9;
	[tilespmem:s29+$0xE0] =	vst v1  }
0x148: {  	v2 =	vmov s22;
	[spmem:s1] =	stream.indirect.scatter.add.f32 [tilespmem:s20], [sflag:$0x3], $0x80, s11, s26, $0xb8;
	[tilespmem:$0x1D800] =	vst v63  }
0x149: {  	v1 =	vmov s14;
	v2 =	vand.u32 $0x7C, v2;
	_ =	swait.ge [sflag:s23], $0x4000  }
0x14a: {  	v2 =	vor.u32 v1, v2;
	[sflag:s23] =	ssyncset.done $0x0  }
0x14b: {  	v2 =	vbroadcast v2, $0x0;
	[sflag:s23] =	ssyncadd.s32 $0xFFFFC000  }
0x14c: {  	_ =	swait.ge [sflag:s2], $0x4000  }
0x14d: {  	[sflag:s2] =	ssyncset.done $0x0  }
0x14e: {  	s21 =	simm.s32 $0x19900;
	s9 =	sadd.s32 $0x14100, s9;
	[sflag:s2] =	ssyncadd.s32 $0xFFFFC000  }
0x14f: {  	[tilespmem:s20], [sflag:$0x1] =	stream.indirect.gather [hbm4b:s7+s26], $0x80, s9, s26, $0xb8;
	[tilespmem:$0x1D800] =	vst v63  }
0x150: {  	v4 =	vld [tilespmem:s21+$0xFFFFFF70]  }
0x151: {  	v2 =	vld.idx.msk [tilespmem:v2+s24+$0x0], $0xffff  }
0x152: {  	v5 =	vld [tilespmem:s21+$0xFFFFFF00]  }
0x153: {  	v6 =	vld [tilespmem:s21+$0xFFFFFF20]  }
0x154: {  	v7 =	vld [tilespmem:s21+$0xFFFFFF30]  }
0x155: {  	v3 =	vld [tilespmem:s21+$0xFFFFFF50]  }
0x156: {  	s15 =	simm.s32 $0x1;
	v9 =	vld [tilespmem:s21+$0xFFFFFF10];
	v4 =	vmul.f32 v4, v2  }
0x157: {  	v11 =	vmov s15;
	v8 =	vld [tilespmem:s21+$0xFFFFFF60];
	v5 =	vmul.f32 v5, v2  }
0x158: {  	v10 =	vld [tilespmem:s21+$0xFFFFFF40];
	v6 =	vmul.f32 v6, v2;
	[tilespmem:s21+$0xFFFFFF70] =	vst v4;
	v4 =	vand.u32 $0x7D, v11  }
0x159: {  	v7 =	vmul.f32 v7, v2;
	[tilespmem:s21+$0xFFFFFF00] =	vst v5;
	v4 =	vor.u32 v1, v4  }
0x15a: {  	v3 =	vmul.f32 v3, v2;
	[tilespmem:s21+$0xFFFFFF20] =	vst v6;
	v4 =	vbroadcast v4, $0x0  }
0x15b: {  	v5 =	vmul.f32 v9, v2;
	[tilespmem:s21+$0xFFFFFF30] =	vst v7  }
0x15c: {  	v6 =	vmul.f32 v8, v2;
	[tilespmem:s21+$0xFFFFFF50] =	vst v3  }
0x15d: {  	v2 =	vmul.f32 v10, v2;
	[tilespmem:s21+$0xFFFFFF10] =	vst v5  }
0x15e: {  	[tilespmem:s21+$0xFFFFFF60] =	vst v6  }
0x15f: {  	[tilespmem:s21+$0xFFFFFF40] =	vst v2;
	v2 =	vld [tilespmem:s21+$0xFFFFFF80]  }
0x160: {  	v4 =	vld.idx.msk [tilespmem:v4+s24+$0x0], $0xffff  }
0x161: {  	v3 =	vld [tilespmem:s21+$0xFFFFFFA0]  }
0x162: {  	v5 =	vld [tilespmem:s21+$0xFFFFFFF0]  }
0x163: {  	v6 =	vld [tilespmem:s21+$0xFFFFFFC0]  }
0x164: {  	v7 =	vld [tilespmem:s21+$0xFFFFFF90]  }
0x165: {  	s29 =	simm.s32 $0x2;
	v8 =	vld [tilespmem:s21+$0xFFFFFFD0];
	v2 =	vmul.f32 v2, v4  }
0x166: {  	v9 =	vld [tilespmem:s21+$0xFFFFFFB0];
	v10 =	vmov s29;
	v3 =	vmul.f32 v3, v4  }
0x167: {  	v11 =	vld [tilespmem:s21+$0xFFFFFFE0];
	v5 =	vmul.f32 v5, v4;
	[tilespmem:s21+$0xFFFFFF80] =	vst v2;
	v2 =	vand.u32 $0x7E, v10  }
0x168: {  	v6 =	vmul.f32 v6, v4;
	[tilespmem:s21+$0xFFFFFFA0] =	vst v3;
	v2 =	vor.u32 v1, v2  }
0x169: {  	v3 =	vmul.f32 v7, v4;
	[tilespmem:s21+$0xFFFFFFF0] =	vst v5;
	v5 =	vbroadcast v2, $0x0  }
0x16a: {  	v7 =	vmul.f32 v8, v4;
	[tilespmem:s21+$0xFFFFFFC0] =	vst v6;
	v8 =	vld [tilespmem:s21+$0x30]  }
0x16b: {  	v6 =	vmul.f32 v9, v4;
	v2 =	vld [tilespmem:s21+$0x60];
	[tilespmem:s21+$0xFFFFFF90] =	vst v3  }
0x16c: {  	v4 =	vmul.f32 v11, v4;
	v3 =	vld [tilespmem:s21+$0x70];
	[tilespmem:s21+$0xFFFFFFD0] =	vst v7  }
0x16d: {  	[tilespmem:s21+$0xFFFFFFB0] =	vst v6;
	v7 =	vld [tilespmem:s21+$0x20]  }
0x16e: {  	[tilespmem:s21+$0xFFFFFFE0] =	vst v4;
	v6 =	vld [tilespmem:s21+$0x0]  }
0x16f: {  	v4 =	vld.idx.msk [tilespmem:v5+s24+$0x0], $0xffff  }
0x170: {  	s11 =	simm.s32 $0x19900;
	s9 =	simm.s32 $0x4;
	v5 =	vld [tilespmem:s21+$0x10]  }
.LBB2_10:
0x171: {  	p0 =	slt.u32 s9, $0x7C  }
0x172: {  	v9 =	vld [tilespmem:s21+$0x50];
	s11 =	sadd.s32 $0x200, s11;
	s14 =	smov.u32 s9;
	s9 =	sadd.s32 $0x4, s9  }
0x173: {  	v10 =	vld [tilespmem:s21+$0x40];
	_ =	sdelay $0x1  }
0x174: {  	s15 =	sadd.s32 $0x3, s22;
	s22 =	smov.u32 s14;
	v8 =	vmul.f32 v8, v4;
	v6 =	vmul.f32 v6, v4  }
0x175: {  	v11 =	vmov s15;
	v7 =	vmul.f32 v7, v4;
	v5 =	vmul.f32 v5, v4  }
0x176: {  	v2 =	vmul.f32 v2, v4;
	v3 =	vmul.f32 v3, v4;
	[tilespmem:s21+$0x30] =	vst v8;
	v8 =	vand.u32 $0x7F, v11  }
0x177: {  	[tilespmem:s21+$0x20] =	vst v7;
	v7 =	vmul.f32 v10, v4;
	v4 =	vmul.f32 v9, v4;
	v8 =	vor.u32 v1, v8  }
0x178: {  	[tilespmem:s21+$0x70] =	vst v3;
	v8 =	vbroadcast v8, $0x0;
	v9 =	vld [tilespmem:s21+$0x80]  }
0x179: {  	[tilespmem:s21+$0x60] =	vst v2;
	v10 =	vld [tilespmem:s21+$0xF0]  }
0x17a: {  	v2 =	vld [tilespmem:s11+$0x60];
	[tilespmem:s21+$0x50] =	vst v4  }
0x17b: {  	v3 =	vld [tilespmem:s11+$0x70];
	[tilespmem:s21+$0x40] =	vst v7  }
0x17c: {  	[tilespmem:s21+$0x0] =	vst v6;
	v4 =	vld [tilespmem:s21+$0xD0]  }
0x17d: {  	[tilespmem:s21+$0x10] =	vst v5;
	v5 =	vld [tilespmem:s21+$0xB0]  }
0x17e: {  	v6 =	vld.idx.msk [tilespmem:v8+s24+$0x0], $0xffff  }
0x17f: {  	v7 =	vld [tilespmem:s21+$0x90]  }
0x180: {  	v8 =	vld [tilespmem:s21+$0xA0]  }
0x181: {  	v11 =	vld [tilespmem:s21+$0xC0]  }
0x182: {  	v12 =	vld [tilespmem:s21+$0xE0];
	_ =	sdelay $0x1  }
0x183: {  	v9 =	vmul.f32 v9, v6;
	v7 =	vmul.f32 v7, v6  }
0x184: {  	v13 =	vmov s22;
	v5 =	vmul.f32 v5, v6;
	v8 =	vmul.f32 v8, v6  }
0x185: {  	v13 =	vand.u32 $0x7C, v13;
	v4 =	vmul.f32 v4, v6;
	[tilespmem:s21+$0x80] =	vst v9;
	v9 =	vmul.f32 v11, v6  }
0x186: {  	v11 =	vor.u32 v1, v13;
	[tilespmem:s21+$0xB0] =	vst v5;
	v5 =	vmul.f32 v12, v6;
	v6 =	vmul.f32 v10, v6  }
0x187: {  	v10 =	vbroadcast v11, $0x0;
	[tilespmem:s21+$0xA0] =	vst v8  }
0x188: {  	[tilespmem:s21+$0xD0] =	vst v4  }
0x189: {  	v4 =	vld [tilespmem:s11+$0xFFFFFF50];
	[tilespmem:s21+$0xF0] =	vst v6  }
0x18a: {  	v6 =	vld [tilespmem:s11+$0xFFFFFF30];
	[tilespmem:s21+$0x90] =	vst v7  }
0x18b: {  	v7 =	vld [tilespmem:s11+$0xFFFFFF60];
	[tilespmem:s21+$0xC0] =	vst v9  }
0x18c: {  	v8 =	vld [tilespmem:s11+$0xFFFFFF70];
	[tilespmem:s21+$0xE0] =	vst v5;
	s21 =	smov.u32 s11  }
0x18d: {  	v5 =	vld.idx.msk [tilespmem:v10+s24+$0x0], $0xffff  }
0x18e: {  	v9 =	vld [tilespmem:s11+$0xFFFFFF00]  }
0x18f: {  	v10 =	vld [tilespmem:s11+$0xFFFFFF20]  }
0x190: {  	v11 =	vld [tilespmem:s11+$0xFFFFFF10]  }
0x191: {  	v12 =	vld [tilespmem:s11+$0xFFFFFF40];
	_ =	sdelay $0x1  }
0x192: {  	s14 =	sadd.s32 $0x1, s22;
	v8 =	vmul.f32 v8, v5;
	v9 =	vmul.f32 v9, v5  }
0x193: {  	v13 =	vmov s14;
	v7 =	vmul.f32 v7, v5;
	v10 =	vmul.f32 v10, v5  }
0x194: {  	v6 =	vmul.f32 v6, v5;
	v11 =	vmul.f32 v11, v5;
	[tilespmem:s11+$0xFFFFFF70] =	vst v8;
	v8 =	vand.u32 $0x7D, v13  }
0x195: {  	v4 =	vmul.f32 v4, v5;
	[tilespmem:s11+$0xFFFFFF00] =	vst v9;
	v9 =	vmul.f32 v12, v5;
	v5 =	vor.u32 v1, v8  }
0x196: {  	[tilespmem:s11+$0xFFFFFF20] =	vst v10;
	v5 =	vbroadcast v5, $0x0  }
0x197: {  	[tilespmem:s11+$0xFFFFFF30] =	vst v6  }
0x198: {  	[tilespmem:s11+$0xFFFFFF50] =	vst v4;
	v4 =	vld [tilespmem:s11+$0xFFFFFFD0]  }
0x199: {  	[tilespmem:s11+$0xFFFFFF10] =	vst v11;
	v6 =	vld [tilespmem:s11+$0xFFFFFFE0]  }
0x19a: {  	[tilespmem:s11+$0xFFFFFF60] =	vst v7;
	v7 =	vld [tilespmem:s11+$0xFFFFFFB0]  }
0x19b: {  	[tilespmem:s11+$0xFFFFFF40] =	vst v9;
	v8 =	vld [tilespmem:s11+$0xFFFFFFF0]  }
0x19c: {  	v5 =	vld.idx.msk [tilespmem:v5+s24+$0x0], $0xffff  }
0x19d: {  	v9 =	vld [tilespmem:s11+$0xFFFFFF80]  }
0x19e: {  	v10 =	vld [tilespmem:s11+$0xFFFFFFA0]  }
0x19f: {  	v11 =	vld [tilespmem:s11+$0xFFFFFFC0]  }
0x1a0: {  	v12 =	vld [tilespmem:s11+$0xFFFFFF90];
	_ =	sdelay $0x1  }
0x1a1: {  	s14 =	sadd.s32 $0x2, s22;
	v8 =	vmul.f32 v8, v5;
	v9 =	vmul.f32 v9, v5  }
0x1a2: {  	v13 =	vmov s14;
	v7 =	vmul.f32 v7, v5;
	v10 =	vmul.f32 v10, v5  }
0x1a3: {  	v6 =	vmul.f32 v6, v5;
	[tilespmem:s11+$0xFFFFFF80] =	vst v9;
	v9 =	vmul.f32 v11, v5;
	v11 =	vand.u32 $0x7E, v13  }
0x1a4: {  	v4 =	vmul.f32 v4, v5;
	v12 =	vmul.f32 v12, v5;
	[tilespmem:s11+$0xFFFFFFA0] =	vst v10;
	v5 =	vor.u32 v1, v11  }
0x1a5: {  	[tilespmem:s11+$0xFFFFFFF0] =	vst v8;
	v5 =	vbroadcast v5, $0x0  }
0x1a6: {  	[tilespmem:s11+$0xFFFFFFC0] =	vst v9  }
0x1a7: {  	[tilespmem:s11+$0xFFFFFF90] =	vst v12  }
0x1a8: {  	[tilespmem:s11+$0xFFFFFFD0] =	vst v4  }
.Ltmp3:
0x1a9: {  	[tilespmem:s11+$0xFFFFFFB0] =	vst v7;
	v8 =	vld [tilespmem:s11+$0x30];
	(pc) =	sbr.rel @p0 .LBB2_10-.Ltmp3, $4  }
0x1aa: {  	[tilespmem:s11+$0xFFFFFFE0] =	vst v6;
	v7 =	vld [tilespmem:s11+$0x20]  }
0x1ab: {  	v4 =	vld.idx.msk [tilespmem:v5+s24+$0x0], $0xffff  }
0x1ac: {  	v6 =	vld [tilespmem:s11+$0x0]  }
0x1ad: {  	v5 =	vld [tilespmem:s11+$0x10]  }
0x1ae: {  	_ =	sdelay $0x1  }
0x1af: {  	v9 =	vld [tilespmem:s21+$0x50];
	s9 =	sadd.s32 $0x3, s22;
	v8 =	vmul.f32 v8, v4  }
0x1b0: {  	v10 =	vld [tilespmem:s21+$0x40];
	v11 =	vmov s9;
	v3 =	vmul.f32 v3, v4  }
0x1b1: {  	v55 =	vand.u32 $0x7F, v11;
	v2 =	vmul.f32 v2, v4;
	[tilespmem:s21+$0x30] =	vst v8  }
0x1b2: {  	v7 =	vmul.f32 v7, v4;
	v1 =	vor.u32 v1, v55;
	[tilespmem:s21+$0x70] =	vst v3  }
0x1b3: {  	v1 =	vbroadcast v1, $0x0;
	[tilespmem:s21+$0x60] =	vst v2;
	v2 =	vmul.f32 v6, v4  }
0x1b4: {  	[tilespmem:s21+$0x20] =	vst v7;
	v3 =	vmul.f32 v9, v4  }
0x1b5: {  	v57 =	vmul.f32 v10, v4;
	[tilespmem:s21+$0x0] =	vst v2  }
0x1b6: {  	[tilespmem:s21+$0x50] =	vst v3;
	v3 =	vmul.f32 v5, v4  }
0x1b7: {  	[tilespmem:s21+$0x40] =	vst v57  }
0x1b8: {  	v56 =	vld [tilespmem:s21+$0x80];
	[tilespmem:s21+$0x10] =	vst v3  }
0x1b9: {  	v1 =	vld.idx.msk [tilespmem:v1+s24+$0x0], $0xffff  }
0x1ba: {  	v2 =	vld [tilespmem:s21+$0xB0]  }
0x1bb: {  	v3 =	vld [tilespmem:s21+$0xA0]  }
0x1bc: {  	v58 =	vld [tilespmem:s21+$0xD0]  }
0x1bd: {  	v61 =	vld [tilespmem:s21+$0xC0]  }
0x1be: {  	v59 =	vld [tilespmem:s21+$0xF0];
	v7 =	vmul.f32 v56, v1  }
0x1bf: {  	v60 =	vld [tilespmem:s21+$0x90];
	v2 =	vmul.f32 v2, v1  }
0x1c0: {  	v62 =	vld [tilespmem:s21+$0xE0];
	v3 =	vmul.f32 v3, v1;
	[tilespmem:s21+$0x80] =	vst v7  }
0x1c1: {  	v4 =	vmul.f32 v58, v1;
	[tilespmem:s21+$0xB0] =	vst v2  }
0x1c2: {  	s8 =	sadd.s32 $0x1, s8;
	v63 =	vmul.f32 v61, v1;
	[tilespmem:s21+$0xA0] =	vst v3  }
0x1c3: {  	p0 =	sne.s32 s8, $0x3;
	v2 =	vmul.f32 v59, v1;
	[tilespmem:s21+$0xD0] =	vst v4  }
.Ltmp4:
0x1c4: {  	v3 =	vmul.f32 v60, v1;
	[tilespmem:s21+$0xC0] =	vst v63;
	(pc) =	sbr.rel @p0 .LBB2_7-.Ltmp4, $4  }
0x1c5: {  	v1 =	vmul.f32 v62, v1;
	[tilespmem:s21+$0xF0] =	vst v2  }
0x1c6: {  	[tilespmem:s21+$0x90] =	vst v3  }
0x1c7: {  	s3 =	sadd.s32 $0x14400, s3;
	[tilespmem:s21+$0xE0] =	vst v1  }
0x1c8: {  	[spmem:s1] =	stream.indirect.scatter.add.f32 [tilespmem:s25], [sflag:$0x4], $0x80, s3, s26, $0xb8;
	[tilespmem:$0x1D800] =	vst v63  }
0x1c9: {  	s8 =	simm.s32 $0x0  }
0x1ca: {  	_ =	swait.ge [sflag:s31], $0x4000;
	v1 =	vmov s8  }
0x1cb: {  	[sflag:s31] =	ssyncset.done $0x0;
	v1 =	vand.u32 $0x7C, v1  }
0x1cc: {  	[sflag:s31] =	ssyncadd.s32 $0xFFFFC000;
	v1 =	vor.u32 $0x300, v1  }
0x1cd: {  	_ =	swait.ge [sflag:s0], $0x4000;
	v1 =	vbroadcast v1, $0x0  }
0x1ce: {  	[sflag:s0] =	ssyncset.done $0x0  }
0x1cf: {  	s3 =	simm.s32 $0x14380;
	[sflag:s0] =	ssyncadd.s32 $0xFFFFC000  }
0x1d0: {  	[tilespmem:s25], [sflag:$0x2] =	stream.indirect.gather [hbm4b:s7+s26], $0x80, s3, s26, $0xb8;
	[tilespmem:$0x1D800] =	vst v63  }
0x1d1: {  	s3 =	simm.s32 $0x15900  }
0x1d2: {  	v3 =	vld [tilespmem:s3+$0xFFFFFF70]  }
0x1d3: {  	v1 =	vld.idx.msk [tilespmem:v1+s24+$0x0], $0xffff  }
0x1d4: {  	v4 =	vld [tilespmem:s3+$0xFFFFFF00]  }
0x1d5: {  	v5 =	vld [tilespmem:s3+$0xFFFFFF20]  }
0x1d6: {  	v6 =	vld [tilespmem:s3+$0xFFFFFF30]  }
0x1d7: {  	v2 =	vld [tilespmem:s3+$0xFFFFFF50]  }
0x1d8: {  	s9 =	simm.s32 $0x1;
	v8 =	vld [tilespmem:s3+$0xFFFFFF10];
	v3 =	vmul.f32 v3, v1  }
0x1d9: {  	v10 =	vmov s9;
	v7 =	vld [tilespmem:s3+$0xFFFFFF60];
	v4 =	vmul.f32 v4, v1  }
0x1da: {  	v9 =	vld [tilespmem:s3+$0xFFFFFF40];
	v5 =	vmul.f32 v5, v1;
	[tilespmem:s3+$0xFFFFFF70] =	vst v3;
	v3 =	vand.u32 $0x7D, v10  }
0x1db: {  	v6 =	vmul.f32 v6, v1;
	[tilespmem:s3+$0xFFFFFF00] =	vst v4;
	v3 =	vor.u32 $0x300, v3  }
0x1dc: {  	v2 =	vmul.f32 v2, v1;
	[tilespmem:s3+$0xFFFFFF20] =	vst v5;
	v3 =	vbroadcast v3, $0x0  }
0x1dd: {  	v4 =	vmul.f32 v8, v1;
	[tilespmem:s3+$0xFFFFFF30] =	vst v6  }
0x1de: {  	v5 =	vmul.f32 v7, v1;
	[tilespmem:s3+$0xFFFFFF50] =	vst v2  }
0x1df: {  	v1 =	vmul.f32 v9, v1;
	[tilespmem:s3+$0xFFFFFF10] =	vst v4  }
0x1e0: {  	[tilespmem:s3+$0xFFFFFF60] =	vst v5  }
0x1e1: {  	[tilespmem:s3+$0xFFFFFF40] =	vst v1;
	v1 =	vld [tilespmem:s3+$0xFFFFFF80]  }
0x1e2: {  	v3 =	vld.idx.msk [tilespmem:v3+s24+$0x0], $0xffff  }
0x1e3: {  	v2 =	vld [tilespmem:s3+$0xFFFFFFA0]  }
0x1e4: {  	v4 =	vld [tilespmem:s3+$0xFFFFFFF0]  }
0x1e5: {  	v5 =	vld [tilespmem:s3+$0xFFFFFFC0]  }
0x1e6: {  	v6 =	vld [tilespmem:s3+$0xFFFFFF90]  }
0x1e7: {  	s29 =	simm.s32 $0x2;
	v7 =	vld [tilespmem:s3+$0xFFFFFFD0];
	v1 =	vmul.f32 v1, v3  }
0x1e8: {  	v62 =	vmov s29;
	v8 =	vld [tilespmem:s3+$0xFFFFFFB0];
	v2 =	vmul.f32 v2, v3  }
0x1e9: {  	v63 =	vld [tilespmem:s3+$0xFFFFFFE0];
	v4 =	vmul.f32 v4, v3;
	[tilespmem:s3+$0xFFFFFF80] =	vst v1;
	v1 =	vand.u32 $0x7E, v62  }
0x1ea: {  	v5 =	vmul.f32 v5, v3;
	[tilespmem:s3+$0xFFFFFFA0] =	vst v2;
	v1 =	vor.u32 $0x300, v1  }
0x1eb: {  	v2 =	vmul.f32 v6, v3;
	[tilespmem:s3+$0xFFFFFFF0] =	vst v4;
	v4 =	vbroadcast v1, $0x0  }
0x1ec: {  	v6 =	vmul.f32 v7, v3;
	[tilespmem:s3+$0xFFFFFFC0] =	vst v5;
	v7 =	vld [tilespmem:s3+$0x30]  }
0x1ed: {  	v5 =	vmul.f32 v8, v3;
	v1 =	vld [tilespmem:s3+$0x60];
	[tilespmem:s3+$0xFFFFFF90] =	vst v2  }
0x1ee: {  	v3 =	vmul.f32 v63, v3;
	v2 =	vld [tilespmem:s3+$0x70];
	[tilespmem:s3+$0xFFFFFFD0] =	vst v6  }
0x1ef: {  	[tilespmem:s3+$0xFFFFFFB0] =	vst v5;
	v6 =	vld [tilespmem:s3+$0x20]  }
0x1f0: {  	[tilespmem:s3+$0xFFFFFFE0] =	vst v3;
	v5 =	vld [tilespmem:s3+$0x0]  }
0x1f1: {  	v3 =	vld.idx.msk [tilespmem:v4+s24+$0x0], $0xffff  }
0x1f2: {  	s11 =	simm.s32 $0x15900;
	s9 =	simm.s32 $0x4;
	v4 =	vld [tilespmem:s3+$0x10]  }
.LBB2_13:
0x1f3: {  	p0 =	slt.u32 s9, $0x7C  }
0x1f4: {  	v8 =	vld [tilespmem:s3+$0x50];
	s11 =	sadd.s32 $0x200, s11;
	s14 =	smov.u32 s9;
	s9 =	sadd.s32 $0x4, s9  }
0x1f5: {  	v9 =	vld [tilespmem:s3+$0x40];
	_ =	sdelay $0x1  }
0x1f6: {  	s15 =	sadd.s32 $0x3, s8;
	s8 =	smov.u32 s14;
	v7 =	vmul.f32 v7, v3;
	v5 =	vmul.f32 v5, v3  }
0x1f7: {  	v10 =	vmov s15;
	v6 =	vmul.f32 v6, v3;
	v4 =	vmul.f32 v4, v3  }
0x1f8: {  	v1 =	vmul.f32 v1, v3;
	v2 =	vmul.f32 v2, v3;
	[tilespmem:s3+$0x30] =	vst v7;
	v7 =	vand.u32 $0x7F, v10  }
0x1f9: {  	[tilespmem:s3+$0x20] =	vst v6;
	v6 =	vmul.f32 v9, v3;
	v3 =	vmul.f32 v8, v3;
	v7 =	vor.u32 $0x300, v7  }
0x1fa: {  	[tilespmem:s3+$0x70] =	vst v2;
	v7 =	vbroadcast v7, $0x0;
	v8 =	vld [tilespmem:s3+$0x80]  }
0x1fb: {  	[tilespmem:s3+$0x60] =	vst v1;
	v9 =	vld [tilespmem:s3+$0xF0]  }
0x1fc: {  	v1 =	vld [tilespmem:s11+$0x60];
	[tilespmem:s3+$0x50] =	vst v3  }
0x1fd: {  	v2 =	vld [tilespmem:s11+$0x70];
	[tilespmem:s3+$0x40] =	vst v6  }
0x1fe: {  	[tilespmem:s3+$0x0] =	vst v5;
	v3 =	vld [tilespmem:s3+$0xD0]  }
0x1ff: {  	[tilespmem:s3+$0x10] =	vst v4;
	v4 =	vld [tilespmem:s3+$0xB0]  }
0x200: {  	v5 =	vld.idx.msk [tilespmem:v7+s24+$0x0], $0xffff  }
0x201: {  	v6 =	vld [tilespmem:s3+$0x90]  }
0x202: {  	v7 =	vld [tilespmem:s3+$0xA0]  }
0x203: {  	v10 =	vld [tilespmem:s3+$0xC0]  }
0x204: {  	v11 =	vld [tilespmem:s3+$0xE0];
	_ =	sdelay $0x1  }
0x205: {  	v8 =	vmul.f32 v8, v5;
	v6 =	vmul.f32 v6, v5  }
0x206: {  	v12 =	vmov s8;
	v4 =	vmul.f32 v4, v5;
	v7 =	vmul.f32 v7, v5  }
0x207: {  	v12 =	vand.u32 $0x7C, v12;
	v3 =	vmul.f32 v3, v5;
	[tilespmem:s3+$0x80] =	vst v8;
	v8 =	vmul.f32 v10, v5  }
0x208: {  	v10 =	vor.u32 $0x300, v12;
	[tilespmem:s3+$0xB0] =	vst v4;
	v4 =	vmul.f32 v11, v5;
	v5 =	vmul.f32 v9, v5  }
0x209: {  	v9 =	vbroadcast v10, $0x0;
	[tilespmem:s3+$0xA0] =	vst v7  }
0x20a: {  	[tilespmem:s3+$0xD0] =	vst v3  }
0x20b: {  	v3 =	vld [tilespmem:s11+$0xFFFFFF50];
	[tilespmem:s3+$0xF0] =	vst v5  }
0x20c: {  	v5 =	vld [tilespmem:s11+$0xFFFFFF30];
	[tilespmem:s3+$0x90] =	vst v6  }
0x20d: {  	v6 =	vld [tilespmem:s11+$0xFFFFFF60];
	[tilespmem:s3+$0xC0] =	vst v8  }
0x20e: {  	v7 =	vld [tilespmem:s11+$0xFFFFFF70];
	[tilespmem:s3+$0xE0] =	vst v4;
	s3 =	smov.u32 s11  }
0x20f: {  	v4 =	vld.idx.msk [tilespmem:v9+s24+$0x0], $0xffff  }
0x210: {  	v8 =	vld [tilespmem:s11+$0xFFFFFF00]  }
0x211: {  	v9 =	vld [tilespmem:s11+$0xFFFFFF20]  }
0x212: {  	v10 =	vld [tilespmem:s11+$0xFFFFFF10]  }
0x213: {  	v11 =	vld [tilespmem:s11+$0xFFFFFF40];
	_ =	sdelay $0x1  }
0x214: {  	s14 =	sadd.s32 $0x1, s8;
	v7 =	vmul.f32 v7, v4;
	v8 =	vmul.f32 v8, v4  }
0x215: {  	v12 =	vmov s14;
	v6 =	vmul.f32 v6, v4;
	v9 =	vmul.f32 v9, v4  }
0x216: {  	v5 =	vmul.f32 v5, v4;
	v10 =	vmul.f32 v10, v4;
	[tilespmem:s11+$0xFFFFFF70] =	vst v7;
	v7 =	vand.u32 $0x7D, v12  }
0x217: {  	v3 =	vmul.f32 v3, v4;
	[tilespmem:s11+$0xFFFFFF00] =	vst v8;
	v8 =	vmul.f32 v11, v4;
	v4 =	vor.u32 $0x300, v7  }
0x218: {  	[tilespmem:s11+$0xFFFFFF20] =	vst v9;
	v4 =	vbroadcast v4, $0x0  }
0x219: {  	[tilespmem:s11+$0xFFFFFF30] =	vst v5  }
0x21a: {  	[tilespmem:s11+$0xFFFFFF50] =	vst v3;
	v3 =	vld [tilespmem:s11+$0xFFFFFFD0]  }
0x21b: {  	[tilespmem:s11+$0xFFFFFF10] =	vst v10;
	v5 =	vld [tilespmem:s11+$0xFFFFFFE0]  }
0x21c: {  	[tilespmem:s11+$0xFFFFFF60] =	vst v6;
	v6 =	vld [tilespmem:s11+$0xFFFFFFB0]  }
0x21d: {  	[tilespmem:s11+$0xFFFFFF40] =	vst v8;
	v7 =	vld [tilespmem:s11+$0xFFFFFFF0]  }
0x21e: {  	v4 =	vld.idx.msk [tilespmem:v4+s24+$0x0], $0xffff  }
0x21f: {  	v8 =	vld [tilespmem:s11+$0xFFFFFF80]  }
0x220: {  	v9 =	vld [tilespmem:s11+$0xFFFFFFA0]  }
0x221: {  	v10 =	vld [tilespmem:s11+$0xFFFFFFC0]  }
0x222: {  	v11 =	vld [tilespmem:s11+$0xFFFFFF90];
	_ =	sdelay $0x1  }
0x223: {  	s14 =	sadd.s32 $0x2, s8;
	v7 =	vmul.f32 v7, v4;
	v8 =	vmul.f32 v8, v4  }
0x224: {  	v12 =	vmov s14;
	v6 =	vmul.f32 v6, v4;
	v9 =	vmul.f32 v9, v4  }
0x225: {  	v5 =	vmul.f32 v5, v4;
	[tilespmem:s11+$0xFFFFFF80] =	vst v8;
	v8 =	vmul.f32 v10, v4;
	v10 =	vand.u32 $0x7E, v12  }
0x226: {  	v3 =	vmul.f32 v3, v4;
	v11 =	vmul.f32 v11, v4;
	[tilespmem:s11+$0xFFFFFFA0] =	vst v9;
	v4 =	vor.u32 $0x300, v10  }
0x227: {  	[tilespmem:s11+$0xFFFFFFF0] =	vst v7;
	v4 =	vbroadcast v4, $0x0  }
0x228: {  	[tilespmem:s11+$0xFFFFFFC0] =	vst v8  }
0x229: {  	[tilespmem:s11+$0xFFFFFF90] =	vst v11  }
0x22a: {  	[tilespmem:s11+$0xFFFFFFD0] =	vst v3  }
.Ltmp5:
0x22b: {  	[tilespmem:s11+$0xFFFFFFB0] =	vst v6;
	v7 =	vld [tilespmem:s11+$0x30];
	(pc) =	sbr.rel @p0 .LBB2_13-.Ltmp5, $4  }
0x22c: {  	[tilespmem:s11+$0xFFFFFFE0] =	vst v5;
	v6 =	vld [tilespmem:s11+$0x20]  }
0x22d: {  	v3 =	vld.idx.msk [tilespmem:v4+s24+$0x0], $0xffff  }
0x22e: {  	v5 =	vld [tilespmem:s11+$0x0]  }
0x22f: {  	v4 =	vld [tilespmem:s11+$0x10]  }
0x230: {  	_ =	sdelay $0x1  }
0x231: {  	v8 =	vld [tilespmem:s3+$0x50];
	s8 =	sadd.s32 $0x3, s8;
	v7 =	vmul.f32 v7, v3  }
0x232: {  	v9 =	vld [tilespmem:s3+$0x40];
	v10 =	vmov s8;
	v6 =	vmul.f32 v6, v3  }
0x233: {  	v1 =	vmul.f32 v1, v3;
	[tilespmem:s3+$0x30] =	vst v7;
	v7 =	vand.u32 $0x7F, v10  }
0x234: {  	v2 =	vmul.f32 v2, v3;
	[tilespmem:s3+$0x20] =	vst v6;
	v7 =	vor.u32 $0x300, v7  }
0x235: {  	[tilespmem:s3+$0x60] =	vst v1;
	v1 =	vmul.f32 v5, v3;
	v6 =	vbroadcast v7, $0x0  }
0x236: {  	[tilespmem:s3+$0x70] =	vst v2;
	v2 =	vmul.f32 v8, v3  }
0x237: {  	v8 =	vmul.f32 v9, v3;
	[tilespmem:s3+$0x0] =	vst v1  }
0x238: {  	[tilespmem:s3+$0x50] =	vst v2;
	v2 =	vmul.f32 v4, v3  }
0x239: {  	[tilespmem:s3+$0x40] =	vst v8  }
0x23a: {  	v7 =	vld [tilespmem:s3+$0x80];
	[tilespmem:s3+$0x10] =	vst v2  }
0x23b: {  	v1 =	vld.idx.msk [tilespmem:v6+s24+$0x0], $0xffff  }
0x23c: {  	v2 =	vld [tilespmem:s3+$0xB0]  }
0x23d: {  	v3 =	vld [tilespmem:s3+$0xA0]  }
0x23e: {  	v4 =	vld [tilespmem:s3+$0xD0]  }
0x23f: {  	v5 =	vld [tilespmem:s3+$0xF0]  }
0x240: {  	v6 =	vld [tilespmem:s3+$0x90];
	v7 =	vmul.f32 v7, v1  }
0x241: {  	v8 =	vld [tilespmem:s3+$0xC0];
	v2 =	vmul.f32 v2, v1  }
0x242: {  	v59 =	vld [tilespmem:s3+$0xE0];
	v3 =	vmul.f32 v3, v1;
	[tilespmem:s3+$0x80] =	vst v7  }
0x243: {  	v4 =	vmul.f32 v4, v1;
	[tilespmem:s3+$0xB0] =	vst v2  }
0x244: {  	v2 =	vmul.f32 v5, v1;
	[tilespmem:s3+$0xA0] =	vst v3  }
0x245: {  	v3 =	vmul.f32 v6, v1;
	[tilespmem:s3+$0xD0] =	vst v4  }
0x246: {  	v4 =	vmul.f32 v8, v1;
	[tilespmem:s3+$0xF0] =	vst v2  }
0x247: {  	v1 =	vmul.f32 v59, v1;
	[tilespmem:s3+$0x90] =	vst v3  }
0x248: {  	[tilespmem:s3+$0xC0] =	vst v4  }
0x249: {  	s22 =	simm.s32 $0x14700;
	[tilespmem:s3+$0xE0] =	vst v1  }
0x24a: {  	[spmem:s1] =	stream.indirect.scatter.add.f32 [tilespmem:s20], [sflag:$0x3], $0x80, s22, s26, $0xb8;
	[tilespmem:$0x1D800] =	vst v63  }
0x24b: {  	_ =	swait.ge [sflag:s23], $0x4000  }
0x24c: {  	[sflag:s23] =	ssyncset.done $0x0  }
0x24d: {  	[sflag:s23] =	ssyncadd.s32 $0xFFFFC000  }
0x24e: {  	_ =	swait.ge [sflag:s2], $0x4000  }
0x24f: {  	[sflag:s2] =	ssyncset.done $0x0  }
0x250: {  	[sflag:s2] =	ssyncadd.s32 $0xFFFFC000  }
0x251: {  	_ =	swait.ge [sflag:s10], $0x400  }
0x252: {  	s8 =	simm.s32 $0x0;
	[sflag:s10] =	ssyncset.done $0x0  }
0x253: {  	v1 =	vmov s8;
	[sflag:s10] =	ssyncadd.s32 $0xFFFFFC00  }
0x254: {  	v1 =	vand.u32 $0x7C, v1;
	_ =	swait.ge [sflag:s10], $0x400  }
0x255: {  	v1 =	vor.u32 $0x380, v1;
	[sflag:s10] =	ssyncset.done $0x0  }
0x256: {  	v1 =	vbroadcast v1, $0x0;
	[sflag:s10] =	ssyncadd.s32 $0xFFFFFC00  }
0x257: {  	_ =	swait.ge [sflag:s10], $0x400  }
0x258: {  	[sflag:s10] =	ssyncset.done $0x0  }
0x259: {  	s3 =	simm.s32 $0x19900;
	[sflag:s10] =	ssyncadd.s32 $0xFFFFFC00  }
0x25a: {  	[tilespmem:s20], [sflag:$0x1] =	stream.indirect.gather [hbm4b:s7+s26], $0x80, s28, s26, $0xb8;
	[tilespmem:$0x1D800] =	vst v63  }
0x25b: {  	v3 =	vld [tilespmem:s3+$0xFFFFFF70]  }
0x25c: {  	v1 =	vld.idx.msk [tilespmem:v1+s24+$0x0], $0xffff  }
0x25d: {  	v4 =	vld [tilespmem:s3+$0xFFFFFF00]  }
0x25e: {  	v5 =	vld [tilespmem:s3+$0xFFFFFF20]  }
0x25f: {  	v6 =	vld [tilespmem:s3+$0xFFFFFF30]  }
0x260: {  	v2 =	vld [tilespmem:s3+$0xFFFFFF50]  }
0x261: {  	s9 =	simm.s32 $0x1;
	v8 =	vld [tilespmem:s3+$0xFFFFFF10];
	v3 =	vmul.f32 v3, v1  }
0x262: {  	v61 =	vmov s9;
	v7 =	vld [tilespmem:s3+$0xFFFFFF60];
	v4 =	vmul.f32 v4, v1  }
0x263: {  	v60 =	vld [tilespmem:s3+$0xFFFFFF40];
	v5 =	vmul.f32 v5, v1;
	[tilespmem:s3+$0xFFFFFF70] =	vst v3;
	v3 =	vand.u32 $0x7D, v61  }
0x264: {  	v6 =	vmul.f32 v6, v1;
	[tilespmem:s3+$0xFFFFFF00] =	vst v4;
	v3 =	vor.u32 $0x380, v3  }
0x265: {  	v2 =	vmul.f32 v2, v1;
	[tilespmem:s3+$0xFFFFFF20] =	vst v5;
	v3 =	vbroadcast v3, $0x0  }
0x266: {  	v4 =	vmul.f32 v8, v1;
	[tilespmem:s3+$0xFFFFFF30] =	vst v6  }
0x267: {  	v5 =	vmul.f32 v7, v1;
	[tilespmem:s3+$0xFFFFFF50] =	vst v2  }
0x268: {  	v1 =	vmul.f32 v60, v1;
	[tilespmem:s3+$0xFFFFFF10] =	vst v4  }
0x269: {  	[tilespmem:s3+$0xFFFFFF60] =	vst v5  }
0x26a: {  	[tilespmem:s3+$0xFFFFFF40] =	vst v1;
	v1 =	vld [tilespmem:s3+$0xFFFFFF80]  }
0x26b: {  	v3 =	vld.idx.msk [tilespmem:v3+s24+$0x0], $0xffff  }
0x26c: {  	v2 =	vld [tilespmem:s3+$0xFFFFFFA0]  }
0x26d: {  	v4 =	vld [tilespmem:s3+$0xFFFFFFF0]  }
0x26e: {  	v5 =	vld [tilespmem:s3+$0xFFFFFFC0]  }
0x26f: {  	v6 =	vld [tilespmem:s3+$0xFFFFFF90]  }
0x270: {  	s29 =	simm.s32 $0x2;
	v7 =	vld [tilespmem:s3+$0xFFFFFFD0];
	v1 =	vmul.f32 v1, v3  }
0x271: {  	v62 =	vmov s29;
	v8 =	vld [tilespmem:s3+$0xFFFFFFB0];
	v2 =	vmul.f32 v2, v3  }
0x272: {  	v63 =	vld [tilespmem:s3+$0xFFFFFFE0];
	v4 =	vmul.f32 v4, v3;
	[tilespmem:s3+$0xFFFFFF80] =	vst v1;
	v1 =	vand.u32 $0x7E, v62  }
0x273: {  	v5 =	vmul.f32 v5, v3;
	[tilespmem:s3+$0xFFFFFFA0] =	vst v2;
	v1 =	vor.u32 $0x380, v1  }
0x274: {  	v2 =	vmul.f32 v6, v3;
	[tilespmem:s3+$0xFFFFFFF0] =	vst v4;
	v4 =	vbroadcast v1, $0x0  }
0x275: {  	v6 =	vmul.f32 v7, v3;
	[tilespmem:s3+$0xFFFFFFC0] =	vst v5;
	v7 =	vld [tilespmem:s3+$0x30]  }
0x276: {  	v5 =	vmul.f32 v8, v3;
	v1 =	vld [tilespmem:s3+$0x60];
	[tilespmem:s3+$0xFFFFFF90] =	vst v2  }
0x277: {  	v3 =	vmul.f32 v63, v3;
	v2 =	vld [tilespmem:s3+$0x70];
	[tilespmem:s3+$0xFFFFFFD0] =	vst v6  }
0x278: {  	[tilespmem:s3+$0xFFFFFFB0] =	vst v5;
	v6 =	vld [tilespmem:s3+$0x20]  }
0x279: {  	[tilespmem:s3+$0xFFFFFFE0] =	vst v3;
	v5 =	vld [tilespmem:s3+$0x0]  }
0x27a: {  	v3 =	vld.idx.msk [tilespmem:v4+s24+$0x0], $0xffff  }
0x27b: {  	s11 =	simm.s32 $0x19900;
	s9 =	simm.s32 $0x4;
	v4 =	vld [tilespmem:s3+$0x10]  }
.LBB2_15:
0x27c: {  	p0 =	slt.u32 s9, $0x7C  }
0x27d: {  	v8 =	vld [tilespmem:s3+$0x50];
	s11 =	sadd.s32 $0x200, s11;
	s14 =	smov.u32 s9;
	s9 =	sadd.s32 $0x4, s9  }
0x27e: {  	v9 =	vld [tilespmem:s3+$0x40];
	_ =	sdelay $0x1  }
0x27f: {  	s15 =	sadd.s32 $0x3, s8;
	s8 =	smov.u32 s14;
	v7 =	vmul.f32 v7, v3;
	v5 =	vmul.f32 v5, v3  }
0x280: {  	v10 =	vmov s15;
	v6 =	vmul.f32 v6, v3;
	v4 =	vmul.f32 v4, v3  }
0x281: {  	v1 =	vmul.f32 v1, v3;
	v2 =	vmul.f32 v2, v3;
	[tilespmem:s3+$0x30] =	vst v7;
	v7 =	vand.u32 $0x7F, v10  }
0x282: {  	[tilespmem:s3+$0x20] =	vst v6;
	v6 =	vmul.f32 v9, v3;
	v3 =	vmul.f32 v8, v3;
	v7 =	vor.u32 $0x380, v7  }
0x283: {  	[tilespmem:s3+$0x70] =	vst v2;
	v7 =	vbroadcast v7, $0x0;
	v8 =	vld [tilespmem:s3+$0x80]  }
0x284: {  	[tilespmem:s3+$0x60] =	vst v1;
	v9 =	vld [tilespmem:s3+$0xF0]  }
0x285: {  	v1 =	vld [tilespmem:s11+$0x60];
	[tilespmem:s3+$0x50] =	vst v3  }
0x286: {  	v2 =	vld [tilespmem:s11+$0x70];
	[tilespmem:s3+$0x40] =	vst v6  }
0x287: {  	[tilespmem:s3+$0x0] =	vst v5;
	v3 =	vld [tilespmem:s3+$0xD0]  }
0x288: {  	[tilespmem:s3+$0x10] =	vst v4;
	v4 =	vld [tilespmem:s3+$0xB0]  }
0x289: {  	v5 =	vld.idx.msk [tilespmem:v7+s24+$0x0], $0xffff  }
0x28a: {  	v6 =	vld [tilespmem:s3+$0x90]  }
0x28b: {  	v7 =	vld [tilespmem:s3+$0xA0]  }
0x28c: {  	v10 =	vld [tilespmem:s3+$0xC0]  }
0x28d: {  	v11 =	vld [tilespmem:s3+$0xE0];
	_ =	sdelay $0x1  }
0x28e: {  	v8 =	vmul.f32 v8, v5;
	v6 =	vmul.f32 v6, v5  }
0x28f: {  	v12 =	vmov s8;
	v4 =	vmul.f32 v4, v5;
	v7 =	vmul.f32 v7, v5  }
0x290: {  	v12 =	vand.u32 $0x7C, v12;
	v3 =	vmul.f32 v3, v5;
	[tilespmem:s3+$0x80] =	vst v8;
	v8 =	vmul.f32 v10, v5  }
0x291: {  	v10 =	vor.u32 $0x380, v12;
	[tilespmem:s3+$0xB0] =	vst v4;
	v4 =	vmul.f32 v11, v5;
	v5 =	vmul.f32 v9, v5  }
0x292: {  	v9 =	vbroadcast v10, $0x0;
	[tilespmem:s3+$0xA0] =	vst v7  }
0x293: {  	[tilespmem:s3+$0xD0] =	vst v3  }
0x294: {  	v3 =	vld [tilespmem:s11+$0xFFFFFF50];
	[tilespmem:s3+$0xF0] =	vst v5  }
0x295: {  	v5 =	vld [tilespmem:s11+$0xFFFFFF30];
	[tilespmem:s3+$0x90] =	vst v6  }
0x296: {  	v6 =	vld [tilespmem:s11+$0xFFFFFF60];
	[tilespmem:s3+$0xC0] =	vst v8  }
0x297: {  	v7 =	vld [tilespmem:s11+$0xFFFFFF70];
	[tilespmem:s3+$0xE0] =	vst v4;
	s3 =	smov.u32 s11  }
0x298: {  	v4 =	vld.idx.msk [tilespmem:v9+s24+$0x0], $0xffff  }
0x299: {  	v8 =	vld [tilespmem:s11+$0xFFFFFF00]  }
0x29a: {  	v9 =	vld [tilespmem:s11+$0xFFFFFF20]  }
0x29b: {  	v10 =	vld [tilespmem:s11+$0xFFFFFF10]  }
0x29c: {  	v11 =	vld [tilespmem:s11+$0xFFFFFF40];
	_ =	sdelay $0x1  }
0x29d: {  	s14 =	sadd.s32 $0x1, s8;
	v7 =	vmul.f32 v7, v4;
	v8 =	vmul.f32 v8, v4  }
0x29e: {  	v12 =	vmov s14;
	v6 =	vmul.f32 v6, v4;
	v9 =	vmul.f32 v9, v4  }
0x29f: {  	v5 =	vmul.f32 v5, v4;
	v10 =	vmul.f32 v10, v4;
	[tilespmem:s11+$0xFFFFFF70] =	vst v7;
	v7 =	vand.u32 $0x7D, v12  }
0x2a0: {  	v3 =	vmul.f32 v3, v4;
	[tilespmem:s11+$0xFFFFFF00] =	vst v8;
	v8 =	vmul.f32 v11, v4;
	v4 =	vor.u32 $0x380, v7  }
0x2a1: {  	[tilespmem:s11+$0xFFFFFF20] =	vst v9;
	v4 =	vbroadcast v4, $0x0  }
0x2a2: {  	[tilespmem:s11+$0xFFFFFF30] =	vst v5  }
0x2a3: {  	[tilespmem:s11+$0xFFFFFF50] =	vst v3;
	v3 =	vld [tilespmem:s11+$0xFFFFFFD0]  }
0x2a4: {  	[tilespmem:s11+$0xFFFFFF10] =	vst v10;
	v5 =	vld [tilespmem:s11+$0xFFFFFFE0]  }
0x2a5: {  	[tilespmem:s11+$0xFFFFFF60] =	vst v6;
	v6 =	vld [tilespmem:s11+$0xFFFFFFB0]  }
0x2a6: {  	[tilespmem:s11+$0xFFFFFF40] =	vst v8;
	v7 =	vld [tilespmem:s11+$0xFFFFFFF0]  }
0x2a7: {  	v4 =	vld.idx.msk [tilespmem:v4+s24+$0x0], $0xffff  }
0x2a8: {  	v8 =	vld [tilespmem:s11+$0xFFFFFF80]  }
0x2a9: {  	v9 =	vld [tilespmem:s11+$0xFFFFFFA0]  }
0x2aa: {  	v10 =	vld [tilespmem:s11+$0xFFFFFFC0]  }
0x2ab: {  	v11 =	vld [tilespmem:s11+$0xFFFFFF90];
	_ =	sdelay $0x1  }
0x2ac: {  	s14 =	sadd.s32 $0x2, s8;
	v7 =	vmul.f32 v7, v4;
	v8 =	vmul.f32 v8, v4  }
0x2ad: {  	v12 =	vmov s14;
	v6 =	vmul.f32 v6, v4;
	v9 =	vmul.f32 v9, v4  }
0x2ae: {  	v5 =	vmul.f32 v5, v4;
	[tilespmem:s11+$0xFFFFFF80] =	vst v8;
	v8 =	vmul.f32 v10, v4;
	v10 =	vand.u32 $0x7E, v12  }
0x2af: {  	v3 =	vmul.f32 v3, v4;
	v11 =	vmul.f32 v11, v4;
	[tilespmem:s11+$0xFFFFFFA0] =	vst v9;
	v4 =	vor.u32 $0x380, v10  }
0x2b0: {  	[tilespmem:s11+$0xFFFFFFF0] =	vst v7;
	v4 =	vbroadcast v4, $0x0  }
0x2b1: {  	[tilespmem:s11+$0xFFFFFFC0] =	vst v8  }
0x2b2: {  	[tilespmem:s11+$0xFFFFFF90] =	vst v11  }
0x2b3: {  	[tilespmem:s11+$0xFFFFFFD0] =	vst v3  }
.Ltmp6:
0x2b4: {  	[tilespmem:s11+$0xFFFFFFB0] =	vst v6;
	v7 =	vld [tilespmem:s11+$0x30];
	(pc) =	sbr.rel @p0 .LBB2_15-.Ltmp6, $4  }
0x2b5: {  	[tilespmem:s11+$0xFFFFFFE0] =	vst v5;
	v6 =	vld [tilespmem:s11+$0x20]  }
0x2b6: {  	v3 =	vld.idx.msk [tilespmem:v4+s24+$0x0], $0xffff  }
0x2b7: {  	v5 =	vld [tilespmem:s11+$0x0]  }
0x2b8: {  	v4 =	vld [tilespmem:s11+$0x10]  }
0x2b9: {  	_ =	sdelay $0x1  }
0x2ba: {  	v8 =	vld [tilespmem:s3+$0x50];
	s8 =	sadd.s32 $0x3, s8;
	v7 =	vmul.f32 v7, v3  }
0x2bb: {  	v9 =	vld [tilespmem:s3+$0x40];
	v10 =	vmov s8;
	v2 =	vmul.f32 v2, v3  }
0x2bc: {  	v54 =	vand.u32 $0x7F, v10;
	v1 =	vmul.f32 v1, v3;
	[tilespmem:s3+$0x30] =	vst v7  }
0x2bd: {  	v6 =	vmul.f32 v6, v3;
	v7 =	vor.u32 $0x380, v54;
	[tilespmem:s3+$0x70] =	vst v2  }
0x2be: {  	[tilespmem:s3+$0x60] =	vst v1;
	v1 =	vmul.f32 v5, v3;
	v55 =	vbroadcast v7, $0x0  }
0x2bf: {  	[tilespmem:s3+$0x20] =	vst v6;
	v2 =	vmul.f32 v8, v3  }
0x2c0: {  	v57 =	vmul.f32 v9, v3;
	[tilespmem:s3+$0x0] =	vst v1  }
0x2c1: {  	[tilespmem:s3+$0x50] =	vst v2;
	v2 =	vmul.f32 v4, v3  }
0x2c2: {  	[tilespmem:s3+$0x40] =	vst v57  }
0x2c3: {  	v56 =	vld [tilespmem:s3+$0x80];
	[tilespmem:s3+$0x10] =	vst v2  }
0x2c4: {  	v1 =	vld.idx.msk [tilespmem:v55+s24+$0x0], $0xffff  }
0x2c5: {  	v2 =	vld [tilespmem:s3+$0xB0]  }
0x2c6: {  	v3 =	vld [tilespmem:s3+$0xA0]  }
0x2c7: {  	v58 =	vld [tilespmem:s3+$0xD0]  }
0x2c8: {  	v61 =	vld [tilespmem:s3+$0xC0]  }
0x2c9: {  	v59 =	vld [tilespmem:s3+$0xF0];
	v7 =	vmul.f32 v56, v1  }
0x2ca: {  	v60 =	vld [tilespmem:s3+$0x90];
	v2 =	vmul.f32 v2, v1  }
0x2cb: {  	v62 =	vld [tilespmem:s3+$0xE0];
	v3 =	vmul.f32 v3, v1;
	[tilespmem:s3+$0x80] =	vst v7  }
0x2cc: {  	v4 =	vmul.f32 v58, v1;
	[tilespmem:s3+$0xB0] =	vst v2  }
0x2cd: {  	v63 =	vmul.f32 v61, v1;
	[tilespmem:s3+$0xA0] =	vst v3  }
0x2ce: {  	v2 =	vmul.f32 v59, v1;
	[tilespmem:s3+$0xD0] =	vst v4  }
0x2cf: {  	v3 =	vmul.f32 v60, v1;
	[tilespmem:s3+$0xC0] =	vst v63  }
0x2d0: {  	v1 =	vmul.f32 v62, v1;
	[tilespmem:s3+$0xF0] =	vst v2  }
0x2d1: {  	p0 =	seq.s32 s18, $0x4;
	[tilespmem:s3+$0x90] =	vst v3  }
0x2d2: {  	s29 =	simm.s32 $0x14780;
	[tilespmem:s3+$0xE0] =	vst v1;
	s3 =	sadd.s32 @!p0 s19, s13  }
0x2d3: {  	[spmem:s1] =	stream.indirect.scatter.add.f32 [tilespmem:s25], [sflag:$0x4], $0x80, s29, s26, $0xb8;
	[tilespmem:$0x1D800] =	vst v63  }
0x2d4: {  	s3 =	sshll.u32 @!p0 s3, $0x4  }
0x2d5: {  	s9 =	simm.s32 @!p0 $0x0;
	s11 =	simm.s32 @!p0 $0x14000;
	s8 =	sadd.s32 @!p0 s4, s3  }
0x2d6: {  	[tilespmem:s11], [sflag:$0x5] =	stream.linear.gather @!p0 [hbm4b:s8+s9], $0x400, $0x38;
	[tilespmem:$0x1D800] =	vst v63  }
0x2d7: {  	s8 =	sadd.s32 @!p0 s5, s3;
	s11 =	simm.s32 @!p0 $0x14400  }
0x2d8: {  	[tilespmem:s11], [sflag:$0x5] =	stream.linear.gather @!p0 [hbm4b:s8+s9], $0x400, $0x38;
	[tilespmem:$0x1D800] =	vst v63  }
0x2d9: {  	s3 =	sadd.s32 @!p0 s6, s3;
	s8 =	simm.s32 @!p0 $0x14800  }
0x2da: {  	[tilespmem:s8], [sflag:$0x5] =	stream.linear.gather @!p0 [hbm4b:s3+s9], $0x400, $0x38;
	[tilespmem:$0x1D800] =	vst v63  }
0x2db: {  	s19 =	simm.s32 $0x0;
	s8 =	simm.s32 $0x0  }
.LBB2_17:
0x2dc: {  	s3 =	sshll.u32 s8, $0x8;
	v2 =	vmov s19  }
0x2dd: {  	_ =	swait.ge [sflag:s31], $0x4000;
	v1 =	vmov s3;
	v2 =	vand.u32 $0x7C, v2  }
0x2de: {  	[sflag:s31] =	ssyncset.done $0x0;
	v2 =	vor.u32 v1, v2  }
0x2df: {  	s21 =	sshllo.u32 s8, $0x1;
	[sflag:s31] =	ssyncadd.s32 $0xFFFFC000;
	v2 =	vbroadcast v2, $0x0  }
0x2e0: {  	s14 =	sshll.u32 s21, $0x9;
	_ =	swait.ge [sflag:s0], $0x4000  }
0x2e1: {  	s3 =	sshrl.u32 s14, $0x2;
	[sflag:s0] =	ssyncset.done $0x0  }
0x2e2: {  	s29 =	simm.s32 $0x15900;
	s9 =	sadd.s32 $0x14C00, s3;
	[sflag:s0] =	ssyncadd.s32 $0xFFFFC000  }
0x2e3: {  	[tilespmem:s25], [sflag:$0x2] =	stream.indirect.gather [hbm4b:s7+s26], $0x80, s9, s26, $0xb8;
	[tilespmem:$0x1D800] =	vst v63  }
0x2e4: {  	v4 =	vld [tilespmem:s29+$0xFFFFFF70]  }
0x2e5: {  	v2 =	vld.idx.msk [tilespmem:v2+s30+$0x0], $0xffff  }
0x2e6: {  	v5 =	vld [tilespmem:s29+$0xFFFFFF00]  }
0x2e7: {  	v6 =	vld [tilespmem:s29+$0xFFFFFF20]  }
0x2e8: {  	v7 =	vld [tilespmem:s29+$0xFFFFFF30]  }
0x2e9: {  	v3 =	vld [tilespmem:s29+$0xFFFFFF50]  }
0x2ea: {  	s15 =	simm.s32 $0x1;
	v9 =	vld [tilespmem:s29+$0xFFFFFF10];
	v4 =	vmul.f32 v4, v2  }
0x2eb: {  	v11 =	vmov s15;
	v8 =	vld [tilespmem:s29+$0xFFFFFF60];
	v5 =	vmul.f32 v5, v2  }
0x2ec: {  	v10 =	vld [tilespmem:s29+$0xFFFFFF40];
	v6 =	vmul.f32 v6, v2;
	[tilespmem:s29+$0xFFFFFF70] =	vst v4;
	v4 =	vand.u32 $0x7D, v11  }
0x2ed: {  	v7 =	vmul.f32 v7, v2;
	[tilespmem:s29+$0xFFFFFF00] =	vst v5;
	v4 =	vor.u32 v1, v4  }
0x2ee: {  	v3 =	vmul.f32 v3, v2;
	[tilespmem:s29+$0xFFFFFF20] =	vst v6;
	v4 =	vbroadcast v4, $0x0  }
0x2ef: {  	v5 =	vmul.f32 v9, v2;
	[tilespmem:s29+$0xFFFFFF30] =	vst v7  }
0x2f0: {  	v6 =	vmul.f32 v8, v2;
	[tilespmem:s29+$0xFFFFFF50] =	vst v3  }
0x2f1: {  	v2 =	vmul.f32 v10, v2;
	[tilespmem:s29+$0xFFFFFF10] =	vst v5  }
0x2f2: {  	[tilespmem:s29+$0xFFFFFF60] =	vst v6  }
0x2f3: {  	[tilespmem:s29+$0xFFFFFF40] =	vst v2;
	v2 =	vld [tilespmem:s29+$0xFFFFFF80]  }
0x2f4: {  	v4 =	vld.idx.msk [tilespmem:v4+s30+$0x0], $0xffff  }
0x2f5: {  	v3 =	vld [tilespmem:s29+$0xFFFFFFA0]  }
0x2f6: {  	v5 =	vld [tilespmem:s29+$0xFFFFFFF0]  }
0x2f7: {  	v6 =	vld [tilespmem:s29+$0xFFFFFFC0]  }
0x2f8: {  	v7 =	vld [tilespmem:s29+$0xFFFFFF90]  }
0x2f9: {  	s22 =	simm.s32 $0x2;
	v8 =	vld [tilespmem:s29+$0xFFFFFFD0];
	v2 =	vmul.f32 v2, v4  }
0x2fa: {  	v9 =	vld [tilespmem:s29+$0xFFFFFFB0];
	v10 =	vmov s22;
	v3 =	vmul.f32 v3, v4  }
0x2fb: {  	v11 =	vld [tilespmem:s29+$0xFFFFFFE0];
	v5 =	vmul.f32 v5, v4;
	[tilespmem:s29+$0xFFFFFF80] =	vst v2;
	v2 =	vand.u32 $0x7E, v10  }
0x2fc: {  	v6 =	vmul.f32 v6, v4;
	[tilespmem:s29+$0xFFFFFFA0] =	vst v3;
	v2 =	vor.u32 v1, v2  }
0x2fd: {  	v3 =	vmul.f32 v7, v4;
	[tilespmem:s29+$0xFFFFFFF0] =	vst v5;
	v5 =	vbroadcast v2, $0x0  }
0x2fe: {  	v7 =	vmul.f32 v8, v4;
	[tilespmem:s29+$0xFFFFFFC0] =	vst v6;
	v8 =	vld [tilespmem:s29+$0x30]  }
0x2ff: {  	v6 =	vmul.f32 v9, v4;
	v2 =	vld [tilespmem:s29+$0x60];
	[tilespmem:s29+$0xFFFFFF90] =	vst v3  }
0x300: {  	v4 =	vmul.f32 v11, v4;
	v3 =	vld [tilespmem:s29+$0x70];
	[tilespmem:s29+$0xFFFFFFD0] =	vst v7  }
0x301: {  	[tilespmem:s29+$0xFFFFFFB0] =	vst v6;
	v7 =	vld [tilespmem:s29+$0x20]  }
0x302: {  	[tilespmem:s29+$0xFFFFFFE0] =	vst v4;
	v6 =	vld [tilespmem:s29+$0x0]  }
0x303: {  	v4 =	vld.idx.msk [tilespmem:v5+s30+$0x0], $0xffff  }
0x304: {  	s11 =	simm.s32 $0x15900;
	s9 =	simm.s32 $0x4;
	s22 =	simm.s32 $0x0;
	v5 =	vld [tilespmem:s29+$0x10]  }
.LBB2_18:
0x305: {  	p1 =	slt.u32 s9, $0x7C  }
0x306: {  	v9 =	vld [tilespmem:s29+$0x50];
	s11 =	sadd.s32 $0x200, s11;
	s14 =	smov.u32 s9;
	s9 =	sadd.s32 $0x4, s9  }
0x307: {  	v10 =	vld [tilespmem:s29+$0x40];
	_ =	sdelay $0x1  }
0x308: {  	s15 =	sadd.s32 $0x3, s22;
	s22 =	smov.u32 s14;
	v8 =	vmul.f32 v8, v4;
	v6 =	vmul.f32 v6, v4  }
0x309: {  	v11 =	vmov s15;
	v7 =	vmul.f32 v7, v4;
	v5 =	vmul.f32 v5, v4  }
0x30a: {  	v2 =	vmul.f32 v2, v4;
	v3 =	vmul.f32 v3, v4;
	[tilespmem:s29+$0x30] =	vst v8;
	v8 =	vand.u32 $0x7F, v11  }
0x30b: {  	[tilespmem:s29+$0x20] =	vst v7;
	v7 =	vmul.f32 v10, v4;
	v4 =	vmul.f32 v9, v4;
	v8 =	vor.u32 v1, v8  }
0x30c: {  	[tilespmem:s29+$0x70] =	vst v3;
	v8 =	vbroadcast v8, $0x0;
	v9 =	vld [tilespmem:s29+$0x80]  }
0x30d: {  	[tilespmem:s29+$0x60] =	vst v2;
	v10 =	vld [tilespmem:s29+$0xF0]  }
0x30e: {  	v2 =	vld [tilespmem:s11+$0x60];
	[tilespmem:s29+$0x50] =	vst v4  }
0x30f: {  	v3 =	vld [tilespmem:s11+$0x70];
	[tilespmem:s29+$0x40] =	vst v7  }
0x310: {  	[tilespmem:s29+$0x0] =	vst v6;
	v4 =	vld [tilespmem:s29+$0xD0]  }
0x311: {  	[tilespmem:s29+$0x10] =	vst v5;
	v5 =	vld [tilespmem:s29+$0xB0]  }
0x312: {  	v6 =	vld.idx.msk [tilespmem:v8+s30+$0x0], $0xffff  }
0x313: {  	v7 =	vld [tilespmem:s29+$0x90]  }
0x314: {  	v8 =	vld [tilespmem:s29+$0xA0]  }
0x315: {  	v11 =	vld [tilespmem:s29+$0xC0]  }
0x316: {  	v12 =	vld [tilespmem:s29+$0xE0];
	_ =	sdelay $0x1  }
0x317: {  	v9 =	vmul.f32 v9, v6;
	v7 =	vmul.f32 v7, v6  }
0x318: {  	v13 =	vmov s22;
	v5 =	vmul.f32 v5, v6;
	v8 =	vmul.f32 v8, v6  }
0x319: {  	v13 =	vand.u32 $0x7C, v13;
	v4 =	vmul.f32 v4, v6;
	[tilespmem:s29+$0x80] =	vst v9;
	v9 =	vmul.f32 v11, v6  }
0x31a: {  	v11 =	vor.u32 v1, v13;
	[tilespmem:s29+$0xB0] =	vst v5;
	v5 =	vmul.f32 v12, v6;
	v6 =	vmul.f32 v10, v6  }
0x31b: {  	v10 =	vbroadcast v11, $0x0;
	[tilespmem:s29+$0xA0] =	vst v8  }
0x31c: {  	[tilespmem:s29+$0xD0] =	vst v4  }
0x31d: {  	v4 =	vld [tilespmem:s11+$0xFFFFFF50];
	[tilespmem:s29+$0xF0] =	vst v6  }
0x31e: {  	v6 =	vld [tilespmem:s11+$0xFFFFFF30];
	[tilespmem:s29+$0x90] =	vst v7  }
0x31f: {  	v7 =	vld [tilespmem:s11+$0xFFFFFF60];
	[tilespmem:s29+$0xC0] =	vst v9  }
0x320: {  	v8 =	vld [tilespmem:s11+$0xFFFFFF70];
	[tilespmem:s29+$0xE0] =	vst v5;
	s29 =	smov.u32 s11  }
0x321: {  	v5 =	vld.idx.msk [tilespmem:v10+s30+$0x0], $0xffff  }
0x322: {  	v9 =	vld [tilespmem:s11+$0xFFFFFF00]  }
0x323: {  	v10 =	vld [tilespmem:s11+$0xFFFFFF20]  }
0x324: {  	v11 =	vld [tilespmem:s11+$0xFFFFFF10]  }
0x325: {  	v12 =	vld [tilespmem:s11+$0xFFFFFF40];
	_ =	sdelay $0x1  }
0x326: {  	s14 =	sadd.s32 $0x1, s22;
	v8 =	vmul.f32 v8, v5;
	v9 =	vmul.f32 v9, v5  }
0x327: {  	v13 =	vmov s14;
	v7 =	vmul.f32 v7, v5;
	v10 =	vmul.f32 v10, v5  }
0x328: {  	v6 =	vmul.f32 v6, v5;
	v11 =	vmul.f32 v11, v5;
	[tilespmem:s11+$0xFFFFFF70] =	vst v8;
	v8 =	vand.u32 $0x7D, v13  }
0x329: {  	v4 =	vmul.f32 v4, v5;
	[tilespmem:s11+$0xFFFFFF00] =	vst v9;
	v9 =	vmul.f32 v12, v5;
	v5 =	vor.u32 v1, v8  }
0x32a: {  	[tilespmem:s11+$0xFFFFFF20] =	vst v10;
	v5 =	vbroadcast v5, $0x0  }
0x32b: {  	[tilespmem:s11+$0xFFFFFF30] =	vst v6  }
0x32c: {  	[tilespmem:s11+$0xFFFFFF50] =	vst v4;
	v4 =	vld [tilespmem:s11+$0xFFFFFFD0]  }
0x32d: {  	[tilespmem:s11+$0xFFFFFF10] =	vst v11;
	v6 =	vld [tilespmem:s11+$0xFFFFFFE0]  }
0x32e: {  	[tilespmem:s11+$0xFFFFFF60] =	vst v7;
	v7 =	vld [tilespmem:s11+$0xFFFFFFB0]  }
0x32f: {  	[tilespmem:s11+$0xFFFFFF40] =	vst v9;
	v8 =	vld [tilespmem:s11+$0xFFFFFFF0]  }
0x330: {  	v5 =	vld.idx.msk [tilespmem:v5+s30+$0x0], $0xffff  }
0x331: {  	v9 =	vld [tilespmem:s11+$0xFFFFFF80]  }
0x332: {  	v10 =	vld [tilespmem:s11+$0xFFFFFFA0]  }
0x333: {  	v11 =	vld [tilespmem:s11+$0xFFFFFFC0]  }
0x334: {  	v12 =	vld [tilespmem:s11+$0xFFFFFF90];
	_ =	sdelay $0x1  }
0x335: {  	s14 =	sadd.s32 $0x2, s22;
	v8 =	vmul.f32 v8, v5;
	v9 =	vmul.f32 v9, v5  }
0x336: {  	v13 =	vmov s14;
	v7 =	vmul.f32 v7, v5;
	v10 =	vmul.f32 v10, v5  }
0x337: {  	v6 =	vmul.f32 v6, v5;
	[tilespmem:s11+$0xFFFFFF80] =	vst v9;
	v9 =	vmul.f32 v11, v5;
	v11 =	vand.u32 $0x7E, v13  }
0x338: {  	v4 =	vmul.f32 v4, v5;
	v12 =	vmul.f32 v12, v5;
	[tilespmem:s11+$0xFFFFFFA0] =	vst v10;
	v5 =	vor.u32 v1, v11  }
0x339: {  	[tilespmem:s11+$0xFFFFFFF0] =	vst v8;
	v5 =	vbroadcast v5, $0x0  }
0x33a: {  	[tilespmem:s11+$0xFFFFFFC0] =	vst v9  }
0x33b: {  	[tilespmem:s11+$0xFFFFFF90] =	vst v12  }
0x33c: {  	[tilespmem:s11+$0xFFFFFFD0] =	vst v4  }
.Ltmp7:
0x33d: {  	[tilespmem:s11+$0xFFFFFFB0] =	vst v7;
	v8 =	vld [tilespmem:s11+$0x30];
	(pc) =	sbr.rel @p1 .LBB2_18-.Ltmp7, $4  }
0x33e: {  	[tilespmem:s11+$0xFFFFFFE0] =	vst v6;
	v7 =	vld [tilespmem:s11+$0x20]  }
0x33f: {  	v4 =	vld.idx.msk [tilespmem:v5+s30+$0x0], $0xffff  }
0x340: {  	v6 =	vld [tilespmem:s11+$0x0]  }
0x341: {  	v5 =	vld [tilespmem:s11+$0x10]  }
0x342: {  	_ =	sdelay $0x1  }
0x343: {  	v9 =	vld [tilespmem:s29+$0x50];
	s9 =	sadd.s32 $0x3, s22;
	v8 =	vmul.f32 v8, v4  }
0x344: {  	v10 =	vld [tilespmem:s29+$0x40];
	v11 =	vmov s9;
	v3 =	vmul.f32 v3, v4  }
0x345: {  	v2 =	vmul.f32 v2, v4;
	[tilespmem:s29+$0x30] =	vst v8;
	v8 =	vand.u32 $0x7F, v11  }
0x346: {  	v7 =	vmul.f32 v7, v4;
	[tilespmem:s29+$0x70] =	vst v3;
	v1 =	vor.u32 v1, v8  }
0x347: {  	[tilespmem:s29+$0x60] =	vst v2;
	v2 =	vmul.f32 v6, v4;
	v1 =	vbroadcast v1, $0x0  }
0x348: {  	[tilespmem:s29+$0x20] =	vst v7;
	v3 =	vmul.f32 v9, v4  }
0x349: {  	v8 =	vmul.f32 v10, v4;
	[tilespmem:s29+$0x0] =	vst v2  }
0x34a: {  	[tilespmem:s29+$0x50] =	vst v3;
	v3 =	vmul.f32 v5, v4  }
0x34b: {  	[tilespmem:s29+$0x40] =	vst v8  }
0x34c: {  	v7 =	vld [tilespmem:s29+$0x80];
	[tilespmem:s29+$0x10] =	vst v3  }
0x34d: {  	v1 =	vld.idx.msk [tilespmem:v1+s30+$0x0], $0xffff  }
0x34e: {  	v2 =	vld [tilespmem:s29+$0xB0]  }
0x34f: {  	v3 =	vld [tilespmem:s29+$0xA0]  }
0x350: {  	v4 =	vld [tilespmem:s29+$0xD0]  }
0x351: {  	v5 =	vld [tilespmem:s29+$0xF0]  }
0x352: {  	v6 =	vld [tilespmem:s29+$0x90];
	v7 =	vmul.f32 v7, v1  }
0x353: {  	v8 =	vld [tilespmem:s29+$0xC0];
	v2 =	vmul.f32 v2, v1  }
0x354: {  	v9 =	vld [tilespmem:s29+$0xE0];
	v3 =	vmul.f32 v3, v1;
	[tilespmem:s29+$0x80] =	vst v7  }
0x355: {  	v4 =	vmul.f32 v4, v1;
	[tilespmem:s29+$0xB0] =	vst v2  }
0x356: {  	v2 =	vmul.f32 v5, v1;
	[tilespmem:s29+$0xA0] =	vst v3  }
0x357: {  	v3 =	vmul.f32 v6, v1;
	[tilespmem:s29+$0xD0] =	vst v4  }
0x358: {  	v4 =	vmul.f32 v8, v1;
	[tilespmem:s29+$0xF0] =	vst v2  }
0x359: {  	s11 =	sshll.u32 s8, $0xA;
	v1 =	vmul.f32 v9, v1;
	[tilespmem:s29+$0x90] =	vst v3  }
0x35a: {  	s9 =	sshra.s32 s11, $0x2;
	[tilespmem:s29+$0xC0] =	vst v4  }
0x35b: {  	s22 =	simm.s32 $0x0;
	s14 =	sshll.u32 s21, $0x7;
	s11 =	sadd.s32 $0x15000, s9;
	[tilespmem:s29+$0xE0] =	vst v1  }
0x35c: {  	v2 =	vmov s22;
	[spmem:s1] =	stream.indirect.scatter.add.f32 [tilespmem:s20], [sflag:$0x3], $0x80, s11, s26, $0xb8;
	[tilespmem:$0x1D800] =	vst v63  }
0x35d: {  	v1 =	vmov s14;
	v2 =	vand.u32 $0x7C, v2;
	_ =	swait.ge [sflag:s23], $0x4000  }
0x35e: {  	v2 =	vor.u32 v1, v2;
	[sflag:s23] =	ssyncset.done $0x0  }
0x35f: {  	v2 =	vbroadcast v2, $0x0;
	[sflag:s23] =	ssyncadd.s32 $0xFFFFC000  }
0x360: {  	_ =	swait.ge [sflag:s2], $0x4000  }
0x361: {  	[sflag:s2] =	ssyncset.done $0x0  }
0x362: {  	s21 =	simm.s32 $0x19900;
	s9 =	sadd.s32 $0x14D00, s9;
	[sflag:s2] =	ssyncadd.s32 $0xFFFFC000  }
0x363: {  	[tilespmem:s20], [sflag:$0x1] =	stream.indirect.gather [hbm4b:s7+s26], $0x80, s9, s26, $0xb8;
	[tilespmem:$0x1D800] =	vst v63  }
0x364: {  	v4 =	vld [tilespmem:s21+$0xFFFFFF70]  }
0x365: {  	v2 =	vld.idx.msk [tilespmem:v2+s30+$0x0], $0xffff  }
0x366: {  	v5 =	vld [tilespmem:s21+$0xFFFFFF00]  }
0x367: {  	v6 =	vld [tilespmem:s21+$0xFFFFFF20]  }
0x368: {  	v7 =	vld [tilespmem:s21+$0xFFFFFF30]  }
0x369: {  	v3 =	vld [tilespmem:s21+$0xFFFFFF50]  }
0x36a: {  	s15 =	simm.s32 $0x1;
	v9 =	vld [tilespmem:s21+$0xFFFFFF10];
	v4 =	vmul.f32 v4, v2  }
0x36b: {  	v11 =	vmov s15;
	v8 =	vld [tilespmem:s21+$0xFFFFFF60];
	v5 =	vmul.f32 v5, v2  }
0x36c: {  	v10 =	vld [tilespmem:s21+$0xFFFFFF40];
	v6 =	vmul.f32 v6, v2;
	[tilespmem:s21+$0xFFFFFF70] =	vst v4;
	v4 =	vand.u32 $0x7D, v11  }
0x36d: {  	v7 =	vmul.f32 v7, v2;
	[tilespmem:s21+$0xFFFFFF00] =	vst v5;
	v4 =	vor.u32 v1, v4  }
0x36e: {  	v3 =	vmul.f32 v3, v2;
	[tilespmem:s21+$0xFFFFFF20] =	vst v6;
	v4 =	vbroadcast v4, $0x0  }
0x36f: {  	v5 =	vmul.f32 v9, v2;
	[tilespmem:s21+$0xFFFFFF30] =	vst v7  }
0x370: {  	v6 =	vmul.f32 v8, v2;
	[tilespmem:s21+$0xFFFFFF50] =	vst v3  }
0x371: {  	v2 =	vmul.f32 v10, v2;
	[tilespmem:s21+$0xFFFFFF10] =	vst v5  }
0x372: {  	[tilespmem:s21+$0xFFFFFF60] =	vst v6  }
0x373: {  	[tilespmem:s21+$0xFFFFFF40] =	vst v2;
	v2 =	vld [tilespmem:s21+$0xFFFFFF80]  }
0x374: {  	v4 =	vld.idx.msk [tilespmem:v4+s30+$0x0], $0xffff  }
0x375: {  	v3 =	vld [tilespmem:s21+$0xFFFFFFA0]  }
0x376: {  	v5 =	vld [tilespmem:s21+$0xFFFFFFF0]  }
0x377: {  	v6 =	vld [tilespmem:s21+$0xFFFFFFC0]  }
0x378: {  	v7 =	vld [tilespmem:s21+$0xFFFFFF90]  }
0x379: {  	s29 =	simm.s32 $0x2;
	v8 =	vld [tilespmem:s21+$0xFFFFFFD0];
	v2 =	vmul.f32 v2, v4  }
0x37a: {  	v9 =	vld [tilespmem:s21+$0xFFFFFFB0];
	v10 =	vmov s29;
	v3 =	vmul.f32 v3, v4  }
0x37b: {  	v11 =	vld [tilespmem:s21+$0xFFFFFFE0];
	v5 =	vmul.f32 v5, v4;
	[tilespmem:s21+$0xFFFFFF80] =	vst v2;
	v2 =	vand.u32 $0x7E, v10  }
0x37c: {  	v6 =	vmul.f32 v6, v4;
	[tilespmem:s21+$0xFFFFFFA0] =	vst v3;
	v2 =	vor.u32 v1, v2  }
0x37d: {  	v3 =	vmul.f32 v7, v4;
	[tilespmem:s21+$0xFFFFFFF0] =	vst v5;
	v5 =	vbroadcast v2, $0x0  }
0x37e: {  	v7 =	vmul.f32 v8, v4;
	[tilespmem:s21+$0xFFFFFFC0] =	vst v6;
	v8 =	vld [tilespmem:s21+$0x30]  }
0x37f: {  	v6 =	vmul.f32 v9, v4;
	v2 =	vld [tilespmem:s21+$0x60];
	[tilespmem:s21+$0xFFFFFF90] =	vst v3  }
0x380: {  	v4 =	vmul.f32 v11, v4;
	v3 =	vld [tilespmem:s21+$0x70];
	[tilespmem:s21+$0xFFFFFFD0] =	vst v7  }
0x381: {  	[tilespmem:s21+$0xFFFFFFB0] =	vst v6;
	v7 =	vld [tilespmem:s21+$0x20]  }
0x382: {  	[tilespmem:s21+$0xFFFFFFE0] =	vst v4;
	v6 =	vld [tilespmem:s21+$0x0]  }
0x383: {  	v4 =	vld.idx.msk [tilespmem:v5+s30+$0x0], $0xffff  }
0x384: {  	s11 =	simm.s32 $0x19900;
	s9 =	simm.s32 $0x4;
	v5 =	vld [tilespmem:s21+$0x10]  }
.LBB2_20:
0x385: {  	p1 =	slt.u32 s9, $0x7C  }
0x386: {  	v9 =	vld [tilespmem:s21+$0x50];
	s11 =	sadd.s32 $0x200, s11;
	s14 =	smov.u32 s9;
	s9 =	sadd.s32 $0x4, s9  }
0x387: {  	v10 =	vld [tilespmem:s21+$0x40];
	_ =	sdelay $0x1  }
0x388: {  	s15 =	sadd.s32 $0x3, s22;
	s22 =	smov.u32 s14;
	v8 =	vmul.f32 v8, v4;
	v6 =	vmul.f32 v6, v4  }
0x389: {  	v11 =	vmov s15;
	v7 =	vmul.f32 v7, v4;
	v5 =	vmul.f32 v5, v4  }
0x38a: {  	v2 =	vmul.f32 v2, v4;
	v3 =	vmul.f32 v3, v4;
	[tilespmem:s21+$0x30] =	vst v8;
	v8 =	vand.u32 $0x7F, v11  }
0x38b: {  	[tilespmem:s21+$0x20] =	vst v7;
	v7 =	vmul.f32 v10, v4;
	v4 =	vmul.f32 v9, v4;
	v8 =	vor.u32 v1, v8  }
0x38c: {  	[tilespmem:s21+$0x70] =	vst v3;
	v8 =	vbroadcast v8, $0x0;
	v9 =	vld [tilespmem:s21+$0x80]  }
0x38d: {  	[tilespmem:s21+$0x60] =	vst v2;
	v10 =	vld [tilespmem:s21+$0xF0]  }
0x38e: {  	v2 =	vld [tilespmem:s11+$0x60];
	[tilespmem:s21+$0x50] =	vst v4  }
0x38f: {  	v3 =	vld [tilespmem:s11+$0x70];
	[tilespmem:s21+$0x40] =	vst v7  }
0x390: {  	[tilespmem:s21+$0x0] =	vst v6;
	v4 =	vld [tilespmem:s21+$0xD0]  }
0x391: {  	[tilespmem:s21+$0x10] =	vst v5;
	v5 =	vld [tilespmem:s21+$0xB0]  }
0x392: {  	v6 =	vld.idx.msk [tilespmem:v8+s30+$0x0], $0xffff  }
0x393: {  	v7 =	vld [tilespmem:s21+$0x90]  }
0x394: {  	v8 =	vld [tilespmem:s21+$0xA0]  }
0x395: {  	v11 =	vld [tilespmem:s21+$0xC0]  }
0x396: {  	v12 =	vld [tilespmem:s21+$0xE0];
	_ =	sdelay $0x1  }
0x397: {  	v9 =	vmul.f32 v9, v6;
	v7 =	vmul.f32 v7, v6  }
0x398: {  	v13 =	vmov s22;
	v5 =	vmul.f32 v5, v6;
	v8 =	vmul.f32 v8, v6  }
0x399: {  	v13 =	vand.u32 $0x7C, v13;
	v4 =	vmul.f32 v4, v6;
	[tilespmem:s21+$0x80] =	vst v9;
	v9 =	vmul.f32 v11, v6  }
0x39a: {  	v11 =	vor.u32 v1, v13;
	[tilespmem:s21+$0xB0] =	vst v5;
	v5 =	vmul.f32 v12, v6;
	v6 =	vmul.f32 v10, v6  }
0x39b: {  	v10 =	vbroadcast v11, $0x0;
	[tilespmem:s21+$0xA0] =	vst v8  }
0x39c: {  	[tilespmem:s21+$0xD0] =	vst v4  }
0x39d: {  	v4 =	vld [tilespmem:s11+$0xFFFFFF50];
	[tilespmem:s21+$0xF0] =	vst v6  }
0x39e: {  	v6 =	vld [tilespmem:s11+$0xFFFFFF30];
	[tilespmem:s21+$0x90] =	vst v7  }
0x39f: {  	v7 =	vld [tilespmem:s11+$0xFFFFFF60];
	[tilespmem:s21+$0xC0] =	vst v9  }
0x3a0: {  	v8 =	vld [tilespmem:s11+$0xFFFFFF70];
	[tilespmem:s21+$0xE0] =	vst v5;
	s21 =	smov.u32 s11  }
0x3a1: {  	v5 =	vld.idx.msk [tilespmem:v10+s30+$0x0], $0xffff  }
0x3a2: {  	v9 =	vld [tilespmem:s11+$0xFFFFFF00]  }
0x3a3: {  	v10 =	vld [tilespmem:s11+$0xFFFFFF20]  }
0x3a4: {  	v11 =	vld [tilespmem:s11+$0xFFFFFF10]  }
0x3a5: {  	v12 =	vld [tilespmem:s11+$0xFFFFFF40];
	_ =	sdelay $0x1  }
0x3a6: {  	s14 =	sadd.s32 $0x1, s22;
	v8 =	vmul.f32 v8, v5;
	v9 =	vmul.f32 v9, v5  }
0x3a7: {  	v13 =	vmov s14;
	v7 =	vmul.f32 v7, v5;
	v10 =	vmul.f32 v10, v5  }
0x3a8: {  	v6 =	vmul.f32 v6, v5;
	v11 =	vmul.f32 v11, v5;
	[tilespmem:s11+$0xFFFFFF70] =	vst v8;
	v8 =	vand.u32 $0x7D, v13  }
0x3a9: {  	v4 =	vmul.f32 v4, v5;
	[tilespmem:s11+$0xFFFFFF00] =	vst v9;
	v9 =	vmul.f32 v12, v5;
	v5 =	vor.u32 v1, v8  }
0x3aa: {  	[tilespmem:s11+$0xFFFFFF20] =	vst v10;
	v5 =	vbroadcast v5, $0x0  }
0x3ab: {  	[tilespmem:s11+$0xFFFFFF30] =	vst v6  }
0x3ac: {  	[tilespmem:s11+$0xFFFFFF50] =	vst v4;
	v4 =	vld [tilespmem:s11+$0xFFFFFFD0]  }
0x3ad: {  	[tilespmem:s11+$0xFFFFFF10] =	vst v11;
	v6 =	vld [tilespmem:s11+$0xFFFFFFE0]  }
0x3ae: {  	[tilespmem:s11+$0xFFFFFF60] =	vst v7;
	v7 =	vld [tilespmem:s11+$0xFFFFFFB0]  }
0x3af: {  	[tilespmem:s11+$0xFFFFFF40] =	vst v9;
	v8 =	vld [tilespmem:s11+$0xFFFFFFF0]  }
0x3b0: {  	v5 =	vld.idx.msk [tilespmem:v5+s30+$0x0], $0xffff  }
0x3b1: {  	v9 =	vld [tilespmem:s11+$0xFFFFFF80]  }
0x3b2: {  	v10 =	vld [tilespmem:s11+$0xFFFFFFA0]  }
0x3b3: {  	v11 =	vld [tilespmem:s11+$0xFFFFFFC0]  }
0x3b4: {  	v12 =	vld [tilespmem:s11+$0xFFFFFF90];
	_ =	sdelay $0x1  }
0x3b5: {  	s14 =	sadd.s32 $0x2, s22;
	v8 =	vmul.f32 v8, v5;
	v9 =	vmul.f32 v9, v5  }
0x3b6: {  	v13 =	vmov s14;
	v7 =	vmul.f32 v7, v5;
	v10 =	vmul.f32 v10, v5  }
0x3b7: {  	v6 =	vmul.f32 v6, v5;
	[tilespmem:s11+$0xFFFFFF80] =	vst v9;
	v9 =	vmul.f32 v11, v5;
	v11 =	vand.u32 $0x7E, v13  }
0x3b8: {  	v4 =	vmul.f32 v4, v5;
	v12 =	vmul.f32 v12, v5;
	[tilespmem:s11+$0xFFFFFFA0] =	vst v10;
	v5 =	vor.u32 v1, v11  }
0x3b9: {  	[tilespmem:s11+$0xFFFFFFF0] =	vst v8;
	v5 =	vbroadcast v5, $0x0  }
0x3ba: {  	[tilespmem:s11+$0xFFFFFFC0] =	vst v9  }
0x3bb: {  	[tilespmem:s11+$0xFFFFFF90] =	vst v12  }
0x3bc: {  	[tilespmem:s11+$0xFFFFFFD0] =	vst v4  }
.Ltmp8:
0x3bd: {  	[tilespmem:s11+$0xFFFFFFB0] =	vst v7;
	v8 =	vld [tilespmem:s11+$0x30];
	(pc) =	sbr.rel @p1 .LBB2_20-.Ltmp8, $4  }
0x3be: {  	[tilespmem:s11+$0xFFFFFFE0] =	vst v6;
	v7 =	vld [tilespmem:s11+$0x20]  }
0x3bf: {  	v4 =	vld.idx.msk [tilespmem:v5+s30+$0x0], $0xffff  }
0x3c0: {  	v6 =	vld [tilespmem:s11+$0x0]  }
0x3c1: {  	v5 =	vld [tilespmem:s11+$0x10]  }
0x3c2: {  	_ =	sdelay $0x1  }
0x3c3: {  	v9 =	vld [tilespmem:s21+$0x50];
	s9 =	sadd.s32 $0x3, s22;
	v8 =	vmul.f32 v8, v4  }
0x3c4: {  	v10 =	vld [tilespmem:s21+$0x40];
	v11 =	vmov s9;
	v3 =	vmul.f32 v3, v4  }
0x3c5: {  	v55 =	vand.u32 $0x7F, v11;
	v2 =	vmul.f32 v2, v4;
	[tilespmem:s21+$0x30] =	vst v8  }
0x3c6: {  	v7 =	vmul.f32 v7, v4;
	v1 =	vor.u32 v1, v55;
	[tilespmem:s21+$0x70] =	vst v3  }
0x3c7: {  	v1 =	vbroadcast v1, $0x0;
	[tilespmem:s21+$0x60] =	vst v2;
	v2 =	vmul.f32 v6, v4  }
0x3c8: {  	[tilespmem:s21+$0x20] =	vst v7;
	v3 =	vmul.f32 v9, v4  }
0x3c9: {  	v57 =	vmul.f32 v10, v4;
	[tilespmem:s21+$0x0] =	vst v2  }
0x3ca: {  	[tilespmem:s21+$0x50] =	vst v3;
	v3 =	vmul.f32 v5, v4  }
0x3cb: {  	[tilespmem:s21+$0x40] =	vst v57  }
0x3cc: {  	v56 =	vld [tilespmem:s21+$0x80];
	[tilespmem:s21+$0x10] =	vst v3  }
0x3cd: {  	v1 =	vld.idx.msk [tilespmem:v1+s30+$0x0], $0xffff  }
0x3ce: {  	v2 =	vld [tilespmem:s21+$0xB0]  }
0x3cf: {  	v3 =	vld [tilespmem:s21+$0xA0]  }
0x3d0: {  	v58 =	vld [tilespmem:s21+$0xD0]  }
0x3d1: {  	v61 =	vld [tilespmem:s21+$0xC0]  }
0x3d2: {  	v59 =	vld [tilespmem:s21+$0xF0];
	v7 =	vmul.f32 v56, v1  }
0x3d3: {  	v60 =	vld [tilespmem:s21+$0x90];
	v2 =	vmul.f32 v2, v1  }
0x3d4: {  	v62 =	vld [tilespmem:s21+$0xE0];
	v3 =	vmul.f32 v3, v1;
	[tilespmem:s21+$0x80] =	vst v7  }
0x3d5: {  	v4 =	vmul.f32 v58, v1;
	[tilespmem:s21+$0xB0] =	vst v2  }
0x3d6: {  	s8 =	sadd.s32 $0x1, s8;
	v63 =	vmul.f32 v61, v1;
	[tilespmem:s21+$0xA0] =	vst v3  }
0x3d7: {  	p1 =	sne.s32 s8, $0x3;
	v2 =	vmul.f32 v59, v1;
	[tilespmem:s21+$0xD0] =	vst v4  }
.Ltmp9:
0x3d8: {  	v3 =	vmul.f32 v60, v1;
	[tilespmem:s21+$0xC0] =	vst v63;
	(pc) =	sbr.rel @p1 .LBB2_17-.Ltmp9, $4  }
0x3d9: {  	v1 =	vmul.f32 v62, v1;
	[tilespmem:s21+$0xF0] =	vst v2  }
0x3da: {  	[tilespmem:s21+$0x90] =	vst v3  }
0x3db: {  	s3 =	sadd.s32 $0x15000, s3;
	[tilespmem:s21+$0xE0] =	vst v1  }
0x3dc: {  	[spmem:s1] =	stream.indirect.scatter.add.f32 [tilespmem:s25], [sflag:$0x4], $0x80, s3, s26, $0xb8;
	[tilespmem:$0x1D800] =	vst v63  }
0x3dd: {  	s8 =	simm.s32 $0x0  }
0x3de: {  	_ =	swait.ge [sflag:s31], $0x4000;
	v1 =	vmov s8  }
0x3df: {  	[sflag:s31] =	ssyncset.done $0x0;
	v1 =	vand.u32 $0x7C, v1  }
0x3e0: {  	[sflag:s31] =	ssyncadd.s32 $0xFFFFC000;
	v1 =	vor.u32 $0x300, v1  }
0x3e1: {  	_ =	swait.ge [sflag:s0], $0x4000;
	v1 =	vbroadcast v1, $0x0  }
0x3e2: {  	[sflag:s0] =	ssyncset.done $0x0  }
0x3e3: {  	s3 =	simm.s32 $0x14F80;
	[sflag:s0] =	ssyncadd.s32 $0xFFFFC000  }
0x3e4: {  	[tilespmem:s25], [sflag:$0x2] =	stream.indirect.gather [hbm4b:s7+s26], $0x80, s3, s26, $0xb8;
	[tilespmem:$0x1D800] =	vst v63  }
0x3e5: {  	s3 =	simm.s32 $0x15900  }
0x3e6: {  	v3 =	vld [tilespmem:s3+$0xFFFFFF70]  }
0x3e7: {  	v1 =	vld.idx.msk [tilespmem:v1+s30+$0x0], $0xffff  }
0x3e8: {  	v4 =	vld [tilespmem:s3+$0xFFFFFF00]  }
0x3e9: {  	v5 =	vld [tilespmem:s3+$0xFFFFFF20]  }
0x3ea: {  	v6 =	vld [tilespmem:s3+$0xFFFFFF30]  }
0x3eb: {  	v2 =	vld [tilespmem:s3+$0xFFFFFF50]  }
0x3ec: {  	s9 =	simm.s32 $0x1;
	v8 =	vld [tilespmem:s3+$0xFFFFFF10];
	v3 =	vmul.f32 v3, v1  }
0x3ed: {  	v10 =	vmov s9;
	v7 =	vld [tilespmem:s3+$0xFFFFFF60];
	v4 =	vmul.f32 v4, v1  }
0x3ee: {  	v9 =	vld [tilespmem:s3+$0xFFFFFF40];
	v5 =	vmul.f32 v5, v1;
	[tilespmem:s3+$0xFFFFFF70] =	vst v3;
	v3 =	vand.u32 $0x7D, v10  }
0x3ef: {  	v6 =	vmul.f32 v6, v1;
	[tilespmem:s3+$0xFFFFFF00] =	vst v4;
	v3 =	vor.u32 $0x300, v3  }
0x3f0: {  	v2 =	vmul.f32 v2, v1;
	[tilespmem:s3+$0xFFFFFF20] =	vst v5;
	v3 =	vbroadcast v3, $0x0  }
0x3f1: {  	v4 =	vmul.f32 v8, v1;
	[tilespmem:s3+$0xFFFFFF30] =	vst v6  }
0x3f2: {  	v5 =	vmul.f32 v7, v1;
	[tilespmem:s3+$0xFFFFFF50] =	vst v2  }
0x3f3: {  	v1 =	vmul.f32 v9, v1;
	[tilespmem:s3+$0xFFFFFF10] =	vst v4  }
0x3f4: {  	[tilespmem:s3+$0xFFFFFF60] =	vst v5  }
0x3f5: {  	[tilespmem:s3+$0xFFFFFF40] =	vst v1;
	v1 =	vld [tilespmem:s3+$0xFFFFFF80]  }
0x3f6: {  	v3 =	vld.idx.msk [tilespmem:v3+s30+$0x0], $0xffff  }
0x3f7: {  	v2 =	vld [tilespmem:s3+$0xFFFFFFA0]  }
0x3f8: {  	v4 =	vld [tilespmem:s3+$0xFFFFFFF0]  }
0x3f9: {  	v5 =	vld [tilespmem:s3+$0xFFFFFFC0]  }
0x3fa: {  	v6 =	vld [tilespmem:s3+$0xFFFFFF90]  }
0x3fb: {  	s29 =	simm.s32 $0x2;
	v7 =	vld [tilespmem:s3+$0xFFFFFFD0];
	v1 =	vmul.f32 v1, v3  }
0x3fc: {  	v62 =	vmov s29;
	v8 =	vld [tilespmem:s3+$0xFFFFFFB0];
	v2 =	vmul.f32 v2, v3  }
0x3fd: {  	v63 =	vld [tilespmem:s3+$0xFFFFFFE0];
	v4 =	vmul.f32 v4, v3;
	[tilespmem:s3+$0xFFFFFF80] =	vst v1;
	v1 =	vand.u32 $0x7E, v62  }
0x3fe: {  	v5 =	vmul.f32 v5, v3;
	[tilespmem:s3+$0xFFFFFFA0] =	vst v2;
	v1 =	vor.u32 $0x300, v1  }
0x3ff: {  	v2 =	vmul.f32 v6, v3;
	[tilespmem:s3+$0xFFFFFFF0] =	vst v4;
	v4 =	vbroadcast v1, $0x0  }
0x400: {  	v6 =	vmul.f32 v7, v3;
	[tilespmem:s3+$0xFFFFFFC0] =	vst v5;
	v7 =	vld [tilespmem:s3+$0x30]  }
0x401: {  	v5 =	vmul.f32 v8, v3;
	v1 =	vld [tilespmem:s3+$0x60];
	[tilespmem:s3+$0xFFFFFF90] =	vst v2  }
0x402: {  	v3 =	vmul.f32 v63, v3;
	v2 =	vld [tilespmem:s3+$0x70];
	[tilespmem:s3+$0xFFFFFFD0] =	vst v6  }
0x403: {  	[tilespmem:s3+$0xFFFFFFB0] =	vst v5;
	v6 =	vld [tilespmem:s3+$0x20]  }
0x404: {  	[tilespmem:s3+$0xFFFFFFE0] =	vst v3;
	v5 =	vld [tilespmem:s3+$0x0]  }
0x405: {  	v3 =	vld.idx.msk [tilespmem:v4+s30+$0x0], $0xffff  }
0x406: {  	s11 =	simm.s32 $0x15900;
	s9 =	simm.s32 $0x4;
	v4 =	vld [tilespmem:s3+$0x10]  }
.LBB2_23:
0x407: {  	p1 =	slt.u32 s9, $0x7C  }
0x408: {  	v8 =	vld [tilespmem:s3+$0x50];
	s11 =	sadd.s32 $0x200, s11;
	s14 =	smov.u32 s9;
	s9 =	sadd.s32 $0x4, s9  }
0x409: {  	v9 =	vld [tilespmem:s3+$0x40];
	_ =	sdelay $0x1  }
0x40a: {  	s15 =	sadd.s32 $0x3, s8;
	s8 =	smov.u32 s14;
	v7 =	vmul.f32 v7, v3;
	v5 =	vmul.f32 v5, v3  }
0x40b: {  	v10 =	vmov s15;
	v6 =	vmul.f32 v6, v3;
	v4 =	vmul.f32 v4, v3  }
0x40c: {  	v1 =	vmul.f32 v1, v3;
	v2 =	vmul.f32 v2, v3;
	[tilespmem:s3+$0x30] =	vst v7;
	v7 =	vand.u32 $0x7F, v10  }
0x40d: {  	[tilespmem:s3+$0x20] =	vst v6;
	v6 =	vmul.f32 v9, v3;
	v3 =	vmul.f32 v8, v3;
	v7 =	vor.u32 $0x300, v7  }
0x40e: {  	[tilespmem:s3+$0x70] =	vst v2;
	v7 =	vbroadcast v7, $0x0;
	v8 =	vld [tilespmem:s3+$0x80]  }
0x40f: {  	[tilespmem:s3+$0x60] =	vst v1;
	v9 =	vld [tilespmem:s3+$0xF0]  }
0x410: {  	v1 =	vld [tilespmem:s11+$0x60];
	[tilespmem:s3+$0x50] =	vst v3  }
0x411: {  	v2 =	vld [tilespmem:s11+$0x70];
	[tilespmem:s3+$0x40] =	vst v6  }
0x412: {  	[tilespmem:s3+$0x0] =	vst v5;
	v3 =	vld [tilespmem:s3+$0xD0]  }
0x413: {  	[tilespmem:s3+$0x10] =	vst v4;
	v4 =	vld [tilespmem:s3+$0xB0]  }
0x414: {  	v5 =	vld.idx.msk [tilespmem:v7+s30+$0x0], $0xffff  }
0x415: {  	v6 =	vld [tilespmem:s3+$0x90]  }
0x416: {  	v7 =	vld [tilespmem:s3+$0xA0]  }
0x417: {  	v10 =	vld [tilespmem:s3+$0xC0]  }
0x418: {  	v11 =	vld [tilespmem:s3+$0xE0];
	_ =	sdelay $0x1  }
0x419: {  	v8 =	vmul.f32 v8, v5;
	v6 =	vmul.f32 v6, v5  }
0x41a: {  	v12 =	vmov s8;
	v4 =	vmul.f32 v4, v5;
	v7 =	vmul.f32 v7, v5  }
0x41b: {  	v12 =	vand.u32 $0x7C, v12;
	v3 =	vmul.f32 v3, v5;
	[tilespmem:s3+$0x80] =	vst v8;
	v8 =	vmul.f32 v10, v5  }
0x41c: {  	v10 =	vor.u32 $0x300, v12;
	[tilespmem:s3+$0xB0] =	vst v4;
	v4 =	vmul.f32 v11, v5;
	v5 =	vmul.f32 v9, v5  }
0x41d: {  	v9 =	vbroadcast v10, $0x0;
	[tilespmem:s3+$0xA0] =	vst v7  }
0x41e: {  	[tilespmem:s3+$0xD0] =	vst v3  }
0x41f: {  	v3 =	vld [tilespmem:s11+$0xFFFFFF50];
	[tilespmem:s3+$0xF0] =	vst v5  }
0x420: {  	v5 =	vld [tilespmem:s11+$0xFFFFFF30];
	[tilespmem:s3+$0x90] =	vst v6  }
0x421: {  	v6 =	vld [tilespmem:s11+$0xFFFFFF60];
	[tilespmem:s3+$0xC0] =	vst v8  }
0x422: {  	v7 =	vld [tilespmem:s11+$0xFFFFFF70];
	[tilespmem:s3+$0xE0] =	vst v4;
	s3 =	smov.u32 s11  }
0x423: {  	v4 =	vld.idx.msk [tilespmem:v9+s30+$0x0], $0xffff  }
0x424: {  	v8 =	vld [tilespmem:s11+$0xFFFFFF00]  }
0x425: {  	v9 =	vld [tilespmem:s11+$0xFFFFFF20]  }
0x426: {  	v10 =	vld [tilespmem:s11+$0xFFFFFF10]  }
0x427: {  	v11 =	vld [tilespmem:s11+$0xFFFFFF40];
	_ =	sdelay $0x1  }
0x428: {  	s14 =	sadd.s32 $0x1, s8;
	v7 =	vmul.f32 v7, v4;
	v8 =	vmul.f32 v8, v4  }
0x429: {  	v12 =	vmov s14;
	v6 =	vmul.f32 v6, v4;
	v9 =	vmul.f32 v9, v4  }
0x42a: {  	v5 =	vmul.f32 v5, v4;
	v10 =	vmul.f32 v10, v4;
	[tilespmem:s11+$0xFFFFFF70] =	vst v7;
	v7 =	vand.u32 $0x7D, v12  }
0x42b: {  	v3 =	vmul.f32 v3, v4;
	[tilespmem:s11+$0xFFFFFF00] =	vst v8;
	v8 =	vmul.f32 v11, v4;
	v4 =	vor.u32 $0x300, v7  }
0x42c: {  	[tilespmem:s11+$0xFFFFFF20] =	vst v9;
	v4 =	vbroadcast v4, $0x0  }
0x42d: {  	[tilespmem:s11+$0xFFFFFF30] =	vst v5  }
0x42e: {  	[tilespmem:s11+$0xFFFFFF50] =	vst v3;
	v3 =	vld [tilespmem:s11+$0xFFFFFFD0]  }
0x42f: {  	[tilespmem:s11+$0xFFFFFF10] =	vst v10;
	v5 =	vld [tilespmem:s11+$0xFFFFFFE0]  }
0x430: {  	[tilespmem:s11+$0xFFFFFF60] =	vst v6;
	v6 =	vld [tilespmem:s11+$0xFFFFFFB0]  }
0x431: {  	[tilespmem:s11+$0xFFFFFF40] =	vst v8;
	v7 =	vld [tilespmem:s11+$0xFFFFFFF0]  }
0x432: {  	v4 =	vld.idx.msk [tilespmem:v4+s30+$0x0], $0xffff  }
0x433: {  	v8 =	vld [tilespmem:s11+$0xFFFFFF80]  }
0x434: {  	v9 =	vld [tilespmem:s11+$0xFFFFFFA0]  }
0x435: {  	v10 =	vld [tilespmem:s11+$0xFFFFFFC0]  }
0x436: {  	v11 =	vld [tilespmem:s11+$0xFFFFFF90];
	_ =	sdelay $0x1  }
0x437: {  	s14 =	sadd.s32 $0x2, s8;
	v7 =	vmul.f32 v7, v4;
	v8 =	vmul.f32 v8, v4  }
0x438: {  	v12 =	vmov s14;
	v6 =	vmul.f32 v6, v4;
	v9 =	vmul.f32 v9, v4  }
0x439: {  	v5 =	vmul.f32 v5, v4;
	[tilespmem:s11+$0xFFFFFF80] =	vst v8;
	v8 =	vmul.f32 v10, v4;
	v10 =	vand.u32 $0x7E, v12  }
0x43a: {  	v3 =	vmul.f32 v3, v4;
	v11 =	vmul.f32 v11, v4;
	[tilespmem:s11+$0xFFFFFFA0] =	vst v9;
	v4 =	vor.u32 $0x300, v10  }
0x43b: {  	[tilespmem:s11+$0xFFFFFFF0] =	vst v7;
	v4 =	vbroadcast v4, $0x0  }
0x43c: {  	[tilespmem:s11+$0xFFFFFFC0] =	vst v8  }
0x43d: {  	[tilespmem:s11+$0xFFFFFF90] =	vst v11  }
0x43e: {  	[tilespmem:s11+$0xFFFFFFD0] =	vst v3  }
.Ltmp10:
0x43f: {  	[tilespmem:s11+$0xFFFFFFB0] =	vst v6;
	v7 =	vld [tilespmem:s11+$0x30];
	(pc) =	sbr.rel @p1 .LBB2_23-.Ltmp10, $4  }
0x440: {  	[tilespmem:s11+$0xFFFFFFE0] =	vst v5;
	v6 =	vld [tilespmem:s11+$0x20]  }
0x441: {  	v3 =	vld.idx.msk [tilespmem:v4+s30+$0x0], $0xffff  }
0x442: {  	v5 =	vld [tilespmem:s11+$0x0]  }
0x443: {  	v4 =	vld [tilespmem:s11+$0x10]  }
0x444: {  	_ =	sdelay $0x1  }
0x445: {  	v8 =	vld [tilespmem:s3+$0x50];
	s8 =	sadd.s32 $0x3, s8;
	v7 =	vmul.f32 v7, v3  }
0x446: {  	v9 =	vld [tilespmem:s3+$0x40];
	v10 =	vmov s8;
	v6 =	vmul.f32 v6, v3  }
0x447: {  	v1 =	vmul.f32 v1, v3;
	[tilespmem:s3+$0x30] =	vst v7;
	v7 =	vand.u32 $0x7F, v10  }
0x448: {  	v2 =	vmul.f32 v2, v3;
	[tilespmem:s3+$0x20] =	vst v6;
	v7 =	vor.u32 $0x300, v7  }
0x449: {  	[tilespmem:s3+$0x60] =	vst v1;
	v1 =	vmul.f32 v5, v3;
	v6 =	vbroadcast v7, $0x0  }
0x44a: {  	[tilespmem:s3+$0x70] =	vst v2;
	v2 =	vmul.f32 v8, v3  }
0x44b: {  	v8 =	vmul.f32 v9, v3;
	[tilespmem:s3+$0x0] =	vst v1  }
0x44c: {  	[tilespmem:s3+$0x50] =	vst v2;
	v2 =	vmul.f32 v4, v3  }
0x44d: {  	[tilespmem:s3+$0x40] =	vst v8  }
0x44e: {  	v7 =	vld [tilespmem:s3+$0x80];
	[tilespmem:s3+$0x10] =	vst v2  }
0x44f: {  	v1 =	vld.idx.msk [tilespmem:v6+s30+$0x0], $0xffff  }
0x450: {  	v2 =	vld [tilespmem:s3+$0xB0]  }
0x451: {  	v3 =	vld [tilespmem:s3+$0xA0]  }
0x452: {  	v4 =	vld [tilespmem:s3+$0xD0]  }
0x453: {  	v5 =	vld [tilespmem:s3+$0xF0]  }
0x454: {  	v6 =	vld [tilespmem:s3+$0x90];
	v7 =	vmul.f32 v7, v1  }
0x455: {  	v8 =	vld [tilespmem:s3+$0xC0];
	v2 =	vmul.f32 v2, v1  }
0x456: {  	v59 =	vld [tilespmem:s3+$0xE0];
	v3 =	vmul.f32 v3, v1;
	[tilespmem:s3+$0x80] =	vst v7  }
0x457: {  	v4 =	vmul.f32 v4, v1;
	[tilespmem:s3+$0xB0] =	vst v2  }
0x458: {  	v2 =	vmul.f32 v5, v1;
	[tilespmem:s3+$0xA0] =	vst v3  }
0x459: {  	v3 =	vmul.f32 v6, v1;
	[tilespmem:s3+$0xD0] =	vst v4  }
0x45a: {  	v4 =	vmul.f32 v8, v1;
	[tilespmem:s3+$0xF0] =	vst v2  }
0x45b: {  	v1 =	vmul.f32 v59, v1;
	[tilespmem:s3+$0x90] =	vst v3  }
0x45c: {  	[tilespmem:s3+$0xC0] =	vst v4  }
0x45d: {  	s21 =	simm.s32 $0x15300;
	[tilespmem:s3+$0xE0] =	vst v1  }
0x45e: {  	[spmem:s1] =	stream.indirect.scatter.add.f32 [tilespmem:s20], [sflag:$0x3], $0x80, s21, s26, $0xb8;
	[tilespmem:$0x1D800] =	vst v63  }
0x45f: {  	_ =	swait.ge [sflag:s23], $0x4000  }
0x460: {  	[sflag:s23] =	ssyncset.done $0x0  }
0x461: {  	[sflag:s23] =	ssyncadd.s32 $0xFFFFC000  }
0x462: {  	_ =	swait.ge [sflag:s2], $0x4000  }
0x463: {  	[sflag:s2] =	ssyncset.done $0x0  }
0x464: {  	s3 =	simm.s32 @!p0 $0x5;
	[sflag:s2] =	ssyncadd.s32 $0xFFFFC000  }
0x465: {  	_ =	swait.ge @!p0 [sflag:s3], $0x400  }
0x466: {  	[sflag:s3] =	ssyncset.done @!p0 $0x0  }
0x467: {  	s8 =	simm.s32 $0x0;
	[sflag:s3] =	ssyncadd.s32 @!p0 $0xFFFFFC00  }
0x468: {  	v1 =	vmov s8;
	_ =	swait.ge @!p0 [sflag:s3], $0x400  }
0x469: {  	v1 =	vand.u32 $0x7C, v1;
	[sflag:s3] =	ssyncset.done @!p0 $0x0  }
0x46a: {  	v1 =	vor.u32 $0x380, v1;
	[sflag:s3] =	ssyncadd.s32 @!p0 $0xFFFFFC00  }
0x46b: {  	v1 =	vbroadcast v1, $0x0;
	_ =	swait.ge @!p0 [sflag:s3], $0x400  }
0x46c: {  	s9 =	simm.s32 @!p0 $0x14000;
	[sflag:s3] =	ssyncset.done @!p0 $0x0  }
0x46d: {  	s11 =	simm.s32 @!p0 $0x15800;
	[sflag:s3] =	ssyncadd.s32 @!p0 $0xFFFFFC00;
	s3 =	simm.s32 @!p0 $0x80  }
0x46e: {  	[tilespmem:s11], [sflag:$0x1] =	stream.indirect.gather @!p0 [hbm4b:s7+s3], $0x80, s9, s3, $0xb8;
	[tilespmem:$0x1D800] =	vst v63  }
0x46f: {  	s3 =	simm.s32 $0x19900  }
0x470: {  	v3 =	vld [tilespmem:s3+$0xFFFFFF70]  }
0x471: {  	v1 =	vld.idx.msk [tilespmem:v1+s30+$0x0], $0xffff  }
0x472: {  	v4 =	vld [tilespmem:s3+$0xFFFFFF00]  }
0x473: {  	v5 =	vld [tilespmem:s3+$0xFFFFFF20]  }
0x474: {  	v6 =	vld [tilespmem:s3+$0xFFFFFF30]  }
0x475: {  	v2 =	vld [tilespmem:s3+$0xFFFFFF50]  }
0x476: {  	s22 =	simm.s32 $0x1;
	v8 =	vld [tilespmem:s3+$0xFFFFFF10];
	v3 =	vmul.f32 v3, v1  }
0x477: {  	v61 =	vmov s22;
	v7 =	vld [tilespmem:s3+$0xFFFFFF60];
	v4 =	vmul.f32 v4, v1  }
0x478: {  	v60 =	vld [tilespmem:s3+$0xFFFFFF40];
	v5 =	vmul.f32 v5, v1;
	[tilespmem:s3+$0xFFFFFF70] =	vst v3;
	v3 =	vand.u32 $0x7D, v61  }
0x479: {  	v6 =	vmul.f32 v6, v1;
	[tilespmem:s3+$0xFFFFFF00] =	vst v4;
	v3 =	vor.u32 $0x380, v3  }
0x47a: {  	v2 =	vmul.f32 v2, v1;
	[tilespmem:s3+$0xFFFFFF20] =	vst v5;
	v3 =	vbroadcast v3, $0x0  }
0x47b: {  	v4 =	vmul.f32 v8, v1;
	[tilespmem:s3+$0xFFFFFF30] =	vst v6  }
0x47c: {  	v5 =	vmul.f32 v7, v1;
	[tilespmem:s3+$0xFFFFFF50] =	vst v2  }
0x47d: {  	v1 =	vmul.f32 v60, v1;
	[tilespmem:s3+$0xFFFFFF10] =	vst v4  }
0x47e: {  	[tilespmem:s3+$0xFFFFFF60] =	vst v5  }
0x47f: {  	[tilespmem:s3+$0xFFFFFF40] =	vst v1;
	v1 =	vld [tilespmem:s3+$0xFFFFFF80]  }
0x480: {  	v3 =	vld.idx.msk [tilespmem:v3+s30+$0x0], $0xffff  }
0x481: {  	v2 =	vld [tilespmem:s3+$0xFFFFFFA0]  }
0x482: {  	v4 =	vld [tilespmem:s3+$0xFFFFFFF0]  }
0x483: {  	v5 =	vld [tilespmem:s3+$0xFFFFFFC0]  }
0x484: {  	v6 =	vld [tilespmem:s3+$0xFFFFFF90]  }
0x485: {  	s29 =	simm.s32 $0x2;
	v7 =	vld [tilespmem:s3+$0xFFFFFFD0];
	v1 =	vmul.f32 v1, v3  }
0x486: {  	v62 =	vmov s29;
	v8 =	vld [tilespmem:s3+$0xFFFFFFB0];
	v2 =	vmul.f32 v2, v3  }
0x487: {  	v63 =	vld [tilespmem:s3+$0xFFFFFFE0];
	v4 =	vmul.f32 v4, v3;
	[tilespmem:s3+$0xFFFFFF80] =	vst v1;
	v1 =	vand.u32 $0x7E, v62  }
0x488: {  	v5 =	vmul.f32 v5, v3;
	[tilespmem:s3+$0xFFFFFFA0] =	vst v2;
	v1 =	vor.u32 $0x380, v1  }
0x489: {  	v2 =	vmul.f32 v6, v3;
	[tilespmem:s3+$0xFFFFFFF0] =	vst v4;
	v4 =	vbroadcast v1, $0x0  }
0x48a: {  	v6 =	vmul.f32 v7, v3;
	[tilespmem:s3+$0xFFFFFFC0] =	vst v5;
	v7 =	vld [tilespmem:s3+$0x30]  }
0x48b: {  	v5 =	vmul.f32 v8, v3;
	v1 =	vld [tilespmem:s3+$0x60];
	[tilespmem:s3+$0xFFFFFF90] =	vst v2  }
0x48c: {  	v3 =	vmul.f32 v63, v3;
	v2 =	vld [tilespmem:s3+$0x70];
	[tilespmem:s3+$0xFFFFFFD0] =	vst v6  }
0x48d: {  	[tilespmem:s3+$0xFFFFFFB0] =	vst v5;
	v6 =	vld [tilespmem:s3+$0x20]  }
0x48e: {  	[tilespmem:s3+$0xFFFFFFE0] =	vst v3;
	v5 =	vld [tilespmem:s3+$0x0]  }
0x48f: {  	v3 =	vld.idx.msk [tilespmem:v4+s30+$0x0], $0xffff  }
0x490: {  	s9 =	simm.s32 $0x4;
	s11 =	simm.s32 $0x19900;
	v4 =	vld [tilespmem:s3+$0x10]  }
.LBB2_25:
0x491: {  	p0 =	slt.u32 s9, $0x7C  }
0x492: {  	v8 =	vld [tilespmem:s3+$0x50];
	s11 =	sadd.s32 $0x200, s11;
	s14 =	smov.u32 s9;
	s9 =	sadd.s32 $0x4, s9  }
0x493: {  	v9 =	vld [tilespmem:s3+$0x40];
	_ =	sdelay $0x1  }
0x494: {  	s15 =	sadd.s32 $0x3, s8;
	s8 =	smov.u32 s14;
	v7 =	vmul.f32 v7, v3;
	v5 =	vmul.f32 v5, v3  }
0x495: {  	v10 =	vmov s15;
	v6 =	vmul.f32 v6, v3;
	v4 =	vmul.f32 v4, v3  }
0x496: {  	v1 =	vmul.f32 v1, v3;
	v2 =	vmul.f32 v2, v3;
	[tilespmem:s3+$0x30] =	vst v7;
	v7 =	vand.u32 $0x7F, v10  }
0x497: {  	[tilespmem:s3+$0x20] =	vst v6;
	v6 =	vmul.f32 v9, v3;
	v3 =	vmul.f32 v8, v3;
	v7 =	vor.u32 $0x380, v7  }
0x498: {  	[tilespmem:s3+$0x70] =	vst v2;
	v7 =	vbroadcast v7, $0x0;
	v8 =	vld [tilespmem:s3+$0x80]  }
0x499: {  	[tilespmem:s3+$0x60] =	vst v1;
	v9 =	vld [tilespmem:s3+$0xF0]  }
0x49a: {  	v1 =	vld [tilespmem:s11+$0x60];
	[tilespmem:s3+$0x50] =	vst v3  }
0x49b: {  	v2 =	vld [tilespmem:s11+$0x70];
	[tilespmem:s3+$0x40] =	vst v6  }
0x49c: {  	[tilespmem:s3+$0x0] =	vst v5;
	v3 =	vld [tilespmem:s3+$0xD0]  }
0x49d: {  	[tilespmem:s3+$0x10] =	vst v4;
	v4 =	vld [tilespmem:s3+$0xB0]  }
0x49e: {  	v5 =	vld.idx.msk [tilespmem:v7+s30+$0x0], $0xffff  }
0x49f: {  	v6 =	vld [tilespmem:s3+$0x90]  }
0x4a0: {  	v7 =	vld [tilespmem:s3+$0xA0]  }
0x4a1: {  	v10 =	vld [tilespmem:s3+$0xC0]  }
0x4a2: {  	v11 =	vld [tilespmem:s3+$0xE0];
	_ =	sdelay $0x1  }
0x4a3: {  	v8 =	vmul.f32 v8, v5;
	v6 =	vmul.f32 v6, v5  }
0x4a4: {  	v12 =	vmov s8;
	v4 =	vmul.f32 v4, v5;
	v7 =	vmul.f32 v7, v5  }
0x4a5: {  	v12 =	vand.u32 $0x7C, v12;
	v3 =	vmul.f32 v3, v5;
	[tilespmem:s3+$0x80] =	vst v8;
	v8 =	vmul.f32 v10, v5  }
0x4a6: {  	v10 =	vor.u32 $0x380, v12;
	[tilespmem:s3+$0xB0] =	vst v4;
	v4 =	vmul.f32 v11, v5;
	v5 =	vmul.f32 v9, v5  }
0x4a7: {  	v9 =	vbroadcast v10, $0x0;
	[tilespmem:s3+$0xA0] =	vst v7  }
0x4a8: {  	[tilespmem:s3+$0xD0] =	vst v3  }
0x4a9: {  	v3 =	vld [tilespmem:s11+$0xFFFFFF50];
	[tilespmem:s3+$0xF0] =	vst v5  }
0x4aa: {  	v5 =	vld [tilespmem:s11+$0xFFFFFF30];
	[tilespmem:s3+$0x90] =	vst v6  }
0x4ab: {  	v6 =	vld [tilespmem:s11+$0xFFFFFF60];
	[tilespmem:s3+$0xC0] =	vst v8  }
0x4ac: {  	v7 =	vld [tilespmem:s11+$0xFFFFFF70];
	[tilespmem:s3+$0xE0] =	vst v4;
	s3 =	smov.u32 s11  }
0x4ad: {  	v4 =	vld.idx.msk [tilespmem:v9+s30+$0x0], $0xffff  }
0x4ae: {  	v8 =	vld [tilespmem:s11+$0xFFFFFF00]  }
0x4af: {  	v9 =	vld [tilespmem:s11+$0xFFFFFF20]  }
0x4b0: {  	v10 =	vld [tilespmem:s11+$0xFFFFFF10]  }
0x4b1: {  	v11 =	vld [tilespmem:s11+$0xFFFFFF40];
	_ =	sdelay $0x1  }
0x4b2: {  	s14 =	sadd.s32 $0x1, s8;
	v7 =	vmul.f32 v7, v4;
	v8 =	vmul.f32 v8, v4  }
0x4b3: {  	v12 =	vmov s14;
	v6 =	vmul.f32 v6, v4;
	v9 =	vmul.f32 v9, v4  }
0x4b4: {  	v5 =	vmul.f32 v5, v4;
	v10 =	vmul.f32 v10, v4;
	[tilespmem:s11+$0xFFFFFF70] =	vst v7;
	v7 =	vand.u32 $0x7D, v12  }
0x4b5: {  	v3 =	vmul.f32 v3, v4;
	[tilespmem:s11+$0xFFFFFF00] =	vst v8;
	v8 =	vmul.f32 v11, v4;
	v4 =	vor.u32 $0x380, v7  }
0x4b6: {  	[tilespmem:s11+$0xFFFFFF20] =	vst v9;
	v4 =	vbroadcast v4, $0x0  }
0x4b7: {  	[tilespmem:s11+$0xFFFFFF30] =	vst v5  }
0x4b8: {  	[tilespmem:s11+$0xFFFFFF50] =	vst v3;
	v3 =	vld [tilespmem:s11+$0xFFFFFFD0]  }
0x4b9: {  	[tilespmem:s11+$0xFFFFFF10] =	vst v10;
	v5 =	vld [tilespmem:s11+$0xFFFFFFE0]  }
0x4ba: {  	[tilespmem:s11+$0xFFFFFF60] =	vst v6;
	v6 =	vld [tilespmem:s11+$0xFFFFFFB0]  }
0x4bb: {  	[tilespmem:s11+$0xFFFFFF40] =	vst v8;
	v7 =	vld [tilespmem:s11+$0xFFFFFFF0]  }
0x4bc: {  	v4 =	vld.idx.msk [tilespmem:v4+s30+$0x0], $0xffff  }
0x4bd: {  	v8 =	vld [tilespmem:s11+$0xFFFFFF80]  }
0x4be: {  	v9 =	vld [tilespmem:s11+$0xFFFFFFA0]  }
0x4bf: {  	v10 =	vld [tilespmem:s11+$0xFFFFFFC0]  }
0x4c0: {  	v11 =	vld [tilespmem:s11+$0xFFFFFF90];
	_ =	sdelay $0x1  }
0x4c1: {  	s14 =	sadd.s32 $0x2, s8;
	v7 =	vmul.f32 v7, v4;
	v8 =	vmul.f32 v8, v4  }
0x4c2: {  	v12 =	vmov s14;
	v6 =	vmul.f32 v6, v4;
	v9 =	vmul.f32 v9, v4  }
0x4c3: {  	v5 =	vmul.f32 v5, v4;
	[tilespmem:s11+$0xFFFFFF80] =	vst v8;
	v8 =	vmul.f32 v10, v4;
	v10 =	vand.u32 $0x7E, v12  }
0x4c4: {  	v3 =	vmul.f32 v3, v4;
	v11 =	vmul.f32 v11, v4;
	[tilespmem:s11+$0xFFFFFFA0] =	vst v9;
	v4 =	vor.u32 $0x380, v10  }
0x4c5: {  	[tilespmem:s11+$0xFFFFFFF0] =	vst v7;
	v4 =	vbroadcast v4, $0x0  }
0x4c6: {  	[tilespmem:s11+$0xFFFFFFC0] =	vst v8  }
0x4c7: {  	[tilespmem:s11+$0xFFFFFF90] =	vst v11  }
0x4c8: {  	[tilespmem:s11+$0xFFFFFFD0] =	vst v3  }
.Ltmp11:
0x4c9: {  	[tilespmem:s11+$0xFFFFFFB0] =	vst v6;
	v7 =	vld [tilespmem:s11+$0x30];
	(pc) =	sbr.rel @p0 .LBB2_25-.Ltmp11, $4  }
0x4ca: {  	[tilespmem:s11+$0xFFFFFFE0] =	vst v5;
	v6 =	vld [tilespmem:s11+$0x20]  }
0x4cb: {  	v3 =	vld.idx.msk [tilespmem:v4+s30+$0x0], $0xffff  }
0x4cc: {  	v5 =	vld [tilespmem:s11+$0x0]  }
0x4cd: {  	v4 =	vld [tilespmem:s11+$0x10]  }
0x4ce: {  	_ =	sdelay $0x1  }
0x4cf: {  	v8 =	vld [tilespmem:s3+$0x50];
	s8 =	sadd.s32 $0x3, s8;
	v7 =	vmul.f32 v7, v3  }
0x4d0: {  	v9 =	vld [tilespmem:s3+$0x40];
	v10 =	vmov s8;
	v2 =	vmul.f32 v2, v3  }
0x4d1: {  	v54 =	vand.u32 $0x7F, v10;
	v1 =	vmul.f32 v1, v3;
	[tilespmem:s3+$0x30] =	vst v7  }
0x4d2: {  	v6 =	vmul.f32 v6, v3;
	v7 =	vor.u32 $0x380, v54;
	[tilespmem:s3+$0x70] =	vst v2  }
0x4d3: {  	[tilespmem:s3+$0x60] =	vst v1;
	v1 =	vmul.f32 v5, v3;
	v55 =	vbroadcast v7, $0x0  }
0x4d4: {  	[tilespmem:s3+$0x20] =	vst v6;
	v2 =	vmul.f32 v8, v3  }
0x4d5: {  	v57 =	vmul.f32 v9, v3;
	[tilespmem:s3+$0x0] =	vst v1  }
0x4d6: {  	[tilespmem:s3+$0x50] =	vst v2;
	v2 =	vmul.f32 v4, v3  }
0x4d7: {  	[tilespmem:s3+$0x40] =	vst v57  }
0x4d8: {  	v56 =	vld [tilespmem:s3+$0x80];
	[tilespmem:s3+$0x10] =	vst v2  }
0x4d9: {  	v1 =	vld.idx.msk [tilespmem:v55+s30+$0x0], $0xffff  }
0x4da: {  	v2 =	vld [tilespmem:s3+$0xB0]  }
0x4db: {  	v3 =	vld [tilespmem:s3+$0xA0]  }
0x4dc: {  	v58 =	vld [tilespmem:s3+$0xD0]  }
0x4dd: {  	v61 =	vld [tilespmem:s3+$0xC0]  }
0x4de: {  	v59 =	vld [tilespmem:s3+$0xF0];
	v7 =	vmul.f32 v56, v1  }
0x4df: {  	v60 =	vld [tilespmem:s3+$0x90];
	v2 =	vmul.f32 v2, v1  }
0x4e0: {  	v62 =	vld [tilespmem:s3+$0xE0];
	v3 =	vmul.f32 v3, v1;
	[tilespmem:s3+$0x80] =	vst v7  }
0x4e1: {  	v4 =	vmul.f32 v58, v1;
	[tilespmem:s3+$0xB0] =	vst v2  }
0x4e2: {  	s18 =	sadd.s32 $0x1, s18;
	v63 =	vmul.f32 v61, v1;
	[tilespmem:s3+$0xA0] =	vst v3  }
0x4e3: {  	p0 =	sne.s32 s18, $0x5;
	v2 =	vmul.f32 v59, v1;
	[tilespmem:s3+$0xD0] =	vst v4  }
.Ltmp12:
0x4e4: {  	v3 =	vmul.f32 v60, v1;
	[tilespmem:s3+$0xC0] =	vst v63;
	(pc) =	sbr.rel @p0 .LBB2_6-.Ltmp12, $4  }
0x4e5: {  	v1 =	vmul.f32 v62, v1;
	[tilespmem:s3+$0xF0] =	vst v2  }
0x4e6: {  	[tilespmem:s3+$0x90] =	vst v3  }
0x4e7: {  	[tilespmem:s3+$0xE0] =	vst v1  }
0x4e8: {  	[spmem:s1] =	stream.indirect.scatter.add.f32 [tilespmem:s25], [sflag:$0x4], $0x80, s16, s26, $0xb8;
	[tilespmem:$0x1D800] =	vst v63  }
0x4e9: {  	_ =	swait.ge [sflag:s0], $0x4000  }
0x4ea: {  	[sflag:s0] =	ssyncset.done $0x0  }
0x4eb: {  	[sflag:s0] =	ssyncadd.s32 $0xFFFFC000  }
0x4ec: {  	s3 =	stileid.u32;
	[bflag:$0x0] =	sbarrier.arrive $0xFFFF  }
0x4ed: {  	s15 =	simm.s32 $0x6;
	s3 =	sshll.u32 s3, $0x6;
	s11 =	rddreg [dreg:$0x5]  }
0x4ee: {  	s3 =	sor.u32 $0x1C06, s3;
	s9 =	rddreg [dreg:$0x9];
	s8 =	sshrl.u32 s11, $0x3  }
0x4ef: {  	[hbm:s9], [sflag:s3] =	dma.local [spmem:s8], $0x2800  }
0x4f0: {  	_ =	swait.ge [sflag:s15], $0x2800  }
0x4f1: {  	s14 =	rddreg [dreg:$0x4]  }
0x4f2: {  	s29 =	rddreg [dreg:$0xa];
	s14 =	sadd.s32 $0x1, s14  }
0x4f3: {  	p0 =	sne.s32 s14, s29  }
.Ltmp13:
0x4f4: {  	_ = 	snop;
	(pc) =	sbr.rel @p0 .LBB2_1-.Ltmp13, $3  }
0x4f5: {  	_ =	sdelay $0x1  }
0x4f6: {  	[sflag:s15] =	ssyncset.done $0x0  }
0x4f7: {  	[sflag:s15] =	ssyncadd.s32 $0xFFFFD800  }
0x4f8: {  	_ =	sfence.sel $0x180000  }
0x4f9: {  	[bflag:$0x0] =	sbarrier.arrive $0xFFFF  }
0x4fa: {  	_ =	strace $0x9000004A  }
0x4fb: {  	s0 =	stileid.u32;
	[bflag:$0x2] =	sbarrier.arrive $0xFFFF  }
0x4fc: {  	p0 =	sne.s32 s0, $0x0;
	s0 =	rddreg [dreg:$0x3]  }
0x4fd: {  	s0 =	sadd.s32 @!p0 $0x100000, s0  }
0x4fe: {  	[sflag:s0] =	ssyncadd.tile.s32 @!p0 $0x1;
	_ =	shalt  }
.Lfunc_end2:
_tile_overlayer_lowered:
.L_overlay_start_2:
0x4ff: {  	(tag) =	ssettag $0x2  }
0x500: {  	s0 =	rddreg [dreg:$0x0];
	s2 =	stileid.u32  }
0x501: {  	s1 =	rddreg [dreg:$0x1];
	p0 =	sne.s32 s2, $0x0  }
0x502: {  	s3 =	rddreg [dreg:$0x2];
	[bflag:$0x3] =	sbarrier.arrive $0xFFFF;
	s2 =	simm.s32 @!p0 $0x1C06  }
0x503: {  	[timem:s3], [sflag:s2] =	dma.local @!p0 [hbm:s0], s1  }
0x504: {  	s0 =	simm.s32 @!p0 $0x6  }
0x505: {  	_ =	swait.ge @!p0 [sflag:s0], s1  }
0x506: {  	s1 =	ssub.s32 @!p0 $0x0, s1;
	[sflag:s0] =	ssyncset.done @!p0 $0x0  }
0x507: {  	[sflag:s0] =	ssyncadd.s32 @!p0 s1  }
0x508: {  	[bflag:$0x3] =	sbarrier.arrive $0xFFFF  }
0x509: {  	_ =	shalt  }

// kernel: kernel.8.cloned.1.call-start
scs
__scs_entry_jumppad:
0x0: {  	(pc) =	sbr.rel $0x88, $3  }
0x1: {  	(tag) =	ssettag $0x0;
	lr =	simm.s32 $0x1  }
0x2: {  	[smem:$0x3F9B] =	sst lr;
	_ =	strace $0xD0000000  }
0x3: {  	_ = 	snop  }
0x4: {  	_ = 	snop  }
0x5: {  	_ = 	snop  }
0x6: {  	_ = 	snop  }
0x7: {  	_ = 	snop  }
__scs_overlays_trampoline_lowered:
0x8: {  	[smem:$0x3FAA] =	sst s0  }
0x9: {  	[smem:$0x3FAB] =	sst s1  }
0xa: {  	[smem:$0x3FAC] =	sst s2  }
0xb: {  	[smem:$0x3FAD] =	sst s3  }
0xc: {  	[smem:$0x3FAE] =	sst s4  }
0xd: {  	[smem:$0x3FAF] =	sst s5  }
0xe: {  	[smem:$0x3FB0] =	sst s6  }
0xf: {  	[smem:$0x3FB1] =	sst s7  }
0x10: {  	[smem:$0x3FB2] =	sst s8  }
0x11: {  	[smem:$0x3FB3] =	sst s9;
	s0 =	simm.s32 @!p0 $0x0  }
0x12: {  	s1 =	sld [smem:$0x3F99];
	s0 =	simm.s32 @p0 $0x1  }
0x13: {  	[smem:$0x3FB4] =	sst s0;
	s0 =	simm.s32 @!p1 $0x0  }
0x14: {  	s2 =	sld [smem:$0x3F98];
	s0 =	simm.s32 @p1 $0x1  }
0x15: {  	[smem:$0x3FB5] =	sst s0;
	s0 =	simm.s32 @!p2 $0x0  }
0x16: {  	s3 =	sld [smem:$0x3FDB];
	s0 =	simm.s32 @p2 $0x1  }
0x17: {  	s4 =	simm.s32 $0x1BF5;
	[smem:$0x3FB7] =	sst s0  }
0x18: {  	s0 =	sld [smem:$0x3F9A];
	_ =	swait.ge [sflag:s4], $0x0  }
0x19: {  	s7 =	sld [smem:$0x3F9B]  }
0x1a: {  	s8 =	sadd.s32 $0xFFFFE003, lr  }
0x1b: {  	s9 =	sadd.s32 $0xFFFFFEF7, lr;
	s5 =	simm.s32 $0xFFFFFFFF;
	p2 =	slt.u32 s8, $0xFFFFF086  }
0x1c: {  	p1 =	slt.u32 s9, $0xF7A;
	s5 =	simm.s32 @!p2 $0x0  }
0x1d: {  	s5 =	simm.s32 @p1 $0x1;
	p0 =	seq.s32 s7, s2  }
0x1e: {  	s7 =	smul.u32 @!p0 $0xF7A, s2;
	p2 =	seq.s32 @!p0 s5, $0x0  }
0x1f: {  	s9 =	smul.u32 $0xF7A, s1;
	s8 =	simm.s32 @!p0 $0x1BF5;
	p2 =	por !p2, p0  }
0x20: {  	[sflag:s8] =	ssyncset.s32 @!p0 $0xFFFFF086;
	s6 =	sadd.s32 @!p0 s3, s7;
	s7 =	simm.s32 @!p0 $0x108  }
0x21: {  	s3 =	sadd.s32 s3, s9;
	s6 =	sadd.s32 @!p0 $0x88, s6;
	s7 =	simm.s32 @p2 $0x1082  }
0x22: {  	[simem:s7], [sflag:s8] =	dma.local @!p0 [hbm:s6], $0xF7A  }
0x23: {  	s9 =	sor.u32 $0xD0000000, s2;
	s6 =	simm.s32 $0x108;
	_ =	swait.ge @!p0 [sflag:s8], $0x0  }
0x24: {  	s3 =	sadd.s32 $0x88, s3;
	s6 =	simm.s32 @!p1 $0x1082;
	[sflag:s4] =	ssyncset.s32 $0xFFFFF086  }
0x25: {  	[simem:s6], [sflag:s4] =	dma.local [hbm:s3], $0xF7A  }
0x26: {  	[smem:$0x3F9B] =	sst s1;
	(tag) =	ssettag s2;
	_ =	strace s9  }
0x27: {  	s1 =	sld [smem:$0x3FAB]  }
0x28: {  	s2 =	sld [smem:$0x3FAC]  }
0x29: {  	s4 =	sld [smem:$0x3FAE]  }
0x2a: {  	p0 =	seq.s32 s5, $0x0;
	s5 =	sld [smem:$0x3FAF]  }
0x2b: {  	s6 =	sld [smem:$0x3FB0]  }
0x2c: {  	s7 =	sld [smem:$0x3FB1]  }
0x2d: {  	s3 =	simm.s32 $0x108;
	s8 =	sld [smem:$0x3FB2]  }
0x2e: {  	s3 =	simm.s32 @!p0 $0x1082;
	s9 =	sld [smem:$0x3FB3]  }
0x2f: {  	lr =	sadd.s32 s0, s3;
	s0 =	sld [smem:$0x3FAA]  }
0x30: {  	s3 =	sld [smem:$0x3FAD]  }
0x31: {  	[smem:$0x3FB6] =	sst s10  }
0x32: {  	s10 =	sld [smem:$0x3FB4];
	_ =	sdelay $0x3  }
0x33: {  	p0 =	seq.s32 s10, $0x1;
	s10 =	sld [smem:$0x3FB6];
	_ =	sdelay $0x3  }
0x34: {  	[smem:$0x3FB6] =	sst s10  }
0x35: {  	s10 =	sld [smem:$0x3FB5];
	_ =	sdelay $0x3  }
0x36: {  	p1 =	seq.s32 s10, $0x1;
	s10 =	sld [smem:$0x3FB6];
	_ =	sdelay $0x3  }
0x37: {  	[smem:$0x3FB6] =	sst s10  }
0x38: {  	s10 =	sld [smem:$0x3FB7]  }
0x39: {  	_ = 	snop;
	(pc) =	sbr.ind lr, $3  }
0x3a: {  	_ = 	snop  }
0x3b: {  	_ = 	snop  }
0x3c: {  	p2 =	seq.s32 s10, $0x1;
	s10 =	sld [smem:$0x3FB6]  }
0x3d: {  	_ =	shalt  }
0x3e: {  	_ =	shalt  }
0x3f: {  	_ =	shalt  }
0x40: {  	_ =	shalt  }
0x41: {  	_ =	shalt  }
0x42: {  	_ =	shalt  }
0x43: {  	_ =	shalt  }
0x44: {  	_ =	shalt  }
0x45: {  	_ =	shalt  }
0x46: {  	_ =	shalt  }
0x47: {  	_ =	shalt  }
0x48: {  	_ =	shalt  }
0x49: {  	_ =	shalt  }
0x4a: {  	_ =	shalt  }
0x4b: {  	_ =	shalt  }
0x4c: {  	_ =	shalt  }
0x4d: {  	_ =	shalt  }
0x4e: {  	_ =	shalt  }
0x4f: {  	_ =	shalt  }
0x50: {  	_ =	shalt  }
0x51: {  	_ =	shalt  }
0x52: {  	_ =	shalt  }
0x53: {  	_ =	shalt  }
0x54: {  	_ =	shalt  }
0x55: {  	_ =	shalt  }
0x56: {  	_ =	shalt  }
0x57: {  	_ =	shalt  }
0x58: {  	_ =	shalt  }
0x59: {  	_ =	shalt  }
0x5a: {  	_ =	shalt  }
0x5b: {  	_ =	shalt  }
0x5c: {  	_ =	shalt  }
0x5d: {  	_ =	shalt  }
0x5e: {  	_ =	shalt  }
0x5f: {  	_ =	shalt  }
0x60: {  	_ =	shalt  }
0x61: {  	_ =	shalt  }
0x62: {  	_ =	shalt  }
0x63: {  	_ =	shalt  }
0x64: {  	_ =	shalt  }
0x65: {  	_ =	shalt  }
0x66: {  	_ =	shalt  }
0x67: {  	_ =	shalt  }
0x68: {  	_ =	shalt  }
0x69: {  	_ =	shalt  }
0x6a: {  	_ =	shalt  }
0x6b: {  	_ =	shalt  }
0x6c: {  	_ =	shalt  }
0x6d: {  	_ =	shalt  }
0x6e: {  	_ =	shalt  }
0x6f: {  	_ =	shalt  }
0x70: {  	_ =	shalt  }
0x71: {  	_ =	shalt  }
0x72: {  	_ =	shalt  }
0x73: {  	_ =	shalt  }
0x74: {  	_ =	shalt  }
0x75: {  	_ =	shalt  }
0x76: {  	_ =	shalt  }
0x77: {  	_ =	shalt  }
0x78: {  	_ =	shalt  }
0x79: {  	_ =	shalt  }
0x7a: {  	_ =	shalt  }
0x7b: {  	_ =	shalt  }
0x7c: {  	_ =	shalt  }
0x7d: {  	_ =	shalt  }
0x7e: {  	_ =	shalt  }
0x7f: {  	_ =	shalt  }
0x80: {  	_ =	shalt  }
0x81: {  	_ =	shalt  }
0x82: {  	_ =	shalt  }
0x83: {  	_ =	shalt  }
0x84: {  	_ =	shalt  }
0x85: {  	_ =	shalt  }
0x86: {  	_ =	shalt  }
0x87: {  	_ =	shalt  }
.Lfunc_end0:
.L_simem_size_0:
called_computation_lowered:
.L_overlay_start_0:
0x88: {  	s2 =	sld [smem:$0x3FD9]  }
0x89: {  	s3 =	sld [smem:$0x3FFE];
	_ =	sdelay $0x1  }
0x8a: {  	s1 =	srdreg.scid  }
0x8b: {  	s0 =	sand.u32 $0x1, s1  }
0x8c: {  	s17 =	sshll.u32 s0, $0xA;
	s2 =	sadd.s32 s3, s2  }
0x8d: {  	s2 =	sadd.s32 s2, s17  }
0x8e: {  	[smem:$0x3FC2] =	sst s2  }
0x8f: {  	_ = 	snop  }
0x90: {  	s2 =	sld [smem:$0x3FD0];
	(tm) =	ssettm $0x1  }
0x91: {  	s18 =	sld [smem:$0x3FFB];
	_ =	sdelay $0x3  }
0x92: {  	_ =	strace s18  }
0x93: {  	s3 =	sld [smem:$0x3FFC];
	_ =	sdelay $0x3  }
0x94: {  	_ =	strace s3  }
0x95: {  	s3 =	sld [smem:$0x3FFD];
	_ =	sdelay $0x3  }
0x96: {  	_ =	strace s3  }
0x97: {  	_ =	strace $0x8FFFFFFF  }
0x98: {  	s19 =	sld [smem:$0x3FDB];
	_ =	sdelay $0x1  }
0x99: {  	s4 =	simm.s32 $_scs_section_size  }
0x9a: {  	s5 =	simm.s32 $_size__tile_overlayer_lowered;
	s6 =	simm.s32 $_tile_overlayer_lowered  }
0x9b: {  	s22 =	simm.s32 $0x1BFF;
	s21 =	sshll.u32 s6, $0x1;
	s3 =	sadd.s32 s4, s19  }
0x9c: {  	s7 =	simm.s32 $0x0;
	s20 =	sshll.u32 s5, $0x1;
	s5 =	sadd.s32 s21, s3  }
0x9d: {  	[timem:s7], [sflag:s22] =	dma.local [hbm:s5], s20  }
0x9e: {  	_ =	swait.ge [sflag:s22], s20  }
0x9f: {  	s4 =	ssub.s32 $0x0, s20;
	[sflag:s22] =	ssyncset.done $0x0  }
0xa0: {  	[sflag:s22] =	ssyncadd.s32 s4;
	_ =	sdelay $0x1  }
0xa1: {  	s23 =	simm.s32 $0x1B8B  }
0xa2: {  	_ =	swait.ge [sflag:s23], $0x1  }
0xa3: {  	[sflag:s23] =	ssyncset.done $0x0  }
0xa4: {  	s25 =	simm.s32 $0x1B8E;
	s24 =	sld [smem:$0x3FFE];
	[sflag:s23] =	ssyncadd.s32 $0xFFFFFFFF  }
0xa5: {  	s26 =	simm.s32 $execute0_lowered;
	[smem:$0x3FD2] =	sst s25  }
0xa6: {  	s5 =	sshll.u32 s26, $0x1;
	_ =	strace $0x80000046;
	[dreg:$0x1] =	wrdreg $0xFFFFFFFF  }
0xa7: {  	s28 =	simm.s32 $_size_execute0_lowered;
	s3 =	sadd.s32 s3, s5;
	[dreg:$0x0] =	wrdreg $0x0  }
0xa8: {  	s5 =	sshll.u32 s28, $0x1;
	[dreg:$0x2] =	wrdreg s3  }
0xa9: {  	[dreg:$0x3] =	wrdreg s5  }
0xaa: {  	[dreg:$0x4] =	wrdreg $0xC0  }
0xab: {  	_ =	task [dreg:s7], $0x5FFFF  }
0xac: {  	[dreg:$0x1] =	wrdreg $0xFFFFFFFF  }
0xad: {  	[dreg:$0x0] =	wrdreg $0x60  }
0xae: {  	[dreg:$0x2] =	wrdreg s2  }
0xaf: {  	[dreg:$0x3] =	wrdreg s24  }
0xb0: {  	[dreg:$0x4] =	wrdreg $0x0  }
0xb1: {  	[dreg:$0x5] =	wrdreg $0x9  }
0xb2: {  	_ =	task.clear_ibuf [dreg:s7], $0x6FFFF;
	_ =	strace $0x90000046  }
0xb3: {  	s29 =	simm.s32 $0x9;
	_ =	strace $0x80000048  }
0xb4: {  	_ =	swait.ge [sflag:s29], $0x1  }
0xb5: {  	[sflag:s29] =	ssyncadd.s32 $0xFFFFFFFF  }
0xb6: {  	_ =	strace $0x90000048  }
0xb7: {  	_ =	sfence  }
0xb8: {  	s30 =	sld [smem:$0x0];
	_ =	sdelay $0x2  }
0xb9: {  	s31 =	sshll.u32 s1, $0xD;
	s1 =	sshrl.u32 s1, $0x2  }
0xba: {  	s3 =	sand.u32 $0x4000, s31;
	s1 =	sadd.s32 s1, s30  }
0xbb: {  	s0 =	sor.u32 s3, s0;
	s1 =	sshll.u32 s1, $0x11  }
0xbc: {  	s0 =	sor.u32 s1, s0  }
0xbd: {  	s0 =	sadd.s32 $0x8F2B, s0  }
0xbe: {  	[sflag:s0] =	ssyncadd.remote.s32 $0x1  }
0xbf: {  	_ =	sfence.sel $0xFFFF  }
0xc0: {  	[dreg:$0x0] =	wrdreg $0xFFFFFFFF;
	(pc) =	sbr.abs _section_cstart, $3  }
0xc1: {  	[dreg:$0x1] =	wrdreg $0xFFFFFFFF  }
0xc2: {  	_ =	task.clear_ibuf [dreg:s7], $0x2FFFF;
	_ =	strace $0x9FFFFFFF  }
0xc3: {  	(tm) =	ssettm $0x7FFFFFFF  }
tec
execute0_lowered:
.L_overlay_start_1:
0x0: {  	(tag) =	ssettag $0x1  }
0x1: {  	s5 =	rddreg [dreg:$0x0]  }
0x2: {  	s6 =	rddreg [dreg:$0x1]  }
0x3: {  	s0 =	srdreg.scid;
	s2 =	rddreg [dreg:$0x2]  }
0x4: {  	s3 =	simm.s32 $0x0;
	s12 =	simm.s32 $0x2A80;
	s13 =	simm.s32 $0x80  }
0x5: {  	s16 =	simm.s32 $0x20;
	s17 =	simm.s32 $0x10;
	s18 =	simm.s32 $0x0  }
0x6: {  	s4 =	sand.u32 $0x1, s0;
	s0 =	stileid.u32;
	[smem:$0x7FF] =	sst s3  }
0x7: {  	s1 =	sshll.u32 s4, $0x4;
	s8 =	smul.u32 $0x500, s0;
	s9 =	sshll.u32 s4, $0x7  }
0x8: {  	s10 =	smul.u32 $0xA00, s0;
	s4 =	ssub.s32 $0x2, s4;
	s14 =	sshll.u32 s0, $0x6  }
0x9: {  	s7 =	sor.u32 s0, s1;
	s1 =	rddreg [dreg:$0x3];
	_ =	strace $0x80000047  }
0xa: {  	s31 =	sshrl.u32 s4, $0x1;
	s14 =	sor.u32 $0x1C01, s14;
	s7 =	smul.u32 $0x500, s7  }
0xb: {  	s8 =	sor.u32 s9, s8;
	s10 =	sshrl.u32 s10, $0x2;
	s9 =	ssub.s32 s4, s31  }
0xc: {  	s8 =	sshrl.u32 s8, $0x3;
	s4 =	sadd.s32 s10, s2;
	s10 =	simm.s32 $0x1  }
0xd: {  	s11 =	sadd.s32 s7, s6;
	s8 =	sadd.s32 s8, s6;
	s5 =	sadd.s32 s5, s7  }
0xe: {  	s15 =	sshrl.u32 s4, $0x3;
	s6 =	sadd.s32 $0xC400, s11;
	s7 =	sadd.s32 $0x20400, s8  }
0xf: {  	v0 =	vimm.f32 $0.0e+00;
	s8 =	smax.u32 s9, $0x1;
	s9 =	simm.s32 $0x5280;
	s11 =	simm.s32 $0x280  }
.LBB2_1:
0x10: {  	[tilespmem:$0x5280] =	vst v0  }
0x11: {  	[tilespmem:$0x5290] =	vst v0  }
0x12: {  	[tilespmem:$0x52A0] =	vst v0  }
0x13: {  	[tilespmem:$0x52B0] =	vst v0  }
0x14: {  	[tilespmem:$0x52C0] =	vst v0  }
0x15: {  	[tilespmem:$0x52D0] =	vst v0  }
0x16: {  	[tilespmem:$0x52E0] =	vst v0  }
0x17: {  	[tilespmem:$0x52F0] =	vst v0  }
0x18: {  	[tilespmem:$0x5300] =	vst v0  }
0x19: {  	[tilespmem:$0x5310] =	vst v0  }
0x1a: {  	[tilespmem:$0x5320] =	vst v0  }
0x1b: {  	[tilespmem:$0x5330] =	vst v0  }
0x1c: {  	[tilespmem:$0x5340] =	vst v0  }
0x1d: {  	[tilespmem:$0x5350] =	vst v0  }
0x1e: {  	[tilespmem:$0x5360] =	vst v0  }
0x1f: {  	[tilespmem:$0x5370] =	vst v0  }
0x20: {  	[tilespmem:$0x5380] =	vst v0  }
0x21: {  	[tilespmem:$0x5390] =	vst v0  }
0x22: {  	[tilespmem:$0x53A0] =	vst v0  }
0x23: {  	[tilespmem:$0x53B0] =	vst v0  }
0x24: {  	[tilespmem:$0x53C0] =	vst v0  }
0x25: {  	[tilespmem:$0x53D0] =	vst v0  }
0x26: {  	[tilespmem:$0x53E0] =	vst v0  }
0x27: {  	[tilespmem:$0x53F0] =	vst v0  }
0x28: {  	[tilespmem:$0x5400] =	vst v0  }
0x29: {  	[tilespmem:$0x5410] =	vst v0  }
0x2a: {  	[tilespmem:$0x5420] =	vst v0  }
0x2b: {  	[tilespmem:$0x5430] =	vst v0  }
0x2c: {  	[tilespmem:$0x5440] =	vst v0  }
0x2d: {  	[tilespmem:$0x5450] =	vst v0  }
0x2e: {  	[tilespmem:$0x5460] =	vst v0  }
0x2f: {  	[tilespmem:$0x5470] =	vst v0  }
0x30: {  	[tilespmem:$0x5480] =	vst v0  }
0x31: {  	[tilespmem:$0x5490] =	vst v0  }
0x32: {  	[tilespmem:$0x54A0] =	vst v0  }
0x33: {  	[tilespmem:$0x54B0] =	vst v0  }
0x34: {  	[tilespmem:$0x54C0] =	vst v0  }
0x35: {  	[tilespmem:$0x54D0] =	vst v0  }
0x36: {  	[tilespmem:$0x54E0] =	vst v0  }
0x37: {  	[tilespmem:$0x54F0] =	vst v0  }
0x38: {  	[spmem:s4] =	stream.linear.scatter [tilespmem:s9], [sflag:$0x1], $0x280, $0x38;
	[tilespmem:$0x5500] =	vst v63  }
0x39: {  	_ =	swait.ge [sflag:s10], $0x280  }
0x3a: {  	[sflag:s10] =	ssyncset.done $0x0  }
0x3b: {  	[sflag:s10] =	ssyncadd.s32 $0xFFFFFD80  }
0x3c: {  	[bflag:$0x0] =	sbarrier.arrive $0xFFFF  }
0x3d: {  	[tilespmem:s11], [sflag:$0x1] =	stream.linear.gather [hbm4b:s5+s3], $0x2800, $0x38;
	[tilespmem:$0x5500] =	vst v63  }
0x3e: {  	_ =	swait.ge [sflag:s10], $0x2800  }
0x3f: {  	[sflag:s10] =	ssyncset.done $0x0  }
0x40: {  	[sflag:s10] =	ssyncadd.s32 $0xFFFFD800  }
0x41: {  	[tilespmem:s12], [sflag:$0x1] =	stream.linear.gather [hbm4b:s6+s3], $0x2800, $0x38;
	[tilespmem:$0x5500] =	vst v63  }
0x42: {  	_ =	swait.ge [sflag:s10], $0x2800  }
0x43: {  	[sflag:s10] =	ssyncset.done $0x0  }
0x44: {  	s19 =	simm.s32 $0x2A80;
	s20 =	simm.s32 $0x280;
	[sflag:s10] =	ssyncadd.s32 $0xFFFFD800  }
0x45: {  	[spmem:s2] =	stream.indirect.scatter.add.f32 [tilespmem:s19], [sflag:$0x1], $0x1, s20, s13, $0xb8;
	[tilespmem:$0x5500] =	vst v63  }
0x46: {  	s19 =	simm.s32 $0x200;
	_ =	swait.ge [sflag:s10], $0x80  }
.LBB2_2:
0x47: {  	s20 =	sshra.s32 s19, $0x2  }
0x48: {  	[sflag:s10] =	ssyncset.done $0x0;
	p0 =	sne.s32 s19, $0x9E00;
	s21 =	sadd.s32 $0x2A80, s20  }
.Ltmp0:
0x49: {  	s20 =	sadd.s32 $0x280, s20;
	[sflag:s10] =	ssyncadd.s32 $0xFFFFFF80;
	(pc) =	sbr.rel @p0 .LBB2_2-.Ltmp0, $3  }
0x4a: {  	[spmem:s2] =	stream.indirect.scatter.add.f32 [tilespmem:s21], [sflag:$0x1], $0x1, s20, s13, $0xb8;
	[tilespmem:$0x5500] =	vst v63  }
0x4b: {  	s19 =	sadd.s32 $0x200, s19;
	_ =	sdelay $0x1  }
0x4c: {  	_ =	swait.ge [sflag:s10], $0x80  }
0x4d: {  	[sflag:s10] =	ssyncset.done $0x0;
	s18 =	sadd.s32 $0x1, s18  }
0x4e: {  	[sflag:s10] =	ssyncadd.s32 $0xFFFFFF80;
	p0 =	sne.s32 s18, s8  }
.Ltmp1:
0x4f: {  	[bflag:$0x0] =	sbarrier.arrive $0xFFFF;
	(pc) =	sbr.rel @p0 .LBB2_1-.Ltmp1, $4  }
0x50: {  	[hbm:s7@s16], [sflag:s14] =	dma.strided [spmem:s15@s17], $0x50, s10, $0x10   }
0x51: {  	_ =	swait.ge [sflag:s10], $0x50  }
0x52: {  	[sflag:s10] =	ssyncset.done $0x0  }
0x53: {  	[sflag:s10] =	ssyncadd.s32 $0xFFFFFFB0  }
0x54: {  	_ =	sfence.sel $0x180000  }
0x55: {  	[bflag:$0x0] =	sbarrier.arrive $0xFFFF  }
0x56: {  	p0 =	sne.s32 s0, $0x0;
	_ =	strace $0x90000047  }
0x57: {  	s0 =	sadd.s32 @!p0 $0x100000, s1;
	[bflag:$0x2] =	sbarrier.arrive $0xFFFF  }
0x58: {  	[sflag:s0] =	ssyncadd.tile.s32 @!p0 $0x1;
	_ =	shalt  }
.Lfunc_end2:
_tile_overlayer_lowered:
.L_overlay_start_2:
0x59: {  	(tag) =	ssettag $0x2  }
0x5a: {  	s0 =	rddreg [dreg:$0x0];
	s2 =	stileid.u32  }
0x5b: {  	s1 =	rddreg [dreg:$0x1];
	p0 =	sne.s32 s2, $0x0  }
0x5c: {  	s3 =	rddreg [dreg:$0x2];
	[bflag:$0x3] =	sbarrier.arrive $0xFFFF;
	s2 =	simm.s32 @!p0 $0x1C01  }
0x5d: {  	[timem:s3], [sflag:s2] =	dma.local @!p0 [hbm:s0], s1  }
0x5e: {  	s0 =	simm.s32 @!p0 $0x1  }
0x5f: {  	_ =	swait.ge @!p0 [sflag:s0], s1  }
0x60: {  	s1 =	ssub.s32 @!p0 $0x0, s1;
	[sflag:s0] =	ssyncset.done @!p0 $0x0  }
0x61: {  	[sflag:s0] =	ssyncadd.s32 @!p0 s1  }
0x62: {  	[bflag:$0x3] =	sbarrier.arrive $0xFFFF  }
0x63: {  	_ =	shalt  }

</sc_bundles>
